<compile_context>
chip_gen: v7x
topology: tpu7x:2x2x1
jax: 0.10.2.dev20260603
libtpu: 0.0.44.dev20260713+nightly
codegen_flags: <defaults>
</compile_context>

<pallas_src>
import dataclasses
import functools

import jax
import jax.numpy as jnp
from jax import lax
from jax.experimental import pallas as pl
from jax.experimental.pallas import tpu as pltpu
from jax.experimental.pallas import tpu_sc as plsc

NC = 2
NS = 16
NW = NC * NS
LANES = 16
K = 128
KC = 96
RING = 4
KC64 = 96
RING64 = 4

_MESH = plsc.VectorSubcoreMesh(
    core_axis_name="c", subcore_axis_name="s", num_cores=NC, num_subcores=NS
)

_SC_PARAMS = pltpu.CompilerParams()
if "needs_layout_passes" in pltpu.CompilerParams.__dataclass_fields__:
    _SC_PARAMS = dataclasses.replace(_SC_PARAMS, needs_layout_passes=False)


def _wid():
    return lax.axis_index("s") * NC + lax.axis_index("c")


def _hist(eflat, n_nodes):
    e_pad = eflat.shape[0] // 2
    assert e_pad % NW == 0
    epw = e_pad // NW
    assert epw % LANES == 0

    @functools.partial(
        pl.kernel,
        out_type=jax.ShapeDtypeStruct((NW, n_nodes), jnp.float32),
        mesh=_MESH,
        scratch_types=[
            pltpu.VMEM((n_nodes,), jnp.float32),
            pltpu.VMEM((epw,), jnp.int32),
            pltpu.SemaphoreType.DMA,
        ],
        compiler_params=_SC_PARAMS,
    )
    def hist_kernel(ei_hbm, out_hbm, hist_v, idx_v, sem):
        wid = _wid()
        zero16 = jnp.zeros((LANES,), jnp.float32)
        ones16 = jnp.ones((LANES,), jnp.float32)

        cp = pltpu.async_copy(ei_hbm.at[pl.ds(e_pad + wid * epw, epw)],
                              idx_v, sem)

        @pl.loop(0, n_nodes, step=LANES)
        def _(i):
            hist_v[pl.ds(i, LANES)] = zero16

        cp.wait()

        full = epw // K * K

        @pl.loop(0, full, step=K)
        def _(i):
            for j in range(K // LANES):
                idx16 = idx_v[pl.ds(i + j * LANES, LANES)]
                plsc.addupdate_scatter(hist_v, [idx16], ones16)

        for j in range((epw - full) // LANES):
            idx16 = idx_v[pl.ds(full + j * LANES, LANES)]
            plsc.addupdate_scatter(hist_v, [idx16], ones16)

        pltpu.async_copy(hist_v, out_hbm.at[wid], sem).wait()

    return hist_kernel(eflat)


def _aggregate(feat, eflat):
    n, w = feat.shape
    e_pad = eflat.shape[0] // 2
    assert e_pad % NW == 0
    epw = e_pad // NW
    assert epw % 8 == 0
    nfull = epw // KC
    tail_len = epw - nfull * KC
    NB = RING
    LA = NB - 2
    assert nfull % NB == 0 and nfull > NB, (nfull, NB)
    rps = (n // NS) // 8 * 8
    rtail = n - rps * NS
    assert rtail % 8 == 0

    @functools.partial(
        pl.kernel,
        out_type=jax.ShapeDtypeStruct((NC, n, w), jnp.float32),
        mesh=_MESH,
        scratch_types=[
            pltpu.VMEM_SHARED((n, w), jnp.float32),
            pltpu.VMEM((NB, KC), jnp.int32),
            pltpu.VMEM((NB, KC), jnp.int32),
            pltpu.VMEM((NB, KC, w), jnp.float32),
            pltpu.VMEM((1, max(tail_len, 8)), jnp.int32),
        ] + [pltpu.SemaphoreType.DMA] * (1 + 4 * NB),
        compiler_params=dataclasses.replace(
            _SC_PARAMS, use_tc_tiling_on_sc=False),
    )
    def agg_kernel(feat_hbm, ei_hbm, part_hbm,
                   acc_sh, sidx, didx, rows, dtail, semb, *sems_flat):
        cid = lax.axis_index("c")
        sid = lax.axis_index("s")
        wid = _wid()
        base = sid * rps
        ebase = wid * epw
        semx = sems_flat[0:NB]
        semd = sems_flat[NB:2 * NB]
        semg = sems_flat[2 * NB:3 * NB]
        sems = sems_flat[3 * NB:4 * NB]

        zero16 = jnp.zeros((LANES,), jnp.float32)

        @pl.loop(0, KC)
        def _(r):
            for j in range(w // LANES):
                rows[0, r, pl.ds(j * LANES, LANES)] = zero16

        nz = rps // KC
        zrem = rps - nz * KC

        @pl.loop(0, nz)
        def _(k):
            zoff = pl.multiple_of(base + k * KC, 8)
            pltpu.async_copy(rows.at[0], acc_sh.at[pl.ds(zoff, KC)],
                             semb).wait()
        if zrem:
            pltpu.async_copy(rows.at[0].at[pl.ds(0, zrem)],
                             acc_sh.at[pl.ds(base + nz * KC, zrem)],
                             semb).wait()
        if rtail:
            @pl.when(sid == NS - 1)
            def _():
                pltpu.async_copy(rows.at[0].at[pl.ds(0, rtail)],
                                 acc_sh.at[pl.ds(rps * NS, rtail)],
                                 semb).wait()

        plsc.subcore_barrier()

        def _span(chunk, half):
            return pl.ds(half * e_pad + ebase + chunk * KC, KC)

        def sidx_start(chunk, b):
            pltpu.async_copy(ei_hbm.at[_span(chunk, 0)], sidx.at[b], semx[b])

        def sidx_wait(chunk, b):
            pltpu.make_async_copy(ei_hbm.at[_span(chunk, 0)], sidx.at[b],
                                  semx[b]).wait()

        def didx_start(chunk, b):
            pltpu.async_copy(ei_hbm.at[_span(chunk, 1)], didx.at[b], semd[b])

        def didx_wait(chunk, b):
            pltpu.make_async_copy(ei_hbm.at[_span(chunk, 1)], didx.at[b],
                                  semd[b]).wait()

        def gather_start(b):
            pltpu.async_copy(feat_hbm.at[sidx.at[b]], rows.at[b], semg[b])

        def gather_wait(b):
            pltpu.make_async_copy(feat_hbm.at[sidx.at[b]], rows.at[b],
                                  semg[b]).wait()

        def _rows_src(b, nr):
            return rows.at[b] if nr == KC else rows.at[b].at[pl.ds(0, nr)]

        def scatter_start(b):
            pltpu.async_copy(_rows_src(b, KC), acc_sh.at[didx.at[b]],
                             sems[b], add=True)

        def scatter_wait(b):
            pltpu.make_async_copy(_rows_src(b, KC), acc_sh.at[didx.at[b]],
                                  sems[b]).wait()

        for c0 in range(LA + 1):
            sidx_start(c0, c0)
            didx_start(c0, c0)
        for c0 in range(LA):
            sidx_wait(c0, c0)
            gather_start(c0)

        @pl.loop(0, nfull, step=NB)
        def _(c):
            for b in range(NB):
                chunk = c + b
                bg = (b + LA) % NB
                bp = (b + NB - 1) % NB

                @pl.when(chunk + LA < nfull)
                def _():
                    sidx_wait(chunk + LA, bg)
                    gather_start(bg)

                gather_wait(b)
                didx_wait(chunk, b)
                scatter_start(b)

                @pl.when(chunk >= 1)
                def _():
                    scatter_wait(bp)

                @pl.when(chunk + LA + 1 < nfull)
                def _():
                    sidx_start(chunk + LA + 1, bp)
                    didx_start(chunk + LA + 1, bp)

        scatter_wait((nfull - 1) % NB)

        if tail_len:
            toff = nfull * KC
            pltpu.async_copy(ei_hbm.at[pl.ds(e_pad + ebase + toff, tail_len)],
                             dtail.at[0], semd[0]).wait()
            pltpu.async_copy(ei_hbm.at[pl.ds(ebase + toff, tail_len)],
                             sidx.at[0].at[pl.ds(0, tail_len)], semx[0]).wait()
            pltpu.async_copy(
                feat_hbm.at[sidx.at[0].at[pl.ds(0, tail_len)]],
                rows.at[0].at[pl.ds(0, tail_len)], semg[0]).wait()
            pltpu.async_copy(_rows_src(0, tail_len),
                             acc_sh.at[dtail.at[0]], sems[0], add=True).wait()

        plsc.subcore_barrier()

        pltpu.async_copy(acc_sh.at[pl.ds(base, rps)],
                         part_hbm.at[cid, pl.ds(base, rps)], semb).wait()
        if rtail:
            @pl.when(sid == NS - 1)
            def _():
                pltpu.async_copy(acc_sh.at[pl.ds(rps * NS, rtail)],
                                 part_hbm.at[cid, pl.ds(rps * NS, rtail)],
                                 semb).wait()

    return agg_kernel(feat, eflat)


def _aggregate64(feat, eflat):
    KC = KC64
    n, w = feat.shape
    e_pad = eflat.shape[0] // 2
    assert e_pad % NW == 0
    epw = e_pad // NW
    assert epw % 8 == 0
    nfull = epw // KC
    tail_len = epw - nfull * KC
    NB = RING64
    LA = NB - 2
    assert nfull % NB == 0 and nfull > NB, (nfull, NB)
    rps = (n // NS) // 8 * 8
    rtail = n - rps * NS
    assert rtail % 8 == 0

    @functools.partial(
        pl.kernel,
        out_type=jax.ShapeDtypeStruct((NC, n, w), jnp.float32),
        mesh=_MESH,
        scratch_types=[
            pltpu.VMEM_SHARED((n, w), jnp.float32),
            pltpu.VMEM((NB, KC), jnp.int32),
            pltpu.VMEM((NB, KC), jnp.int32),
            pltpu.VMEM((NB, KC, w), jnp.float32),
            pltpu.VMEM((1, max(tail_len, 8)), jnp.int32),
        ] + [pltpu.SemaphoreType.DMA] * (1 + 4 * NB),
        compiler_params=dataclasses.replace(
            _SC_PARAMS, use_tc_tiling_on_sc=False),
    )
    def agg_kernel(feat_hbm, ei_hbm, part_hbm,
                   acc_sh, sidx, didx, rows, dtail, semb, *sems_flat):
        cid = lax.axis_index("c")
        sid = lax.axis_index("s")
        wid = _wid()
        base = sid * rps
        ebase = wid * epw
        semx = sems_flat[0:NB]
        semd = sems_flat[NB:2 * NB]
        semg = sems_flat[2 * NB:3 * NB]
        sems = sems_flat[3 * NB:4 * NB]

        zero16 = jnp.zeros((LANES,), jnp.float32)

        @pl.loop(0, KC)
        def _(r):
            for j in range(w // LANES):
                rows[0, r, pl.ds(j * LANES, LANES)] = zero16

        nz = rps // KC
        zrem = rps - nz * KC

        @pl.loop(0, nz)
        def _(k):
            zoff = pl.multiple_of(base + k * KC, 8)
            pltpu.async_copy(rows.at[0], acc_sh.at[pl.ds(zoff, KC)],
                             semb).wait()
        if zrem:
            pltpu.async_copy(rows.at[0].at[pl.ds(0, zrem)],
                             acc_sh.at[pl.ds(base + nz * KC, zrem)],
                             semb).wait()
        if rtail:
            @pl.when(sid == NS - 1)
            def _():
                pltpu.async_copy(rows.at[0].at[pl.ds(0, rtail)],
                                 acc_sh.at[pl.ds(rps * NS, rtail)],
                                 semb).wait()

        plsc.subcore_barrier()

        def _span(chunk, half):
            return pl.ds(half * e_pad + ebase + chunk * KC, KC)

        def sidx_start(chunk, b):
            pltpu.async_copy(ei_hbm.at[_span(chunk, 0)], sidx.at[b], semx[b])

        def sidx_wait(chunk, b):
            pltpu.make_async_copy(ei_hbm.at[_span(chunk, 0)], sidx.at[b],
                                  semx[b]).wait()

        def didx_start(chunk, b):
            pltpu.async_copy(ei_hbm.at[_span(chunk, 1)], didx.at[b], semd[b])

        def didx_wait(chunk, b):
            pltpu.make_async_copy(ei_hbm.at[_span(chunk, 1)], didx.at[b],
                                  semd[b]).wait()

        def gather_start(b):
            pltpu.async_copy(feat_hbm.at[sidx.at[b]], rows.at[b], semg[b])

        def gather_wait(b):
            pltpu.make_async_copy(feat_hbm.at[sidx.at[b]], rows.at[b],
                                  semg[b]).wait()

        def _rows_src(b, nr):
            return rows.at[b] if nr == KC else rows.at[b].at[pl.ds(0, nr)]

        def scatter_start(b):
            pltpu.async_copy(_rows_src(b, KC), acc_sh.at[didx.at[b]],
                             sems[b], add=True)

        def scatter_wait(b):
            pltpu.make_async_copy(_rows_src(b, KC), acc_sh.at[didx.at[b]],
                                  sems[b]).wait()

        for c0 in range(LA + 1):
            sidx_start(c0, c0)
            didx_start(c0, c0)
        for c0 in range(LA):
            sidx_wait(c0, c0)
            gather_start(c0)

        @pl.loop(0, nfull, step=NB)
        def _(c):
            for b in range(NB):
                chunk = c + b
                bg = (b + LA) % NB
                bp = (b + NB - 1) % NB

                @pl.when(chunk + LA < nfull)
                def _():
                    sidx_wait(chunk + LA, bg)
                    gather_start(bg)

                gather_wait(b)
                didx_wait(chunk, b)
                scatter_start(b)

                @pl.when(chunk >= 1)
                def _():
                    scatter_wait(bp)

                @pl.when(chunk + LA + 1 < nfull)
                def _():
                    sidx_start(chunk + LA + 1, bp)
                    didx_start(chunk + LA + 1, bp)

        scatter_wait((nfull - 1) % NB)

        if tail_len:
            toff = nfull * KC
            pltpu.async_copy(ei_hbm.at[pl.ds(e_pad + ebase + toff, tail_len)],
                             dtail.at[0], semd[0]).wait()
            pltpu.async_copy(ei_hbm.at[pl.ds(ebase + toff, tail_len)],
                             sidx.at[0].at[pl.ds(0, tail_len)], semx[0]).wait()
            pltpu.async_copy(
                feat_hbm.at[sidx.at[0].at[pl.ds(0, tail_len)]],
                rows.at[0].at[pl.ds(0, tail_len)], semg[0]).wait()
            pltpu.async_copy(rows.at[0].at[pl.ds(0, tail_len)],
                             acc_sh.at[dtail.at[0]], sems[0], add=True).wait()

        plsc.subcore_barrier()

        pltpu.async_copy(acc_sh.at[pl.ds(base, rps)],
                         part_hbm.at[cid, pl.ds(base, rps)], semb).wait()
        if rtail:
            @pl.when(sid == NS - 1)
            def _():
                pltpu.async_copy(acc_sh.at[pl.ds(rps * NS, rtail)],
                                 part_hbm.at[cid, pl.ds(rps * NS, rtail)],
                                 semb).wait()

    return agg_kernel(feat, eflat)


def _l1(hist, x, w1):
    n, d = x.shape
    h = w1.shape[1]

    def body(hist_b, x_b, w1_b, hs_b, dinv_b):
        deg = jnp.sum(hist_b[...], axis=0)
        dinv = lax.rsqrt(jnp.maximum(deg, 1.0))
        dinv_b[...] = dinv[:, None]
        hs_b[...] = jnp.dot(x_b[...], w1_b[...],
                            preferred_element_type=jnp.float32) * dinv[:, None]

    return pl.pallas_call(
        body,
        out_shape=[
            jax.ShapeDtypeStruct((n, h), jnp.float32),
            jax.ShapeDtypeStruct((n, 1), jnp.float32),
        ],
    )(hist, x, w1)


def _layer2(p, dinv, w2):
    _, n, h = p.shape
    c = w2.shape[1]

    def body(p_b, dinv_b, w2_b, o_b):
        s = (p_b[0] + p_b[1]) * dinv_b[...]
        s = jnp.maximum(s, 0.0)
        o_b[...] = jnp.dot(s, w2_b[...],
                           preferred_element_type=jnp.float32) * dinv_b[...]

    return pl.pallas_call(
        body,
        out_shape=jax.ShapeDtypeStruct((n, c), jnp.float32),
    )(p, dinv, w2)


def _final(q, dinv, c):
    _, n, h = q.shape

    def body(q_b, dinv_b, o_b):
        o_b[...] = (q_b[0, :, :c] + q_b[1, :, :c]) * dinv_b[...]

    return pl.pallas_call(
        body,
        out_shape=jax.ShapeDtypeStruct((n, c), jnp.float32),
    )(q, dinv)


def kernel(x, edge_index, W1, W2):
    n, _ = x.shape
    e = edge_index.shape[1]
    c_w = W2.shape[1]
    eflat = edge_index.reshape(2 * e)

    hist = _hist(eflat, n)
    hs, dinv = _l1(hist, x, W1)
    p = _aggregate(hs, eflat)
    hs2 = _layer2(p, dinv, W2)
    q = _aggregate64(hs2, eflat)
    return _final(q, dinv, c_w)

# --- scband reference (transcript-rebuilt; emitter-appended) ---
"""Pipeline reference for scband-gcn-18880676233353 (READ-ONLY COPY).

The authoritative reference and input builder live on the scoring server;
editing this copy changes nothing except your own understanding.
"""

import jax, jax.numpy as jnp
import numpy as np

N = 10000
E = 320000
D = 128
H = 128
C = 64


def setup_inputs(seed: int = 0) -> dict:
    key = jax.random.key(seed)
    k1, k2, k3, k4 = jax.random.split(key, 4)
    x = jax.random.normal(k1, (N, D), dtype=jnp.float32)
    edge_index = jax.random.randint(k2, (2, E), 0, N, dtype=jnp.int32)
    W1 = jax.random.normal(k3, (D, H), dtype=jnp.float32) * 0.05
    W2 = jax.random.normal(k4, (H, C), dtype=jnp.float32) * 0.05
    return {"x": x, "edge_index": edge_index, "W1": W1, "W2": W2}


def reference(x, edge_index, W1, W2):
    # Two-layer GCN: out = A_hat @ relu(A_hat @ (x @ W1)) @ W2
    src = edge_index[0]
    dst = edge_index[1]
    # degree-based symmetric normalization (GCN-style)
    ones = jnp.ones((E,), dtype=jnp.float32)
    deg = jnp.zeros((N,), dtype=jnp.float32).at[dst].add(ones)
    deg = jnp.clip(deg, 1.0, None)
    dinv = jax.lax.rsqrt(deg)
    norm = dinv[src] * dinv[dst]  # [E]

    # layer 1: linear -> gather -> scale -> scatter-add -> relu
    h = x @ W1                                  # [N, H]
    msg = h[src] * norm[:, None]                # gather + scale, [E, H]
    agg = jax.ops.segment_sum(msg, dst, num_segments=N)  # scatter-add
    h1 = jnp.maximum(agg, 0.0)                  # relu

    # layer 2: linear -> gather -> scale -> scatter-add (identity act)
    h2 = h1 @ W2                                # [N, C]
    msg2 = h2[src] * norm[:, None]              # [E, C]
    out = jax.ops.segment_sum(msg2, dst, num_segments=N)  # [N, C]
    return out

if __name__ == "__main__":
    import jax
    _d = setup_inputs()
    print(jax.jit(kernel)(*tuple(_d.values())))

</pallas_src>

<mosaic_0001>
#map = affine_map<(d0, d1) -> (0, 0)>
#map1 = affine_map<(d0, d1) -> (0)>
#map2 = affine_map<(d0, d1) -> (0, 0, 0)>
module attributes {stable_mosaic.version = 14 : i64} {
  func.func @agg_kernel(%arg0: i32, %arg1: i32, %arg2: memref<10000x64xf32, #tpu.memory_space<hbm>>, %arg3: memref<640000xi32, #tpu.memory_space<hbm>>, %arg4: memref<2x10000x64xf32, #tpu.memory_space<hbm>>, %arg5: memref<10000x64xf32, #tpu.memory_space<vmem_shared>>, %arg6: memref<4x96xi32, #tpu.memory_space<vmem>>, %arg7: memref<4x96xi32, #tpu.memory_space<vmem>>, %arg8: memref<4x96x64xf32, #tpu.memory_space<vmem>>, %arg9: memref<1x16xi32, #tpu.memory_space<vmem>>, %arg10: memref<!tpu.dma_semaphore, #tpu.memory_space<semaphore_mem>>, %arg11: memref<!tpu.dma_semaphore, #tpu.memory_space<semaphore_mem>>, %arg12: memref<!tpu.dma_semaphore, #tpu.memory_space<semaphore_mem>>, %arg13: memref<!tpu.dma_semaphore, #tpu.memory_space<semaphore_mem>>, %arg14: memref<!tpu.dma_semaphore, #tpu.memory_space<semaphore_mem>>, %arg15: memref<!tpu.dma_semaphore, #tpu.memory_space<semaphore_mem>>, %arg16: memref<!tpu.dma_semaphore, #tpu.memory_space<semaphore_mem>>, %arg17: memref<!tpu.dma_semaphore, #tpu.memory_space<semaphore_mem>>, %arg18: memref<!tpu.dma_semaphore, #tpu.memory_space<semaphore_mem>>, %arg19: memref<!tpu.dma_semaphore, #tpu.memory_space<semaphore_mem>>, %arg20: memref<!tpu.dma_semaphore, #tpu.memory_space<semaphore_mem>>, %arg21: memref<!tpu.dma_semaphore, #tpu.memory_space<semaphore_mem>>, %arg22: memref<!tpu.dma_semaphore, #tpu.memory_space<semaphore_mem>>, %arg23: memref<!tpu.dma_semaphore, #tpu.memory_space<semaphore_mem>>, %arg24: memref<!tpu.dma_semaphore, #tpu.memory_space<semaphore_mem>>, %arg25: memref<!tpu.dma_semaphore, #tpu.memory_space<semaphore_mem>>, %arg26: memref<!tpu.dma_semaphore, #tpu.memory_space<semaphore_mem>>) attributes {dimension_semantics = [#tpu.dimension_semantics<core_parallel>, #tpu.dimension_semantics<subcore_parallel>], iteration_bounds = array<i64: 2, 16>, scalar_prefetch = 0 : i64, scratch_operands = 22 : i64, tpu.core_type = #tpu.core_type<sc_vector_subcore>, window_params = [{transform_indices = #map}, {transform_indices = #map1}, {transform_indices = #map2}]} {
    %mul3A = arith.constant 2 : i32
    %mul3A_0 = arith.muli %arg1, %mul3A : i32
    %add3A = arith.addi %mul3A_0, %arg0 : i32
    %mul3A_1 = arith.constant 624 : i32
    %mul3A_2 = arith.muli %arg1, %mul3A_1 : i32
    %mul3A_3 = arith.constant 10000 : i32
    %mul3A_4 = arith.muli %add3A, %mul3A_3 : i32
    %broadcast_in_dim3A = arith.constant 0.000000e+00 : f32
    %broadcast_in_dim3A_5 = vector.broadcast %broadcast_in_dim3A : f32 to vector<16xf32>
    %scan3A = arith.constant 0 : i32
    %scan3A_6 = arith.constant 96 : i32
    %scan3A_7 = arith.addi %scan3A, %scan3A_6 : i32
    %scan3A_8 = arith.constant 1 : i32
    scf.for %scan3A_330 = %scan3A to %scan3A_7 step %scan3A_8  : i32 {
      %mul3A_331 = arith.constant 1 : i32
      %mul3A_332 = arith.muli %scan3A_330, %mul3A_331 : i32
      %add3A_333 = arith.constant 0 : i32
      %add3A_334 = arith.addi %add3A_333, %mul3A_332 : i32
      %swap3A = arith.constant 0 : i32
      %swap3A_335 = arith.index_cast %swap3A : i32 to index
      %swap3A_336 = arith.index_cast %add3A_334 : i32 to index
      %swap3A_337 = arith.constant 0 : index
      %swap3A_338 = tpu.vector_load %arg8[%swap3A_335, %swap3A_336, %swap3A_337] {strides = array<i32>} : memref<4x96x64xf32, #tpu.memory_space<vmem>>, vector<16xf32>,
      tpu.vector_store %arg8[%swap3A_335, %swap3A_336, %swap3A_337], %broadcast_in_dim3A_5 {strides = array<i32>} : memref<4x96x64xf32, #tpu.memory_space<vmem>>, vector<16xf32>,
      %swap3A_339 = arith.constant 0 : i32
      %swap3A_340 = arith.index_cast %swap3A_339 : i32 to index
      %swap3A_341 = arith.index_cast %add3A_334 : i32 to index
      %swap3A_342 = arith.constant 16 : index
      %swap3A_343 = tpu.vector_load %arg8[%swap3A_340, %swap3A_341, %swap3A_342] {strides = array<i32>} : memref<4x96x64xf32, #tpu.memory_space<vmem>>, vector<16xf32>,
      tpu.vector_store %arg8[%swap3A_340, %swap3A_341, %swap3A_342], %broadcast_in_dim3A_5 {strides = array<i32>} : memref<4x96x64xf32, #tpu.memory_space<vmem>>, vector<16xf32>,
      %swap3A_344 = arith.constant 0 : i32
      %swap3A_345 = arith.index_cast %swap3A_344 : i32 to index
      %swap3A_346 = arith.index_cast %add3A_334 : i32 to index
      %swap3A_347 = arith.constant 32 : index
      %swap3A_348 = tpu.vector_load %arg8[%swap3A_345, %swap3A_346, %swap3A_347] {strides = array<i32>} : memref<4x96x64xf32, #tpu.memory_space<vmem>>, vector<16xf32>,
      tpu.vector_store %arg8[%swap3A_345, %swap3A_346, %swap3A_347], %broadcast_in_dim3A_5 {strides = array<i32>} : memref<4x96x64xf32, #tpu.memory_space<vmem>>, vector<16xf32>,
      %swap3A_349 = arith.constant 0 : i32
      %swap3A_350 = arith.index_cast %swap3A_349 : i32 to index
      %swap3A_351 = arith.index_cast %add3A_334 : i32 to index
      %swap3A_352 = arith.constant 48 : index
      %swap3A_353 = tpu.vector_load %arg8[%swap3A_350, %swap3A_351, %swap3A_352] {strides = array<i32>} : memref<4x96x64xf32, #tpu.memory_space<vmem>>, vector<16xf32>,
      tpu.vector_store %arg8[%swap3A_350, %swap3A_351, %swap3A_352], %broadcast_in_dim3A_5 {strides = array<i32>} : memref<4x96x64xf32, #tpu.memory_space<vmem>>, vector<16xf32>,
    }
    %scan3A_9 = arith.constant 96 : i32
    %scan3A_10 = arith.constant 0 : i32
    %scan3A_11 = arith.constant 6 : i32
    %scan3A_12 = arith.addi %scan3A_10, %scan3A_11 : i32
    %scan3A_13 = arith.constant 1 : i32
    scf.for %scan3A_330 = %scan3A_10 to %scan3A_12 step %scan3A_13  : i32 {
      %mul3A_331 = arith.constant 1 : i32
      %mul3A_332 = arith.muli %scan3A_330, %mul3A_331 : i32
      %add3A_333 = arith.constant 0 : i32
      %add3A_334 = arith.addi %add3A_333, %mul3A_332 : i32
      %mul3A_335 = arith.constant 96 : i32
      %mul3A_336 = arith.muli %add3A_334, %mul3A_335 : i32
      %add3A_337 = arith.addi %mul3A_2, %mul3A_336 : i32
      %multiple_of3A = tpu.assume_multiple %add3A_337, 8 : i32
      %dma_start3A_338 = arith.constant 0 : i32
      %dma_start3A_339 = arith.constant 0 : i32
      %dma_start3A_340 = arith.constant 0 : i32
      %dma_start3A_341 = tpu.memref_slice %arg8[%dma_start3A_338, %dma_start3A_339, %dma_start3A_340] : memref<4x96x64xf32, #tpu.memory_space<vmem>> -> memref<1x96x64xf32, #tpu.memory_space<vmem>>
      %dma_start3A_342 = tpu.memref_squeeze %dma_start3A_341 : memref<1x96x64xf32, #tpu.memory_space<vmem>> -> memref<96x64xf32, #tpu.memory_space<vmem>>
      %dma_start3A_343 = arith.constant 0 : i32
      %dma_start3A_344 = tpu.memref_slice %arg5[%multiple_of3A, %dma_start3A_343] : memref<10000x64xf32, #tpu.memory_space<vmem_shared>> -> memref<96x64xf32, #tpu.memory_space<vmem_shared>>
      %dma_start3A_345 = arith.constant 0 : i32
      %dma_start3A_346 = tpu.memref_slice %arg5[%multiple_of3A, %dma_start3A_345] : memref<10000x64xf32, #tpu.memory_space<vmem_shared>> -> memref<96x64xf32, #tpu.memory_space<vmem_shared>>
      %dma_start3A_347 = arith.constant 0 : i32
      %dma_start3A_348 = arith.constant 0 : i32
      %dma_start3A_349 = tpu.memref_slice %arg8[%dma_start3A_338, %dma_start3A_347, %dma_start3A_348] : memref<4x96x64xf32, #tpu.memory_space<vmem>> -> memref<1x96x64xf32, #tpu.memory_space<vmem>>
      %dma_start3A_350 = tpu.memref_squeeze %dma_start3A_349 : memref<1x96x64xf32, #tpu.memory_space<vmem>> -> memref<96x64xf32, #tpu.memory_space<vmem>>
      tpu.enqueue_dma source(%dma_start3A_350 : memref<96x64xf32, #tpu.memory_space<vmem>>) target(%dma_start3A_346 : memref<96x64xf32, #tpu.memory_space<vmem_shared>>) target_semaphore(%arg10 : memref<!tpu.dma_semaphore, #tpu.memory_space<semaphore_mem>>)
      %dma_wait3A_351 = arith.constant 0 : i32
      %dma_wait3A_352 = arith.constant 0 : i32
      %dma_wait3A_353 = arith.constant 0 : i32
      %dma_wait3A_354 = tpu.memref_slice %arg8[%dma_wait3A_351, %dma_wait3A_352, %dma_wait3A_353] : memref<4x96x64xf32, #tpu.memory_space<vmem>> -> memref<1x96x64xf32, #tpu.memory_space<vmem>>
      %dma_wait3A_355 = tpu.memref_squeeze %dma_wait3A_354 : memref<1x96x64xf32, #tpu.memory_space<vmem>> -> memref<96x64xf32, #tpu.memory_space<vmem>>
      %dma_wait3A_356 = arith.constant 0 : i32
      %dma_wait3A_357 = tpu.memref_slice %arg5[%multiple_of3A, %dma_wait3A_356] : memref<10000x64xf32, #tpu.memory_space<vmem_shared>> -> memref<96x64xf32, #tpu.memory_space<vmem_shared>>
      %dma_wait3A_358 = arith.constant 0 : i32
      %dma_wait3A_359 = tpu.memref_slice %arg5[%multiple_of3A, %dma_wait3A_358] : memref<10000x64xf32, #tpu.memory_space<vmem_shared>> -> memref<96x64xf32, #tpu.memory_space<vmem_shared>>
      %dma_wait3A_360 = arith.constant 0 : i32
      %dma_wait3A_361 = arith.constant 0 : i32
      %dma_wait3A_362 = tpu.memref_slice %arg8[%dma_wait3A_351, %dma_wait3A_360, %dma_wait3A_361] : memref<4x96x64xf32, #tpu.memory_space<vmem>> -> memref<1x96x64xf32, #tpu.memory_space<vmem>>
      %dma_wait3A_363 = tpu.memref_squeeze %dma_wait3A_362 : memref<1x96x64xf32, #tpu.memory_space<vmem>> -> memref<96x64xf32, #tpu.memory_space<vmem>>
      tpu.wait_dma2 semaphore(%arg10 : memref<!tpu.dma_semaphore, #tpu.memory_space<semaphore_mem>>) src(%dma_wait3A_363 : memref<96x64xf32, #tpu.memory_space<vmem>>) dst(%dma_wait3A_359 : memref<96x64xf32, #tpu.memory_space<vmem_shared>>)
    }
    %scan3A_14 = arith.constant 6 : i32
    %add3A_15 = arith.constant 576 : i32
    %add3A_16 = arith.addi %mul3A_2, %add3A_15 : i32
    %dma_start3A = arith.constant 0 : i32
    %dma_start3A_17 = arith.constant 0 : i32
    %dma_start3A_18 = arith.constant 0 : i32
    %dma_start3A_19 = tpu.memref_slice %arg8[%dma_start3A, %dma_start3A_17, %dma_start3A_18] : memref<4x96x64xf32, #tpu.memory_space<vmem>> -> memref<1x96x64xf32, #tpu.memory_space<vmem>>
    %dma_start3A_20 = tpu.memref_squeeze %dma_start3A_19 : memref<1x96x64xf32, #tpu.memory_space<vmem>> -> memref<96x64xf32, #tpu.memory_space<vmem>>
    %dma_start3A_21 = arith.constant 0 : i32
    %dma_start3A_22 = arith.constant 0 : i32
    %dma_start3A_23 = tpu.memref_slice %dma_start3A_20[%dma_start3A_21, %dma_start3A_22] : memref<96x64xf32, #tpu.memory_space<vmem>> -> memref<48x64xf32, #tpu.memory_space<vmem>>
    %dma_start3A_24 = arith.constant 0 : i32
    %dma_start3A_25 = tpu.memref_slice %arg5[%add3A_16, %dma_start3A_24] : memref<10000x64xf32, #tpu.memory_space<vmem_shared>> -> memref<48x64xf32, #tpu.memory_space<vmem_shared>>
    %dma_start3A_26 = arith.constant 0 : i32
    %dma_start3A_27 = tpu.memref_slice %arg5[%add3A_16, %dma_start3A_26] : memref<10000x64xf32, #tpu.memory_space<vmem_shared>> -> memref<48x64xf32, #tpu.memory_space<vmem_shared>>
    %dma_start3A_28 = arith.constant 0 : i32
    %dma_start3A_29 = arith.constant 0 : i32
    %dma_start3A_30 = tpu.memref_slice %arg8[%dma_start3A, %dma_start3A_28, %dma_start3A_29] : memref<4x96x64xf32, #tpu.memory_space<vmem>> -> memref<1x96x64xf32, #tpu.memory_space<vmem>>
    %dma_start3A_31 = tpu.memref_squeeze %dma_start3A_30 : memref<1x96x64xf32, #tpu.memory_space<vmem>> -> memref<96x64xf32, #tpu.memory_space<vmem>>
    %dma_start3A_32 = arith.constant 0 : i32
    %dma_start3A_33 = arith.constant 0 : i32
    %dma_start3A_34 = tpu.memref_slice %dma_start3A_31[%dma_start3A_32, %dma_start3A_33] : memref<96x64xf32, #tpu.memory_space<vmem>> -> memref<48x64xf32, #tpu.memory_space<vmem>>
    tpu.enqueue_dma source(%dma_start3A_34 : memref<48x64xf32, #tpu.memory_space<vmem>>) target(%dma_start3A_27 : memref<48x64xf32, #tpu.memory_space<vmem_shared>>) target_semaphore(%arg10 : memref<!tpu.dma_semaphore, #tpu.memory_space<semaphore_mem>>)
    %dma_wait3A = arith.constant 0 : i32
    %dma_wait3A_35 = arith.constant 0 : i32
    %dma_wait3A_36 = arith.constant 0 : i32
    %dma_wait3A_37 = tpu.memref_slice %arg8[%dma_wait3A, %dma_wait3A_35, %dma_wait3A_36] : memref<4x96x64xf32, #tpu.memory_space<vmem>> -> memref<1x96x64xf32, #tpu.memory_space<vmem>>
    %dma_wait3A_38 = tpu.memref_squeeze %dma_wait3A_37 : memref<1x96x64xf32, #tpu.memory_space<vmem>> -> memref<96x64xf32, #tpu.memory_space<vmem>>
    %dma_wait3A_39 = arith.constant 0 : i32
    %dma_wait3A_40 = arith.constant 0 : i32
    %dma_wait3A_41 = tpu.memref_slice %dma_wait3A_38[%dma_wait3A_39, %dma_wait3A_40] : memref<96x64xf32, #tpu.memory_space<vmem>> -> memref<48x64xf32, #tpu.memory_space<vmem>>
    %dma_wait3A_42 = arith.constant 0 : i32
    %dma_wait3A_43 = tpu.memref_slice %arg5[%add3A_16, %dma_wait3A_42] : memref<10000x64xf32, #tpu.memory_space<vmem_shared>> -> memref<48x64xf32, #tpu.memory_space<vmem_shared>>
    %dma_wait3A_44 = arith.constant 0 : i32
    %dma_wait3A_45 = tpu.memref_slice %arg5[%add3A_16, %dma_wait3A_44] : memref<10000x64xf32, #tpu.memory_space<vmem_shared>> -> memref<48x64xf32, #tpu.memory_space<vmem_shared>>
    %dma_wait3A_46 = arith.constant 0 : i32
    %dma_wait3A_47 = arith.constant 0 : i32
    %dma_wait3A_48 = tpu.memref_slice %arg8[%dma_wait3A, %dma_wait3A_46, %dma_wait3A_47] : memref<4x96x64xf32, #tpu.memory_space<vmem>> -> memref<1x96x64xf32, #tpu.memory_space<vmem>>
    %dma_wait3A_49 = tpu.memref_squeeze %dma_wait3A_48 : memref<1x96x64xf32, #tpu.memory_space<vmem>> -> memref<96x64xf32, #tpu.memory_space<vmem>>
    %dma_wait3A_50 = arith.constant 0 : i32
    %dma_wait3A_51 = arith.constant 0 : i32
    %dma_wait3A_52 = tpu.memref_slice %dma_wait3A_49[%dma_wait3A_50, %dma_wait3A_51] : memref<96x64xf32, #tpu.memory_space<vmem>> -> memref<48x64xf32, #tpu.memory_space<vmem>>
    tpu.wait_dma2 semaphore(%arg10 : memref<!tpu.dma_semaphore, #tpu.memory_space<semaphore_mem>>) src(%dma_wait3A_52 : memref<48x64xf32, #tpu.memory_space<vmem>>) dst(%dma_wait3A_45 : memref<48x64xf32, #tpu.memory_space<vmem_shared>>)
    %eq3A = arith.constant 15 : i32
    %eq3A_53 = arith.cmpi eq, %arg1, %eq3A : i32
    %convert_element_type3A = arith.extui %eq3A_53 : i1 to i32
    %cond3A = arith.constant 0 : i32
    %cond3A_54 = arith.cmpi ne, %convert_element_type3A, %cond3A : i32
    scf.if %cond3A_54 {
      %dma_start3A_330 = arith.constant 0 : i32
      %dma_start3A_331 = arith.constant 0 : i32
      %dma_start3A_332 = arith.constant 0 : i32
      %dma_start3A_333 = tpu.memref_slice %arg8[%dma_start3A_330, %dma_start3A_331, %dma_start3A_332] : memref<4x96x64xf32, #tpu.memory_space<vmem>> -> memref<1x96x64xf32, #tpu.memory_space<vmem>>
      %dma_start3A_334 = tpu.memref_squeeze %dma_start3A_333 : memref<1x96x64xf32, #tpu.memory_space<vmem>> -> memref<96x64xf32, #tpu.memory_space<vmem>>
      %dma_start3A_335 = arith.constant 0 : i32
      %dma_start3A_336 = arith.constant 0 : i32
      %dma_start3A_337 = tpu.memref_slice %dma_start3A_334[%dma_start3A_335, %dma_start3A_336] : memref<96x64xf32, #tpu.memory_space<vmem>> -> memref<16x64xf32, #tpu.memory_space<vmem>>
      %dma_start3A_338 = arith.constant 9984 : i32
      %dma_start3A_339 = arith.constant 0 : i32
      %dma_start3A_340 = tpu.memref_slice %arg5[%dma_start3A_338, %dma_start3A_339] : memref<10000x64xf32, #tpu.memory_space<vmem_shared>> -> memref<16x64xf32, #tpu.memory_space<vmem_shared>>
      %dma_start3A_341 = arith.constant 9984 : i32
      %dma_start3A_342 = arith.constant 0 : i32
      %dma_start3A_343 = tpu.memref_slice %arg5[%dma_start3A_341, %dma_start3A_342] : memref<10000x64xf32, #tpu.memory_space<vmem_shared>> -> memref<16x64xf32, #tpu.memory_space<vmem_shared>>
      %dma_start3A_344 = arith.constant 0 : i32
      %dma_start3A_345 = arith.constant 0 : i32
      %dma_start3A_346 = tpu.memref_slice %arg8[%dma_start3A_330, %dma_start3A_344, %dma_start3A_345] : memref<4x96x64xf32, #tpu.memory_space<vmem>> -> memref<1x96x64xf32, #tpu.memory_space<vmem>>
      %dma_start3A_347 = tpu.memref_squeeze %dma_start3A_346 : memref<1x96x64xf32, #tpu.memory_space<vmem>> -> memref<96x64xf32, #tpu.memory_space<vmem>>
      %dma_start3A_348 = arith.constant 0 : i32
      %dma_start3A_349 = arith.constant 0 : i32
      %dma_start3A_350 = tpu.memref_slice %dma_start3A_347[%dma_start3A_348, %dma_start3A_349] : memref<96x64xf32, #tpu.memory_space<vmem>> -> memref<16x64xf32, #tpu.memory_space<vmem>>
      tpu.enqueue_dma source(%dma_start3A_350 : memref<16x64xf32, #tpu.memory_space<vmem>>) target(%dma_start3A_343 : memref<16x64xf32, #tpu.memory_space<vmem_shared>>) target_semaphore(%arg10 : memref<!tpu.dma_semaphore, #tpu.memory_space<semaphore_mem>>)
      %dma_wait3A_351 = arith.constant 0 : i32
      %dma_wait3A_352 = arith.constant 0 : i32
      %dma_wait3A_353 = arith.constant 0 : i32
      %dma_wait3A_354 = tpu.memref_slice %arg8[%dma_wait3A_351, %dma_wait3A_352, %dma_wait3A_353] : memref<4x96x64xf32, #tpu.memory_space<vmem>> -> memref<1x96x64xf32, #tpu.memory_space<vmem>>
      %dma_wait3A_355 = tpu.memref_squeeze %dma_wait3A_354 : memref<1x96x64xf32, #tpu.memory_space<vmem>> -> memref<96x64xf32, #tpu.memory_space<vmem>>
      %dma_wait3A_356 = arith.constant 0 : i32
      %dma_wait3A_357 = arith.constant 0 : i32
      %dma_wait3A_358 = tpu.memref_slice %dma_wait3A_355[%dma_wait3A_356, %dma_wait3A_357] : memref<96x64xf32, #tpu.memory_space<vmem>> -> memref<16x64xf32, #tpu.memory_space<vmem>>
      %dma_wait3A_359 = arith.constant 9984 : i32
      %dma_wait3A_360 = arith.constant 0 : i32
      %dma_wait3A_361 = tpu.memref_slice %arg5[%dma_wait3A_359, %dma_wait3A_360] : memref<10000x64xf32, #tpu.memory_space<vmem_shared>> -> memref<16x64xf32, #tpu.memory_space<vmem_shared>>
      %dma_wait3A_362 = arith.constant 9984 : i32
      %dma_wait3A_363 = arith.constant 0 : i32
      %dma_wait3A_364 = tpu.memref_slice %arg5[%dma_wait3A_362, %dma_wait3A_363] : memref<10000x64xf32, #tpu.memory_space<vmem_shared>> -> memref<16x64xf32, #tpu.memory_space<vmem_shared>>
      %dma_wait3A_365 = arith.constant 0 : i32
      %dma_wait3A_366 = arith.constant 0 : i32
      %dma_wait3A_367 = tpu.memref_slice %arg8[%dma_wait3A_351, %dma_wait3A_365, %dma_wait3A_366] : memref<4x96x64xf32, #tpu.memory_space<vmem>> -> memref<1x96x64xf32, #tpu.memory_space<vmem>>
      %dma_wait3A_368 = tpu.memref_squeeze %dma_wait3A_367 : memref<1x96x64xf32, #tpu.memory_space<vmem>> -> memref<96x64xf32, #tpu.memory_space<vmem>>
      %dma_wait3A_369 = arith.constant 0 : i32
      %dma_wait3A_370 = arith.constant 0 : i32
      %dma_wait3A_371 = tpu.memref_slice %dma_wait3A_368[%dma_wait3A_369, %dma_wait3A_370] : memref<96x64xf32, #tpu.memory_space<vmem>> -> memref<16x64xf32, #tpu.memory_space<vmem>>
      tpu.wait_dma2 semaphore(%arg10 : memref<!tpu.dma_semaphore, #tpu.memory_space<semaphore_mem>>) src(%dma_wait3A_371 : memref<16x64xf32, #tpu.memory_space<vmem>>) dst(%dma_wait3A_364 : memref<16x64xf32, #tpu.memory_space<vmem_shared>>)
    } else {
    }
    %barrier3A = arith.constant 0 : index
    tpu.barrier barrier_id(%barrier3A)
    %add3A_55 = arith.constant 0 : i32
    %add3A_56 = arith.addi %add3A_55, %mul3A_4 : i32
    %add3A_57 = arith.constant 0 : i32
    %add3A_58 = arith.addi %add3A_56, %add3A_57 : i32
    %dma_start3A_59 = arith.constant 0 : i32
    %dma_start3A_60 = arith.constant 0 : i32
    %dma_start3A_61 = tpu.memref_slice %arg6[%dma_start3A_59, %dma_start3A_60] : memref<4x96xi32, #tpu.memory_space<vmem>> -> memref<1x96xi32, #tpu.memory_space<vmem>>
    %dma_start3A_62 = tpu.memref_squeeze %dma_start3A_61 : memref<1x96xi32, #tpu.memory_space<vmem>> -> memref<96xi32, #tpu.memory_space<vmem>>
    %dma_start3A_63 = tpu.memref_slice %arg3[%add3A_58] : memref<640000xi32, #tpu.memory_space<hbm>> -> memref<96xi32, #tpu.memory_space<hbm>>
    %dma_start3A_64 = arith.constant 0 : i32
    %dma_start3A_65 = tpu.memref_slice %arg6[%dma_start3A_59, %dma_start3A_64] : memref<4x96xi32, #tpu.memory_space<vmem>> -> memref<1x96xi32, #tpu.memory_space<vmem>>
    %dma_start3A_66 = tpu.memref_squeeze %dma_start3A_65 : memref<1x96xi32, #tpu.memory_space<vmem>> -> memref<96xi32, #tpu.memory_space<vmem>>
    %dma_start3A_67 = tpu.memref_slice %arg3[%add3A_58] : memref<640000xi32, #tpu.memory_space<hbm>> -> memref<96xi32, #tpu.memory_space<hbm>>
    tpu.enqueue_dma source(%dma_start3A_67 : memref<96xi32, #tpu.memory_space<hbm>>) target(%dma_start3A_66 : memref<96xi32, #tpu.memory_space<vmem>>) target_semaphore(%arg11 : memref<!tpu.dma_semaphore, #tpu.memory_space<semaphore_mem>>)
    %add3A_68 = arith.constant 320000 : i32
    %add3A_69 = arith.addi %add3A_68, %mul3A_4 : i32
    %add3A_70 = arith.constant 0 : i32
    %add3A_71 = arith.addi %add3A_69, %add3A_70 : i32
    %dma_start3A_72 = arith.constant 0 : i32
    %dma_start3A_73 = arith.constant 0 : i32
    %dma_start3A_74 = tpu.memref_slice %arg7[%dma_start3A_72, %dma_start3A_73] : memref<4x96xi32, #tpu.memory_space<vmem>> -> memref<1x96xi32, #tpu.memory_space<vmem>>
    %dma_start3A_75 = tpu.memref_squeeze %dma_start3A_74 : memref<1x96xi32, #tpu.memory_space<vmem>> -> memref<96xi32, #tpu.memory_space<vmem>>
    %dma_start3A_76 = tpu.memref_slice %arg3[%add3A_71] : memref<640000xi32, #tpu.memory_space<hbm>> -> memref<96xi32, #tpu.memory_space<hbm>>
    %dma_start3A_77 = arith.constant 0 : i32
    %dma_start3A_78 = tpu.memref_slice %arg7[%dma_start3A_72, %dma_start3A_77] : memref<4x96xi32, #tpu.memory_space<vmem>> -> memref<1x96xi32, #tpu.memory_space<vmem>>
    %dma_start3A_79 = tpu.memref_squeeze %dma_start3A_78 : memref<1x96xi32, #tpu.memory_space<vmem>> -> memref<96xi32, #tpu.memory_space<vmem>>
    %dma_start3A_80 = tpu.memref_slice %arg3[%add3A_71] : memref<640000xi32, #tpu.memory_space<hbm>> -> memref<96xi32, #tpu.memory_space<hbm>>
    tpu.enqueue_dma source(%dma_start3A_80 : memref<96xi32, #tpu.memory_space<hbm>>) target(%dma_start3A_79 : memref<96xi32, #tpu.memory_space<vmem>>) target_semaphore(%arg15 : memref<!tpu.dma_semaphore, #tpu.memory_space<semaphore_mem>>)
    %add3A_81 = arith.constant 0 : i32
    %add3A_82 = arith.addi %add3A_81, %mul3A_4 : i32
    %add3A_83 = arith.constant 96 : i32
    %add3A_84 = arith.addi %add3A_82, %add3A_83 : i32
    %dma_start3A_85 = arith.constant 1 : i32
    %dma_start3A_86 = arith.constant 0 : i32
    %dma_start3A_87 = tpu.memref_slice %arg6[%dma_start3A_85, %dma_start3A_86] : memref<4x96xi32, #tpu.memory_space<vmem>> -> memref<1x96xi32, #tpu.memory_space<vmem>>
    %dma_start3A_88 = tpu.memref_squeeze %dma_start3A_87 : memref<1x96xi32, #tpu.memory_space<vmem>> -> memref<96xi32, #tpu.memory_space<vmem>>
    %dma_start3A_89 = tpu.memref_slice %arg3[%add3A_84] : memref<640000xi32, #tpu.memory_space<hbm>> -> memref<96xi32, #tpu.memory_space<hbm>>
    %dma_start3A_90 = arith.constant 0 : i32
    %dma_start3A_91 = tpu.memref_slice %arg6[%dma_start3A_85, %dma_start3A_90] : memref<4x96xi32, #tpu.memory_space<vmem>> -> memref<1x96xi32, #tpu.memory_space<vmem>>
    %dma_start3A_92 = tpu.memref_squeeze %dma_start3A_91 : memref<1x96xi32, #tpu.memory_space<vmem>> -> memref<96xi32, #tpu.memory_space<vmem>>
    %dma_start3A_93 = tpu.memref_slice %arg3[%add3A_84] : memref<640000xi32, #tpu.memory_space<hbm>> -> memref<96xi32, #tpu.memory_space<hbm>>
    tpu.enqueue_dma source(%dma_start3A_93 : memref<96xi32, #tpu.memory_space<hbm>>) target(%dma_start3A_92 : memref<96xi32, #tpu.memory_space<vmem>>) target_semaphore(%arg12 : memref<!tpu.dma_semaphore, #tpu.memory_space<semaphore_mem>>)
    %add3A_94 = arith.constant 320000 : i32
    %add3A_95 = arith.addi %add3A_94, %mul3A_4 : i32
    %add3A_96 = arith.constant 96 : i32
    %add3A_97 = arith.addi %add3A_95, %add3A_96 : i32
    %dma_start3A_98 = arith.constant 1 : i32
    %dma_start3A_99 = arith.constant 0 : i32
    %dma_start3A_100 = tpu.memref_slice %arg7[%dma_start3A_98, %dma_start3A_99] : memref<4x96xi32, #tpu.memory_space<vmem>> -> memref<1x96xi32, #tpu.memory_space<vmem>>
    %dma_start3A_101 = tpu.memref_squeeze %dma_start3A_100 : memref<1x96xi32, #tpu.memory_space<vmem>> -> memref<96xi32, #tpu.memory_space<vmem>>
    %dma_start3A_102 = tpu.memref_slice %arg3[%add3A_97] : memref<640000xi32, #tpu.memory_space<hbm>> -> memref<96xi32, #tpu.memory_space<hbm>>
    %dma_start3A_103 = arith.constant 0 : i32
    %dma_start3A_104 = tpu.memref_slice %arg7[%dma_start3A_98, %dma_start3A_103] : memref<4x96xi32, #tpu.memory_space<vmem>> -> memref<1x96xi32, #tpu.memory_space<vmem>>
    %dma_start3A_105 = tpu.memref_squeeze %dma_start3A_104 : memref<1x96xi32, #tpu.memory_space<vmem>> -> memref<96xi32, #tpu.memory_space<vmem>>
    %dma_start3A_106 = tpu.memref_slice %arg3[%add3A_97] : memref<640000xi32, #tpu.memory_space<hbm>> -> memref<96xi32, #tpu.memory_space<hbm>>
    tpu.enqueue_dma source(%dma_start3A_106 : memref<96xi32, #tpu.memory_space<hbm>>) target(%dma_start3A_105 : memref<96xi32, #tpu.memory_space<vmem>>) target_semaphore(%arg16 : memref<!tpu.dma_semaphore, #tpu.memory_space<semaphore_mem>>)
    %add3A_107 = arith.constant 0 : i32
    %add3A_108 = arith.addi %add3A_107, %mul3A_4 : i32
    %add3A_109 = arith.constant 192 : i32
    %add3A_110 = arith.addi %add3A_108, %add3A_109 : i32
    %dma_start3A_111 = arith.constant 2 : i32
    %dma_start3A_112 = arith.constant 0 : i32
    %dma_start3A_113 = tpu.memref_slice %arg6[%dma_start3A_111, %dma_start3A_112] : memref<4x96xi32, #tpu.memory_space<vmem>> -> memref<1x96xi32, #tpu.memory_space<vmem>>
    %dma_start3A_114 = tpu.memref_squeeze %dma_start3A_113 : memref<1x96xi32, #tpu.memory_space<vmem>> -> memref<96xi32, #tpu.memory_space<vmem>>
    %dma_start3A_115 = tpu.memref_slice %arg3[%add3A_110] : memref<640000xi32, #tpu.memory_space<hbm>> -> memref<96xi32, #tpu.memory_space<hbm>>
    %dma_start3A_116 = arith.constant 0 : i32
    %dma_start3A_117 = tpu.memref_slice %arg6[%dma_start3A_111, %dma_start3A_116] : memref<4x96xi32, #tpu.memory_space<vmem>> -> memref<1x96xi32, #tpu.memory_space<vmem>>
    %dma_start3A_118 = tpu.memref_squeeze %dma_start3A_117 : memref<1x96xi32, #tpu.memory_space<vmem>> -> memref<96xi32, #tpu.memory_space<vmem>>
    %dma_start3A_119 = tpu.memref_slice %arg3[%add3A_110] : memref<640000xi32, #tpu.memory_space<hbm>> -> memref<96xi32, #tpu.memory_space<hbm>>
    tpu.enqueue_dma source(%dma_start3A_119 : memref<96xi32, #tpu.memory_space<hbm>>) target(%dma_start3A_118 : memref<96xi32, #tpu.memory_space<vmem>>) target_semaphore(%arg13 : memref<!tpu.dma_semaphore, #tpu.memory_space<semaphore_mem>>)
    %add3A_120 = arith.constant 320000 : i32
    %add3A_121 = arith.addi %add3A_120, %mul3A_4 : i32
    %add3A_122 = arith.constant 192 : i32
    %add3A_123 = arith.addi %add3A_121, %add3A_122 : i32
    %dma_start3A_124 = arith.constant 2 : i32
    %dma_start3A_125 = arith.constant 0 : i32
    %dma_start3A_126 = tpu.memref_slice %arg7[%dma_start3A_124, %dma_start3A_125] : memref<4x96xi32, #tpu.memory_space<vmem>> -> memref<1x96xi32, #tpu.memory_space<vmem>>
    %dma_start3A_127 = tpu.memref_squeeze %dma_start3A_126 : memref<1x96xi32, #tpu.memory_space<vmem>> -> memref<96xi32, #tpu.memory_space<vmem>>
    %dma_start3A_128 = tpu.memref_slice %arg3[%add3A_123] : memref<640000xi32, #tpu.memory_space<hbm>> -> memref<96xi32, #tpu.memory_space<hbm>>
    %dma_start3A_129 = arith.constant 0 : i32
    %dma_start3A_130 = tpu.memref_slice %arg7[%dma_start3A_124, %dma_start3A_129] : memref<4x96xi32, #tpu.memory_space<vmem>> -> memref<1x96xi32, #tpu.memory_space<vmem>>
    %dma_start3A_131 = tpu.memref_squeeze %dma_start3A_130 : memref<1x96xi32, #tpu.memory_space<vmem>> -> memref<96xi32, #tpu.memory_space<vmem>>
    %dma_start3A_132 = tpu.memref_slice %arg3[%add3A_123] : memref<640000xi32, #tpu.memory_space<hbm>> -> memref<96xi32, #tpu.memory_space<hbm>>
    tpu.enqueue_dma source(%dma_start3A_132 : memref<96xi32, #tpu.memory_space<hbm>>) target(%dma_start3A_131 : memref<96xi32, #tpu.memory_space<vmem>>) target_semaphore(%arg17 : memref<!tpu.dma_semaphore, #tpu.memory_space<semaphore_mem>>)
    %add3A_133 = arith.constant 0 : i32
    %add3A_134 = arith.addi %add3A_133, %mul3A_4 : i32
    %add3A_135 = arith.constant 0 : i32
    %add3A_136 = arith.addi %add3A_134, %add3A_135 : i32
    %dma_wait3A_137 = arith.constant 0 : i32
    %dma_wait3A_138 = arith.constant 0 : i32
    %dma_wait3A_139 = tpu.memref_slice %arg6[%dma_wait3A_137, %dma_wait3A_138] : memref<4x96xi32, #tpu.memory_space<vmem>> -> memref<1x96xi32, #tpu.memory_space<vmem>>
    %dma_wait3A_140 = tpu.memref_squeeze %dma_wait3A_139 : memref<1x96xi32, #tpu.memory_space<vmem>> -> memref<96xi32, #tpu.memory_space<vmem>>
    %dma_wait3A_141 = tpu.memref_slice %arg3[%add3A_136] : memref<640000xi32, #tpu.memory_space<hbm>> -> memref<96xi32, #tpu.memory_space<hbm>>
    %dma_wait3A_142 = arith.constant 0 : i32
    %dma_wait3A_143 = tpu.memref_slice %arg6[%dma_wait3A_137, %dma_wait3A_142] : memref<4x96xi32, #tpu.memory_space<vmem>> -> memref<1x96xi32, #tpu.memory_space<vmem>>
    %dma_wait3A_144 = tpu.memref_squeeze %dma_wait3A_143 : memref<1x96xi32, #tpu.memory_space<vmem>> -> memref<96xi32, #tpu.memory_space<vmem>>
    %dma_wait3A_145 = tpu.memref_slice %arg3[%add3A_136] : memref<640000xi32, #tpu.memory_space<hbm>> -> memref<96xi32, #tpu.memory_space<hbm>>
    tpu.wait_dma2 semaphore(%arg11 : memref<!tpu.dma_semaphore, #tpu.memory_space<semaphore_mem>>) src(%dma_wait3A_145 : memref<96xi32, #tpu.memory_space<hbm>>) dst(%dma_wait3A_144 : memref<96xi32, #tpu.memory_space<vmem>>)
    %dma_start3A_146 = arith.constant 0 : i32
    %dma_start3A_147 = arith.constant 0 : i32
    %dma_start3A_148 = arith.constant 0 : i32
    %dma_start3A_149 = arith.constant 0 : i32
    %dma_start3A_150 = tpu.memref_slice %arg8[%dma_start3A_147, %dma_start3A_148, %dma_start3A_149] : memref<4x96x64xf32, #tpu.memory_space<vmem>> -> memref<1x96x64xf32, #tpu.memory_space<vmem>>
    %dma_start3A_151 = tpu.memref_squeeze %dma_start3A_150 : memref<1x96x64xf32, #tpu.memory_space<vmem>> -> memref<96x64xf32, #tpu.memory_space<vmem>>
    %dma_start3A_152 = arith.constant 0 : i32
    %dma_start3A_153 = tpu.memref_slice %arg6[%dma_start3A_146, %dma_start3A_152] : memref<4x96xi32, #tpu.memory_space<vmem>> -> memref<1x96xi32, #tpu.memory_space<vmem>>
    %dma_start3A_154 = tpu.memref_squeeze %dma_start3A_153 : memref<1x96xi32, #tpu.memory_space<vmem>> -> memref<96xi32, #tpu.memory_space<vmem>>
    %dma_start3A_155 = arith.constant 0 : i32
    %dma_start3A_156 = arith.constant 0 : i32
    %dma_start3A_157 = tpu.memref_slice %arg2[%dma_start3A_155, %dma_start3A_156] : memref<10000x64xf32, #tpu.memory_space<hbm>> -> memref<10000x64xf32, #tpu.memory_space<hbm>>
    tpu.enqueue_indirect_dma source(%dma_start3A_157 : memref<10000x64xf32, #tpu.memory_space<hbm>>) target(%dma_start3A_151 : memref<96x64xf32, #tpu.memory_space<vmem>>) offsets(%dma_start3A_154 : memref<96xi32, #tpu.memory_space<vmem>>) semaphore(%arg19 : memref<!tpu.dma_semaphore, #tpu.memory_space<semaphore_mem>>)
    %add3A_158 = arith.constant 0 : i32
    %add3A_159 = arith.addi %add3A_158, %mul3A_4 : i32
    %add3A_160 = arith.constant 96 : i32
    %add3A_161 = arith.addi %add3A_159, %add3A_160 : i32
    %dma_wait3A_162 = arith.constant 1 : i32
    %dma_wait3A_163 = arith.constant 0 : i32
    %dma_wait3A_164 = tpu.memref_slice %arg6[%dma_wait3A_162, %dma_wait3A_163] : memref<4x96xi32, #tpu.memory_space<vmem>> -> memref<1x96xi32, #tpu.memory_space<vmem>>
    %dma_wait3A_165 = tpu.memref_squeeze %dma_wait3A_164 : memref<1x96xi32, #tpu.memory_space<vmem>> -> memref<96xi32, #tpu.memory_space<vmem>>
    %dma_wait3A_166 = tpu.memref_slice %arg3[%add3A_161] : memref<640000xi32, #tpu.memory_space<hbm>> -> memref<96xi32, #tpu.memory_space<hbm>>
    %dma_wait3A_167 = arith.constant 0 : i32
    %dma_wait3A_168 = tpu.memref_slice %arg6[%dma_wait3A_162, %dma_wait3A_167] : memref<4x96xi32, #tpu.memory_space<vmem>> -> memref<1x96xi32, #tpu.memory_space<vmem>>
    %dma_wait3A_169 = tpu.memref_squeeze %dma_wait3A_168 : memref<1x96xi32, #tpu.memory_space<vmem>> -> memref<96xi32, #tpu.memory_space<vmem>>
    %dma_wait3A_170 = tpu.memref_slice %arg3[%add3A_161] : memref<640000xi32, #tpu.memory_space<hbm>> -> memref<96xi32, #tpu.memory_space<hbm>>
    tpu.wait_dma2 semaphore(%arg12 : memref<!tpu.dma_semaphore, #tpu.memory_space<semaphore_mem>>) src(%dma_wait3A_170 : memref<96xi32, #tpu.memory_space<hbm>>) dst(%dma_wait3A_169 : memref<96xi32, #tpu.memory_space<vmem>>)
    %dma_start3A_171 = arith.constant 1 : i32
    %dma_start3A_172 = arith.constant 1 : i32
    %dma_start3A_173 = arith.constant 0 : i32
    %dma_start3A_174 = arith.constant 0 : i32
    %dma_start3A_175 = tpu.memref_slice %arg8[%dma_start3A_172, %dma_start3A_173, %dma_start3A_174] : memref<4x96x64xf32, #tpu.memory_space<vmem>> -> memref<1x96x64xf32, #tpu.memory_space<vmem>>
    %dma_start3A_176 = tpu.memref_squeeze %dma_start3A_175 : memref<1x96x64xf32, #tpu.memory_space<vmem>> -> memref<96x64xf32, #tpu.memory_space<vmem>>
    %dma_start3A_177 = arith.constant 0 : i32
    %dma_start3A_178 = tpu.memref_slice %arg6[%dma_start3A_171, %dma_start3A_177] : memref<4x96xi32, #tpu.memory_space<vmem>> -> memref<1x96xi32, #tpu.memory_space<vmem>>
    %dma_start3A_179 = tpu.memref_squeeze %dma_start3A_178 : memref<1x96xi32, #tpu.memory_space<vmem>> -> memref<96xi32, #tpu.memory_space<vmem>>
    %dma_start3A_180 = arith.constant 0 : i32
    %dma_start3A_181 = arith.constant 0 : i32
    %dma_start3A_182 = tpu.memref_slice %arg2[%dma_start3A_180, %dma_start3A_181] : memref<10000x64xf32, #tpu.memory_space<hbm>> -> memref<10000x64xf32, #tpu.memory_space<hbm>>
    tpu.enqueue_indirect_dma source(%dma_start3A_182 : memref<10000x64xf32, #tpu.memory_space<hbm>>) target(%dma_start3A_176 : memref<96x64xf32, #tpu.memory_space<vmem>>) offsets(%dma_start3A_179 : memref<96xi32, #tpu.memory_space<vmem>>) semaphore(%arg20 : memref<!tpu.dma_semaphore, #tpu.memory_space<semaphore_mem>>)
    %scan3A_183 = arith.constant 0 : i32
    %scan3A_184 = arith.constant 26 : i32
    %scan3A_185 = arith.addi %scan3A_183, %scan3A_184 : i32
    %scan3A_186 = arith.constant 1 : i32
    scf.for %scan3A_330 = %scan3A_183 to %scan3A_185 step %scan3A_186  : i32 {
      %mul3A_331 = arith.constant 4 : i32
      %mul3A_332 = arith.muli %scan3A_330, %mul3A_331 : i32
      %add3A_333 = arith.constant 0 : i32
      %add3A_334 = arith.addi %add3A_333, %mul3A_332 : i32
      %add3A_335 = arith.constant 0 : i32
      %add3A_336 = arith.addi %add3A_334, %add3A_335 : i32
      %add3A_337 = arith.constant 2 : i32
      %add3A_338 = arith.addi %add3A_336, %add3A_337 : i32
      %lt3A = arith.constant 104 : i32
      %lt3A_339 = arith.cmpi slt, %add3A_338, %lt3A : i32
      %convert_element_type3A_340 = arith.extui %lt3A_339 : i1 to i32
      %cond3A_341 = arith.constant 0 : i32
      %cond3A_342 = arith.cmpi ne, %convert_element_type3A_340, %cond3A_341 : i32
      scf.if %cond3A_342 {
        %add3A_577 = arith.constant 2 : i32
        %add3A_578 = arith.addi %add3A_336, %add3A_577 : i32
        %add3A_579 = arith.constant 0 : i32
        %add3A_580 = arith.addi %add3A_579, %mul3A_4 : i32
        %mul3A_581 = arith.constant 96 : i32
        %mul3A_582 = arith.muli %add3A_578, %mul3A_581 : i32
        %add3A_583 = arith.addi %add3A_580, %mul3A_582 : i32
        %dma_wait3A_584 = arith.constant 2 : i32
        %dma_wait3A_585 = arith.constant 0 : i32
        %dma_wait3A_586 = tpu.memref_slice %arg6[%dma_wait3A_584, %dma_wait3A_585] : memref<4x96xi32, #tpu.memory_space<vmem>> -> memref<1x96xi32, #tpu.memory_space<vmem>>
        %dma_wait3A_587 = tpu.memref_squeeze %dma_wait3A_586 : memref<1x96xi32, #tpu.memory_space<vmem>> -> memref<96xi32, #tpu.memory_space<vmem>>
        %dma_wait3A_588 = tpu.memref_slice %arg3[%add3A_583] : memref<640000xi32, #tpu.memory_space<hbm>> -> memref<96xi32, #tpu.memory_space<hbm>>
        %dma_wait3A_589 = arith.constant 0 : i32
        %dma_wait3A_590 = tpu.memref_slice %arg6[%dma_wait3A_584, %dma_wait3A_589] : memref<4x96xi32, #tpu.memory_space<vmem>> -> memref<1x96xi32, #tpu.memory_space<vmem>>
        %dma_wait3A_591 = tpu.memref_squeeze %dma_wait3A_590 : memref<1x96xi32, #tpu.memory_space<vmem>> -> memref<96xi32, #tpu.memory_space<vmem>>
        %dma_wait3A_592 = tpu.memref_slice %arg3[%add3A_583] : memref<640000xi32, #tpu.memory_space<hbm>> -> memref<96xi32, #tpu.memory_space<hbm>>
        tpu.wait_dma2 semaphore(%arg13 : memref<!tpu.dma_semaphore, #tpu.memory_space<semaphore_mem>>) src(%dma_wait3A_592 : memref<96xi32, #tpu.memory_space<hbm>>) dst(%dma_wait3A_591 : memref<96xi32, #tpu.memory_space<vmem>>)
        %dma_start3A_593 = arith.constant 2 : i32
        %dma_start3A_594 = arith.constant 2 : i32
        %dma_start3A_595 = arith.constant 0 : i32
        %dma_start3A_596 = arith.constant 0 : i32
        %dma_start3A_597 = tpu.memref_slice %arg8[%dma_start3A_594, %dma_start3A_595, %dma_start3A_596] : memref<4x96x64xf32, #tpu.memory_space<vmem>> -> memref<1x96x64xf32, #tpu.memory_space<vmem>>
        %dma_start3A_598 = tpu.memref_squeeze %dma_start3A_597 : memref<1x96x64xf32, #tpu.memory_space<vmem>> -> memref<96x64xf32, #tpu.memory_space<vmem>>
        %dma_start3A_599 = arith.constant 0 : i32
        %dma_start3A_600 = tpu.memref_slice %arg6[%dma_start3A_593, %dma_start3A_599] : memref<4x96xi32, #tpu.memory_space<vmem>> -> memref<1x96xi32, #tpu.memory_space<vmem>>
        %dma_start3A_601 = tpu.memref_squeeze %dma_start3A_600 : memref<1x96xi32, #tpu.memory_space<vmem>> -> memref<96xi32, #tpu.memory_space<vmem>>
        %dma_start3A_602 = arith.constant 0 : i32
        %dma_start3A_603 = arith.constant 0 : i32
        %dma_start3A_604 = tpu.memref_slice %arg2[%dma_start3A_602, %dma_start3A_603] : memref<10000x64xf32, #tpu.memory_space<hbm>> -> memref<10000x64xf32, #tpu.memory_space<hbm>>
        tpu.enqueue_indirect_dma source(%dma_start3A_604 : memref<10000x64xf32, #tpu.memory_space<hbm>>) target(%dma_start3A_598 : memref<96x64xf32, #tpu.memory_space<vmem>>) offsets(%dma_start3A_601 : memref<96xi32, #tpu.memory_space<vmem>>) semaphore(%arg21 : memref<!tpu.dma_semaphore, #tpu.memory_space<semaphore_mem>>)
      } else {
      }
      %dma_wait3A_343 = arith.constant 0 : i32
      %dma_wait3A_344 = arith.constant 0 : i32
      %dma_wait3A_345 = arith.constant 0 : i32
      %dma_wait3A_346 = arith.constant 0 : i32
      %dma_wait3A_347 = tpu.memref_slice %arg8[%dma_wait3A_344, %dma_wait3A_345, %dma_wait3A_346] : memref<4x96x64xf32, #tpu.memory_space<vmem>> -> memref<1x96x64xf32, #tpu.memory_space<vmem>>
      %dma_wait3A_348 = tpu.memref_squeeze %dma_wait3A_347 : memref<1x96x64xf32, #tpu.memory_space<vmem>> -> memref<96x64xf32, #tpu.memory_space<vmem>>
      %dma_wait3A_349 = arith.constant 0 : i32
      %dma_wait3A_350 = tpu.memref_slice %arg6[%dma_wait3A_343, %dma_wait3A_349] : memref<4x96xi32, #tpu.memory_space<vmem>> -> memref<1x96xi32, #tpu.memory_space<vmem>>
      %dma_wait3A_351 = tpu.memref_squeeze %dma_wait3A_350 : memref<1x96xi32, #tpu.memory_space<vmem>> -> memref<96xi32, #tpu.memory_space<vmem>>
      %dma_wait3A_352 = arith.constant 0 : i32
      %dma_wait3A_353 = arith.constant 0 : i32
      %dma_wait3A_354 = tpu.memref_slice %arg2[%dma_wait3A_352, %dma_wait3A_353] : memref<10000x64xf32, #tpu.memory_space<hbm>> -> memref<10000x64xf32, #tpu.memory_space<hbm>>
      tpu.wait_indirect_dma semaphore(%arg19 : memref<!tpu.dma_semaphore, #tpu.memory_space<semaphore_mem>>) src(%dma_wait3A_354 : memref<10000x64xf32, #tpu.memory_space<hbm>>) dst(%dma_wait3A_348 : memref<96x64xf32, #tpu.memory_space<vmem>>)
      %add3A_355 = arith.constant 320000 : i32
      %add3A_356 = arith.addi %add3A_355, %mul3A_4 : i32
      %mul3A_357 = arith.constant 96 : i32
      %mul3A_358 = arith.muli %add3A_336, %mul3A_357 : i32
      %add3A_359 = arith.addi %add3A_356, %mul3A_358 : i32
      %dma_wait3A_360 = arith.constant 0 : i32
      %dma_wait3A_361 = arith.constant 0 : i32
      %dma_wait3A_362 = tpu.memref_slice %arg7[%dma_wait3A_360, %dma_wait3A_361] : memref<4x96xi32, #tpu.memory_space<vmem>> -> memref<1x96xi32, #tpu.memory_space<vmem>>
      %dma_wait3A_363 = tpu.memref_squeeze %dma_wait3A_362 : memref<1x96xi32, #tpu.memory_space<vmem>> -> memref<96xi32, #tpu.memory_space<vmem>>
      %dma_wait3A_364 = tpu.memref_slice %arg3[%add3A_359] : memref<640000xi32, #tpu.memory_space<hbm>> -> memref<96xi32, #tpu.memory_space<hbm>>
      %dma_wait3A_365 = arith.constant 0 : i32
      %dma_wait3A_366 = tpu.memref_slice %arg7[%dma_wait3A_360, %dma_wait3A_365] : memref<4x96xi32, #tpu.memory_space<vmem>> -> memref<1x96xi32, #tpu.memory_space<vmem>>
      %dma_wait3A_367 = tpu.memref_squeeze %dma_wait3A_366 : memref<1x96xi32, #tpu.memory_space<vmem>> -> memref<96xi32, #tpu.memory_space<vmem>>
      %dma_wait3A_368 = tpu.memref_slice %arg3[%add3A_359] : memref<640000xi32, #tpu.memory_space<hbm>> -> memref<96xi32, #tpu.memory_space<hbm>>
      tpu.wait_dma2 semaphore(%arg15 : memref<!tpu.dma_semaphore, #tpu.memory_space<semaphore_mem>>) src(%dma_wait3A_368 : memref<96xi32, #tpu.memory_space<hbm>>) dst(%dma_wait3A_367 : memref<96xi32, #tpu.memory_space<vmem>>)
      %dma_start3A_369 = arith.constant 0 : i32
      %dma_start3A_370 = arith.constant 0 : i32
      %dma_start3A_371 = arith.constant 0 : i32
      %dma_start3A_372 = arith.constant 0 : i32
      %dma_start3A_373 = tpu.memref_slice %arg8[%dma_start3A_369, %dma_start3A_371, %dma_start3A_372] : memref<4x96x64xf32, #tpu.memory_space<vmem>> -> memref<1x96x64xf32, #tpu.memory_space<vmem>>
      %dma_start3A_374 = tpu.memref_squeeze %dma_start3A_373 : memref<1x96x64xf32, #tpu.memory_space<vmem>> -> memref<96x64xf32, #tpu.memory_space<vmem>>
      %dma_start3A_375 = arith.constant 0 : i32
      %dma_start3A_376 = tpu.memref_slice %arg7[%dma_start3A_370, %dma_start3A_375] : memref<4x96xi32, #tpu.memory_space<vmem>> -> memref<1x96xi32, #tpu.memory_space<vmem>>
      %dma_start3A_377 = tpu.memref_squeeze %dma_start3A_376 : memref<1x96xi32, #tpu.memory_space<vmem>> -> memref<96xi32, #tpu.memory_space<vmem>>
      %dma_start3A_378 = arith.constant 0 : i32
      %dma_start3A_379 = arith.constant 0 : i32
      %dma_start3A_380 = tpu.memref_slice %arg5[%dma_start3A_378, %dma_start3A_379] : memref<10000x64xf32, #tpu.memory_space<vmem_shared>> -> memref<10000x64xf32, #tpu.memory_space<vmem_shared>>
      tpu.enqueue_indirect_dma source(%dma_start3A_374 : memref<96x64xf32, #tpu.memory_space<vmem>>) target(%dma_start3A_380 : memref<10000x64xf32, #tpu.memory_space<vmem_shared>>) offsets(%dma_start3A_377 : memref<96xi32, #tpu.memory_space<vmem>>) semaphore(%arg23 : memref<!tpu.dma_semaphore, #tpu.memory_space<semaphore_mem>>) {add = true}
      %ge3A = arith.constant 1 : i32
      %ge3A_381 = arith.cmpi sge, %add3A_336, %ge3A : i32
      %convert_element_type3A_382 = arith.extui %ge3A_381 : i1 to i32
      %cond3A_383 = arith.constant 0 : i32
      %cond3A_384 = arith.cmpi ne, %convert_element_type3A_382, %cond3A_383 : i32
      scf.if %cond3A_384 {
        %dma_wait3A_577 = arith.constant 3 : i32
        %dma_wait3A_578 = arith.constant 3 : i32
        %dma_wait3A_579 = arith.constant 0 : i32
        %dma_wait3A_580 = arith.constant 0 : i32
        %dma_wait3A_581 = tpu.memref_slice %arg8[%dma_wait3A_577, %dma_wait3A_579, %dma_wait3A_580] : memref<4x96x64xf32, #tpu.memory_space<vmem>> -> memref<1x96x64xf32, #tpu.memory_space<vmem>>
        %dma_wait3A_582 = tpu.memref_squeeze %dma_wait3A_581 : memref<1x96x64xf32, #tpu.memory_space<vmem>> -> memref<96x64xf32, #tpu.memory_space<vmem>>
        %dma_wait3A_583 = arith.constant 0 : i32
        %dma_wait3A_584 = tpu.memref_slice %arg7[%dma_wait3A_578, %dma_wait3A_583] : memref<4x96xi32, #tpu.memory_space<vmem>> -> memref<1x96xi32, #tpu.memory_space<vmem>>
        %dma_wait3A_585 = tpu.memref_squeeze %dma_wait3A_584 : memref<1x96xi32, #tpu.memory_space<vmem>> -> memref<96xi32, #tpu.memory_space<vmem>>
        %dma_wait3A_586 = arith.constant 0 : i32
        %dma_wait3A_587 = arith.constant 0 : i32
        %dma_wait3A_588 = tpu.memref_slice %arg5[%dma_wait3A_586, %dma_wait3A_587] : memref<10000x64xf32, #tpu.memory_space<vmem_shared>> -> memref<10000x64xf32, #tpu.memory_space<vmem_shared>>
        tpu.wait_indirect_dma semaphore(%arg26 : memref<!tpu.dma_semaphore, #tpu.memory_space<semaphore_mem>>) src(%dma_wait3A_582 : memref<96x64xf32, #tpu.memory_space<vmem>>) dst(%dma_wait3A_588 : memref<10000x64xf32, #tpu.memory_space<vmem_shared>>)
      } else {
      }
      %add3A_385 = arith.constant 2 : i32
      %add3A_386 = arith.addi %add3A_336, %add3A_385 : i32
      %add3A_387 = arith.constant 1 : i32
      %add3A_388 = arith.addi %add3A_386, %add3A_387 : i32
      %lt3A_389 = arith.constant 104 : i32
      %lt3A_390 = arith.cmpi slt, %add3A_388, %lt3A_389 : i32
      %convert_element_type3A_391 = arith.extui %lt3A_390 : i1 to i32
      %cond3A_392 = arith.constant 0 : i32
      %cond3A_393 = arith.cmpi ne, %convert_element_type3A_391, %cond3A_392 : i32
      scf.if %cond3A_393 {
        %add3A_577 = arith.constant 2 : i32
        %add3A_578 = arith.addi %add3A_336, %add3A_577 : i32
        %add3A_579 = arith.constant 1 : i32
        %add3A_580 = arith.addi %add3A_578, %add3A_579 : i32
        %add3A_581 = arith.constant 0 : i32
        %add3A_582 = arith.addi %add3A_581, %mul3A_4 : i32
        %mul3A_583 = arith.constant 96 : i32
        %mul3A_584 = arith.muli %add3A_580, %mul3A_583 : i32
        %add3A_585 = arith.addi %add3A_582, %mul3A_584 : i32
        %dma_start3A_586 = arith.constant 3 : i32
        %dma_start3A_587 = arith.constant 0 : i32
        %dma_start3A_588 = tpu.memref_slice %arg6[%dma_start3A_586, %dma_start3A_587] : memref<4x96xi32, #tpu.memory_space<vmem>> -> memref<1x96xi32, #tpu.memory_space<vmem>>
        %dma_start3A_589 = tpu.memref_squeeze %dma_start3A_588 : memref<1x96xi32, #tpu.memory_space<vmem>> -> memref<96xi32, #tpu.memory_space<vmem>>
        %dma_start3A_590 = tpu.memref_slice %arg3[%add3A_585] : memref<640000xi32, #tpu.memory_space<hbm>> -> memref<96xi32, #tpu.memory_space<hbm>>
        %dma_start3A_591 = arith.constant 0 : i32
        %dma_start3A_592 = tpu.memref_slice %arg6[%dma_start3A_586, %dma_start3A_591] : memref<4x96xi32, #tpu.memory_space<vmem>> -> memref<1x96xi32, #tpu.memory_space<vmem>>
        %dma_start3A_593 = tpu.memref_squeeze %dma_start3A_592 : memref<1x96xi32, #tpu.memory_space<vmem>> -> memref<96xi32, #tpu.memory_space<vmem>>
        %dma_start3A_594 = tpu.memref_slice %arg3[%add3A_585] : memref<640000xi32, #tpu.memory_space<hbm>> -> memref<96xi32, #tpu.memory_space<hbm>>
        tpu.enqueue_dma source(%dma_start3A_594 : memref<96xi32, #tpu.memory_space<hbm>>) target(%dma_start3A_593 : memref<96xi32, #tpu.memory_space<vmem>>) target_semaphore(%arg14 : memref<!tpu.dma_semaphore, #tpu.memory_space<semaphore_mem>>)
        %add3A_595 = arith.constant 2 : i32
        %add3A_596 = arith.addi %add3A_336, %add3A_595 : i32
        %add3A_597 = arith.constant 1 : i32
        %add3A_598 = arith.addi %add3A_596, %add3A_597 : i32
        %add3A_599 = arith.constant 320000 : i32
        %add3A_600 = arith.addi %add3A_599, %mul3A_4 : i32
        %mul3A_601 = arith.constant 96 : i32
        %mul3A_602 = arith.muli %add3A_598, %mul3A_601 : i32
        %add3A_603 = arith.addi %add3A_600, %mul3A_602 : i32
        %dma_start3A_604 = arith.constant 3 : i32
        %dma_start3A_605 = arith.constant 0 : i32
        %dma_start3A_606 = tpu.memref_slice %arg7[%dma_start3A_604, %dma_start3A_605] : memref<4x96xi32, #tpu.memory_space<vmem>> -> memref<1x96xi32, #tpu.memory_space<vmem>>
        %dma_start3A_607 = tpu.memref_squeeze %dma_start3A_606 : memref<1x96xi32, #tpu.memory_space<vmem>> -> memref<96xi32, #tpu.memory_space<vmem>>
        %dma_start3A_608 = tpu.memref_slice %arg3[%add3A_603] : memref<640000xi32, #tpu.memory_space<hbm>> -> memref<96xi32, #tpu.memory_space<hbm>>
        %dma_start3A_609 = arith.constant 0 : i32
        %dma_start3A_610 = tpu.memref_slice %arg7[%dma_start3A_604, %dma_start3A_609] : memref<4x96xi32, #tpu.memory_space<vmem>> -> memref<1x96xi32, #tpu.memory_space<vmem>>
        %dma_start3A_611 = tpu.memref_squeeze %dma_start3A_610 : memref<1x96xi32, #tpu.memory_space<vmem>> -> memref<96xi32, #tpu.memory_space<vmem>>
        %dma_start3A_612 = tpu.memref_slice %arg3[%add3A_603] : memref<640000xi32, #tpu.memory_space<hbm>> -> memref<96xi32, #tpu.memory_space<hbm>>
        tpu.enqueue_dma source(%dma_start3A_612 : memref<96xi32, #tpu.memory_space<hbm>>) target(%dma_start3A_611 : memref<96xi32, #tpu.memory_space<vmem>>) target_semaphore(%arg18 : memref<!tpu.dma_semaphore, #tpu.memory_space<semaphore_mem>>)
      } else {
      }
      %add3A_394 = arith.constant 1 : i32
      %add3A_395 = arith.addi %add3A_334, %add3A_394 : i32
      %add3A_396 = arith.constant 2 : i32
      %add3A_397 = arith.addi %add3A_395, %add3A_396 : i32
      %lt3A_398 = arith.constant 104 : i32
      %lt3A_399 = arith.cmpi slt, %add3A_397, %lt3A_398 : i32
      %convert_element_type3A_400 = arith.extui %lt3A_399 : i1 to i32
      %cond3A_401 = arith.constant 0 : i32
      %cond3A_402 = arith.cmpi ne, %convert_element_type3A_400, %cond3A_401 : i32
      scf.if %cond3A_402 {
        %add3A_577 = arith.constant 2 : i32
        %add3A_578 = arith.addi %add3A_395, %add3A_577 : i32
        %add3A_579 = arith.constant 0 : i32
        %add3A_580 = arith.addi %add3A_579, %mul3A_4 : i32
        %mul3A_581 = arith.constant 96 : i32
        %mul3A_582 = arith.muli %add3A_578, %mul3A_581 : i32
        %add3A_583 = arith.addi %add3A_580, %mul3A_582 : i32
        %dma_wait3A_584 = arith.constant 3 : i32
        %dma_wait3A_585 = arith.constant 0 : i32
        %dma_wait3A_586 = tpu.memref_slice %arg6[%dma_wait3A_584, %dma_wait3A_585] : memref<4x96xi32, #tpu.memory_space<vmem>> -> memref<1x96xi32, #tpu.memory_space<vmem>>
        %dma_wait3A_587 = tpu.memref_squeeze %dma_wait3A_586 : memref<1x96xi32, #tpu.memory_space<vmem>> -> memref<96xi32, #tpu.memory_space<vmem>>
        %dma_wait3A_588 = tpu.memref_slice %arg3[%add3A_583] : memref<640000xi32, #tpu.memory_space<hbm>> -> memref<96xi32, #tpu.memory_space<hbm>>
        %dma_wait3A_589 = arith.constant 0 : i32
        %dma_wait3A_590 = tpu.memref_slice %arg6[%dma_wait3A_584, %dma_wait3A_589] : memref<4x96xi32, #tpu.memory_space<vmem>> -> memref<1x96xi32, #tpu.memory_space<vmem>>
        %dma_wait3A_591 = tpu.memref_squeeze %dma_wait3A_590 : memref<1x96xi32, #tpu.memory_space<vmem>> -> memref<96xi32, #tpu.memory_space<vmem>>
        %dma_wait3A_592 = tpu.memref_slice %arg3[%add3A_583] : memref<640000xi32, #tpu.memory_space<hbm>> -> memref<96xi32, #tpu.memory_space<hbm>>
        tpu.wait_dma2 semaphore(%arg14 : memref<!tpu.dma_semaphore, #tpu.memory_space<semaphore_mem>>) src(%dma_wait3A_592 : memref<96xi32, #tpu.memory_space<hbm>>) dst(%dma_wait3A_591 : memref<96xi32, #tpu.memory_space<vmem>>)
        %dma_start3A_593 = arith.constant 3 : i32
        %dma_start3A_594 = arith.constant 3 : i32
        %dma_start3A_595 = arith.constant 0 : i32
        %dma_start3A_596 = arith.constant 0 : i32
        %dma_start3A_597 = tpu.memref_slice %arg8[%dma_start3A_594, %dma_start3A_595, %dma_start3A_596] : memref<4x96x64xf32, #tpu.memory_space<vmem>> -> memref<1x96x64xf32, #tpu.memory_space<vmem>>
        %dma_start3A_598 = tpu.memref_squeeze %dma_start3A_597 : memref<1x96x64xf32, #tpu.memory_space<vmem>> -> memref<96x64xf32, #tpu.memory_space<vmem>>
        %dma_start3A_599 = arith.constant 0 : i32
        %dma_start3A_600 = tpu.memref_slice %arg6[%dma_start3A_593, %dma_start3A_599] : memref<4x96xi32, #tpu.memory_space<vmem>> -> memref<1x96xi32, #tpu.memory_space<vmem>>
        %dma_start3A_601 = tpu.memref_squeeze %dma_start3A_600 : memref<1x96xi32, #tpu.memory_space<vmem>> -> memref<96xi32, #tpu.memory_space<vmem>>
        %dma_start3A_602 = arith.constant 0 : i32
        %dma_start3A_603 = arith.constant 0 : i32
        %dma_start3A_604 = tpu.memref_slice %arg2[%dma_start3A_602, %dma_start3A_603] : memref<10000x64xf32, #tpu.memory_space<hbm>> -> memref<10000x64xf32, #tpu.memory_space<hbm>>
        tpu.enqueue_indirect_dma source(%dma_start3A_604 : memref<10000x64xf32, #tpu.memory_space<hbm>>) target(%dma_start3A_598 : memref<96x64xf32, #tpu.memory_space<vmem>>) offsets(%dma_start3A_601 : memref<96xi32, #tpu.memory_space<vmem>>) semaphore(%arg22 : memref<!tpu.dma_semaphore, #tpu.memory_space<semaphore_mem>>)
      } else {
      }
      %dma_wait3A_403 = arith.constant 1 : i32
      %dma_wait3A_404 = arith.constant 1 : i32
      %dma_wait3A_405 = arith.constant 0 : i32
      %dma_wait3A_406 = arith.constant 0 : i32
      %dma_wait3A_407 = tpu.memref_slice %arg8[%dma_wait3A_404, %dma_wait3A_405, %dma_wait3A_406] : memref<4x96x64xf32, #tpu.memory_space<vmem>> -> memref<1x96x64xf32, #tpu.memory_space<vmem>>
      %dma_wait3A_408 = tpu.memref_squeeze %dma_wait3A_407 : memref<1x96x64xf32, #tpu.memory_space<vmem>> -> memref<96x64xf32, #tpu.memory_space<vmem>>
      %dma_wait3A_409 = arith.constant 0 : i32
      %dma_wait3A_410 = tpu.memref_slice %arg6[%dma_wait3A_403, %dma_wait3A_409] : memref<4x96xi32, #tpu.memory_space<vmem>> -> memref<1x96xi32, #tpu.memory_space<vmem>>
      %dma_wait3A_411 = tpu.memref_squeeze %dma_wait3A_410 : memref<1x96xi32, #tpu.memory_space<vmem>> -> memref<96xi32, #tpu.memory_space<vmem>>
      %dma_wait3A_412 = arith.constant 0 : i32
      %dma_wait3A_413 = arith.constant 0 : i32
      %dma_wait3A_414 = tpu.memref_slice %arg2[%dma_wait3A_412, %dma_wait3A_413] : memref<10000x64xf32, #tpu.memory_space<hbm>> -> memref<10000x64xf32, #tpu.memory_space<hbm>>
      tpu.wait_indirect_dma semaphore(%arg20 : memref<!tpu.dma_semaphore, #tpu.memory_space<semaphore_mem>>) src(%dma_wait3A_414 : memref<10000x64xf32, #tpu.memory_space<hbm>>) dst(%dma_wait3A_408 : memref<96x64xf32, #tpu.memory_space<vmem>>)
      %add3A_415 = arith.constant 320000 : i32
      %add3A_416 = arith.addi %add3A_415, %mul3A_4 : i32
      %mul3A_417 = arith.constant 96 : i32
      %mul3A_418 = arith.muli %add3A_395, %mul3A_417 : i32
      %add3A_419 = arith.addi %add3A_416, %mul3A_418 : i32
      %dma_wait3A_420 = arith.constant 1 : i32
      %dma_wait3A_421 = arith.constant 0 : i32
      %dma_wait3A_422 = tpu.memref_slice %arg7[%dma_wait3A_420, %dma_wait3A_421] : memref<4x96xi32, #tpu.memory_space<vmem>> -> memref<1x96xi32, #tpu.memory_space<vmem>>
      %dma_wait3A_423 = tpu.memref_squeeze %dma_wait3A_422 : memref<1x96xi32, #tpu.memory_space<vmem>> -> memref<96xi32, #tpu.memory_space<vmem>>
      %dma_wait3A_424 = tpu.memref_slice %arg3[%add3A_419] : memref<640000xi32, #tpu.memory_space<hbm>> -> memref<96xi32, #tpu.memory_space<hbm>>
      %dma_wait3A_425 = arith.constant 0 : i32
      %dma_wait3A_426 = tpu.memref_slice %arg7[%dma_wait3A_420, %dma_wait3A_425] : memref<4x96xi32, #tpu.memory_space<vmem>> -> memref<1x96xi32, #tpu.memory_space<vmem>>
      %dma_wait3A_427 = tpu.memref_squeeze %dma_wait3A_426 : memref<1x96xi32, #tpu.memory_space<vmem>> -> memref<96xi32, #tpu.memory_space<vmem>>
      %dma_wait3A_428 = tpu.memref_slice %arg3[%add3A_419] : memref<640000xi32, #tpu.memory_space<hbm>> -> memref<96xi32, #tpu.memory_space<hbm>>
      tpu.wait_dma2 semaphore(%arg16 : memref<!tpu.dma_semaphore, #tpu.memory_space<semaphore_mem>>) src(%dma_wait3A_428 : memref<96xi32, #tpu.memory_space<hbm>>) dst(%dma_wait3A_427 : memref<96xi32, #tpu.memory_space<vmem>>)
      %dma_start3A_429 = arith.constant 1 : i32
      %dma_start3A_430 = arith.constant 1 : i32
      %dma_start3A_431 = arith.constant 0 : i32
      %dma_start3A_432 = arith.constant 0 : i32
      %dma_start3A_433 = tpu.memref_slice %arg8[%dma_start3A_429, %dma_start3A_431, %dma_start3A_432] : memref<4x96x64xf32, #tpu.memory_space<vmem>> -> memref<1x96x64xf32, #tpu.memory_space<vmem>>
      %dma_start3A_434 = tpu.memref_squeeze %dma_start3A_433 : memref<1x96x64xf32, #tpu.memory_space<vmem>> -> memref<96x64xf32, #tpu.memory_space<vmem>>
      %dma_start3A_435 = arith.constant 0 : i32
      %dma_start3A_436 = tpu.memref_slice %arg7[%dma_start3A_430, %dma_start3A_435] : memref<4x96xi32, #tpu.memory_space<vmem>> -> memref<1x96xi32, #tpu.memory_space<vmem>>
      %dma_start3A_437 = tpu.memref_squeeze %dma_start3A_436 : memref<1x96xi32, #tpu.memory_space<vmem>> -> memref<96xi32, #tpu.memory_space<vmem>>
      %dma_start3A_438 = arith.constant 0 : i32
      %dma_start3A_439 = arith.constant 0 : i32
      %dma_start3A_440 = tpu.memref_slice %arg5[%dma_start3A_438, %dma_start3A_439] : memref<10000x64xf32, #tpu.memory_space<vmem_shared>> -> memref<10000x64xf32, #tpu.memory_space<vmem_shared>>
      tpu.enqueue_indirect_dma source(%dma_start3A_434 : memref<96x64xf32, #tpu.memory_space<vmem>>) target(%dma_start3A_440 : memref<10000x64xf32, #tpu.memory_space<vmem_shared>>) offsets(%dma_start3A_437 : memref<96xi32, #tpu.memory_space<vmem>>) semaphore(%arg24 : memref<!tpu.dma_semaphore, #tpu.memory_space<semaphore_mem>>) {add = true}
      %ge3A_441 = arith.constant 1 : i32
      %ge3A_442 = arith.cmpi sge, %add3A_395, %ge3A_441 : i32
      %convert_element_type3A_443 = arith.extui %ge3A_442 : i1 to i32
      %cond3A_444 = arith.constant 0 : i32
      %cond3A_445 = arith.cmpi ne, %convert_element_type3A_443, %cond3A_444 : i32
      scf.if %cond3A_445 {
        %dma_wait3A_577 = arith.constant 0 : i32
        %dma_wait3A_578 = arith.constant 0 : i32
        %dma_wait3A_579 = arith.constant 0 : i32
        %dma_wait3A_580 = arith.constant 0 : i32
        %dma_wait3A_581 = tpu.memref_slice %arg8[%dma_wait3A_577, %dma_wait3A_579, %dma_wait3A_580] : memref<4x96x64xf32, #tpu.memory_space<vmem>> -> memref<1x96x64xf32, #tpu.memory_space<vmem>>
        %dma_wait3A_582 = tpu.memref_squeeze %dma_wait3A_581 : memref<1x96x64xf32, #tpu.memory_space<vmem>> -> memref<96x64xf32, #tpu.memory_space<vmem>>
        %dma_wait3A_583 = arith.constant 0 : i32
        %dma_wait3A_584 = tpu.memref_slice %arg7[%dma_wait3A_578, %dma_wait3A_583] : memref<4x96xi32, #tpu.memory_space<vmem>> -> memref<1x96xi32, #tpu.memory_space<vmem>>
        %dma_wait3A_585 = tpu.memref_squeeze %dma_wait3A_584 : memref<1x96xi32, #tpu.memory_space<vmem>> -> memref<96xi32, #tpu.memory_space<vmem>>
        %dma_wait3A_586 = arith.constant 0 : i32
        %dma_wait3A_587 = arith.constant 0 : i32
        %dma_wait3A_588 = tpu.memref_slice %arg5[%dma_wait3A_586, %dma_wait3A_587] : memref<10000x64xf32, #tpu.memory_space<vmem_shared>> -> memref<10000x64xf32, #tpu.memory_space<vmem_shared>>
        tpu.wait_indirect_dma semaphore(%arg23 : memref<!tpu.dma_semaphore, #tpu.memory_space<semaphore_mem>>) src(%dma_wait3A_582 : memref<96x64xf32, #tpu.memory_space<vmem>>) dst(%dma_wait3A_588 : memref<10000x64xf32, #tpu.memory_space<vmem_shared>>)
      } else {
      }
      %add3A_446 = arith.constant 2 : i32
      %add3A_447 = arith.addi %add3A_395, %add3A_446 : i32
      %add3A_448 = arith.constant 1 : i32
      %add3A_449 = arith.addi %add3A_447, %add3A_448 : i32
      %lt3A_450 = arith.constant 104 : i32
      %lt3A_451 = arith.cmpi slt, %add3A_449, %lt3A_450 : i32
      %convert_element_type3A_452 = arith.extui %lt3A_451 : i1 to i32
      %cond3A_453 = arith.constant 0 : i32
      %cond3A_454 = arith.cmpi ne, %convert_element_type3A_452, %cond3A_453 : i32
      scf.if %cond3A_454 {
        %add3A_577 = arith.constant 2 : i32
        %add3A_578 = arith.addi %add3A_395, %add3A_577 : i32
        %add3A_579 = arith.constant 1 : i32
        %add3A_580 = arith.addi %add3A_578, %add3A_579 : i32
        %add3A_581 = arith.constant 0 : i32
        %add3A_582 = arith.addi %add3A_581, %mul3A_4 : i32
        %mul3A_583 = arith.constant 96 : i32
        %mul3A_584 = arith.muli %add3A_580, %mul3A_583 : i32
        %add3A_585 = arith.addi %add3A_582, %mul3A_584 : i32
        %dma_start3A_586 = arith.constant 0 : i32
        %dma_start3A_587 = arith.constant 0 : i32
        %dma_start3A_588 = tpu.memref_slice %arg6[%dma_start3A_586, %dma_start3A_587] : memref<4x96xi32, #tpu.memory_space<vmem>> -> memref<1x96xi32, #tpu.memory_space<vmem>>
        %dma_start3A_589 = tpu.memref_squeeze %dma_start3A_588 : memref<1x96xi32, #tpu.memory_space<vmem>> -> memref<96xi32, #tpu.memory_space<vmem>>
        %dma_start3A_590 = tpu.memref_slice %arg3[%add3A_585] : memref<640000xi32, #tpu.memory_space<hbm>> -> memref<96xi32, #tpu.memory_space<hbm>>
        %dma_start3A_591 = arith.constant 0 : i32
        %dma_start3A_592 = tpu.memref_slice %arg6[%dma_start3A_586, %dma_start3A_591] : memref<4x96xi32, #tpu.memory_space<vmem>> -> memref<1x96xi32, #tpu.memory_space<vmem>>
        %dma_start3A_593 = tpu.memref_squeeze %dma_start3A_592 : memref<1x96xi32, #tpu.memory_space<vmem>> -> memref<96xi32, #tpu.memory_space<vmem>>
        %dma_start3A_594 = tpu.memref_slice %arg3[%add3A_585] : memref<640000xi32, #tpu.memory_space<hbm>> -> memref<96xi32, #tpu.memory_space<hbm>>
        tpu.enqueue_dma source(%dma_start3A_594 : memref<96xi32, #tpu.memory_space<hbm>>) target(%dma_start3A_593 : memref<96xi32, #tpu.memory_space<vmem>>) target_semaphore(%arg11 : memref<!tpu.dma_semaphore, #tpu.memory_space<semaphore_mem>>)
        %add3A_595 = arith.constant 2 : i32
        %add3A_596 = arith.addi %add3A_395, %add3A_595 : i32
        %add3A_597 = arith.constant 1 : i32
        %add3A_598 = arith.addi %add3A_596, %add3A_597 : i32
        %add3A_599 = arith.constant 320000 : i32
        %add3A_600 = arith.addi %add3A_599, %mul3A_4 : i32
        %mul3A_601 = arith.constant 96 : i32
        %mul3A_602 = arith.muli %add3A_598, %mul3A_601 : i32
        %add3A_603 = arith.addi %add3A_600, %mul3A_602 : i32
        %dma_start3A_604 = arith.constant 0 : i32
        %dma_start3A_605 = arith.constant 0 : i32
        %dma_start3A_606 = tpu.memref_slice %arg7[%dma_start3A_604, %dma_start3A_605] : memref<4x96xi32, #tpu.memory_space<vmem>> -> memref<1x96xi32, #tpu.memory_space<vmem>>
        %dma_start3A_607 = tpu.memref_squeeze %dma_start3A_606 : memref<1x96xi32, #tpu.memory_space<vmem>> -> memref<96xi32, #tpu.memory_space<vmem>>
        %dma_start3A_608 = tpu.memref_slice %arg3[%add3A_603] : memref<640000xi32, #tpu.memory_space<hbm>> -> memref<96xi32, #tpu.memory_space<hbm>>
        %dma_start3A_609 = arith.constant 0 : i32
        %dma_start3A_610 = tpu.memref_slice %arg7[%dma_start3A_604, %dma_start3A_609] : memref<4x96xi32, #tpu.memory_space<vmem>> -> memref<1x96xi32, #tpu.memory_space<vmem>>
        %dma_start3A_611 = tpu.memref_squeeze %dma_start3A_610 : memref<1x96xi32, #tpu.memory_space<vmem>> -> memref<96xi32, #tpu.memory_space<vmem>>
        %dma_start3A_612 = tpu.memref_slice %arg3[%add3A_603] : memref<640000xi32, #tpu.memory_space<hbm>> -> memref<96xi32, #tpu.memory_space<hbm>>
        tpu.enqueue_dma source(%dma_start3A_612 : memref<96xi32, #tpu.memory_space<hbm>>) target(%dma_start3A_611 : memref<96xi32, #tpu.memory_space<vmem>>) target_semaphore(%arg15 : memref<!tpu.dma_semaphore, #tpu.memory_space<semaphore_mem>>)
      } else {
      }
      %add3A_455 = arith.constant 2 : i32
      %add3A_456 = arith.addi %add3A_334, %add3A_455 : i32
      %add3A_457 = arith.constant 2 : i32
      %add3A_458 = arith.addi %add3A_456, %add3A_457 : i32
      %lt3A_459 = arith.constant 104 : i32
      %lt3A_460 = arith.cmpi slt, %add3A_458, %lt3A_459 : i32
      %convert_element_type3A_461 = arith.extui %lt3A_460 : i1 to i32
      %cond3A_462 = arith.constant 0 : i32
      %cond3A_463 = arith.cmpi ne, %convert_element_type3A_461, %cond3A_462 : i32
      scf.if %cond3A_463 {
        %add3A_577 = arith.constant 2 : i32
        %add3A_578 = arith.addi %add3A_456, %add3A_577 : i32
        %add3A_579 = arith.constant 0 : i32
        %add3A_580 = arith.addi %add3A_579, %mul3A_4 : i32
        %mul3A_581 = arith.constant 96 : i32
        %mul3A_582 = arith.muli %add3A_578, %mul3A_581 : i32
        %add3A_583 = arith.addi %add3A_580, %mul3A_582 : i32
        %dma_wait3A_584 = arith.constant 0 : i32
        %dma_wait3A_585 = arith.constant 0 : i32
        %dma_wait3A_586 = tpu.memref_slice %arg6[%dma_wait3A_584, %dma_wait3A_585] : memref<4x96xi32, #tpu.memory_space<vmem>> -> memref<1x96xi32, #tpu.memory_space<vmem>>
        %dma_wait3A_587 = tpu.memref_squeeze %dma_wait3A_586 : memref<1x96xi32, #tpu.memory_space<vmem>> -> memref<96xi32, #tpu.memory_space<vmem>>
        %dma_wait3A_588 = tpu.memref_slice %arg3[%add3A_583] : memref<640000xi32, #tpu.memory_space<hbm>> -> memref<96xi32, #tpu.memory_space<hbm>>
        %dma_wait3A_589 = arith.constant 0 : i32
        %dma_wait3A_590 = tpu.memref_slice %arg6[%dma_wait3A_584, %dma_wait3A_589] : memref<4x96xi32, #tpu.memory_space<vmem>> -> memref<1x96xi32, #tpu.memory_space<vmem>>
        %dma_wait3A_591 = tpu.memref_squeeze %dma_wait3A_590 : memref<1x96xi32, #tpu.memory_space<vmem>> -> memref<96xi32, #tpu.memory_space<vmem>>
        %dma_wait3A_592 = tpu.memref_slice %arg3[%add3A_583] : memref<640000xi32, #tpu.memory_space<hbm>> -> memref<96xi32, #tpu.memory_space<hbm>>
        tpu.wait_dma2 semaphore(%arg11 : memref<!tpu.dma_semaphore, #tpu.memory_space<semaphore_mem>>) src(%dma_wait3A_592 : memref<96xi32, #tpu.memory_space<hbm>>) dst(%dma_wait3A_591 : memref<96xi32, #tpu.memory_space<vmem>>)
        %dma_start3A_593 = arith.constant 0 : i32
        %dma_start3A_594 = arith.constant 0 : i32
        %dma_start3A_595 = arith.constant 0 : i32
        %dma_start3A_596 = arith.constant 0 : i32
        %dma_start3A_597 = tpu.memref_slice %arg8[%dma_start3A_594, %dma_start3A_595, %dma_start3A_596] : memref<4x96x64xf32, #tpu.memory_space<vmem>> -> memref<1x96x64xf32, #tpu.memory_space<vmem>>
        %dma_start3A_598 = tpu.memref_squeeze %dma_start3A_597 : memref<1x96x64xf32, #tpu.memory_space<vmem>> -> memref<96x64xf32, #tpu.memory_space<vmem>>
        %dma_start3A_599 = arith.constant 0 : i32
        %dma_start3A_600 = tpu.memref_slice %arg6[%dma_start3A_593, %dma_start3A_599] : memref<4x96xi32, #tpu.memory_space<vmem>> -> memref<1x96xi32, #tpu.memory_space<vmem>>
        %dma_start3A_601 = tpu.memref_squeeze %dma_start3A_600 : memref<1x96xi32, #tpu.memory_space<vmem>> -> memref<96xi32, #tpu.memory_space<vmem>>
        %dma_start3A_602 = arith.constant 0 : i32
        %dma_start3A_603 = arith.constant 0 : i32
        %dma_start3A_604 = tpu.memref_slice %arg2[%dma_start3A_602, %dma_start3A_603] : memref<10000x64xf32, #tpu.memory_space<hbm>> -> memref<10000x64xf32, #tpu.memory_space<hbm>>
        tpu.enqueue_indirect_dma source(%dma_start3A_604 : memref<10000x64xf32, #tpu.memory_space<hbm>>) target(%dma_start3A_598 : memref<96x64xf32, #tpu.memory_space<vmem>>) offsets(%dma_start3A_601 : memref<96xi32, #tpu.memory_space<vmem>>) semaphore(%arg19 : memref<!tpu.dma_semaphore, #tpu.memory_space<semaphore_mem>>)
      } else {
      }
      %dma_wait3A_464 = arith.constant 2 : i32
      %dma_wait3A_465 = arith.constant 2 : i32
      %dma_wait3A_466 = arith.constant 0 : i32
      %dma_wait3A_467 = arith.constant 0 : i32
      %dma_wait3A_468 = tpu.memref_slice %arg8[%dma_wait3A_465, %dma_wait3A_466, %dma_wait3A_467] : memref<4x96x64xf32, #tpu.memory_space<vmem>> -> memref<1x96x64xf32, #tpu.memory_space<vmem>>
      %dma_wait3A_469 = tpu.memref_squeeze %dma_wait3A_468 : memref<1x96x64xf32, #tpu.memory_space<vmem>> -> memref<96x64xf32, #tpu.memory_space<vmem>>
      %dma_wait3A_470 = arith.constant 0 : i32
      %dma_wait3A_471 = tpu.memref_slice %arg6[%dma_wait3A_464, %dma_wait3A_470] : memref<4x96xi32, #tpu.memory_space<vmem>> -> memref<1x96xi32, #tpu.memory_space<vmem>>
      %dma_wait3A_472 = tpu.memref_squeeze %dma_wait3A_471 : memref<1x96xi32, #tpu.memory_space<vmem>> -> memref<96xi32, #tpu.memory_space<vmem>>
      %dma_wait3A_473 = arith.constant 0 : i32
      %dma_wait3A_474 = arith.constant 0 : i32
      %dma_wait3A_475 = tpu.memref_slice %arg2[%dma_wait3A_473, %dma_wait3A_474] : memref<10000x64xf32, #tpu.memory_space<hbm>> -> memref<10000x64xf32, #tpu.memory_space<hbm>>
      tpu.wait_indirect_dma semaphore(%arg21 : memref<!tpu.dma_semaphore, #tpu.memory_space<semaphore_mem>>) src(%dma_wait3A_475 : memref<10000x64xf32, #tpu.memory_space<hbm>>) dst(%dma_wait3A_469 : memref<96x64xf32, #tpu.memory_space<vmem>>)
      %add3A_476 = arith.constant 320000 : i32
      %add3A_477 = arith.addi %add3A_476, %mul3A_4 : i32
      %mul3A_478 = arith.constant 96 : i32
      %mul3A_479 = arith.muli %add3A_456, %mul3A_478 : i32
      %add3A_480 = arith.addi %add3A_477, %mul3A_479 : i32
      %dma_wait3A_481 = arith.constant 2 : i32
      %dma_wait3A_482 = arith.constant 0 : i32
      %dma_wait3A_483 = tpu.memref_slice %arg7[%dma_wait3A_481, %dma_wait3A_482] : memref<4x96xi32, #tpu.memory_space<vmem>> -> memref<1x96xi32, #tpu.memory_space<vmem>>
      %dma_wait3A_484 = tpu.memref_squeeze %dma_wait3A_483 : memref<1x96xi32, #tpu.memory_space<vmem>> -> memref<96xi32, #tpu.memory_space<vmem>>
      %dma_wait3A_485 = tpu.memref_slice %arg3[%add3A_480] : memref<640000xi32, #tpu.memory_space<hbm>> -> memref<96xi32, #tpu.memory_space<hbm>>
      %dma_wait3A_486 = arith.constant 0 : i32
      %dma_wait3A_487 = tpu.memref_slice %arg7[%dma_wait3A_481, %dma_wait3A_486] : memref<4x96xi32, #tpu.memory_space<vmem>> -> memref<1x96xi32, #tpu.memory_space<vmem>>
      %dma_wait3A_488 = tpu.memref_squeeze %dma_wait3A_487 : memref<1x96xi32, #tpu.memory_space<vmem>> -> memref<96xi32, #tpu.memory_space<vmem>>
      %dma_wait3A_489 = tpu.memref_slice %arg3[%add3A_480] : memref<640000xi32, #tpu.memory_space<hbm>> -> memref<96xi32, #tpu.memory_space<hbm>>
      tpu.wait_dma2 semaphore(%arg17 : memref<!tpu.dma_semaphore, #tpu.memory_space<semaphore_mem>>) src(%dma_wait3A_489 : memref<96xi32, #tpu.memory_space<hbm>>) dst(%dma_wait3A_488 : memref<96xi32, #tpu.memory_space<vmem>>)
      %dma_start3A_490 = arith.constant 2 : i32
      %dma_start3A_491 = arith.constant 2 : i32
      %dma_start3A_492 = arith.constant 0 : i32
      %dma_start3A_493 = arith.constant 0 : i32
      %dma_start3A_494 = tpu.memref_slice %arg8[%dma_start3A_490, %dma_start3A_492, %dma_start3A_493] : memref<4x96x64xf32, #tpu.memory_space<vmem>> -> memref<1x96x64xf32, #tpu.memory_space<vmem>>
      %dma_start3A_495 = tpu.memref_squeeze %dma_start3A_494 : memref<1x96x64xf32, #tpu.memory_space<vmem>> -> memref<96x64xf32, #tpu.memory_space<vmem>>
      %dma_start3A_496 = arith.constant 0 : i32
      %dma_start3A_497 = tpu.memref_slice %arg7[%dma_start3A_491, %dma_start3A_496] : memref<4x96xi32, #tpu.memory_space<vmem>> -> memref<1x96xi32, #tpu.memory_space<vmem>>
      %dma_start3A_498 = tpu.memref_squeeze %dma_start3A_497 : memref<1x96xi32, #tpu.memory_space<vmem>> -> memref<96xi32, #tpu.memory_space<vmem>>
      %dma_start3A_499 = arith.constant 0 : i32
      %dma_start3A_500 = arith.constant 0 : i32
      %dma_start3A_501 = tpu.memref_slice %arg5[%dma_start3A_499, %dma_start3A_500] : memref<10000x64xf32, #tpu.memory_space<vmem_shared>> -> memref<10000x64xf32, #tpu.memory_space<vmem_shared>>
      tpu.enqueue_indirect_dma source(%dma_start3A_495 : memref<96x64xf32, #tpu.memory_space<vmem>>) target(%dma_start3A_501 : memref<10000x64xf32, #tpu.memory_space<vmem_shared>>) offsets(%dma_start3A_498 : memref<96xi32, #tpu.memory_space<vmem>>) semaphore(%arg25 : memref<!tpu.dma_semaphore, #tpu.memory_space<semaphore_mem>>) {add = true}
      %ge3A_502 = arith.constant 1 : i32
      %ge3A_503 = arith.cmpi sge, %add3A_456, %ge3A_502 : i32
      %convert_element_type3A_504 = arith.extui %ge3A_503 : i1 to i32
      %cond3A_505 = arith.constant 0 : i32
      %cond3A_506 = arith.cmpi ne, %convert_element_type3A_504, %cond3A_505 : i32
      scf.if %cond3A_506 {
        %dma_wait3A_577 = arith.constant 1 : i32
        %dma_wait3A_578 = arith.constant 1 : i32
        %dma_wait3A_579 = arith.constant 0 : i32
        %dma_wait3A_580 = arith.constant 0 : i32
        %dma_wait3A_581 = tpu.memref_slice %arg8[%dma_wait3A_577, %dma_wait3A_579, %dma_wait3A_580] : memref<4x96x64xf32, #tpu.memory_space<vmem>> -> memref<1x96x64xf32, #tpu.memory_space<vmem>>
        %dma_wait3A_582 = tpu.memref_squeeze %dma_wait3A_581 : memref<1x96x64xf32, #tpu.memory_space<vmem>> -> memref<96x64xf32, #tpu.memory_space<vmem>>
        %dma_wait3A_583 = arith.constant 0 : i32
        %dma_wait3A_584 = tpu.memref_slice %arg7[%dma_wait3A_578, %dma_wait3A_583] : memref<4x96xi32, #tpu.memory_space<vmem>> -> memref<1x96xi32, #tpu.memory_space<vmem>>
        %dma_wait3A_585 = tpu.memref_squeeze %dma_wait3A_584 : memref<1x96xi32, #tpu.memory_space<vmem>> -> memref<96xi32, #tpu.memory_space<vmem>>
        %dma_wait3A_586 = arith.constant 0 : i32
        %dma_wait3A_587 = arith.constant 0 : i32
        %dma_wait3A_588 = tpu.memref_slice %arg5[%dma_wait3A_586, %dma_wait3A_587] : memref<10000x64xf32, #tpu.memory_space<vmem_shared>> -> memref<10000x64xf32, #tpu.memory_space<vmem_shared>>
        tpu.wait_indirect_dma semaphore(%arg24 : memref<!tpu.dma_semaphore, #tpu.memory_space<semaphore_mem>>) src(%dma_wait3A_582 : memref<96x64xf32, #tpu.memory_space<vmem>>) dst(%dma_wait3A_588 : memref<10000x64xf32, #tpu.memory_space<vmem_shared>>)
      } else {
      }
      %add3A_507 = arith.constant 2 : i32
      %add3A_508 = arith.addi %add3A_456, %add3A_507 : i32
      %add3A_509 = arith.constant 1 : i32
      %add3A_510 = arith.addi %add3A_508, %add3A_509 : i32
      %lt3A_511 = arith.constant 104 : i32
      %lt3A_512 = arith.cmpi slt, %add3A_510, %lt3A_511 : i32
      %convert_element_type3A_513 = arith.extui %lt3A_512 : i1 to i32
      %cond3A_514 = arith.constant 0 : i32
      %cond3A_515 = arith.cmpi ne, %convert_element_type3A_513, %cond3A_514 : i32
      scf.if %cond3A_515 {
        %add3A_577 = arith.constant 2 : i32
        %add3A_578 = arith.addi %add3A_456, %add3A_577 : i32
        %add3A_579 = arith.constant 1 : i32
        %add3A_580 = arith.addi %add3A_578, %add3A_579 : i32
        %add3A_581 = arith.constant 0 : i32
        %add3A_582 = arith.addi %add3A_581, %mul3A_4 : i32
        %mul3A_583 = arith.constant 96 : i32
        %mul3A_584 = arith.muli %add3A_580, %mul3A_583 : i32
        %add3A_585 = arith.addi %add3A_582, %mul3A_584 : i32
        %dma_start3A_586 = arith.constant 1 : i32
        %dma_start3A_587 = arith.constant 0 : i32
        %dma_start3A_588 = tpu.memref_slice %arg6[%dma_start3A_586, %dma_start3A_587] : memref<4x96xi32, #tpu.memory_space<vmem>> -> memref<1x96xi32, #tpu.memory_space<vmem>>
        %dma_start3A_589 = tpu.memref_squeeze %dma_start3A_588 : memref<1x96xi32, #tpu.memory_space<vmem>> -> memref<96xi32, #tpu.memory_space<vmem>>
        %dma_start3A_590 = tpu.memref_slice %arg3[%add3A_585] : memref<640000xi32, #tpu.memory_space<hbm>> -> memref<96xi32, #tpu.memory_space<hbm>>
        %dma_start3A_591 = arith.constant 0 : i32
        %dma_start3A_592 = tpu.memref_slice %arg6[%dma_start3A_586, %dma_start3A_591] : memref<4x96xi32, #tpu.memory_space<vmem>> -> memref<1x96xi32, #tpu.memory_space<vmem>>
        %dma_start3A_593 = tpu.memref_squeeze %dma_start3A_592 : memref<1x96xi32, #tpu.memory_space<vmem>> -> memref<96xi32, #tpu.memory_space<vmem>>
        %dma_start3A_594 = tpu.memref_slice %arg3[%add3A_585] : memref<640000xi32, #tpu.memory_space<hbm>> -> memref<96xi32, #tpu.memory_space<hbm>>
        tpu.enqueue_dma source(%dma_start3A_594 : memref<96xi32, #tpu.memory_space<hbm>>) target(%dma_start3A_593 : memref<96xi32, #tpu.memory_space<vmem>>) target_semaphore(%arg12 : memref<!tpu.dma_semaphore, #tpu.memory_space<semaphore_mem>>)
        %add3A_595 = arith.constant 2 : i32
        %add3A_596 = arith.addi %add3A_456, %add3A_595 : i32
        %add3A_597 = arith.constant 1 : i32
        %add3A_598 = arith.addi %add3A_596, %add3A_597 : i32
        %add3A_599 = arith.constant 320000 : i32
        %add3A_600 = arith.addi %add3A_599, %mul3A_4 : i32
        %mul3A_601 = arith.constant 96 : i32
        %mul3A_602 = arith.muli %add3A_598, %mul3A_601 : i32
        %add3A_603 = arith.addi %add3A_600, %mul3A_602 : i32
        %dma_start3A_604 = arith.constant 1 : i32
        %dma_start3A_605 = arith.constant 0 : i32
        %dma_start3A_606 = tpu.memref_slice %arg7[%dma_start3A_604, %dma_start3A_605] : memref<4x96xi32, #tpu.memory_space<vmem>> -> memref<1x96xi32, #tpu.memory_space<vmem>>
        %dma_start3A_607 = tpu.memref_squeeze %dma_start3A_606 : memref<1x96xi32, #tpu.memory_space<vmem>> -> memref<96xi32, #tpu.memory_space<vmem>>
        %dma_start3A_608 = tpu.memref_slice %arg3[%add3A_603] : memref<640000xi32, #tpu.memory_space<hbm>> -> memref<96xi32, #tpu.memory_space<hbm>>
        %dma_start3A_609 = arith.constant 0 : i32
        %dma_start3A_610 = tpu.memref_slice %arg7[%dma_start3A_604, %dma_start3A_609] : memref<4x96xi32, #tpu.memory_space<vmem>> -> memref<1x96xi32, #tpu.memory_space<vmem>>
        %dma_start3A_611 = tpu.memref_squeeze %dma_start3A_610 : memref<1x96xi32, #tpu.memory_space<vmem>> -> memref<96xi32, #tpu.memory_space<vmem>>
        %dma_start3A_612 = tpu.memref_slice %arg3[%add3A_603] : memref<640000xi32, #tpu.memory_space<hbm>> -> memref<96xi32, #tpu.memory_space<hbm>>
        tpu.enqueue_dma source(%dma_start3A_612 : memref<96xi32, #tpu.memory_space<hbm>>) target(%dma_start3A_611 : memref<96xi32, #tpu.memory_space<vmem>>) target_semaphore(%arg16 : memref<!tpu.dma_semaphore, #tpu.memory_space<semaphore_mem>>)
      } else {
      }
      %add3A_516 = arith.constant 3 : i32
      %add3A_517 = arith.addi %add3A_334, %add3A_516 : i32
      %add3A_518 = arith.constant 2 : i32
      %add3A_519 = arith.addi %add3A_517, %add3A_518 : i32
      %lt3A_520 = arith.constant 104 : i32
      %lt3A_521 = arith.cmpi slt, %add3A_519, %lt3A_520 : i32
      %convert_element_type3A_522 = arith.extui %lt3A_521 : i1 to i32
      %cond3A_523 = arith.constant 0 : i32
      %cond3A_524 = arith.cmpi ne, %convert_element_type3A_522, %cond3A_523 : i32
      scf.if %cond3A_524 {
        %add3A_577 = arith.constant 2 : i32
        %add3A_578 = arith.addi %add3A_517, %add3A_577 : i32
        %add3A_579 = arith.constant 0 : i32
        %add3A_580 = arith.addi %add3A_579, %mul3A_4 : i32
        %mul3A_581 = arith.constant 96 : i32
        %mul3A_582 = arith.muli %add3A_578, %mul3A_581 : i32
        %add3A_583 = arith.addi %add3A_580, %mul3A_582 : i32
        %dma_wait3A_584 = arith.constant 1 : i32
        %dma_wait3A_585 = arith.constant 0 : i32
        %dma_wait3A_586 = tpu.memref_slice %arg6[%dma_wait3A_584, %dma_wait3A_585] : memref<4x96xi32, #tpu.memory_space<vmem>> -> memref<1x96xi32, #tpu.memory_space<vmem>>
        %dma_wait3A_587 = tpu.memref_squeeze %dma_wait3A_586 : memref<1x96xi32, #tpu.memory_space<vmem>> -> memref<96xi32, #tpu.memory_space<vmem>>
        %dma_wait3A_588 = tpu.memref_slice %arg3[%add3A_583] : memref<640000xi32, #tpu.memory_space<hbm>> -> memref<96xi32, #tpu.memory_space<hbm>>
        %dma_wait3A_589 = arith.constant 0 : i32
        %dma_wait3A_590 = tpu.memref_slice %arg6[%dma_wait3A_584, %dma_wait3A_589] : memref<4x96xi32, #tpu.memory_space<vmem>> -> memref<1x96xi32, #tpu.memory_space<vmem>>
        %dma_wait3A_591 = tpu.memref_squeeze %dma_wait3A_590 : memref<1x96xi32, #tpu.memory_space<vmem>> -> memref<96xi32, #tpu.memory_space<vmem>>
        %dma_wait3A_592 = tpu.memref_slice %arg3[%add3A_583] : memref<640000xi32, #tpu.memory_space<hbm>> -> memref<96xi32, #tpu.memory_space<hbm>>
        tpu.wait_dma2 semaphore(%arg12 : memref<!tpu.dma_semaphore, #tpu.memory_space<semaphore_mem>>) src(%dma_wait3A_592 : memref<96xi32, #tpu.memory_space<hbm>>) dst(%dma_wait3A_591 : memref<96xi32, #tpu.memory_space<vmem>>)
        %dma_start3A_593 = arith.constant 1 : i32
        %dma_start3A_594 = arith.constant 1 : i32
        %dma_start3A_595 = arith.constant 0 : i32
        %dma_start3A_596 = arith.constant 0 : i32
        %dma_start3A_597 = tpu.memref_slice %arg8[%dma_start3A_594, %dma_start3A_595, %dma_start3A_596] : memref<4x96x64xf32, #tpu.memory_space<vmem>> -> memref<1x96x64xf32, #tpu.memory_space<vmem>>
        %dma_start3A_598 = tpu.memref_squeeze %dma_start3A_597 : memref<1x96x64xf32, #tpu.memory_space<vmem>> -> memref<96x64xf32, #tpu.memory_space<vmem>>
        %dma_start3A_599 = arith.constant 0 : i32
        %dma_start3A_600 = tpu.memref_slice %arg6[%dma_start3A_593, %dma_start3A_599] : memref<4x96xi32, #tpu.memory_space<vmem>> -> memref<1x96xi32, #tpu.memory_space<vmem>>
        %dma_start3A_601 = tpu.memref_squeeze %dma_start3A_600 : memref<1x96xi32, #tpu.memory_space<vmem>> -> memref<96xi32, #tpu.memory_space<vmem>>
        %dma_start3A_602 = arith.constant 0 : i32
        %dma_start3A_603 = arith.constant 0 : i32
        %dma_start3A_604 = tpu.memref_slice %arg2[%dma_start3A_602, %dma_start3A_603] : memref<10000x64xf32, #tpu.memory_space<hbm>> -> memref<10000x64xf32, #tpu.memory_space<hbm>>
        tpu.enqueue_indirect_dma source(%dma_start3A_604 : memref<10000x64xf32, #tpu.memory_space<hbm>>) target(%dma_start3A_598 : memref<96x64xf32, #tpu.memory_space<vmem>>) offsets(%dma_start3A_601 : memref<96xi32, #tpu.memory_space<vmem>>) semaphore(%arg20 : memref<!tpu.dma_semaphore, #tpu.memory_space<semaphore_mem>>)
      } else {
      }
      %dma_wait3A_525 = arith.constant 3 : i32
      %dma_wait3A_526 = arith.constant 3 : i32
      %dma_wait3A_527 = arith.constant 0 : i32
      %dma_wait3A_528 = arith.constant 0 : i32
      %dma_wait3A_529 = tpu.memref_slice %arg8[%dma_wait3A_526, %dma_wait3A_527, %dma_wait3A_528] : memref<4x96x64xf32, #tpu.memory_space<vmem>> -> memref<1x96x64xf32, #tpu.memory_space<vmem>>
      %dma_wait3A_530 = tpu.memref_squeeze %dma_wait3A_529 : memref<1x96x64xf32, #tpu.memory_space<vmem>> -> memref<96x64xf32, #tpu.memory_space<vmem>>
      %dma_wait3A_531 = arith.constant 0 : i32
      %dma_wait3A_532 = tpu.memref_slice %arg6[%dma_wait3A_525, %dma_wait3A_531] : memref<4x96xi32, #tpu.memory_space<vmem>> -> memref<1x96xi32, #tpu.memory_space<vmem>>
      %dma_wait3A_533 = tpu.memref_squeeze %dma_wait3A_532 : memref<1x96xi32, #tpu.memory_space<vmem>> -> memref<96xi32, #tpu.memory_space<vmem>>
      %dma_wait3A_534 = arith.constant 0 : i32
      %dma_wait3A_535 = arith.constant 0 : i32
      %dma_wait3A_536 = tpu.memref_slice %arg2[%dma_wait3A_534, %dma_wait3A_535] : memref<10000x64xf32, #tpu.memory_space<hbm>> -> memref<10000x64xf32, #tpu.memory_space<hbm>>
      tpu.wait_indirect_dma semaphore(%arg22 : memref<!tpu.dma_semaphore, #tpu.memory_space<semaphore_mem>>) src(%dma_wait3A_536 : memref<10000x64xf32, #tpu.memory_space<hbm>>) dst(%dma_wait3A_530 : memref<96x64xf32, #tpu.memory_space<vmem>>)
      %add3A_537 = arith.constant 320000 : i32
      %add3A_538 = arith.addi %add3A_537, %mul3A_4 : i32
      %mul3A_539 = arith.constant 96 : i32
      %mul3A_540 = arith.muli %add3A_517, %mul3A_539 : i32
      %add3A_541 = arith.addi %add3A_538, %mul3A_540 : i32
      %dma_wait3A_542 = arith.constant 3 : i32
      %dma_wait3A_543 = arith.constant 0 : i32
      %dma_wait3A_544 = tpu.memref_slice %arg7[%dma_wait3A_542, %dma_wait3A_543] : memref<4x96xi32, #tpu.memory_space<vmem>> -> memref<1x96xi32, #tpu.memory_space<vmem>>
      %dma_wait3A_545 = tpu.memref_squeeze %dma_wait3A_544 : memref<1x96xi32, #tpu.memory_space<vmem>> -> memref<96xi32, #tpu.memory_space<vmem>>
      %dma_wait3A_546 = tpu.memref_slice %arg3[%add3A_541] : memref<640000xi32, #tpu.memory_space<hbm>> -> memref<96xi32, #tpu.memory_space<hbm>>
      %dma_wait3A_547 = arith.constant 0 : i32
      %dma_wait3A_548 = tpu.memref_slice %arg7[%dma_wait3A_542, %dma_wait3A_547] : memref<4x96xi32, #tpu.memory_space<vmem>> -> memref<1x96xi32, #tpu.memory_space<vmem>>
      %dma_wait3A_549 = tpu.memref_squeeze %dma_wait3A_548 : memref<1x96xi32, #tpu.memory_space<vmem>> -> memref<96xi32, #tpu.memory_space<vmem>>
      %dma_wait3A_550 = tpu.memref_slice %arg3[%add3A_541] : memref<640000xi32, #tpu.memory_space<hbm>> -> memref<96xi32, #tpu.memory_space<hbm>>
      tpu.wait_dma2 semaphore(%arg18 : memref<!tpu.dma_semaphore, #tpu.memory_space<semaphore_mem>>) src(%dma_wait3A_550 : memref<96xi32, #tpu.memory_space<hbm>>) dst(%dma_wait3A_549 : memref<96xi32, #tpu.memory_space<vmem>>)
      %dma_start3A_551 = arith.constant 3 : i32
      %dma_start3A_552 = arith.constant 3 : i32
      %dma_start3A_553 = arith.constant 0 : i32
      %dma_start3A_554 = arith.constant 0 : i32
      %dma_start3A_555 = tpu.memref_slice %arg8[%dma_start3A_551, %dma_start3A_553, %dma_start3A_554] : memref<4x96x64xf32, #tpu.memory_space<vmem>> -> memref<1x96x64xf32, #tpu.memory_space<vmem>>
      %dma_start3A_556 = tpu.memref_squeeze %dma_start3A_555 : memref<1x96x64xf32, #tpu.memory_space<vmem>> -> memref<96x64xf32, #tpu.memory_space<vmem>>
      %dma_start3A_557 = arith.constant 0 : i32
      %dma_start3A_558 = tpu.memref_slice %arg7[%dma_start3A_552, %dma_start3A_557] : memref<4x96xi32, #tpu.memory_space<vmem>> -> memref<1x96xi32, #tpu.memory_space<vmem>>
      %dma_start3A_559 = tpu.memref_squeeze %dma_start3A_558 : memref<1x96xi32, #tpu.memory_space<vmem>> -> memref<96xi32, #tpu.memory_space<vmem>>
      %dma_start3A_560 = arith.constant 0 : i32
      %dma_start3A_561 = arith.constant 0 : i32
      %dma_start3A_562 = tpu.memref_slice %arg5[%dma_start3A_560, %dma_start3A_561] : memref<10000x64xf32, #tpu.memory_space<vmem_shared>> -> memref<10000x64xf32, #tpu.memory_space<vmem_shared>>
      tpu.enqueue_indirect_dma source(%dma_start3A_556 : memref<96x64xf32, #tpu.memory_space<vmem>>) target(%dma_start3A_562 : memref<10000x64xf32, #tpu.memory_space<vmem_shared>>) offsets(%dma_start3A_559 : memref<96xi32, #tpu.memory_space<vmem>>) semaphore(%arg26 : memref<!tpu.dma_semaphore, #tpu.memory_space<semaphore_mem>>) {add = true}
      %ge3A_563 = arith.constant 1 : i32
      %ge3A_564 = arith.cmpi sge, %add3A_517, %ge3A_563 : i32
      %convert_element_type3A_565 = arith.extui %ge3A_564 : i1 to i32
      %cond3A_566 = arith.constant 0 : i32
      %cond3A_567 = arith.cmpi ne, %convert_element_type3A_565, %cond3A_566 : i32
      scf.if %cond3A_567 {
        %dma_wait3A_577 = arith.constant 2 : i32
        %dma_wait3A_578 = arith.constant 2 : i32
        %dma_wait3A_579 = arith.constant 0 : i32
        %dma_wait3A_580 = arith.constant 0 : i32
        %dma_wait3A_581 = tpu.memref_slice %arg8[%dma_wait3A_577, %dma_wait3A_579, %dma_wait3A_580] : memref<4x96x64xf32, #tpu.memory_space<vmem>> -> memref<1x96x64xf32, #tpu.memory_space<vmem>>
        %dma_wait3A_582 = tpu.memref_squeeze %dma_wait3A_581 : memref<1x96x64xf32, #tpu.memory_space<vmem>> -> memref<96x64xf32, #tpu.memory_space<vmem>>
        %dma_wait3A_583 = arith.constant 0 : i32
        %dma_wait3A_584 = tpu.memref_slice %arg7[%dma_wait3A_578, %dma_wait3A_583] : memref<4x96xi32, #tpu.memory_space<vmem>> -> memref<1x96xi32, #tpu.memory_space<vmem>>
        %dma_wait3A_585 = tpu.memref_squeeze %dma_wait3A_584 : memref<1x96xi32, #tpu.memory_space<vmem>> -> memref<96xi32, #tpu.memory_space<vmem>>
        %dma_wait3A_586 = arith.constant 0 : i32
        %dma_wait3A_587 = arith.constant 0 : i32
        %dma_wait3A_588 = tpu.memref_slice %arg5[%dma_wait3A_586, %dma_wait3A_587] : memref<10000x64xf32, #tpu.memory_space<vmem_shared>> -> memref<10000x64xf32, #tpu.memory_space<vmem_shared>>
        tpu.wait_indirect_dma semaphore(%arg25 : memref<!tpu.dma_semaphore, #tpu.memory_space<semaphore_mem>>) src(%dma_wait3A_582 : memref<96x64xf32, #tpu.memory_space<vmem>>) dst(%dma_wait3A_588 : memref<10000x64xf32, #tpu.memory_space<vmem_shared>>)
      } else {
      }
      %add3A_568 = arith.constant 2 : i32
      %add3A_569 = arith.addi %add3A_517, %add3A_568 : i32
      %add3A_570 = arith.constant 1 : i32
      %add3A_571 = arith.addi %add3A_569, %add3A_570 : i32
      %lt3A_572 = arith.constant 104 : i32
      %lt3A_573 = arith.cmpi slt, %add3A_571, %lt3A_572 : i32
      %convert_element_type3A_574 = arith.extui %lt3A_573 : i1 to i32
      %cond3A_575 = arith.constant 0 : i32
      %cond3A_576 = arith.cmpi ne, %convert_element_type3A_574, %cond3A_575 : i32
      scf.if %cond3A_576 {
        %add3A_577 = arith.constant 2 : i32
        %add3A_578 = arith.addi %add3A_517, %add3A_577 : i32
        %add3A_579 = arith.constant 1 : i32
        %add3A_580 = arith.addi %add3A_578, %add3A_579 : i32
        %add3A_581 = arith.constant 0 : i32
        %add3A_582 = arith.addi %add3A_581, %mul3A_4 : i32
        %mul3A_583 = arith.constant 96 : i32
        %mul3A_584 = arith.muli %add3A_580, %mul3A_583 : i32
        %add3A_585 = arith.addi %add3A_582, %mul3A_584 : i32
        %dma_start3A_586 = arith.constant 2 : i32
        %dma_start3A_587 = arith.constant 0 : i32
        %dma_start3A_588 = tpu.memref_slice %arg6[%dma_start3A_586, %dma_start3A_587] : memref<4x96xi32, #tpu.memory_space<vmem>> -> memref<1x96xi32, #tpu.memory_space<vmem>>
        %dma_start3A_589 = tpu.memref_squeeze %dma_start3A_588 : memref<1x96xi32, #tpu.memory_space<vmem>> -> memref<96xi32, #tpu.memory_space<vmem>>
        %dma_start3A_590 = tpu.memref_slice %arg3[%add3A_585] : memref<640000xi32, #tpu.memory_space<hbm>> -> memref<96xi32, #tpu.memory_space<hbm>>
        %dma_start3A_591 = arith.constant 0 : i32
        %dma_start3A_592 = tpu.memref_slice %arg6[%dma_start3A_586, %dma_start3A_591] : memref<4x96xi32, #tpu.memory_space<vmem>> -> memref<1x96xi32, #tpu.memory_space<vmem>>
        %dma_start3A_593 = tpu.memref_squeeze %dma_start3A_592 : memref<1x96xi32, #tpu.memory_space<vmem>> -> memref<96xi32, #tpu.memory_space<vmem>>
        %dma_start3A_594 = tpu.memref_slice %arg3[%add3A_585] : memref<640000xi32, #tpu.memory_space<hbm>> -> memref<96xi32, #tpu.memory_space<hbm>>
        tpu.enqueue_dma source(%dma_start3A_594 : memref<96xi32, #tpu.memory_space<hbm>>) target(%dma_start3A_593 : memref<96xi32, #tpu.memory_space<vmem>>) target_semaphore(%arg13 : memref<!tpu.dma_semaphore, #tpu.memory_space<semaphore_mem>>)
        %add3A_595 = arith.constant 2 : i32
        %add3A_596 = arith.addi %add3A_517, %add3A_595 : i32
        %add3A_597 = arith.constant 1 : i32
        %add3A_598 = arith.addi %add3A_596, %add3A_597 : i32
        %add3A_599 = arith.constant 320000 : i32
        %add3A_600 = arith.addi %add3A_599, %mul3A_4 : i32
        %mul3A_601 = arith.constant 96 : i32
        %mul3A_602 = arith.muli %add3A_598, %mul3A_601 : i32
        %add3A_603 = arith.addi %add3A_600, %mul3A_602 : i32
        %dma_start3A_604 = arith.constant 2 : i32
        %dma_start3A_605 = arith.constant 0 : i32
        %dma_start3A_606 = tpu.memref_slice %arg7[%dma_start3A_604, %dma_start3A_605] : memref<4x96xi32, #tpu.memory_space<vmem>> -> memref<1x96xi32, #tpu.memory_space<vmem>>
        %dma_start3A_607 = tpu.memref_squeeze %dma_start3A_606 : memref<1x96xi32, #tpu.memory_space<vmem>> -> memref<96xi32, #tpu.memory_space<vmem>>
        %dma_start3A_608 = tpu.memref_slice %arg3[%add3A_603] : memref<640000xi32, #tpu.memory_space<hbm>> -> memref<96xi32, #tpu.memory_space<hbm>>
        %dma_start3A_609 = arith.constant 0 : i32
        %dma_start3A_610 = tpu.memref_slice %arg7[%dma_start3A_604, %dma_start3A_609] : memref<4x96xi32, #tpu.memory_space<vmem>> -> memref<1x96xi32, #tpu.memory_space<vmem>>
        %dma_start3A_611 = tpu.memref_squeeze %dma_start3A_610 : memref<1x96xi32, #tpu.memory_space<vmem>> -> memref<96xi32, #tpu.memory_space<vmem>>
        %dma_start3A_612 = tpu.memref_slice %arg3[%add3A_603] : memref<640000xi32, #tpu.memory_space<hbm>> -> memref<96xi32, #tpu.memory_space<hbm>>
        tpu.enqueue_dma source(%dma_start3A_612 : memref<96xi32, #tpu.memory_space<hbm>>) target(%dma_start3A_611 : memref<96xi32, #tpu.memory_space<vmem>>) target_semaphore(%arg17 : memref<!tpu.dma_semaphore, #tpu.memory_space<semaphore_mem>>)
      } else {
      }
    }
    %scan3A_187 = arith.constant 26 : i32
    %dma_wait3A_188 = arith.constant 3 : i32
    %dma_wait3A_189 = arith.constant 3 : i32
    %dma_wait3A_190 = arith.constant 0 : i32
    %dma_wait3A_191 = arith.constant 0 : i32
    %dma_wait3A_192 = tpu.memref_slice %arg8[%dma_wait3A_188, %dma_wait3A_190, %dma_wait3A_191] : memref<4x96x64xf32, #tpu.memory_space<vmem>> -> memref<1x96x64xf32, #tpu.memory_space<vmem>>
    %dma_wait3A_193 = tpu.memref_squeeze %dma_wait3A_192 : memref<1x96x64xf32, #tpu.memory_space<vmem>> -> memref<96x64xf32, #tpu.memory_space<vmem>>
    %dma_wait3A_194 = arith.constant 0 : i32
    %dma_wait3A_195 = tpu.memref_slice %arg7[%dma_wait3A_189, %dma_wait3A_194] : memref<4x96xi32, #tpu.memory_space<vmem>> -> memref<1x96xi32, #tpu.memory_space<vmem>>
    %dma_wait3A_196 = tpu.memref_squeeze %dma_wait3A_195 : memref<1x96xi32, #tpu.memory_space<vmem>> -> memref<96xi32, #tpu.memory_space<vmem>>
    %dma_wait3A_197 = arith.constant 0 : i32
    %dma_wait3A_198 = arith.constant 0 : i32
    %dma_wait3A_199 = tpu.memref_slice %arg5[%dma_wait3A_197, %dma_wait3A_198] : memref<10000x64xf32, #tpu.memory_space<vmem_shared>> -> memref<10000x64xf32, #tpu.memory_space<vmem_shared>>
    tpu.wait_indirect_dma semaphore(%arg26 : memref<!tpu.dma_semaphore, #tpu.memory_space<semaphore_mem>>) src(%dma_wait3A_193 : memref<96x64xf32, #tpu.memory_space<vmem>>) dst(%dma_wait3A_199 : memref<10000x64xf32, #tpu.memory_space<vmem_shared>>)
    %add3A_200 = arith.constant 320000 : i32
    %add3A_201 = arith.addi %add3A_200, %mul3A_4 : i32
    %add3A_202 = arith.constant 9984 : i32
    %add3A_203 = arith.addi %add3A_201, %add3A_202 : i32
    %dma_start3A_204 = arith.constant 0 : i32
    %dma_start3A_205 = arith.constant 0 : i32
    %dma_start3A_206 = tpu.memref_slice %arg9[%dma_start3A_204, %dma_start3A_205] : memref<1x16xi32, #tpu.memory_space<vmem>> -> memref<1x16xi32, #tpu.memory_space<vmem>>
    %dma_start3A_207 = tpu.memref_squeeze %dma_start3A_206 : memref<1x16xi32, #tpu.memory_space<vmem>> -> memref<16xi32, #tpu.memory_space<vmem>>
    %dma_start3A_208 = tpu.memref_slice %arg3[%add3A_203] : memref<640000xi32, #tpu.memory_space<hbm>> -> memref<16xi32, #tpu.memory_space<hbm>>
    %dma_start3A_209 = arith.constant 0 : i32
    %dma_start3A_210 = tpu.memref_slice %arg9[%dma_start3A_204, %dma_start3A_209] : memref<1x16xi32, #tpu.memory_space<vmem>> -> memref<1x16xi32, #tpu.memory_space<vmem>>
    %dma_start3A_211 = tpu.memref_squeeze %dma_start3A_210 : memref<1x16xi32, #tpu.memory_space<vmem>> -> memref<16xi32, #tpu.memory_space<vmem>>
    %dma_start3A_212 = tpu.memref_slice %arg3[%add3A_203] : memref<640000xi32, #tpu.memory_space<hbm>> -> memref<16xi32, #tpu.memory_space<hbm>>
    tpu.enqueue_dma source(%dma_start3A_212 : memref<16xi32, #tpu.memory_space<hbm>>) target(%dma_start3A_211 : memref<16xi32, #tpu.memory_space<vmem>>) target_semaphore(%arg15 : memref<!tpu.dma_semaphore, #tpu.memory_space<semaphore_mem>>)
    %dma_wait3A_213 = arith.constant 0 : i32
    %dma_wait3A_214 = arith.constant 0 : i32
    %dma_wait3A_215 = tpu.memref_slice %arg9[%dma_wait3A_213, %dma_wait3A_214] : memref<1x16xi32, #tpu.memory_space<vmem>> -> memref<1x16xi32, #tpu.memory_space<vmem>>
    %dma_wait3A_216 = tpu.memref_squeeze %dma_wait3A_215 : memref<1x16xi32, #tpu.memory_space<vmem>> -> memref<16xi32, #tpu.memory_space<vmem>>
    %dma_wait3A_217 = tpu.memref_slice %arg3[%add3A_203] : memref<640000xi32, #tpu.memory_space<hbm>> -> memref<16xi32, #tpu.memory_space<hbm>>
    %dma_wait3A_218 = arith.constant 0 : i32
    %dma_wait3A_219 = tpu.memref_slice %arg9[%dma_wait3A_213, %dma_wait3A_218] : memref<1x16xi32, #tpu.memory_space<vmem>> -> memref<1x16xi32, #tpu.memory_space<vmem>>
    %dma_wait3A_220 = tpu.memref_squeeze %dma_wait3A_219 : memref<1x16xi32, #tpu.memory_space<vmem>> -> memref<16xi32, #tpu.memory_space<vmem>>
    %dma_wait3A_221 = tpu.memref_slice %arg3[%add3A_203] : memref<640000xi32, #tpu.memory_space<hbm>> -> memref<16xi32, #tpu.memory_space<hbm>>
    tpu.wait_dma2 semaphore(%arg15 : memref<!tpu.dma_semaphore, #tpu.memory_space<semaphore_mem>>) src(%dma_wait3A_221 : memref<16xi32, #tpu.memory_space<hbm>>) dst(%dma_wait3A_220 : memref<16xi32, #tpu.memory_space<vmem>>)
    %add3A_222 = arith.constant 9984 : i32
    %add3A_223 = arith.addi %mul3A_4, %add3A_222 : i32
    %dma_start3A_224 = arith.constant 0 : i32
    %dma_start3A_225 = arith.constant 0 : i32
    %dma_start3A_226 = tpu.memref_slice %arg6[%dma_start3A_224, %dma_start3A_225] : memref<4x96xi32, #tpu.memory_space<vmem>> -> memref<1x96xi32, #tpu.memory_space<vmem>>
    %dma_start3A_227 = tpu.memref_squeeze %dma_start3A_226 : memref<1x96xi32, #tpu.memory_space<vmem>> -> memref<96xi32, #tpu.memory_space<vmem>>
    %dma_start3A_228 = arith.constant 0 : i32
    %dma_start3A_229 = tpu.memref_slice %dma_start3A_227[%dma_start3A_228] : memref<96xi32, #tpu.memory_space<vmem>> -> memref<16xi32, #tpu.memory_space<vmem>>
    %dma_start3A_230 = tpu.memref_slice %arg3[%add3A_223] : memref<640000xi32, #tpu.memory_space<hbm>> -> memref<16xi32, #tpu.memory_space<hbm>>
    %dma_start3A_231 = arith.constant 0 : i32
    %dma_start3A_232 = tpu.memref_slice %arg6[%dma_start3A_224, %dma_start3A_231] : memref<4x96xi32, #tpu.memory_space<vmem>> -> memref<1x96xi32, #tpu.memory_space<vmem>>
    %dma_start3A_233 = tpu.memref_squeeze %dma_start3A_232 : memref<1x96xi32, #tpu.memory_space<vmem>> -> memref<96xi32, #tpu.memory_space<vmem>>
    %dma_start3A_234 = arith.constant 0 : i32
    %dma_start3A_235 = tpu.memref_slice %dma_start3A_233[%dma_start3A_234] : memref<96xi32, #tpu.memory_space<vmem>> -> memref<16xi32, #tpu.memory_space<vmem>>
    %dma_start3A_236 = tpu.memref_slice %arg3[%add3A_223] : memref<640000xi32, #tpu.memory_space<hbm>> -> memref<16xi32, #tpu.memory_space<hbm>>
    tpu.enqueue_dma source(%dma_start3A_236 : memref<16xi32, #tpu.memory_space<hbm>>) target(%dma_start3A_235 : memref<16xi32, #tpu.memory_space<vmem>>) target_semaphore(%arg11 : memref<!tpu.dma_semaphore, #tpu.memory_space<semaphore_mem>>)
    %dma_wait3A_237 = arith.constant 0 : i32
    %dma_wait3A_238 = arith.constant 0 : i32
    %dma_wait3A_239 = tpu.memref_slice %arg6[%dma_wait3A_237, %dma_wait3A_238] : memref<4x96xi32, #tpu.memory_space<vmem>> -> memref<1x96xi32, #tpu.memory_space<vmem>>
    %dma_wait3A_240 = tpu.memref_squeeze %dma_wait3A_239 : memref<1x96xi32, #tpu.memory_space<vmem>> -> memref<96xi32, #tpu.memory_space<vmem>>
    %dma_wait3A_241 = arith.constant 0 : i32
    %dma_wait3A_242 = tpu.memref_slice %dma_wait3A_240[%dma_wait3A_241] : memref<96xi32, #tpu.memory_space<vmem>> -> memref<16xi32, #tpu.memory_space<vmem>>
    %dma_wait3A_243 = tpu.memref_slice %arg3[%add3A_223] : memref<640000xi32, #tpu.memory_space<hbm>> -> memref<16xi32, #tpu.memory_space<hbm>>
    %dma_wait3A_244 = arith.constant 0 : i32
    %dma_wait3A_245 = tpu.memref_slice %arg6[%dma_wait3A_237, %dma_wait3A_244] : memref<4x96xi32, #tpu.memory_space<vmem>> -> memref<1x96xi32, #tpu.memory_space<vmem>>
    %dma_wait3A_246 = tpu.memref_squeeze %dma_wait3A_245 : memref<1x96xi32, #tpu.memory_space<vmem>> -> memref<96xi32, #tpu.memory_space<vmem>>
    %dma_wait3A_247 = arith.constant 0 : i32
    %dma_wait3A_248 = tpu.memref_slice %dma_wait3A_246[%dma_wait3A_247] : memref<96xi32, #tpu.memory_space<vmem>> -> memref<16xi32, #tpu.memory_space<vmem>>
    %dma_wait3A_249 = tpu.memref_slice %arg3[%add3A_223] : memref<640000xi32, #tpu.memory_space<hbm>> -> memref<16xi32, #tpu.memory_space<hbm>>
    tpu.wait_dma2 semaphore(%arg11 : memref<!tpu.dma_semaphore, #tpu.memory_space<semaphore_mem>>) src(%dma_wait3A_249 : memref<16xi32, #tpu.memory_space<hbm>>) dst(%dma_wait3A_248 : memref<16xi32, #tpu.memory_space<vmem>>)
    %dma_start3A_250 = arith.constant 0 : i32
    %dma_start3A_251 = arith.constant 0 : i32
    %dma_start3A_252 = arith.constant 0 : i32
    %dma_start3A_253 = arith.constant 0 : i32
    %dma_start3A_254 = tpu.memref_slice %arg8[%dma_start3A_251, %dma_start3A_252, %dma_start3A_253] : memref<4x96x64xf32, #tpu.memory_space<vmem>> -> memref<1x96x64xf32, #tpu.memory_space<vmem>>
    %dma_start3A_255 = tpu.memref_squeeze %dma_start3A_254 : memref<1x96x64xf32, #tpu.memory_space<vmem>> -> memref<96x64xf32, #tpu.memory_space<vmem>>
    %dma_start3A_256 = arith.constant 0 : i32
    %dma_start3A_257 = arith.constant 0 : i32
    %dma_start3A_258 = tpu.memref_slice %dma_start3A_255[%dma_start3A_256, %dma_start3A_257] : memref<96x64xf32, #tpu.memory_space<vmem>> -> memref<16x64xf32, #tpu.memory_space<vmem>>
    %dma_start3A_259 = arith.constant 0 : i32
    %dma_start3A_260 = tpu.memref_slice %arg6[%dma_start3A_250, %dma_start3A_259] : memref<4x96xi32, #tpu.memory_space<vmem>> -> memref<1x96xi32, #tpu.memory_space<vmem>>
    %dma_start3A_261 = tpu.memref_squeeze %dma_start3A_260 : memref<1x96xi32, #tpu.memory_space<vmem>> -> memref<96xi32, #tpu.memory_space<vmem>>
    %dma_start3A_262 = arith.constant 0 : i32
    %dma_start3A_263 = tpu.memref_slice %dma_start3A_261[%dma_start3A_262] : memref<96xi32, #tpu.memory_space<vmem>> -> memref<16xi32, #tpu.memory_space<vmem>>
    %dma_start3A_264 = arith.constant 0 : i32
    %dma_start3A_265 = arith.constant 0 : i32
    %dma_start3A_266 = tpu.memref_slice %arg2[%dma_start3A_264, %dma_start3A_265] : memref<10000x64xf32, #tpu.memory_space<hbm>> -> memref<10000x64xf32, #tpu.memory_space<hbm>>
    tpu.enqueue_indirect_dma source(%dma_start3A_266 : memref<10000x64xf32, #tpu.memory_space<hbm>>) target(%dma_start3A_258 : memref<16x64xf32, #tpu.memory_space<vmem>>) offsets(%dma_start3A_263 : memref<16xi32, #tpu.memory_space<vmem>>) semaphore(%arg19 : memref<!tpu.dma_semaphore, #tpu.memory_space<semaphore_mem>>)
    %dma_wait3A_267 = arith.constant 0 : i32
    %dma_wait3A_268 = arith.constant 0 : i32
    %dma_wait3A_269 = arith.constant 0 : i32
    %dma_wait3A_270 = arith.constant 0 : i32
    %dma_wait3A_271 = tpu.memref_slice %arg8[%dma_wait3A_268, %dma_wait3A_269, %dma_wait3A_270] : memref<4x96x64xf32, #tpu.memory_space<vmem>> -> memref<1x96x64xf32, #tpu.memory_space<vmem>>
    %dma_wait3A_272 = tpu.memref_squeeze %dma_wait3A_271 : memref<1x96x64xf32, #tpu.memory_space<vmem>> -> memref<96x64xf32, #tpu.memory_space<vmem>>
    %dma_wait3A_273 = arith.constant 0 : i32
    %dma_wait3A_274 = arith.constant 0 : i32
    %dma_wait3A_275 = tpu.memref_slice %dma_wait3A_272[%dma_wait3A_273, %dma_wait3A_274] : memref<96x64xf32, #tpu.memory_space<vmem>> -> memref<16x64xf32, #tpu.memory_space<vmem>>
    %dma_wait3A_276 = arith.constant 0 : i32
    %dma_wait3A_277 = tpu.memref_slice %arg6[%dma_wait3A_267, %dma_wait3A_276] : memref<4x96xi32, #tpu.memory_space<vmem>> -> memref<1x96xi32, #tpu.memory_space<vmem>>
    %dma_wait3A_278 = tpu.memref_squeeze %dma_wait3A_277 : memref<1x96xi32, #tpu.memory_space<vmem>> -> memref<96xi32, #tpu.memory_space<vmem>>
    %dma_wait3A_279 = arith.constant 0 : i32
    %dma_wait3A_280 = tpu.memref_slice %dma_wait3A_278[%dma_wait3A_279] : memref<96xi32, #tpu.memory_space<vmem>> -> memref<16xi32, #tpu.memory_space<vmem>>
    %dma_wait3A_281 = arith.constant 0 : i32
    %dma_wait3A_282 = arith.constant 0 : i32
    %dma_wait3A_283 = tpu.memref_slice %arg2[%dma_wait3A_281, %dma_wait3A_282] : memref<10000x64xf32, #tpu.memory_space<hbm>> -> memref<10000x64xf32, #tpu.memory_space<hbm>>
    tpu.wait_indirect_dma semaphore(%arg19 : memref<!tpu.dma_semaphore, #tpu.memory_space<semaphore_mem>>) src(%dma_wait3A_283 : memref<10000x64xf32, #tpu.memory_space<hbm>>) dst(%dma_wait3A_275 : memref<16x64xf32, #tpu.memory_space<vmem>>)
    %dma_start3A_284 = arith.constant 0 : i32
    %dma_start3A_285 = arith.constant 0 : i32
    %dma_start3A_286 = arith.constant 0 : i32
    %dma_start3A_287 = arith.constant 0 : i32
    %dma_start3A_288 = tpu.memref_slice %arg8[%dma_start3A_284, %dma_start3A_286, %dma_start3A_287] : memref<4x96x64xf32, #tpu.memory_space<vmem>> -> memref<1x96x64xf32, #tpu.memory_space<vmem>>
    %dma_start3A_289 = tpu.memref_squeeze %dma_start3A_288 : memref<1x96x64xf32, #tpu.memory_space<vmem>> -> memref<96x64xf32, #tpu.memory_space<vmem>>
    %dma_start3A_290 = arith.constant 0 : i32
    %dma_start3A_291 = arith.constant 0 : i32
    %dma_start3A_292 = tpu.memref_slice %dma_start3A_289[%dma_start3A_290, %dma_start3A_291] : memref<96x64xf32, #tpu.memory_space<vmem>> -> memref<16x64xf32, #tpu.memory_space<vmem>>
    %dma_start3A_293 = arith.constant 0 : i32
    %dma_start3A_294 = tpu.memref_slice %arg9[%dma_start3A_285, %dma_start3A_293] : memref<1x16xi32, #tpu.memory_space<vmem>> -> memref<1x16xi32, #tpu.memory_space<vmem>>
    %dma_start3A_295 = tpu.memref_squeeze %dma_start3A_294 : memref<1x16xi32, #tpu.memory_space<vmem>> -> memref<16xi32, #tpu.memory_space<vmem>>
    %dma_start3A_296 = arith.constant 0 : i32
    %dma_start3A_297 = arith.constant 0 : i32
    %dma_start3A_298 = tpu.memref_slice %arg5[%dma_start3A_296, %dma_start3A_297] : memref<10000x64xf32, #tpu.memory_space<vmem_shared>> -> memref<10000x64xf32, #tpu.memory_space<vmem_shared>>
    tpu.enqueue_indirect_dma source(%dma_start3A_292 : memref<16x64xf32, #tpu.memory_space<vmem>>) target(%dma_start3A_298 : memref<10000x64xf32, #tpu.memory_space<vmem_shared>>) offsets(%dma_start3A_295 : memref<16xi32, #tpu.memory_space<vmem>>) semaphore(%arg23 : memref<!tpu.dma_semaphore, #tpu.memory_space<semaphore_mem>>) {add = true}
    %dma_wait3A_299 = arith.constant 0 : i32
    %dma_wait3A_300 = arith.constant 0 : i32
    %dma_wait3A_301 = arith.constant 0 : i32
    %dma_wait3A_302 = arith.constant 0 : i32
    %dma_wait3A_303 = tpu.memref_slice %arg8[%dma_wait3A_299, %dma_wait3A_301, %dma_wait3A_302] : memref<4x96x64xf32, #tpu.memory_space<vmem>> -> memref<1x96x64xf32, #tpu.memory_space<vmem>>
    %dma_wait3A_304 = tpu.memref_squeeze %dma_wait3A_303 : memref<1x96x64xf32, #tpu.memory_space<vmem>> -> memref<96x64xf32, #tpu.memory_space<vmem>>
    %dma_wait3A_305 = arith.constant 0 : i32
    %dma_wait3A_306 = arith.constant 0 : i32
    %dma_wait3A_307 = tpu.memref_slice %dma_wait3A_304[%dma_wait3A_305, %dma_wait3A_306] : memref<96x64xf32, #tpu.memory_space<vmem>> -> memref<16x64xf32, #tpu.memory_space<vmem>>
    %dma_wait3A_308 = arith.constant 0 : i32
    %dma_wait3A_309 = tpu.memref_slice %arg9[%dma_wait3A_300, %dma_wait3A_308] : memref<1x16xi32, #tpu.memory_space<vmem>> -> memref<1x16xi32, #tpu.memory_space<vmem>>
    %dma_wait3A_310 = tpu.memref_squeeze %dma_wait3A_309 : memref<1x16xi32, #tpu.memory_space<vmem>> -> memref<16xi32, #tpu.memory_space<vmem>>
    %dma_wait3A_311 = arith.constant 0 : i32
    %dma_wait3A_312 = arith.constant 0 : i32
    %dma_wait3A_313 = tpu.memref_slice %arg5[%dma_wait3A_311, %dma_wait3A_312] : memref<10000x64xf32, #tpu.memory_space<vmem_shared>> -> memref<10000x64xf32, #tpu.memory_space<vmem_shared>>
    tpu.wait_indirect_dma semaphore(%arg23 : memref<!tpu.dma_semaphore, #tpu.memory_space<semaphore_mem>>) src(%dma_wait3A_307 : memref<16x64xf32, #tpu.memory_space<vmem>>) dst(%dma_wait3A_313 : memref<10000x64xf32, #tpu.memory_space<vmem_shared>>)
    %barrier3A_314 = arith.constant 0 : index
    tpu.barrier barrier_id(%barrier3A_314)
    %dma_start3A_315 = arith.constant 0 : i32
    %dma_start3A_316 = tpu.memref_slice %arg4[%arg0, %mul3A_2, %dma_start3A_315] : memref<2x10000x64xf32, #tpu.memory_space<hbm>> -> memref<1x624x64xf32, #tpu.memory_space<hbm>>
    %dma_start3A_317 = tpu.memref_squeeze %dma_start3A_316 : memref<1x624x64xf32, #tpu.memory_space<hbm>> -> memref<624x64xf32, #tpu.memory_space<hbm>>
    %dma_start3A_318 = arith.constant 0 : i32
    %dma_start3A_319 = tpu.memref_slice %arg5[%mul3A_2, %dma_start3A_318] : memref<10000x64xf32, #tpu.memory_space<vmem_shared>> -> memref<624x64xf32, #tpu.memory_space<vmem_shared>>
    tpu.enqueue_dma source(%dma_start3A_319 : memref<624x64xf32, #tpu.memory_space<vmem_shared>>) target(%dma_start3A_317 : memref<624x64xf32, #tpu.memory_space<hbm>>) target_semaphore(%arg10 : memref<!tpu.dma_semaphore, #tpu.memory_space<semaphore_mem>>)
    %dma_wait3A_320 = arith.constant 0 : i32
    %dma_wait3A_321 = tpu.memref_slice %arg4[%arg0, %mul3A_2, %dma_wait3A_320] : memref<2x10000x64xf32, #tpu.memory_space<hbm>> -> memref<1x624x64xf32, #tpu.memory_space<hbm>>
    %dma_wait3A_322 = tpu.memref_squeeze %dma_wait3A_321 : memref<1x624x64xf32, #tpu.memory_space<hbm>> -> memref<624x64xf32, #tpu.memory_space<hbm>>
    %dma_wait3A_323 = arith.constant 0 : i32
    %dma_wait3A_324 = tpu.memref_slice %arg5[%mul3A_2, %dma_wait3A_323] : memref<10000x64xf32, #tpu.memory_space<vmem_shared>> -> memref<624x64xf32, #tpu.memory_space<vmem_shared>>
    tpu.wait_dma2 semaphore(%arg10 : memref<!tpu.dma_semaphore, #tpu.memory_space<semaphore_mem>>) src(%dma_wait3A_324 : memref<624x64xf32, #tpu.memory_space<vmem_shared>>) dst(%dma_wait3A_322 : memref<624x64xf32, #tpu.memory_space<hbm>>)
    %eq3A_325 = arith.constant 15 : i32
    %eq3A_326 = arith.cmpi eq, %arg1, %eq3A_325 : i32
    %convert_element_type3A_327 = arith.extui %eq3A_326 : i1 to i32
    %cond3A_328 = arith.constant 0 : i32
    %cond3A_329 = arith.cmpi ne, %convert_element_type3A_327, %cond3A_328 : i32
    scf.if %cond3A_329 {
      %dma_start3A_330 = arith.constant 9984 : i32
      %dma_start3A_331 = arith.constant 0 : i32
      %dma_start3A_332 = tpu.memref_slice %arg4[%arg0, %dma_start3A_330, %dma_start3A_331] : memref<2x10000x64xf32, #tpu.memory_space<hbm>> -> memref<1x16x64xf32, #tpu.memory_space<hbm>>
      %dma_start3A_333 = tpu.memref_squeeze %dma_start3A_332 : memref<1x16x64xf32, #tpu.memory_space<hbm>> -> memref<16x64xf32, #tpu.memory_space<hbm>>
      %dma_start3A_334 = arith.constant 9984 : i32
      %dma_start3A_335 = arith.constant 0 : i32
      %dma_start3A_336 = tpu.memref_slice %arg5[%dma_start3A_334, %dma_start3A_335] : memref<10000x64xf32, #tpu.memory_space<vmem_shared>> -> memref<16x64xf32, #tpu.memory_space<vmem_shared>>
      tpu.enqueue_dma source(%dma_start3A_336 : memref<16x64xf32, #tpu.memory_space<vmem_shared>>) target(%dma_start3A_333 : memref<16x64xf32, #tpu.memory_space<hbm>>) target_semaphore(%arg10 : memref<!tpu.dma_semaphore, #tpu.memory_space<semaphore_mem>>)
      %dma_wait3A_337 = arith.constant 9984 : i32
      %dma_wait3A_338 = arith.constant 0 : i32
      %dma_wait3A_339 = tpu.memref_slice %arg4[%arg0, %dma_wait3A_337, %dma_wait3A_338] : memref<2x10000x64xf32, #tpu.memory_space<hbm>> -> memref<1x16x64xf32, #tpu.memory_space<hbm>>
      %dma_wait3A_340 = tpu.memref_squeeze %dma_wait3A_339 : memref<1x16x64xf32, #tpu.memory_space<hbm>> -> memref<16x64xf32, #tpu.memory_space<hbm>>
      %dma_wait3A_341 = arith.constant 9984 : i32
      %dma_wait3A_342 = arith.constant 0 : i32
      %dma_wait3A_343 = tpu.memref_slice %arg5[%dma_wait3A_341, %dma_wait3A_342] : memref<10000x64xf32, #tpu.memory_space<vmem_shared>> -> memref<16x64xf32, #tpu.memory_space<vmem_shared>>
      tpu.wait_dma2 semaphore(%arg10 : memref<!tpu.dma_semaphore, #tpu.memory_space<semaphore_mem>>) src(%dma_wait3A_343 : memref<16x64xf32, #tpu.memory_space<vmem_shared>>) dst(%dma_wait3A_340 : memref<16x64xf32, #tpu.memory_space<hbm>>)
    } else {
    }
    return
  }
}

#map = affine_map<(d0, d1) -> (0, 0)>
#map1 = affine_map<(d0, d1) -> (0)>
#map2 = affine_map<(d0, d1) -> (0, 0, 0)>
module attributes {stable_mosaic.version = 14 : i64} {
  func.func @agg_kernel(%arg0: i32, %arg1: i32, %arg2: memref<10000x128xf32, #tpu.memory_space<hbm>>, %arg3: memref<640000xi32, #tpu.memory_space<hbm>>, %arg4: memref<2x10000x128xf32, #tpu.memory_space<hbm>>, %arg5: memref<10000x128xf32, #tpu.memory_space<vmem_shared>>, %arg6: memref<4x96xi32, #tpu.memory_space<vmem>>, %arg7: memref<4x96xi32, #tpu.memory_space<vmem>>, %arg8: memref<4x96x128xf32, #tpu.memory_space<vmem>>, %arg9: memref<1x16xi32, #tpu.memory_space<vmem>>, %arg10: memref<!tpu.dma_semaphore, #tpu.memory_space<semaphore_mem>>, %arg11: memref<!tpu.dma_semaphore, #tpu.memory_space<semaphore_mem>>, %arg12: memref<!tpu.dma_semaphore, #tpu.memory_space<semaphore_mem>>, %arg13: memref<!tpu.dma_semaphore, #tpu.memory_space<semaphore_mem>>, %arg14: memref<!tpu.dma_semaphore, #tpu.memory_space<semaphore_mem>>, %arg15: memref<!tpu.dma_semaphore, #tpu.memory_space<semaphore_mem>>, %arg16: memref<!tpu.dma_semaphore, #tpu.memory_space<semaphore_mem>>, %arg17: memref<!tpu.dma_semaphore, #tpu.memory_space<semaphore_mem>>, %arg18: memref<!tpu.dma_semaphore, #tpu.memory_space<semaphore_mem>>, %arg19: memref<!tpu.dma_semaphore, #tpu.memory_space<semaphore_mem>>, %arg20: memref<!tpu.dma_semaphore, #tpu.memory_space<semaphore_mem>>, %arg21: memref<!tpu.dma_semaphore, #tpu.memory_space<semaphore_mem>>, %arg22: memref<!tpu.dma_semaphore, #tpu.memory_space<semaphore_mem>>, %arg23: memref<!tpu.dma_semaphore, #tpu.memory_space<semaphore_mem>>, %arg24: memref<!tpu.dma_semaphore, #tpu.memory_space<semaphore_mem>>, %arg25: memref<!tpu.dma_semaphore, #tpu.memory_space<semaphore_mem>>, %arg26: memref<!tpu.dma_semaphore, #tpu.memory_space<semaphore_mem>>) attributes {dimension_semantics = [#tpu.dimension_semantics<core_parallel>, #tpu.dimension_semantics<subcore_parallel>], iteration_bounds = array<i64: 2, 16>, scalar_prefetch = 0 : i64, scratch_operands = 22 : i64, tpu.core_type = #tpu.core_type<sc_vector_subcore>, window_params = [{transform_indices = #map}, {transform_indices = #map1}, {transform_indices = #map2}]} {
    %mul3A = arith.constant 2 : i32
    %mul3A_0 = arith.muli %arg1, %mul3A : i32
    %add3A = arith.addi %mul3A_0, %arg0 : i32
    %mul3A_1 = arith.constant 624 : i32
    %mul3A_2 = arith.muli %arg1, %mul3A_1 : i32
    %mul3A_3 = arith.constant 10000 : i32
    %mul3A_4 = arith.muli %add3A, %mul3A_3 : i32
    %broadcast_in_dim3A = arith.constant 0.000000e+00 : f32
    %broadcast_in_dim3A_5 = vector.broadcast %broadcast_in_dim3A : f32 to vector<16xf32>
    %scan3A = arith.constant 0 : i32
    %scan3A_6 = arith.constant 96 : i32
    %scan3A_7 = arith.addi %scan3A, %scan3A_6 : i32
    %scan3A_8 = arith.constant 1 : i32
    scf.for %scan3A_330 = %scan3A to %scan3A_7 step %scan3A_8  : i32 {
      %mul3A_331 = arith.constant 1 : i32
      %mul3A_332 = arith.muli %scan3A_330, %mul3A_331 : i32
      %add3A_333 = arith.constant 0 : i32
      %add3A_334 = arith.addi %add3A_333, %mul3A_332 : i32
      %swap3A = arith.constant 0 : i32
      %swap3A_335 = arith.index_cast %swap3A : i32 to index
      %swap3A_336 = arith.index_cast %add3A_334 : i32 to index
      %swap3A_337 = arith.constant 0 : index
      %swap3A_338 = tpu.vector_load %arg8[%swap3A_335, %swap3A_336, %swap3A_337] {strides = array<i32>} : memref<4x96x128xf32, #tpu.memory_space<vmem>>, vector<16xf32>,
      tpu.vector_store %arg8[%swap3A_335, %swap3A_336, %swap3A_337], %broadcast_in_dim3A_5 {strides = array<i32>} : memref<4x96x128xf32, #tpu.memory_space<vmem>>, vector<16xf32>,
      %swap3A_339 = arith.constant 0 : i32
      %swap3A_340 = arith.index_cast %swap3A_339 : i32 to index
      %swap3A_341 = arith.index_cast %add3A_334 : i32 to index
      %swap3A_342 = arith.constant 16 : index
      %swap3A_343 = tpu.vector_load %arg8[%swap3A_340, %swap3A_341, %swap3A_342] {strides = array<i32>} : memref<4x96x128xf32, #tpu.memory_space<vmem>>, vector<16xf32>,
      tpu.vector_store %arg8[%swap3A_340, %swap3A_341, %swap3A_342], %broadcast_in_dim3A_5 {strides = array<i32>} : memref<4x96x128xf32, #tpu.memory_space<vmem>>, vector<16xf32>,
      %swap3A_344 = arith.constant 0 : i32
      %swap3A_345 = arith.index_cast %swap3A_344 : i32 to index
      %swap3A_346 = arith.index_cast %add3A_334 : i32 to index
      %swap3A_347 = arith.constant 32 : index
      %swap3A_348 = tpu.vector_load %arg8[%swap3A_345, %swap3A_346, %swap3A_347] {strides = array<i32>} : memref<4x96x128xf32, #tpu.memory_space<vmem>>, vector<16xf32>,
      tpu.vector_store %arg8[%swap3A_345, %swap3A_346, %swap3A_347], %broadcast_in_dim3A_5 {strides = array<i32>} : memref<4x96x128xf32, #tpu.memory_space<vmem>>, vector<16xf32>,
      %swap3A_349 = arith.constant 0 : i32
      %swap3A_350 = arith.index_cast %swap3A_349 : i32 to index
      %swap3A_351 = arith.index_cast %add3A_334 : i32 to index
      %swap3A_352 = arith.constant 48 : index
      %swap3A_353 = tpu.vector_load %arg8[%swap3A_350, %swap3A_351, %swap3A_352] {strides = array<i32>} : memref<4x96x128xf32, #tpu.memory_space<vmem>>, vector<16xf32>,
      tpu.vector_store %arg8[%swap3A_350, %swap3A_351, %swap3A_352], %broadcast_in_dim3A_5 {strides = array<i32>} : memref<4x96x128xf32, #tpu.memory_space<vmem>>, vector<16xf32>,
      %swap3A_354 = arith.constant 0 : i32
      %swap3A_355 = arith.index_cast %swap3A_354 : i32 to index
      %swap3A_356 = arith.index_cast %add3A_334 : i32 to index
      %swap3A_357 = arith.constant 64 : index
      %swap3A_358 = tpu.vector_load %arg8[%swap3A_355, %swap3A_356, %swap3A_357] {strides = array<i32>} : memref<4x96x128xf32, #tpu.memory_space<vmem>>, vector<16xf32>,
      tpu.vector_store %arg8[%swap3A_355, %swap3A_356, %swap3A_357], %broadcast_in_dim3A_5 {strides = array<i32>} : memref<4x96x128xf32, #tpu.memory_space<vmem>>, vector<16xf32>,
      %swap3A_359 = arith.constant 0 : i32
      %swap3A_360 = arith.index_cast %swap3A_359 : i32 to index
      %swap3A_361 = arith.index_cast %add3A_334 : i32 to index
      %swap3A_362 = arith.constant 80 : index
      %swap3A_363 = tpu.vector_load %arg8[%swap3A_360, %swap3A_361, %swap3A_362] {strides = array<i32>} : memref<4x96x128xf32, #tpu.memory_space<vmem>>, vector<16xf32>,
      tpu.vector_store %arg8[%swap3A_360, %swap3A_361, %swap3A_362], %broadcast_in_dim3A_5 {strides = array<i32>} : memref<4x96x128xf32, #tpu.memory_space<vmem>>, vector<16xf32>,
      %swap3A_364 = arith.constant 0 : i32
      %swap3A_365 = arith.index_cast %swap3A_364 : i32 to index
      %swap3A_366 = arith.index_cast %add3A_334 : i32 to index
      %swap3A_367 = arith.constant 96 : index
      %swap3A_368 = tpu.vector_load %arg8[%swap3A_365, %swap3A_366, %swap3A_367] {strides = array<i32>} : memref<4x96x128xf32, #tpu.memory_space<vmem>>, vector<16xf32>,
      tpu.vector_store %arg8[%swap3A_365, %swap3A_366, %swap3A_367], %broadcast_in_dim3A_5 {strides = array<i32>} : memref<4x96x128xf32, #tpu.memory_space<vmem>>, vector<16xf32>,
      %swap3A_369 = arith.constant 0 : i32
      %swap3A_370 = arith.index_cast %swap3A_369 : i32 to index
      %swap3A_371 = arith.index_cast %add3A_334 : i32 to index
      %swap3A_372 = arith.constant 112 : index
      %swap3A_373 = tpu.vector_load %arg8[%swap3A_370, %swap3A_371, %swap3A_372] {strides = array<i32>} : memref<4x96x128xf32, #tpu.memory_space<vmem>>, vector<16xf32>,
      tpu.vector_store %arg8[%swap3A_370, %swap3A_371, %swap3A_372], %broadcast_in_dim3A_5 {strides = array<i32>} : memref<4x96x128xf32, #tpu.memory_space<vmem>>, vector<16xf32>,
    }
    %scan3A_9 = arith.constant 96 : i32
    %scan3A_10 = arith.constant 0 : i32
    %scan3A_11 = arith.constant 6 : i32
    %scan3A_12 = arith.addi %scan3A_10, %scan3A_11 : i32
    %scan3A_13 = arith.constant 1 : i32
    scf.for %scan3A_330 = %scan3A_10 to %scan3A_12 step %scan3A_13  : i32 {
      %mul3A_331 = arith.constant 1 : i32
      %mul3A_332 = arith.muli %scan3A_330, %mul3A_331 : i32
      %add3A_333 = arith.constant 0 : i32
      %add3A_334 = arith.addi %add3A_333, %mul3A_332 : i32
      %mul3A_335 = arith.constant 96 : i32
      %mul3A_336 = arith.muli %add3A_334, %mul3A_335 : i32
      %add3A_337 = arith.addi %mul3A_2, %mul3A_336 : i32
      %multiple_of3A = tpu.assume_multiple %add3A_337, 8 : i32
      %dma_start3A_338 = arith.constant 0 : i32
      %dma_start3A_339 = arith.constant 0 : i32
      %dma_start3A_340 = arith.constant 0 : i32
      %dma_start3A_341 = tpu.memref_slice %arg8[%dma_start3A_338, %dma_start3A_339, %dma_start3A_340] : memref<4x96x128xf32, #tpu.memory_space<vmem>> -> memref<1x96x128xf32, #tpu.memory_space<vmem>>
      %dma_start3A_342 = tpu.memref_squeeze %dma_start3A_341 : memref<1x96x128xf32, #tpu.memory_space<vmem>> -> memref<96x128xf32, #tpu.memory_space<vmem>>
      %dma_start3A_343 = arith.constant 0 : i32
      %dma_start3A_344 = tpu.memref_slice %arg5[%multiple_of3A, %dma_start3A_343] : memref<10000x128xf32, #tpu.memory_space<vmem_shared>> -> memref<96x128xf32, #tpu.memory_space<vmem_shared>>
      %dma_start3A_345 = arith.constant 0 : i32
      %dma_start3A_346 = tpu.memref_slice %arg5[%multiple_of3A, %dma_start3A_345] : memref<10000x128xf32, #tpu.memory_space<vmem_shared>> -> memref<96x128xf32, #tpu.memory_space<vmem_shared>>
      %dma_start3A_347 = arith.constant 0 : i32
      %dma_start3A_348 = arith.constant 0 : i32
      %dma_start3A_349 = tpu.memref_slice %arg8[%dma_start3A_338, %dma_start3A_347, %dma_start3A_348] : memref<4x96x128xf32, #tpu.memory_space<vmem>> -> memref<1x96x128xf32, #tpu.memory_space<vmem>>
      %dma_start3A_350 = tpu.memref_squeeze %dma_start3A_349 : memref<1x96x128xf32, #tpu.memory_space<vmem>> -> memref<96x128xf32, #tpu.memory_space<vmem>>
      tpu.enqueue_dma source(%dma_start3A_350 : memref<96x128xf32, #tpu.memory_space<vmem>>) target(%dma_start3A_346 : memref<96x128xf32, #tpu.memory_space<vmem_shared>>) target_semaphore(%arg10 : memref<!tpu.dma_semaphore, #tpu.memory_space<semaphore_mem>>)
      %dma_wait3A_351 = arith.constant 0 : i32
      %dma_wait3A_352 = arith.constant 0 : i32
      %dma_wait3A_353 = arith.constant 0 : i32
      %dma_wait3A_354 = tpu.memref_slice %arg8[%dma_wait3A_351, %dma_wait3A_352, %dma_wait3A_353] : memref<4x96x128xf32, #tpu.memory_space<vmem>> -> memref<1x96x128xf32, #tpu.memory_space<vmem>>
      %dma_wait3A_355 = tpu.memref_squeeze %dma_wait3A_354 : memref<1x96x128xf32, #tpu.memory_space<vmem>> -> memref<96x128xf32, #tpu.memory_space<vmem>>
      %dma_wait3A_356 = arith.constant 0 : i32
      %dma_wait3A_357 = tpu.memref_slice %arg5[%multiple_of3A, %dma_wait3A_356] : memref<10000x128xf32, #tpu.memory_space<vmem_shared>> -> memref<96x128xf32, #tpu.memory_space<vmem_shared>>
      %dma_wait3A_358 = arith.constant 0 : i32
      %dma_wait3A_359 = tpu.memref_slice %arg5[%multiple_of3A, %dma_wait3A_358] : memref<10000x128xf32, #tpu.memory_space<vmem_shared>> -> memref<96x128xf32, #tpu.memory_space<vmem_shared>>
      %dma_wait3A_360 = arith.constant 0 : i32
      %dma_wait3A_361 = arith.constant 0 : i32
      %dma_wait3A_362 = tpu.memref_slice %arg8[%dma_wait3A_351, %dma_wait3A_360, %dma_wait3A_361] : memref<4x96x128xf32, #tpu.memory_space<vmem>> -> memref<1x96x128xf32, #tpu.memory_space<vmem>>
      %dma_wait3A_363 = tpu.memref_squeeze %dma_wait3A_362 : memref<1x96x128xf32, #tpu.memory_space<vmem>> -> memref<96x128xf32, #tpu.memory_space<vmem>>
      tpu.wait_dma2 semaphore(%arg10 : memref<!tpu.dma_semaphore, #tpu.memory_space<semaphore_mem>>) src(%dma_wait3A_363 : memref<96x128xf32, #tpu.memory_space<vmem>>) dst(%dma_wait3A_359 : memref<96x128xf32, #tpu.memory_space<vmem_shared>>)
    }
    %scan3A_14 = arith.constant 6 : i32
    %add3A_15 = arith.constant 576 : i32
    %add3A_16 = arith.addi %mul3A_2, %add3A_15 : i32
    %dma_start3A = arith.constant 0 : i32
    %dma_start3A_17 = arith.constant 0 : i32
    %dma_start3A_18 = arith.constant 0 : i32
    %dma_start3A_19 = tpu.memref_slice %arg8[%dma_start3A, %dma_start3A_17, %dma_start3A_18] : memref<4x96x128xf32, #tpu.memory_space<vmem>> -> memref<1x96x128xf32, #tpu.memory_space<vmem>>
    %dma_start3A_20 = tpu.memref_squeeze %dma_start3A_19 : memref<1x96x128xf32, #tpu.memory_space<vmem>> -> memref<96x128xf32, #tpu.memory_space<vmem>>
    %dma_start3A_21 = arith.constant 0 : i32
    %dma_start3A_22 = arith.constant 0 : i32
    %dma_start3A_23 = tpu.memref_slice %dma_start3A_20[%dma_start3A_21, %dma_start3A_22] : memref<96x128xf32, #tpu.memory_space<vmem>> -> memref<48x128xf32, #tpu.memory_space<vmem>>
    %dma_start3A_24 = arith.constant 0 : i32
    %dma_start3A_25 = tpu.memref_slice %arg5[%add3A_16, %dma_start3A_24] : memref<10000x128xf32, #tpu.memory_space<vmem_shared>> -> memref<48x128xf32, #tpu.memory_space<vmem_shared>>
    %dma_start3A_26 = arith.constant 0 : i32
    %dma_start3A_27 = tpu.memref_slice %arg5[%add3A_16, %dma_start3A_26] : memref<10000x128xf32, #tpu.memory_space<vmem_shared>> -> memref<48x128xf32, #tpu.memory_space<vmem_shared>>
    %dma_start3A_28 = arith.constant 0 : i32
    %dma_start3A_29 = arith.constant 0 : i32
    %dma_start3A_30 = tpu.memref_slice %arg8[%dma_start3A, %dma_start3A_28, %dma_start3A_29] : memref<4x96x128xf32, #tpu.memory_space<vmem>> -> memref<1x96x128xf32, #tpu.memory_space<vmem>>
    %dma_start3A_31 = tpu.memref_squeeze %dma_start3A_30 : memref<1x96x128xf32, #tpu.memory_space<vmem>> -> memref<96x128xf32, #tpu.memory_space<vmem>>
    %dma_start3A_32 = arith.constant 0 : i32
    %dma_start3A_33 = arith.constant 0 : i32
    %dma_start3A_34 = tpu.memref_slice %dma_start3A_31[%dma_start3A_32, %dma_start3A_33] : memref<96x128xf32, #tpu.memory_space<vmem>> -> memref<48x128xf32, #tpu.memory_space<vmem>>
    tpu.enqueue_dma source(%dma_start3A_34 : memref<48x128xf32, #tpu.memory_space<vmem>>) target(%dma_start3A_27 : memref<48x128xf32, #tpu.memory_space<vmem_shared>>) target_semaphore(%arg10 : memref<!tpu.dma_semaphore, #tpu.memory_space<semaphore_mem>>)
    %dma_wait3A = arith.constant 0 : i32
    %dma_wait3A_35 = arith.constant 0 : i32
    %dma_wait3A_36 = arith.constant 0 : i32
    %dma_wait3A_37 = tpu.memref_slice %arg8[%dma_wait3A, %dma_wait3A_35, %dma_wait3A_36] : memref<4x96x128xf32, #tpu.memory_space<vmem>> -> memref<1x96x128xf32, #tpu.memory_space<vmem>>
    %dma_wait3A_38 = tpu.memref_squeeze %dma_wait3A_37 : memref<1x96x128xf32, #tpu.memory_space<vmem>> -> memref<96x128xf32, #tpu.memory_space<vmem>>
    %dma_wait3A_39 = arith.constant 0 : i32
    %dma_wait3A_40 = arith.constant 0 : i32
    %dma_wait3A_41 = tpu.memref_slice %dma_wait3A_38[%dma_wait3A_39, %dma_wait3A_40] : memref<96x128xf32, #tpu.memory_space<vmem>> -> memref<48x128xf32, #tpu.memory_space<vmem>>
    %dma_wait3A_42 = arith.constant 0 : i32
    %dma_wait3A_43 = tpu.memref_slice %arg5[%add3A_16, %dma_wait3A_42] : memref<10000x128xf32, #tpu.memory_space<vmem_shared>> -> memref<48x128xf32, #tpu.memory_space<vmem_shared>>
    %dma_wait3A_44 = arith.constant 0 : i32
    %dma_wait3A_45 = tpu.memref_slice %arg5[%add3A_16, %dma_wait3A_44] : memref<10000x128xf32, #tpu.memory_space<vmem_shared>> -> memref<48x128xf32, #tpu.memory_space<vmem_shared>>
    %dma_wait3A_46 = arith.constant 0 : i32
    %dma_wait3A_47 = arith.constant 0 : i32
    %dma_wait3A_48 = tpu.memref_slice %arg8[%dma_wait3A, %dma_wait3A_46, %dma_wait3A_47] : memref<4x96x128xf32, #tpu.memory_space<vmem>> -> memref<1x96x128xf32, #tpu.memory_space<vmem>>
    %dma_wait3A_49 = tpu.memref_squeeze %dma_wait3A_48 : memref<1x96x128xf32, #tpu.memory_space<vmem>> -> memref<96x128xf32, #tpu.memory_space<vmem>>
    %dma_wait3A_50 = arith.constant 0 : i32
    %dma_wait3A_51 = arith.constant 0 : i32
    %dma_wait3A_52 = tpu.memref_slice %dma_wait3A_49[%dma_wait3A_50, %dma_wait3A_51] : memref<96x128xf32, #tpu.memory_space<vmem>> -> memref<48x128xf32, #tpu.memory_space<vmem>>
    tpu.wait_dma2 semaphore(%arg10 : memref<!tpu.dma_semaphore, #tpu.memory_space<semaphore_mem>>) src(%dma_wait3A_52 : memref<48x128xf32, #tpu.memory_space<vmem>>) dst(%dma_wait3A_45 : memref<48x128xf32, #tpu.memory_space<vmem_shared>>)
    %eq3A = arith.constant 15 : i32
    %eq3A_53 = arith.cmpi eq, %arg1, %eq3A : i32
    %convert_element_type3A = arith.extui %eq3A_53 : i1 to i32
    %cond3A = arith.constant 0 : i32
    %cond3A_54 = arith.cmpi ne, %convert_element_type3A, %cond3A : i32
    scf.if %cond3A_54 {
      %dma_start3A_330 = arith.constant 0 : i32
      %dma_start3A_331 = arith.constant 0 : i32
      %dma_start3A_332 = arith.constant 0 : i32
      %dma_start3A_333 = tpu.memref_slice %arg8[%dma_start3A_330, %dma_start3A_331, %dma_start3A_332] : memref<4x96x128xf32, #tpu.memory_space<vmem>> -> memref<1x96x128xf32, #tpu.memory_space<vmem>>
      %dma_start3A_334 = tpu.memref_squeeze %dma_start3A_333 : memref<1x96x128xf32, #tpu.memory_space<vmem>> -> memref<96x128xf32, #tpu.memory_space<vmem>>
      %dma_start3A_335 = arith.constant 0 : i32
      %dma_start3A_336 = arith.constant 0 : i32
      %dma_start3A_337 = tpu.memref_slice %dma_start3A_334[%dma_start3A_335, %dma_start3A_336] : memref<96x128xf32, #tpu.memory_space<vmem>> -> memref<16x128xf32, #tpu.memory_space<vmem>>
      %dma_start3A_338 = arith.constant 9984 : i32
      %dma_start3A_339 = arith.constant 0 : i32
      %dma_start3A_340 = tpu.memref_slice %arg5[%dma_start3A_338, %dma_start3A_339] : memref<10000x128xf32, #tpu.memory_space<vmem_shared>> -> memref<16x128xf32, #tpu.memory_space<vmem_shared>>
      %dma_start3A_341 = arith.constant 9984 : i32
      %dma_start3A_342 = arith.constant 0 : i32
      %dma_start3A_343 = tpu.memref_slice %arg5[%dma_start3A_341, %dma_start3A_342] : memref<10000x128xf32, #tpu.memory_space<vmem_shared>> -> memref<16x128xf32, #tpu.memory_space<vmem_shared>>
      %dma_start3A_344 = arith.constant 0 : i32
      %dma_start3A_345 = arith.constant 0 : i32
      %dma_start3A_346 = tpu.memref_slice %arg8[%dma_start3A_330, %dma_start3A_344, %dma_start3A_345] : memref<4x96x128xf32, #tpu.memory_space<vmem>> -> memref<1x96x128xf32, #tpu.memory_space<vmem>>
      %dma_start3A_347 = tpu.memref_squeeze %dma_start3A_346 : memref<1x96x128xf32, #tpu.memory_space<vmem>> -> memref<96x128xf32, #tpu.memory_space<vmem>>
      %dma_start3A_348 = arith.constant 0 : i32
      %dma_start3A_349 = arith.constant 0 : i32
      %dma_start3A_350 = tpu.memref_slice %dma_start3A_347[%dma_start3A_348, %dma_start3A_349] : memref<96x128xf32, #tpu.memory_space<vmem>> -> memref<16x128xf32, #tpu.memory_space<vmem>>
      tpu.enqueue_dma source(%dma_start3A_350 : memref<16x128xf32, #tpu.memory_space<vmem>>) target(%dma_start3A_343 : memref<16x128xf32, #tpu.memory_space<vmem_shared>>) target_semaphore(%arg10 : memref<!tpu.dma_semaphore, #tpu.memory_space<semaphore_mem>>)
      %dma_wait3A_351 = arith.constant 0 : i32
      %dma_wait3A_352 = arith.constant 0 : i32
      %dma_wait3A_353 = arith.constant 0 : i32
      %dma_wait3A_354 = tpu.memref_slice %arg8[%dma_wait3A_351, %dma_wait3A_352, %dma_wait3A_353] : memref<4x96x128xf32, #tpu.memory_space<vmem>> -> memref<1x96x128xf32, #tpu.memory_space<vmem>>
      %dma_wait3A_355 = tpu.memref_squeeze %dma_wait3A_354 : memref<1x96x128xf32, #tpu.memory_space<vmem>> -> memref<96x128xf32, #tpu.memory_space<vmem>>
      %dma_wait3A_356 = arith.constant 0 : i32
      %dma_wait3A_357 = arith.constant 0 : i32
      %dma_wait3A_358 = tpu.memref_slice %dma_wait3A_355[%dma_wait3A_356, %dma_wait3A_357] : memref<96x128xf32, #tpu.memory_space<vmem>> -> memref<16x128xf32, #tpu.memory_space<vmem>>
      %dma_wait3A_359 = arith.constant 9984 : i32
      %dma_wait3A_360 = arith.constant 0 : i32
      %dma_wait3A_361 = tpu.memref_slice %arg5[%dma_wait3A_359, %dma_wait3A_360] : memref<10000x128xf32, #tpu.memory_space<vmem_shared>> -> memref<16x128xf32, #tpu.memory_space<vmem_shared>>
      %dma_wait3A_362 = arith.constant 9984 : i32
      %dma_wait3A_363 = arith.constant 0 : i32
      %dma_wait3A_364 = tpu.memref_slice %arg5[%dma_wait3A_362, %dma_wait3A_363] : memref<10000x128xf32, #tpu.memory_space<vmem_shared>> -> memref<16x128xf32, #tpu.memory_space<vmem_shared>>
      %dma_wait3A_365 = arith.constant 0 : i32
      %dma_wait3A_366 = arith.constant 0 : i32
      %dma_wait3A_367 = tpu.memref_slice %arg8[%dma_wait3A_351, %dma_wait3A_365, %dma_wait3A_366] : memref<4x96x128xf32, #tpu.memory_space<vmem>> -> memref<1x96x128xf32, #tpu.memory_space<vmem>>
      %dma_wait3A_368 = tpu.memref_squeeze %dma_wait3A_367 : memref<1x96x128xf32, #tpu.memory_space<vmem>> -> memref<96x128xf32, #tpu.memory_space<vmem>>
      %dma_wait3A_369 = arith.constant 0 : i32
      %dma_wait3A_370 = arith.constant 0 : i32
      %dma_wait3A_371 = tpu.memref_slice %dma_wait3A_368[%dma_wait3A_369, %dma_wait3A_370] : memref<96x128xf32, #tpu.memory_space<vmem>> -> memref<16x128xf32, #tpu.memory_space<vmem>>
      tpu.wait_dma2 semaphore(%arg10 : memref<!tpu.dma_semaphore, #tpu.memory_space<semaphore_mem>>) src(%dma_wait3A_371 : memref<16x128xf32, #tpu.memory_space<vmem>>) dst(%dma_wait3A_364 : memref<16x128xf32, #tpu.memory_space<vmem_shared>>)
    } else {
    }
    %barrier3A = arith.constant 0 : index
    tpu.barrier barrier_id(%barrier3A)
    %add3A_55 = arith.constant 0 : i32
    %add3A_56 = arith.addi %add3A_55, %mul3A_4 : i32
    %add3A_57 = arith.constant 0 : i32
    %add3A_58 = arith.addi %add3A_56, %add3A_57 : i32
    %dma_start3A_59 = arith.constant 0 : i32
    %dma_start3A_60 = arith.constant 0 : i32
    %dma_start3A_61 = tpu.memref_slice %arg6[%dma_start3A_59, %dma_start3A_60] : memref<4x96xi32, #tpu.memory_space<vmem>> -> memref<1x96xi32, #tpu.memory_space<vmem>>
    %dma_start3A_62 = tpu.memref_squeeze %dma_start3A_61 : memref<1x96xi32, #tpu.memory_space<vmem>> -> memref<96xi32, #tpu.memory_space<vmem>>
    %dma_start3A_63 = tpu.memref_slice %arg3[%add3A_58] : memref<640000xi32, #tpu.memory_space<hbm>> -> memref<96xi32, #tpu.memory_space<hbm>>
    %dma_start3A_64 = arith.constant 0 : i32
    %dma_start3A_65 = tpu.memref_slice %arg6[%dma_start3A_59, %dma_start3A_64] : memref<4x96xi32, #tpu.memory_space<vmem>> -> memref<1x96xi32, #tpu.memory_space<vmem>>
    %dma_start3A_66 = tpu.memref_squeeze %dma_start3A_65 : memref<1x96xi32, #tpu.memory_space<vmem>> -> memref<96xi32, #tpu.memory_space<vmem>>
    %dma_start3A_67 = tpu.memref_slice %arg3[%add3A_58] : memref<640000xi32, #tpu.memory_space<hbm>> -> memref<96xi32, #tpu.memory_space<hbm>>
    tpu.enqueue_dma source(%dma_start3A_67 : memref<96xi32, #tpu.memory_space<hbm>>) target(%dma_start3A_66 : memref<96xi32, #tpu.memory_space<vmem>>) target_semaphore(%arg11 : memref<!tpu.dma_semaphore, #tpu.memory_space<semaphore_mem>>)
    %add3A_68 = arith.constant 320000 : i32
    %add3A_69 = arith.addi %add3A_68, %mul3A_4 : i32
    %add3A_70 = arith.constant 0 : i32
    %add3A_71 = arith.addi %add3A_69, %add3A_70 : i32
    %dma_start3A_72 = arith.constant 0 : i32
    %dma_start3A_73 = arith.constant 0 : i32
    %dma_start3A_74 = tpu.memref_slice %arg7[%dma_start3A_72, %dma_start3A_73] : memref<4x96xi32, #tpu.memory_space<vmem>> -> memref<1x96xi32, #tpu.memory_space<vmem>>
    %dma_start3A_75 = tpu.memref_squeeze %dma_start3A_74 : memref<1x96xi32, #tpu.memory_space<vmem>> -> memref<96xi32, #tpu.memory_space<vmem>>
    %dma_start3A_76 = tpu.memref_slice %arg3[%add3A_71] : memref<640000xi32, #tpu.memory_space<hbm>> -> memref<96xi32, #tpu.memory_space<hbm>>
    %dma_start3A_77 = arith.constant 0 : i32
    %dma_start3A_78 = tpu.memref_slice %arg7[%dma_start3A_72, %dma_start3A_77] : memref<4x96xi32, #tpu.memory_space<vmem>> -> memref<1x96xi32, #tpu.memory_space<vmem>>
    %dma_start3A_79 = tpu.memref_squeeze %dma_start3A_78 : memref<1x96xi32, #tpu.memory_space<vmem>> -> memref<96xi32, #tpu.memory_space<vmem>>
    %dma_start3A_80 = tpu.memref_slice %arg3[%add3A_71] : memref<640000xi32, #tpu.memory_space<hbm>> -> memref<96xi32, #tpu.memory_space<hbm>>
    tpu.enqueue_dma source(%dma_start3A_80 : memref<96xi32, #tpu.memory_space<hbm>>) target(%dma_start3A_79 : memref<96xi32, #tpu.memory_space<vmem>>) target_semaphore(%arg15 : memref<!tpu.dma_semaphore, #tpu.memory_space<semaphore_mem>>)
    %add3A_81 = arith.constant 0 : i32
    %add3A_82 = arith.addi %add3A_81, %mul3A_4 : i32
    %add3A_83 = arith.constant 96 : i32
    %add3A_84 = arith.addi %add3A_82, %add3A_83 : i32
    %dma_start3A_85 = arith.constant 1 : i32
    %dma_start3A_86 = arith.constant 0 : i32
    %dma_start3A_87 = tpu.memref_slice %arg6[%dma_start3A_85, %dma_start3A_86] : memref<4x96xi32, #tpu.memory_space<vmem>> -> memref<1x96xi32, #tpu.memory_space<vmem>>
    %dma_start3A_88 = tpu.memref_squeeze %dma_start3A_87 : memref<1x96xi32, #tpu.memory_space<vmem>> -> memref<96xi32, #tpu.memory_space<vmem>>
    %dma_start3A_89 = tpu.memref_slice %arg3[%add3A_84] : memref<640000xi32, #tpu.memory_space<hbm>> -> memref<96xi32, #tpu.memory_space<hbm>>
    %dma_start3A_90 = arith.constant 0 : i32
    %dma_start3A_91 = tpu.memref_slice %arg6[%dma_start3A_85, %dma_start3A_90] : memref<4x96xi32, #tpu.memory_space<vmem>> -> memref<1x96xi32, #tpu.memory_space<vmem>>
    %dma_start3A_92 = tpu.memref_squeeze %dma_start3A_91 : memref<1x96xi32, #tpu.memory_space<vmem>> -> memref<96xi32, #tpu.memory_space<vmem>>
    %dma_start3A_93 = tpu.memref_slice %arg3[%add3A_84] : memref<640000xi32, #tpu.memory_space<hbm>> -> memref<96xi32, #tpu.memory_space<hbm>>
    tpu.enqueue_dma source(%dma_start3A_93 : memref<96xi32, #tpu.memory_space<hbm>>) target(%dma_start3A_92 : memref<96xi32, #tpu.memory_space<vmem>>) target_semaphore(%arg12 : memref<!tpu.dma_semaphore, #tpu.memory_space<semaphore_mem>>)
    %add3A_94 = arith.constant 320000 : i32
    %add3A_95 = arith.addi %add3A_94, %mul3A_4 : i32
    %add3A_96 = arith.constant 96 : i32
    %add3A_97 = arith.addi %add3A_95, %add3A_96 : i32
    %dma_start3A_98 = arith.constant 1 : i32
    %dma_start3A_99 = arith.constant 0 : i32
    %dma_start3A_100 = tpu.memref_slice %arg7[%dma_start3A_98, %dma_start3A_99] : memref<4x96xi32, #tpu.memory_space<vmem>> -> memref<1x96xi32, #tpu.memory_space<vmem>>
    %dma_start3A_101 = tpu.memref_squeeze %dma_start3A_100 : memref<1x96xi32, #tpu.memory_space<vmem>> -> memref<96xi32, #tpu.memory_space<vmem>>
    %dma_start3A_102 = tpu.memref_slice %arg3[%add3A_97] : memref<640000xi32, #tpu.memory_space<hbm>> -> memref<96xi32, #tpu.memory_space<hbm>>
    %dma_start3A_103 = arith.constant 0 : i32
    %dma_start3A_104 = tpu.memref_slice %arg7[%dma_start3A_98, %dma_start3A_103] : memref<4x96xi32, #tpu.memory_space<vmem>> -> memref<1x96xi32, #tpu.memory_space<vmem>>
    %dma_start3A_105 = tpu.memref_squeeze %dma_start3A_104 : memref<1x96xi32, #tpu.memory_space<vmem>> -> memref<96xi32, #tpu.memory_space<vmem>>
    %dma_start3A_106 = tpu.memref_slice %arg3[%add3A_97] : memref<640000xi32, #tpu.memory_space<hbm>> -> memref<96xi32, #tpu.memory_space<hbm>>
    tpu.enqueue_dma source(%dma_start3A_106 : memref<96xi32, #tpu.memory_space<hbm>>) target(%dma_start3A_105 : memref<96xi32, #tpu.memory_space<vmem>>) target_semaphore(%arg16 : memref<!tpu.dma_semaphore, #tpu.memory_space<semaphore_mem>>)
    %add3A_107 = arith.constant 0 : i32
    %add3A_108 = arith.addi %add3A_107, %mul3A_4 : i32
    %add3A_109 = arith.constant 192 : i32
    %add3A_110 = arith.addi %add3A_108, %add3A_109 : i32
    %dma_start3A_111 = arith.constant 2 : i32
    %dma_start3A_112 = arith.constant 0 : i32
    %dma_start3A_113 = tpu.memref_slice %arg6[%dma_start3A_111, %dma_start3A_112] : memref<4x96xi32, #tpu.memory_space<vmem>> -> memref<1x96xi32, #tpu.memory_space<vmem>>
    %dma_start3A_114 = tpu.memref_squeeze %dma_start3A_113 : memref<1x96xi32, #tpu.memory_space<vmem>> -> memref<96xi32, #tpu.memory_space<vmem>>
    %dma_start3A_115 = tpu.memref_slice %arg3[%add3A_110] : memref<640000xi32, #tpu.memory_space<hbm>> -> memref<96xi32, #tpu.memory_space<hbm>>
    %dma_start3A_116 = arith.constant 0 : i32
    %dma_start3A_117 = tpu.memref_slice %arg6[%dma_start3A_111, %dma_start3A_116] : memref<4x96xi32, #tpu.memory_space<vmem>> -> memref<1x96xi32, #tpu.memory_space<vmem>>
    %dma_start3A_118 = tpu.memref_squeeze %dma_start3A_117 : memref<1x96xi32, #tpu.memory_space<vmem>> -> memref<96xi32, #tpu.memory_space<vmem>>
    %dma_start3A_119 = tpu.memref_slice %arg3[%add3A_110] : memref<640000xi32, #tpu.memory_space<hbm>> -> memref<96xi32, #tpu.memory_space<hbm>>
    tpu.enqueue_dma source(%dma_start3A_119 : memref<96xi32, #tpu.memory_space<hbm>>) target(%dma_start3A_118 : memref<96xi32, #tpu.memory_space<vmem>>) target_semaphore(%arg13 : memref<!tpu.dma_semaphore, #tpu.memory_space<semaphore_mem>>)
    %add3A_120 = arith.constant 320000 : i32
    %add3A_121 = arith.addi %add3A_120, %mul3A_4 : i32
    %add3A_122 = arith.constant 192 : i32
    %add3A_123 = arith.addi %add3A_121, %add3A_122 : i32
    %dma_start3A_124 = arith.constant 2 : i32
    %dma_start3A_125 = arith.constant 0 : i32
    %dma_start3A_126 = tpu.memref_slice %arg7[%dma_start3A_124, %dma_start3A_125] : memref<4x96xi32, #tpu.memory_space<vmem>> -> memref<1x96xi32, #tpu.memory_space<vmem>>
    %dma_start3A_127 = tpu.memref_squeeze %dma_start3A_126 : memref<1x96xi32, #tpu.memory_space<vmem>> -> memref<96xi32, #tpu.memory_space<vmem>>
    %dma_start3A_128 = tpu.memref_slice %arg3[%add3A_123] : memref<640000xi32, #tpu.memory_space<hbm>> -> memref<96xi32, #tpu.memory_space<hbm>>
    %dma_start3A_129 = arith.constant 0 : i32
    %dma_start3A_130 = tpu.memref_slice %arg7[%dma_start3A_124, %dma_start3A_129] : memref<4x96xi32, #tpu.memory_space<vmem>> -> memref<1x96xi32, #tpu.memory_space<vmem>>
    %dma_start3A_131 = tpu.memref_squeeze %dma_start3A_130 : memref<1x96xi32, #tpu.memory_space<vmem>> -> memref<96xi32, #tpu.memory_space<vmem>>
    %dma_start3A_132 = tpu.memref_slice %arg3[%add3A_123] : memref<640000xi32, #tpu.memory_space<hbm>> -> memref<96xi32, #tpu.memory_space<hbm>>
    tpu.enqueue_dma source(%dma_start3A_132 : memref<96xi32, #tpu.memory_space<hbm>>) target(%dma_start3A_131 : memref<96xi32, #tpu.memory_space<vmem>>) target_semaphore(%arg17 : memref<!tpu.dma_semaphore, #tpu.memory_space<semaphore_mem>>)
    %add3A_133 = arith.constant 0 : i32
    %add3A_134 = arith.addi %add3A_133, %mul3A_4 : i32
    %add3A_135 = arith.constant 0 : i32
    %add3A_136 = arith.addi %add3A_134, %add3A_135 : i32
    %dma_wait3A_137 = arith.constant 0 : i32
    %dma_wait3A_138 = arith.constant 0 : i32
    %dma_wait3A_139 = tpu.memref_slice %arg6[%dma_wait3A_137, %dma_wait3A_138] : memref<4x96xi32, #tpu.memory_space<vmem>> -> memref<1x96xi32, #tpu.memory_space<vmem>>
    %dma_wait3A_140 = tpu.memref_squeeze %dma_wait3A_139 : memref<1x96xi32, #tpu.memory_space<vmem>> -> memref<96xi32, #tpu.memory_space<vmem>>
    %dma_wait3A_141 = tpu.memref_slice %arg3[%add3A_136] : memref<640000xi32, #tpu.memory_space<hbm>> -> memref<96xi32, #tpu.memory_space<hbm>>
    %dma_wait3A_142 = arith.constant 0 : i32
    %dma_wait3A_143 = tpu.memref_slice %arg6[%dma_wait3A_137, %dma_wait3A_142] : memref<4x96xi32, #tpu.memory_space<vmem>> -> memref<1x96xi32, #tpu.memory_space<vmem>>
    %dma_wait3A_144 = tpu.memref_squeeze %dma_wait3A_143 : memref<1x96xi32, #tpu.memory_space<vmem>> -> memref<96xi32, #tpu.memory_space<vmem>>
    %dma_wait3A_145 = tpu.memref_slice %arg3[%add3A_136] : memref<640000xi32, #tpu.memory_space<hbm>> -> memref<96xi32, #tpu.memory_space<hbm>>
    tpu.wait_dma2 semaphore(%arg11 : memref<!tpu.dma_semaphore, #tpu.memory_space<semaphore_mem>>) src(%dma_wait3A_145 : memref<96xi32, #tpu.memory_space<hbm>>) dst(%dma_wait3A_144 : memref<96xi32, #tpu.memory_space<vmem>>)
    %dma_start3A_146 = arith.constant 0 : i32
    %dma_start3A_147 = arith.constant 0 : i32
    %dma_start3A_148 = arith.constant 0 : i32
    %dma_start3A_149 = arith.constant 0 : i32
    %dma_start3A_150 = tpu.memref_slice %arg8[%dma_start3A_147, %dma_start3A_148, %dma_start3A_149] : memref<4x96x128xf32, #tpu.memory_space<vmem>> -> memref<1x96x128xf32, #tpu.memory_space<vmem>>
    %dma_start3A_151 = tpu.memref_squeeze %dma_start3A_150 : memref<1x96x128xf32, #tpu.memory_space<vmem>> -> memref<96x128xf32, #tpu.memory_space<vmem>>
    %dma_start3A_152 = arith.constant 0 : i32
    %dma_start3A_153 = tpu.memref_slice %arg6[%dma_start3A_146, %dma_start3A_152] : memref<4x96xi32, #tpu.memory_space<vmem>> -> memref<1x96xi32, #tpu.memory_space<vmem>>
    %dma_start3A_154 = tpu.memref_squeeze %dma_start3A_153 : memref<1x96xi32, #tpu.memory_space<vmem>> -> memref<96xi32, #tpu.memory_space<vmem>>
    %dma_start3A_155 = arith.constant 0 : i32
    %dma_start3A_156 = arith.constant 0 : i32
    %dma_start3A_157 = tpu.memref_slice %arg2[%dma_start3A_155, %dma_start3A_156] : memref<10000x128xf32, #tpu.memory_space<hbm>> -> memref<10000x128xf32, #tpu.memory_space<hbm>>
    tpu.enqueue_indirect_dma source(%dma_start3A_157 : memref<10000x128xf32, #tpu.memory_space<hbm>>) target(%dma_start3A_151 : memref<96x128xf32, #tpu.memory_space<vmem>>) offsets(%dma_start3A_154 : memref<96xi32, #tpu.memory_space<vmem>>) semaphore(%arg19 : memref<!tpu.dma_semaphore, #tpu.memory_space<semaphore_mem>>)
    %add3A_158 = arith.constant 0 : i32
    %add3A_159 = arith.addi %add3A_158, %mul3A_4 : i32
    %add3A_160 = arith.constant 96 : i32
    %add3A_161 = arith.addi %add3A_159, %add3A_160 : i32
    %dma_wait3A_162 = arith.constant 1 : i32
    %dma_wait3A_163 = arith.constant 0 : i32
    %dma_wait3A_164 = tpu.memref_slice %arg6[%dma_wait3A_162, %dma_wait3A_163] : memref<4x96xi32, #tpu.memory_space<vmem>> -> memref<1x96xi32, #tpu.memory_space<vmem>>
    %dma_wait3A_165 = tpu.memref_squeeze %dma_wait3A_164 : memref<1x96xi32, #tpu.memory_space<vmem>> -> memref<96xi32, #tpu.memory_space<vmem>>
    %dma_wait3A_166 = tpu.memref_slice %arg3[%add3A_161] : memref<640000xi32, #tpu.memory_space<hbm>> -> memref<96xi32, #tpu.memory_space<hbm>>
    %dma_wait3A_167 = arith.constant 0 : i32
    %dma_wait3A_168 = tpu.memref_slice %arg6[%dma_wait3A_162, %dma_wait3A_167] : memref<4x96xi32, #tpu.memory_space<vmem>> -> memref<1x96xi32, #tpu.memory_space<vmem>>
    %dma_wait3A_169 = tpu.memref_squeeze %dma_wait3A_168 : memref<1x96xi32, #tpu.memory_space<vmem>> -> memref<96xi32, #tpu.memory_space<vmem>>
    %dma_wait3A_170 = tpu.memref_slice %arg3[%add3A_161] : memref<640000xi32, #tpu.memory_space<hbm>> -> memref<96xi32, #tpu.memory_space<hbm>>
    tpu.wait_dma2 semaphore(%arg12 : memref<!tpu.dma_semaphore, #tpu.memory_space<semaphore_mem>>) src(%dma_wait3A_170 : memref<96xi32, #tpu.memory_space<hbm>>) dst(%dma_wait3A_169 : memref<96xi32, #tpu.memory_space<vmem>>)
    %dma_start3A_171 = arith.constant 1 : i32
    %dma_start3A_172 = arith.constant 1 : i32
    %dma_start3A_173 = arith.constant 0 : i32
    %dma_start3A_174 = arith.constant 0 : i32
    %dma_start3A_175 = tpu.memref_slice %arg8[%dma_start3A_172, %dma_start3A_173, %dma_start3A_174] : memref<4x96x128xf32, #tpu.memory_space<vmem>> -> memref<1x96x128xf32, #tpu.memory_space<vmem>>
    %dma_start3A_176 = tpu.memref_squeeze %dma_start3A_175 : memref<1x96x128xf32, #tpu.memory_space<vmem>> -> memref<96x128xf32, #tpu.memory_space<vmem>>
    %dma_start3A_177 = arith.constant 0 : i32
    %dma_start3A_178 = tpu.memref_slice %arg6[%dma_start3A_171, %dma_start3A_177] : memref<4x96xi32, #tpu.memory_space<vmem>> -> memref<1x96xi32, #tpu.memory_space<vmem>>
    %dma_start3A_179 = tpu.memref_squeeze %dma_start3A_178 : memref<1x96xi32, #tpu.memory_space<vmem>> -> memref<96xi32, #tpu.memory_space<vmem>>
    %dma_start3A_180 = arith.constant 0 : i32
    %dma_start3A_181 = arith.constant 0 : i32
    %dma_start3A_182 = tpu.memref_slice %arg2[%dma_start3A_180, %dma_start3A_181] : memref<10000x128xf32, #tpu.memory_space<hbm>> -> memref<10000x128xf32, #tpu.memory_space<hbm>>
    tpu.enqueue_indirect_dma source(%dma_start3A_182 : memref<10000x128xf32, #tpu.memory_space<hbm>>) target(%dma_start3A_176 : memref<96x128xf32, #tpu.memory_space<vmem>>) offsets(%dma_start3A_179 : memref<96xi32, #tpu.memory_space<vmem>>) semaphore(%arg20 : memref<!tpu.dma_semaphore, #tpu.memory_space<semaphore_mem>>)
    %scan3A_183 = arith.constant 0 : i32
    %scan3A_184 = arith.constant 26 : i32
    %scan3A_185 = arith.addi %scan3A_183, %scan3A_184 : i32
    %scan3A_186 = arith.constant 1 : i32
    scf.for %scan3A_330 = %scan3A_183 to %scan3A_185 step %scan3A_186  : i32 {
      %mul3A_331 = arith.constant 4 : i32
      %mul3A_332 = arith.muli %scan3A_330, %mul3A_331 : i32
      %add3A_333 = arith.constant 0 : i32
      %add3A_334 = arith.addi %add3A_333, %mul3A_332 : i32
      %add3A_335 = arith.constant 0 : i32
      %add3A_336 = arith.addi %add3A_334, %add3A_335 : i32
      %add3A_337 = arith.constant 2 : i32
      %add3A_338 = arith.addi %add3A_336, %add3A_337 : i32
      %lt3A = arith.constant 104 : i32
      %lt3A_339 = arith.cmpi slt, %add3A_338, %lt3A : i32
      %convert_element_type3A_340 = arith.extui %lt3A_339 : i1 to i32
      %cond3A_341 = arith.constant 0 : i32
      %cond3A_342 = arith.cmpi ne, %convert_element_type3A_340, %cond3A_341 : i32
      scf.if %cond3A_342 {
        %add3A_577 = arith.constant 2 : i32
        %add3A_578 = arith.addi %add3A_336, %add3A_577 : i32
        %add3A_579 = arith.constant 0 : i32
        %add3A_580 = arith.addi %add3A_579, %mul3A_4 : i32
        %mul3A_581 = arith.constant 96 : i32
        %mul3A_582 = arith.muli %add3A_578, %mul3A_581 : i32
        %add3A_583 = arith.addi %add3A_580, %mul3A_582 : i32
        %dma_wait3A_584 = arith.constant 2 : i32
        %dma_wait3A_585 = arith.constant 0 : i32
        %dma_wait3A_586 = tpu.memref_slice %arg6[%dma_wait3A_584, %dma_wait3A_585] : memref<4x96xi32, #tpu.memory_space<vmem>> -> memref<1x96xi32, #tpu.memory_space<vmem>>
        %dma_wait3A_587 = tpu.memref_squeeze %dma_wait3A_586 : memref<1x96xi32, #tpu.memory_space<vmem>> -> memref<96xi32, #tpu.memory_space<vmem>>
        %dma_wait3A_588 = tpu.memref_slice %arg3[%add3A_583] : memref<640000xi32, #tpu.memory_space<hbm>> -> memref<96xi32, #tpu.memory_space<hbm>>
        %dma_wait3A_589 = arith.constant 0 : i32
        %dma_wait3A_590 = tpu.memref_slice %arg6[%dma_wait3A_584, %dma_wait3A_589] : memref<4x96xi32, #tpu.memory_space<vmem>> -> memref<1x96xi32, #tpu.memory_space<vmem>>
        %dma_wait3A_591 = tpu.memref_squeeze %dma_wait3A_590 : memref<1x96xi32, #tpu.memory_space<vmem>> -> memref<96xi32, #tpu.memory_space<vmem>>
        %dma_wait3A_592 = tpu.memref_slice %arg3[%add3A_583] : memref<640000xi32, #tpu.memory_space<hbm>> -> memref<96xi32, #tpu.memory_space<hbm>>
        tpu.wait_dma2 semaphore(%arg13 : memref<!tpu.dma_semaphore, #tpu.memory_space<semaphore_mem>>) src(%dma_wait3A_592 : memref<96xi32, #tpu.memory_space<hbm>>) dst(%dma_wait3A_591 : memref<96xi32, #tpu.memory_space<vmem>>)
        %dma_start3A_593 = arith.constant 2 : i32
        %dma_start3A_594 = arith.constant 2 : i32
        %dma_start3A_595 = arith.constant 0 : i32
        %dma_start3A_596 = arith.constant 0 : i32
        %dma_start3A_597 = tpu.memref_slice %arg8[%dma_start3A_594, %dma_start3A_595, %dma_start3A_596] : memref<4x96x128xf32, #tpu.memory_space<vmem>> -> memref<1x96x128xf32, #tpu.memory_space<vmem>>
        %dma_start3A_598 = tpu.memref_squeeze %dma_start3A_597 : memref<1x96x128xf32, #tpu.memory_space<vmem>> -> memref<96x128xf32, #tpu.memory_space<vmem>>
        %dma_start3A_599 = arith.constant 0 : i32
        %dma_start3A_600 = tpu.memref_slice %arg6[%dma_start3A_593, %dma_start3A_599] : memref<4x96xi32, #tpu.memory_space<vmem>> -> memref<1x96xi32, #tpu.memory_space<vmem>>
        %dma_start3A_601 = tpu.memref_squeeze %dma_start3A_600 : memref<1x96xi32, #tpu.memory_space<vmem>> -> memref<96xi32, #tpu.memory_space<vmem>>
        %dma_start3A_602 = arith.constant 0 : i32
        %dma_start3A_603 = arith.constant 0 : i32
        %dma_start3A_604 = tpu.memref_slice %arg2[%dma_start3A_602, %dma_start3A_603] : memref<10000x128xf32, #tpu.memory_space<hbm>> -> memref<10000x128xf32, #tpu.memory_space<hbm>>
        tpu.enqueue_indirect_dma source(%dma_start3A_604 : memref<10000x128xf32, #tpu.memory_space<hbm>>) target(%dma_start3A_598 : memref<96x128xf32, #tpu.memory_space<vmem>>) offsets(%dma_start3A_601 : memref<96xi32, #tpu.memory_space<vmem>>) semaphore(%arg21 : memref<!tpu.dma_semaphore, #tpu.memory_space<semaphore_mem>>)
      } else {
      }
      %dma_wait3A_343 = arith.constant 0 : i32
      %dma_wait3A_344 = arith.constant 0 : i32
      %dma_wait3A_345 = arith.constant 0 : i32
      %dma_wait3A_346 = arith.constant 0 : i32
      %dma_wait3A_347 = tpu.memref_slice %arg8[%dma_wait3A_344, %dma_wait3A_345, %dma_wait3A_346] : memref<4x96x128xf32, #tpu.memory_space<vmem>> -> memref<1x96x128xf32, #tpu.memory_space<vmem>>
      %dma_wait3A_348 = tpu.memref_squeeze %dma_wait3A_347 : memref<1x96x128xf32, #tpu.memory_space<vmem>> -> memref<96x128xf32, #tpu.memory_space<vmem>>
      %dma_wait3A_349 = arith.constant 0 : i32
      %dma_wait3A_350 = tpu.memref_slice %arg6[%dma_wait3A_343, %dma_wait3A_349] : memref<4x96xi32, #tpu.memory_space<vmem>> -> memref<1x96xi32, #tpu.memory_space<vmem>>
      %dma_wait3A_351 = tpu.memref_squeeze %dma_wait3A_350 : memref<1x96xi32, #tpu.memory_space<vmem>> -> memref<96xi32, #tpu.memory_space<vmem>>
      %dma_wait3A_352 = arith.constant 0 : i32
      %dma_wait3A_353 = arith.constant 0 : i32
      %dma_wait3A_354 = tpu.memref_slice %arg2[%dma_wait3A_352, %dma_wait3A_353] : memref<10000x128xf32, #tpu.memory_space<hbm>> -> memref<10000x128xf32, #tpu.memory_space<hbm>>
      tpu.wait_indirect_dma semaphore(%arg19 : memref<!tpu.dma_semaphore, #tpu.memory_space<semaphore_mem>>) src(%dma_wait3A_354 : memref<10000x128xf32, #tpu.memory_space<hbm>>) dst(%dma_wait3A_348 : memref<96x128xf32, #tpu.memory_space<vmem>>)
      %add3A_355 = arith.constant 320000 : i32
      %add3A_356 = arith.addi %add3A_355, %mul3A_4 : i32
      %mul3A_357 = arith.constant 96 : i32
      %mul3A_358 = arith.muli %add3A_336, %mul3A_357 : i32
      %add3A_359 = arith.addi %add3A_356, %mul3A_358 : i32
      %dma_wait3A_360 = arith.constant 0 : i32
      %dma_wait3A_361 = arith.constant 0 : i32
      %dma_wait3A_362 = tpu.memref_slice %arg7[%dma_wait3A_360, %dma_wait3A_361] : memref<4x96xi32, #tpu.memory_space<vmem>> -> memref<1x96xi32, #tpu.memory_space<vmem>>
      %dma_wait3A_363 = tpu.memref_squeeze %dma_wait3A_362 : memref<1x96xi32, #tpu.memory_space<vmem>> -> memref<96xi32, #tpu.memory_space<vmem>>
      %dma_wait3A_364 = tpu.memref_slice %arg3[%add3A_359] : memref<640000xi32, #tpu.memory_space<hbm>> -> memref<96xi32, #tpu.memory_space<hbm>>
      %dma_wait3A_365 = arith.constant 0 : i32
      %dma_wait3A_366 = tpu.memref_slice %arg7[%dma_wait3A_360, %dma_wait3A_365] : memref<4x96xi32, #tpu.memory_space<vmem>> -> memref<1x96xi32, #tpu.memory_space<vmem>>
      %dma_wait3A_367 = tpu.memref_squeeze %dma_wait3A_366 : memref<1x96xi32, #tpu.memory_space<vmem>> -> memref<96xi32, #tpu.memory_space<vmem>>
      %dma_wait3A_368 = tpu.memref_slice %arg3[%add3A_359] : memref<640000xi32, #tpu.memory_space<hbm>> -> memref<96xi32, #tpu.memory_space<hbm>>
      tpu.wait_dma2 semaphore(%arg15 : memref<!tpu.dma_semaphore, #tpu.memory_space<semaphore_mem>>) src(%dma_wait3A_368 : memref<96xi32, #tpu.memory_space<hbm>>) dst(%dma_wait3A_367 : memref<96xi32, #tpu.memory_space<vmem>>)
      %dma_start3A_369 = arith.constant 0 : i32
      %dma_start3A_370 = arith.constant 0 : i32
      %dma_start3A_371 = arith.constant 0 : i32
      %dma_start3A_372 = arith.constant 0 : i32
      %dma_start3A_373 = tpu.memref_slice %arg8[%dma_start3A_369, %dma_start3A_371, %dma_start3A_372] : memref<4x96x128xf32, #tpu.memory_space<vmem>> -> memref<1x96x128xf32, #tpu.memory_space<vmem>>
      %dma_start3A_374 = tpu.memref_squeeze %dma_start3A_373 : memref<1x96x128xf32, #tpu.memory_space<vmem>> -> memref<96x128xf32, #tpu.memory_space<vmem>>
      %dma_start3A_375 = arith.constant 0 : i32
      %dma_start3A_376 = tpu.memref_slice %arg7[%dma_start3A_370, %dma_start3A_375] : memref<4x96xi32, #tpu.memory_space<vmem>> -> memref<1x96xi32, #tpu.memory_space<vmem>>
      %dma_start3A_377 = tpu.memref_squeeze %dma_start3A_376 : memref<1x96xi32, #tpu.memory_space<vmem>> -> memref<96xi32, #tpu.memory_space<vmem>>
      %dma_start3A_378 = arith.constant 0 : i32
      %dma_start3A_379 = arith.constant 0 : i32
      %dma_start3A_380 = tpu.memref_slice %arg5[%dma_start3A_378, %dma_start3A_379] : memref<10000x128xf32, #tpu.memory_space<vmem_shared>> -> memref<10000x128xf32, #tpu.memory_space<vmem_shared>>
      tpu.enqueue_indirect_dma source(%dma_start3A_374 : memref<96x128xf32, #tpu.memory_space<vmem>>) target(%dma_start3A_380 : memref<10000x128xf32, #tpu.memory_space<vmem_shared>>) offsets(%dma_start3A_377 : memref<96xi32, #tpu.memory_space<vmem>>) semaphore(%arg23 : memref<!tpu.dma_semaphore, #tpu.memory_space<semaphore_mem>>) {add = true}
      %ge3A = arith.constant 1 : i32
      %ge3A_381 = arith.cmpi sge, %add3A_336, %ge3A : i32
      %convert_element_type3A_382 = arith.extui %ge3A_381 : i1 to i32
      %cond3A_383 = arith.constant 0 : i32
      %cond3A_384 = arith.cmpi ne, %convert_element_type3A_382, %cond3A_383 : i32
      scf.if %cond3A_384 {
        %dma_wait3A_577 = arith.constant 3 : i32
        %dma_wait3A_578 = arith.constant 3 : i32
        %dma_wait3A_579 = arith.constant 0 : i32
        %dma_wait3A_580 = arith.constant 0 : i32
        %dma_wait3A_581 = tpu.memref_slice %arg8[%dma_wait3A_577, %dma_wait3A_579, %dma_wait3A_580] : memref<4x96x128xf32, #tpu.memory_space<vmem>> -> memref<1x96x128xf32, #tpu.memory_space<vmem>>
        %dma_wait3A_582 = tpu.memref_squeeze %dma_wait3A_581 : memref<1x96x128xf32, #tpu.memory_space<vmem>> -> memref<96x128xf32, #tpu.memory_space<vmem>>
        %dma_wait3A_583 = arith.constant 0 : i32
        %dma_wait3A_584 = tpu.memref_slice %arg7[%dma_wait3A_578, %dma_wait3A_583] : memref<4x96xi32, #tpu.memory_space<vmem>> -> memref<1x96xi32, #tpu.memory_space<vmem>>
        %dma_wait3A_585 = tpu.memref_squeeze %dma_wait3A_584 : memref<1x96xi32, #tpu.memory_space<vmem>> -> memref<96xi32, #tpu.memory_space<vmem>>
        %dma_wait3A_586 = arith.constant 0 : i32
        %dma_wait3A_587 = arith.constant 0 : i32
        %dma_wait3A_588 = tpu.memref_slice %arg5[%dma_wait3A_586, %dma_wait3A_587] : memref<10000x128xf32, #tpu.memory_space<vmem_shared>> -> memref<10000x128xf32, #tpu.memory_space<vmem_shared>>
        tpu.wait_indirect_dma semaphore(%arg26 : memref<!tpu.dma_semaphore, #tpu.memory_space<semaphore_mem>>) src(%dma_wait3A_582 : memref<96x128xf32, #tpu.memory_space<vmem>>) dst(%dma_wait3A_588 : memref<10000x128xf32, #tpu.memory_space<vmem_shared>>)
      } else {
      }
      %add3A_385 = arith.constant 2 : i32
      %add3A_386 = arith.addi %add3A_336, %add3A_385 : i32
      %add3A_387 = arith.constant 1 : i32
      %add3A_388 = arith.addi %add3A_386, %add3A_387 : i32
      %lt3A_389 = arith.constant 104 : i32
      %lt3A_390 = arith.cmpi slt, %add3A_388, %lt3A_389 : i32
      %convert_element_type3A_391 = arith.extui %lt3A_390 : i1 to i32
      %cond3A_392 = arith.constant 0 : i32
      %cond3A_393 = arith.cmpi ne, %convert_element_type3A_391, %cond3A_392 : i32
      scf.if %cond3A_393 {
        %add3A_577 = arith.constant 2 : i32
        %add3A_578 = arith.addi %add3A_336, %add3A_577 : i32
        %add3A_579 = arith.constant 1 : i32
        %add3A_580 = arith.addi %add3A_578, %add3A_579 : i32
        %add3A_581 = arith.constant 0 : i32
        %add3A_582 = arith.addi %add3A_581, %mul3A_4 : i32
        %mul3A_583 = arith.constant 96 : i32
        %mul3A_584 = arith.muli %add3A_580, %mul3A_583 : i32
        %add3A_585 = arith.addi %add3A_582, %mul3A_584 : i32
        %dma_start3A_586 = arith.constant 3 : i32
        %dma_start3A_587 = arith.constant 0 : i32
        %dma_start3A_588 = tpu.memref_slice %arg6[%dma_start3A_586, %dma_start3A_587] : memref<4x96xi32, #tpu.memory_space<vmem>> -> memref<1x96xi32, #tpu.memory_space<vmem>>
        %dma_start3A_589 = tpu.memref_squeeze %dma_start3A_588 : memref<1x96xi32, #tpu.memory_space<vmem>> -> memref<96xi32, #tpu.memory_space<vmem>>
        %dma_start3A_590 = tpu.memref_slice %arg3[%add3A_585] : memref<640000xi32, #tpu.memory_space<hbm>> -> memref<96xi32, #tpu.memory_space<hbm>>
        %dma_start3A_591 = arith.constant 0 : i32
        %dma_start3A_592 = tpu.memref_slice %arg6[%dma_start3A_586, %dma_start3A_591] : memref<4x96xi32, #tpu.memory_space<vmem>> -> memref<1x96xi32, #tpu.memory_space<vmem>>
        %dma_start3A_593 = tpu.memref_squeeze %dma_start3A_592 : memref<1x96xi32, #tpu.memory_space<vmem>> -> memref<96xi32, #tpu.memory_space<vmem>>
        %dma_start3A_594 = tpu.memref_slice %arg3[%add3A_585] : memref<640000xi32, #tpu.memory_space<hbm>> -> memref<96xi32, #tpu.memory_space<hbm>>
        tpu.enqueue_dma source(%dma_start3A_594 : memref<96xi32, #tpu.memory_space<hbm>>) target(%dma_start3A_593 : memref<96xi32, #tpu.memory_space<vmem>>) target_semaphore(%arg14 : memref<!tpu.dma_semaphore, #tpu.memory_space<semaphore_mem>>)
        %add3A_595 = arith.constant 2 : i32
        %add3A_596 = arith.addi %add3A_336, %add3A_595 : i32
        %add3A_597 = arith.constant 1 : i32
        %add3A_598 = arith.addi %add3A_596, %add3A_597 : i32
        %add3A_599 = arith.constant 320000 : i32
        %add3A_600 = arith.addi %add3A_599, %mul3A_4 : i32
        %mul3A_601 = arith.constant 96 : i32
        %mul3A_602 = arith.muli %add3A_598, %mul3A_601 : i32
        %add3A_603 = arith.addi %add3A_600, %mul3A_602 : i32
        %dma_start3A_604 = arith.constant 3 : i32
        %dma_start3A_605 = arith.constant 0 : i32
        %dma_start3A_606 = tpu.memref_slice %arg7[%dma_start3A_604, %dma_start3A_605] : memref<4x96xi32, #tpu.memory_space<vmem>> -> memref<1x96xi32, #tpu.memory_space<vmem>>
        %dma_start3A_607 = tpu.memref_squeeze %dma_start3A_606 : memref<1x96xi32, #tpu.memory_space<vmem>> -> memref<96xi32, #tpu.memory_space<vmem>>
        %dma_start3A_608 = tpu.memref_slice %arg3[%add3A_603] : memref<640000xi32, #tpu.memory_space<hbm>> -> memref<96xi32, #tpu.memory_space<hbm>>
        %dma_start3A_609 = arith.constant 0 : i32
        %dma_start3A_610 = tpu.memref_slice %arg7[%dma_start3A_604, %dma_start3A_609] : memref<4x96xi32, #tpu.memory_space<vmem>> -> memref<1x96xi32, #tpu.memory_space<vmem>>
        %dma_start3A_611 = tpu.memref_squeeze %dma_start3A_610 : memref<1x96xi32, #tpu.memory_space<vmem>> -> memref<96xi32, #tpu.memory_space<vmem>>
        %dma_start3A_612 = tpu.memref_slice %arg3[%add3A_603] : memref<640000xi32, #tpu.memory_space<hbm>> -> memref<96xi32, #tpu.memory_space<hbm>>
        tpu.enqueue_dma source(%dma_start3A_612 : memref<96xi32, #tpu.memory_space<hbm>>) target(%dma_start3A_611 : memref<96xi32, #tpu.memory_space<vmem>>) target_semaphore(%arg18 : memref<!tpu.dma_semaphore, #tpu.memory_space<semaphore_mem>>)
      } else {
      }
      %add3A_394 = arith.constant 1 : i32
      %add3A_395 = arith.addi %add3A_334, %add3A_394 : i32
      %add3A_396 = arith.constant 2 : i32
      %add3A_397 = arith.addi %add3A_395, %add3A_396 : i32
      %lt3A_398 = arith.constant 104 : i32
      %lt3A_399 = arith.cmpi slt, %add3A_397, %lt3A_398 : i32
      %convert_element_type3A_400 = arith.extui %lt3A_399 : i1 to i32
      %cond3A_401 = arith.constant 0 : i32
      %cond3A_402 = arith.cmpi ne, %convert_element_type3A_400, %cond3A_401 : i32
      scf.if %cond3A_402 {
        %add3A_577 = arith.constant 2 : i32
        %add3A_578 = arith.addi %add3A_395, %add3A_577 : i32
        %add3A_579 = arith.constant 0 : i32
        %add3A_580 = arith.addi %add3A_579, %mul3A_4 : i32
        %mul3A_581 = arith.constant 96 : i32
        %mul3A_582 = arith.muli %add3A_578, %mul3A_581 : i32
        %add3A_583 = arith.addi %add3A_580, %mul3A_582 : i32
        %dma_wait3A_584 = arith.constant 3 : i32
        %dma_wait3A_585 = arith.constant 0 : i32
        %dma_wait3A_586 = tpu.memref_slice %arg6[%dma_wait3A_584, %dma_wait3A_585] : memref<4x96xi32, #tpu.memory_space<vmem>> -> memref<1x96xi32, #tpu.memory_space<vmem>>
        %dma_wait3A_587 = tpu.memref_squeeze %dma_wait3A_586 : memref<1x96xi32, #tpu.memory_space<vmem>> -> memref<96xi32, #tpu.memory_space<vmem>>
        %dma_wait3A_588 = tpu.memref_slice %arg3[%add3A_583] : memref<640000xi32, #tpu.memory_space<hbm>> -> memref<96xi32, #tpu.memory_space<hbm>>
        %dma_wait3A_589 = arith.constant 0 : i32
        %dma_wait3A_590 = tpu.memref_slice %arg6[%dma_wait3A_584, %dma_wait3A_589] : memref<4x96xi32, #tpu.memory_space<vmem>> -> memref<1x96xi32, #tpu.memory_space<vmem>>
        %dma_wait3A_591 = tpu.memref_squeeze %dma_wait3A_590 : memref<1x96xi32, #tpu.memory_space<vmem>> -> memref<96xi32, #tpu.memory_space<vmem>>
        %dma_wait3A_592 = tpu.memref_slice %arg3[%add3A_583] : memref<640000xi32, #tpu.memory_space<hbm>> -> memref<96xi32, #tpu.memory_space<hbm>>
        tpu.wait_dma2 semaphore(%arg14 : memref<!tpu.dma_semaphore, #tpu.memory_space<semaphore_mem>>) src(%dma_wait3A_592 : memref<96xi32, #tpu.memory_space<hbm>>) dst(%dma_wait3A_591 : memref<96xi32, #tpu.memory_space<vmem>>)
        %dma_start3A_593 = arith.constant 3 : i32
        %dma_start3A_594 = arith.constant 3 : i32
        %dma_start3A_595 = arith.constant 0 : i32
        %dma_start3A_596 = arith.constant 0 : i32
        %dma_start3A_597 = tpu.memref_slice %arg8[%dma_start3A_594, %dma_start3A_595, %dma_start3A_596] : memref<4x96x128xf32, #tpu.memory_space<vmem>> -> memref<1x96x128xf32, #tpu.memory_space<vmem>>
        %dma_start3A_598 = tpu.memref_squeeze %dma_start3A_597 : memref<1x96x128xf32, #tpu.memory_space<vmem>> -> memref<96x128xf32, #tpu.memory_space<vmem>>
        %dma_start3A_599 = arith.constant 0 : i32
        %dma_start3A_600 = tpu.memref_slice %arg6[%dma_start3A_593, %dma_start3A_599] : memref<4x96xi32, #tpu.memory_space<vmem>> -> memref<1x96xi32, #tpu.memory_space<vmem>>
        %dma_start3A_601 = tpu.memref_squeeze %dma_start3A_600 : memref<1x96xi32, #tpu.memory_space<vmem>> -> memref<96xi32, #tpu.memory_space<vmem>>
        %dma_start3A_602 = arith.constant 0 : i32
        %dma_start3A_603 = arith.constant 0 : i32
        %dma_start3A_604 = tpu.memref_slice %arg2[%dma_start3A_602, %dma_start3A_603] : memref<10000x128xf32, #tpu.memory_space<hbm>> -> memref<10000x128xf32, #tpu.memory_space<hbm>>
        tpu.enqueue_indirect_dma source(%dma_start3A_604 : memref<10000x128xf32, #tpu.memory_space<hbm>>) target(%dma_start3A_598 : memref<96x128xf32, #tpu.memory_space<vmem>>) offsets(%dma_start3A_601 : memref<96xi32, #tpu.memory_space<vmem>>) semaphore(%arg22 : memref<!tpu.dma_semaphore, #tpu.memory_space<semaphore_mem>>)
      } else {
      }
      %dma_wait3A_403 = arith.constant 1 : i32
      %dma_wait3A_404 = arith.constant 1 : i32
      %dma_wait3A_405 = arith.constant 0 : i32
      %dma_wait3A_406 = arith.constant 0 : i32
      %dma_wait3A_407 = tpu.memref_slice %arg8[%dma_wait3A_404, %dma_wait3A_405, %dma_wait3A_406] : memref<4x96x128xf32, #tpu.memory_space<vmem>> -> memref<1x96x128xf32, #tpu.memory_space<vmem>>
      %dma_wait3A_408 = tpu.memref_squeeze %dma_wait3A_407 : memref<1x96x128xf32, #tpu.memory_space<vmem>> -> memref<96x128xf32, #tpu.memory_space<vmem>>
      %dma_wait3A_409 = arith.constant 0 : i32
      %dma_wait3A_410 = tpu.memref_slice %arg6[%dma_wait3A_403, %dma_wait3A_409] : memref<4x96xi32, #tpu.memory_space<vmem>> -> memref<1x96xi32, #tpu.memory_space<vmem>>
      %dma_wait3A_411 = tpu.memref_squeeze %dma_wait3A_410 : memref<1x96xi32, #tpu.memory_space<vmem>> -> memref<96xi32, #tpu.memory_space<vmem>>
      %dma_wait3A_412 = arith.constant 0 : i32
      %dma_wait3A_413 = arith.constant 0 : i32
      %dma_wait3A_414 = tpu.memref_slice %arg2[%dma_wait3A_412, %dma_wait3A_413] : memref<10000x128xf32, #tpu.memory_space<hbm>> -> memref<10000x128xf32, #tpu.memory_space<hbm>>
      tpu.wait_indirect_dma semaphore(%arg20 : memref<!tpu.dma_semaphore, #tpu.memory_space<semaphore_mem>>) src(%dma_wait3A_414 : memref<10000x128xf32, #tpu.memory_space<hbm>>) dst(%dma_wait3A_408 : memref<96x128xf32, #tpu.memory_space<vmem>>)
      %add3A_415 = arith.constant 320000 : i32
      %add3A_416 = arith.addi %add3A_415, %mul3A_4 : i32
      %mul3A_417 = arith.constant 96 : i32
      %mul3A_418 = arith.muli %add3A_395, %mul3A_417 : i32
      %add3A_419 = arith.addi %add3A_416, %mul3A_418 : i32
      %dma_wait3A_420 = arith.constant 1 : i32
      %dma_wait3A_421 = arith.constant 0 : i32
      %dma_wait3A_422 = tpu.memref_slice %arg7[%dma_wait3A_420, %dma_wait3A_421] : memref<4x96xi32, #tpu.memory_space<vmem>> -> memref<1x96xi32, #tpu.memory_space<vmem>>
      %dma_wait3A_423 = tpu.memref_squeeze %dma_wait3A_422 : memref<1x96xi32, #tpu.memory_space<vmem>> -> memref<96xi32, #tpu.memory_space<vmem>>
      %dma_wait3A_424 = tpu.memref_slice %arg3[%add3A_419] : memref<640000xi32, #tpu.memory_space<hbm>> -> memref<96xi32, #tpu.memory_space<hbm>>
      %dma_wait3A_425 = arith.constant 0 : i32
      %dma_wait3A_426 = tpu.memref_slice %arg7[%dma_wait3A_420, %dma_wait3A_425] : memref<4x96xi32, #tpu.memory_space<vmem>> -> memref<1x96xi32, #tpu.memory_space<vmem>>
      %dma_wait3A_427 = tpu.memref_squeeze %dma_wait3A_426 : memref<1x96xi32, #tpu.memory_space<vmem>> -> memref<96xi32, #tpu.memory_space<vmem>>
      %dma_wait3A_428 = tpu.memref_slice %arg3[%add3A_419] : memref<640000xi32, #tpu.memory_space<hbm>> -> memref<96xi32, #tpu.memory_space<hbm>>
      tpu.wait_dma2 semaphore(%arg16 : memref<!tpu.dma_semaphore, #tpu.memory_space<semaphore_mem>>) src(%dma_wait3A_428 : memref<96xi32, #tpu.memory_space<hbm>>) dst(%dma_wait3A_427 : memref<96xi32, #tpu.memory_space<vmem>>)
      %dma_start3A_429 = arith.constant 1 : i32
      %dma_start3A_430 = arith.constant 1 : i32
      %dma_start3A_431 = arith.constant 0 : i32
      %dma_start3A_432 = arith.constant 0 : i32
      %dma_start3A_433 = tpu.memref_slice %arg8[%dma_start3A_429, %dma_start3A_431, %dma_start3A_432] : memref<4x96x128xf32, #tpu.memory_space<vmem>> -> memref<1x96x128xf32, #tpu.memory_space<vmem>>
      %dma_start3A_434 = tpu.memref_squeeze %dma_start3A_433 : memref<1x96x128xf32, #tpu.memory_space<vmem>> -> memref<96x128xf32, #tpu.memory_space<vmem>>
      %dma_start3A_435 = arith.constant 0 : i32
      %dma_start3A_436 = tpu.memref_slice %arg7[%dma_start3A_430, %dma_start3A_435] : memref<4x96xi32, #tpu.memory_space<vmem>> -> memref<1x96xi32, #tpu.memory_space<vmem>>
      %dma_start3A_437 = tpu.memref_squeeze %dma_start3A_436 : memref<1x96xi32, #tpu.memory_space<vmem>> -> memref<96xi32, #tpu.memory_space<vmem>>
      %dma_start3A_438 = arith.constant 0 : i32
      %dma_start3A_439 = arith.constant 0 : i32
      %dma_start3A_440 = tpu.memref_slice %arg5[%dma_start3A_438, %dma_start3A_439] : memref<10000x128xf32, #tpu.memory_space<vmem_shared>> -> memref<10000x128xf32, #tpu.memory_space<vmem_shared>>
      tpu.enqueue_indirect_dma source(%dma_start3A_434 : memref<96x128xf32, #tpu.memory_space<vmem>>) target(%dma_start3A_440 : memref<10000x128xf32, #tpu.memory_space<vmem_shared>>) offsets(%dma_start3A_437 : memref<96xi32, #tpu.memory_space<vmem>>) semaphore(%arg24 : memref<!tpu.dma_semaphore, #tpu.memory_space<semaphore_mem>>) {add = true}
      %ge3A_441 = arith.constant 1 : i32
      %ge3A_442 = arith.cmpi sge, %add3A_395, %ge3A_441 : i32
      %convert_element_type3A_443 = arith.extui %ge3A_442 : i1 to i32
      %cond3A_444 = arith.constant 0 : i32
      %cond3A_445 = arith.cmpi ne, %convert_element_type3A_443, %cond3A_444 : i32
      scf.if %cond3A_445 {
        %dma_wait3A_577 = arith.constant 0 : i32
        %dma_wait3A_578 = arith.constant 0 : i32
        %dma_wait3A_579 = arith.constant 0 : i32
        %dma_wait3A_580 = arith.constant 0 : i32
        %dma_wait3A_581 = tpu.memref_slice %arg8[%dma_wait3A_577, %dma_wait3A_579, %dma_wait3A_580] : memref<4x96x128xf32, #tpu.memory_space<vmem>> -> memref<1x96x128xf32, #tpu.memory_space<vmem>>
        %dma_wait3A_582 = tpu.memref_squeeze %dma_wait3A_581 : memref<1x96x128xf32, #tpu.memory_space<vmem>> -> memref<96x128xf32, #tpu.memory_space<vmem>>
        %dma_wait3A_583 = arith.constant 0 : i32
        %dma_wait3A_584 = tpu.memref_slice %arg7[%dma_wait3A_578, %dma_wait3A_583] : memref<4x96xi32, #tpu.memory_space<vmem>> -> memref<1x96xi32, #tpu.memory_space<vmem>>
        %dma_wait3A_585 = tpu.memref_squeeze %dma_wait3A_584 : memref<1x96xi32, #tpu.memory_space<vmem>> -> memref<96xi32, #tpu.memory_space<vmem>>
        %dma_wait3A_586 = arith.constant 0 : i32
        %dma_wait3A_587 = arith.constant 0 : i32
        %dma_wait3A_588 = tpu.memref_slice %arg5[%dma_wait3A_586, %dma_wait3A_587] : memref<10000x128xf32, #tpu.memory_space<vmem_shared>> -> memref<10000x128xf32, #tpu.memory_space<vmem_shared>>
        tpu.wait_indirect_dma semaphore(%arg23 : memref<!tpu.dma_semaphore, #tpu.memory_space<semaphore_mem>>) src(%dma_wait3A_582 : memref<96x128xf32, #tpu.memory_space<vmem>>) dst(%dma_wait3A_588 : memref<10000x128xf32, #tpu.memory_space<vmem_shared>>)
      } else {
      }
      %add3A_446 = arith.constant 2 : i32
      %add3A_447 = arith.addi %add3A_395, %add3A_446 : i32
      %add3A_448 = arith.constant 1 : i32
      %add3A_449 = arith.addi %add3A_447, %add3A_448 : i32
      %lt3A_450 = arith.constant 104 : i32
      %lt3A_451 = arith.cmpi slt, %add3A_449, %lt3A_450 : i32
      %convert_element_type3A_452 = arith.extui %lt3A_451 : i1 to i32
      %cond3A_453 = arith.constant 0 : i32
      %cond3A_454 = arith.cmpi ne, %convert_element_type3A_452, %cond3A_453 : i32
      scf.if %cond3A_454 {
        %add3A_577 = arith.constant 2 : i32
        %add3A_578 = arith.addi %add3A_395, %add3A_577 : i32
        %add3A_579 = arith.constant 1 : i32
        %add3A_580 = arith.addi %add3A_578, %add3A_579 : i32
        %add3A_581 = arith.constant 0 : i32
        %add3A_582 = arith.addi %add3A_581, %mul3A_4 : i32
        %mul3A_583 = arith.constant 96 : i32
        %mul3A_584 = arith.muli %add3A_580, %mul3A_583 : i32
        %add3A_585 = arith.addi %add3A_582, %mul3A_584 : i32
        %dma_start3A_586 = arith.constant 0 : i32
        %dma_start3A_587 = arith.constant 0 : i32
        %dma_start3A_588 = tpu.memref_slice %arg6[%dma_start3A_586, %dma_start3A_587] : memref<4x96xi32, #tpu.memory_space<vmem>> -> memref<1x96xi32, #tpu.memory_space<vmem>>
        %dma_start3A_589 = tpu.memref_squeeze %dma_start3A_588 : memref<1x96xi32, #tpu.memory_space<vmem>> -> memref<96xi32, #tpu.memory_space<vmem>>
        %dma_start3A_590 = tpu.memref_slice %arg3[%add3A_585] : memref<640000xi32, #tpu.memory_space<hbm>> -> memref<96xi32, #tpu.memory_space<hbm>>
        %dma_start3A_591 = arith.constant 0 : i32
        %dma_start3A_592 = tpu.memref_slice %arg6[%dma_start3A_586, %dma_start3A_591] : memref<4x96xi32, #tpu.memory_space<vmem>> -> memref<1x96xi32, #tpu.memory_space<vmem>>
        %dma_start3A_593 = tpu.memref_squeeze %dma_start3A_592 : memref<1x96xi32, #tpu.memory_space<vmem>> -> memref<96xi32, #tpu.memory_space<vmem>>
        %dma_start3A_594 = tpu.memref_slice %arg3[%add3A_585] : memref<640000xi32, #tpu.memory_space<hbm>> -> memref<96xi32, #tpu.memory_space<hbm>>
        tpu.enqueue_dma source(%dma_start3A_594 : memref<96xi32, #tpu.memory_space<hbm>>) target(%dma_start3A_593 : memref<96xi32, #tpu.memory_space<vmem>>) target_semaphore(%arg11 : memref<!tpu.dma_semaphore, #tpu.memory_space<semaphore_mem>>)
        %add3A_595 = arith.constant 2 : i32
        %add3A_596 = arith.addi %add3A_395, %add3A_595 : i32
        %add3A_597 = arith.constant 1 : i32
        %add3A_598 = arith.addi %add3A_596, %add3A_597 : i32
        %add3A_599 = arith.constant 320000 : i32
        %add3A_600 = arith.addi %add3A_599, %mul3A_4 : i32
        %mul3A_601 = arith.constant 96 : i32
        %mul3A_602 = arith.muli %add3A_598, %mul3A_601 : i32
        %add3A_603 = arith.addi %add3A_600, %mul3A_602 : i32
        %dma_start3A_604 = arith.constant 0 : i32
        %dma_start3A_605 = arith.constant 0 : i32
        %dma_start3A_606 = tpu.memref_slice %arg7[%dma_start3A_604, %dma_start3A_605] : memref<4x96xi32, #tpu.memory_space<vmem>> -> memref<1x96xi32, #tpu.memory_space<vmem>>
        %dma_start3A_607 = tpu.memref_squeeze %dma_start3A_606 : memref<1x96xi32, #tpu.memory_space<vmem>> -> memref<96xi32, #tpu.memory_space<vmem>>
        %dma_start3A_608 = tpu.memref_slice %arg3[%add3A_603] : memref<640000xi32, #tpu.memory_space<hbm>> -> memref<96xi32, #tpu.memory_space<hbm>>
        %dma_start3A_609 = arith.constant 0 : i32
        %dma_start3A_610 = tpu.memref_slice %arg7[%dma_start3A_604, %dma_start3A_609] : memref<4x96xi32, #tpu.memory_space<vmem>> -> memref<1x96xi32, #tpu.memory_space<vmem>>
        %dma_start3A_611 = tpu.memref_squeeze %dma_start3A_610 : memref<1x96xi32, #tpu.memory_space<vmem>> -> memref<96xi32, #tpu.memory_space<vmem>>
        %dma_start3A_612 = tpu.memref_slice %arg3[%add3A_603] : memref<640000xi32, #tpu.memory_space<hbm>> -> memref<96xi32, #tpu.memory_space<hbm>>
        tpu.enqueue_dma source(%dma_start3A_612 : memref<96xi32, #tpu.memory_space<hbm>>) target(%dma_start3A_611 : memref<96xi32, #tpu.memory_space<vmem>>) target_semaphore(%arg15 : memref<!tpu.dma_semaphore, #tpu.memory_space<semaphore_mem>>)
      } else {
      }
      %add3A_455 = arith.constant 2 : i32
      %add3A_456 = arith.addi %add3A_334, %add3A_455 : i32
      %add3A_457 = arith.constant 2 : i32
      %add3A_458 = arith.addi %add3A_456, %add3A_457 : i32
      %lt3A_459 = arith.constant 104 : i32
      %lt3A_460 = arith.cmpi slt, %add3A_458, %lt3A_459 : i32
      %convert_element_type3A_461 = arith.extui %lt3A_460 : i1 to i32
      %cond3A_462 = arith.constant 0 : i32
      %cond3A_463 = arith.cmpi ne, %convert_element_type3A_461, %cond3A_462 : i32
      scf.if %cond3A_463 {
        %add3A_577 = arith.constant 2 : i32
        %add3A_578 = arith.addi %add3A_456, %add3A_577 : i32
        %add3A_579 = arith.constant 0 : i32
        %add3A_580 = arith.addi %add3A_579, %mul3A_4 : i32
        %mul3A_581 = arith.constant 96 : i32
        %mul3A_582 = arith.muli %add3A_578, %mul3A_581 : i32
        %add3A_583 = arith.addi %add3A_580, %mul3A_582 : i32
        %dma_wait3A_584 = arith.constant 0 : i32
        %dma_wait3A_585 = arith.constant 0 : i32
        %dma_wait3A_586 = tpu.memref_slice %arg6[%dma_wait3A_584, %dma_wait3A_585] : memref<4x96xi32, #tpu.memory_space<vmem>> -> memref<1x96xi32, #tpu.memory_space<vmem>>
        %dma_wait3A_587 = tpu.memref_squeeze %dma_wait3A_586 : memref<1x96xi32, #tpu.memory_space<vmem>> -> memref<96xi32, #tpu.memory_space<vmem>>
        %dma_wait3A_588 = tpu.memref_slice %arg3[%add3A_583] : memref<640000xi32, #tpu.memory_space<hbm>> -> memref<96xi32, #tpu.memory_space<hbm>>
        %dma_wait3A_589 = arith.constant 0 : i32
        %dma_wait3A_590 = tpu.memref_slice %arg6[%dma_wait3A_584, %dma_wait3A_589] : memref<4x96xi32, #tpu.memory_space<vmem>> -> memref<1x96xi32, #tpu.memory_space<vmem>>
        %dma_wait3A_591 = tpu.memref_squeeze %dma_wait3A_590 : memref<1x96xi32, #tpu.memory_space<vmem>> -> memref<96xi32, #tpu.memory_space<vmem>>
        %dma_wait3A_592 = tpu.memref_slice %arg3[%add3A_583] : memref<640000xi32, #tpu.memory_space<hbm>> -> memref<96xi32, #tpu.memory_space<hbm>>
        tpu.wait_dma2 semaphore(%arg11 : memref<!tpu.dma_semaphore, #tpu.memory_space<semaphore_mem>>) src(%dma_wait3A_592 : memref<96xi32, #tpu.memory_space<hbm>>) dst(%dma_wait3A_591 : memref<96xi32, #tpu.memory_space<vmem>>)
        %dma_start3A_593 = arith.constant 0 : i32
        %dma_start3A_594 = arith.constant 0 : i32
        %dma_start3A_595 = arith.constant 0 : i32
        %dma_start3A_596 = arith.constant 0 : i32
        %dma_start3A_597 = tpu.memref_slice %arg8[%dma_start3A_594, %dma_start3A_595, %dma_start3A_596] : memref<4x96x128xf32, #tpu.memory_space<vmem>> -> memref<1x96x128xf32, #tpu.memory_space<vmem>>
        %dma_start3A_598 = tpu.memref_squeeze %dma_start3A_597 : memref<1x96x128xf32, #tpu.memory_space<vmem>> -> memref<96x128xf32, #tpu.memory_space<vmem>>
        %dma_start3A_599 = arith.constant 0 : i32
        %dma_start3A_600 = tpu.memref_slice %arg6[%dma_start3A_593, %dma_start3A_599] : memref<4x96xi32, #tpu.memory_space<vmem>> -> memref<1x96xi32, #tpu.memory_space<vmem>>
        %dma_start3A_601 = tpu.memref_squeeze %dma_start3A_600 : memref<1x96xi32, #tpu.memory_space<vmem>> -> memref<96xi32, #tpu.memory_space<vmem>>
        %dma_start3A_602 = arith.constant 0 : i32
        %dma_start3A_603 = arith.constant 0 : i32
        %dma_start3A_604 = tpu.memref_slice %arg2[%dma_start3A_602, %dma_start3A_603] : memref<10000x128xf32, #tpu.memory_space<hbm>> -> memref<10000x128xf32, #tpu.memory_space<hbm>>
        tpu.enqueue_indirect_dma source(%dma_start3A_604 : memref<10000x128xf32, #tpu.memory_space<hbm>>) target(%dma_start3A_598 : memref<96x128xf32, #tpu.memory_space<vmem>>) offsets(%dma_start3A_601 : memref<96xi32, #tpu.memory_space<vmem>>) semaphore(%arg19 : memref<!tpu.dma_semaphore, #tpu.memory_space<semaphore_mem>>)
      } else {
      }
      %dma_wait3A_464 = arith.constant 2 : i32
      %dma_wait3A_465 = arith.constant 2 : i32
      %dma_wait3A_466 = arith.constant 0 : i32
      %dma_wait3A_467 = arith.constant 0 : i32
      %dma_wait3A_468 = tpu.memref_slice %arg8[%dma_wait3A_465, %dma_wait3A_466, %dma_wait3A_467] : memref<4x96x128xf32, #tpu.memory_space<vmem>> -> memref<1x96x128xf32, #tpu.memory_space<vmem>>
      %dma_wait3A_469 = tpu.memref_squeeze %dma_wait3A_468 : memref<1x96x128xf32, #tpu.memory_space<vmem>> -> memref<96x128xf32, #tpu.memory_space<vmem>>
      %dma_wait3A_470 = arith.constant 0 : i32
      %dma_wait3A_471 = tpu.memref_slice %arg6[%dma_wait3A_464, %dma_wait3A_470] : memref<4x96xi32, #tpu.memory_space<vmem>> -> memref<1x96xi32, #tpu.memory_space<vmem>>
      %dma_wait3A_472 = tpu.memref_squeeze %dma_wait3A_471 : memref<1x96xi32, #tpu.memory_space<vmem>> -> memref<96xi32, #tpu.memory_space<vmem>>
      %dma_wait3A_473 = arith.constant 0 : i32
      %dma_wait3A_474 = arith.constant 0 : i32
      %dma_wait3A_475 = tpu.memref_slice %arg2[%dma_wait3A_473, %dma_wait3A_474] : memref<10000x128xf32, #tpu.memory_space<hbm>> -> memref<10000x128xf32, #tpu.memory_space<hbm>>
      tpu.wait_indirect_dma semaphore(%arg21 : memref<!tpu.dma_semaphore, #tpu.memory_space<semaphore_mem>>) src(%dma_wait3A_475 : memref<10000x128xf32, #tpu.memory_space<hbm>>) dst(%dma_wait3A_469 : memref<96x128xf32, #tpu.memory_space<vmem>>)
      %add3A_476 = arith.constant 320000 : i32
      %add3A_477 = arith.addi %add3A_476, %mul3A_4 : i32
      %mul3A_478 = arith.constant 96 : i32
      %mul3A_479 = arith.muli %add3A_456, %mul3A_478 : i32
      %add3A_480 = arith.addi %add3A_477, %mul3A_479 : i32
      %dma_wait3A_481 = arith.constant 2 : i32
      %dma_wait3A_482 = arith.constant 0 : i32
      %dma_wait3A_483 = tpu.memref_slice %arg7[%dma_wait3A_481, %dma_wait3A_482] : memref<4x96xi32, #tpu.memory_space<vmem>> -> memref<1x96xi32, #tpu.memory_space<vmem>>
      %dma_wait3A_484 = tpu.memref_squeeze %dma_wait3A_483 : memref<1x96xi32, #tpu.memory_space<vmem>> -> memref<96xi32, #tpu.memory_space<vmem>>
      %dma_wait3A_485 = tpu.memref_slice %arg3[%add3A_480] : memref<640000xi32, #tpu.memory_space<hbm>> -> memref<96xi32, #tpu.memory_space<hbm>>
      %dma_wait3A_486 = arith.constant 0 : i32
      %dma_wait3A_487 = tpu.memref_slice %arg7[%dma_wait3A_481, %dma_wait3A_486] : memref<4x96xi32, #tpu.memory_space<vmem>> -> memref<1x96xi32, #tpu.memory_space<vmem>>
      %dma_wait3A_488 = tpu.memref_squeeze %dma_wait3A_487 : memref<1x96xi32, #tpu.memory_space<vmem>> -> memref<96xi32, #tpu.memory_space<vmem>>
      %dma_wait3A_489 = tpu.memref_slice %arg3[%add3A_480] : memref<640000xi32, #tpu.memory_space<hbm>> -> memref<96xi32, #tpu.memory_space<hbm>>
      tpu.wait_dma2 semaphore(%arg17 : memref<!tpu.dma_semaphore, #tpu.memory_space<semaphore_mem>>) src(%dma_wait3A_489 : memref<96xi32, #tpu.memory_space<hbm>>) dst(%dma_wait3A_488 : memref<96xi32, #tpu.memory_space<vmem>>)
      %dma_start3A_490 = arith.constant 2 : i32
      %dma_start3A_491 = arith.constant 2 : i32
      %dma_start3A_492 = arith.constant 0 : i32
      %dma_start3A_493 = arith.constant 0 : i32
      %dma_start3A_494 = tpu.memref_slice %arg8[%dma_start3A_490, %dma_start3A_492, %dma_start3A_493] : memref<4x96x128xf32, #tpu.memory_space<vmem>> -> memref<1x96x128xf32, #tpu.memory_space<vmem>>
      %dma_start3A_495 = tpu.memref_squeeze %dma_start3A_494 : memref<1x96x128xf32, #tpu.memory_space<vmem>> -> memref<96x128xf32, #tpu.memory_space<vmem>>
      %dma_start3A_496 = arith.constant 0 : i32
      %dma_start3A_497 = tpu.memref_slice %arg7[%dma_start3A_491, %dma_start3A_496] : memref<4x96xi32, #tpu.memory_space<vmem>> -> memref<1x96xi32, #tpu.memory_space<vmem>>
      %dma_start3A_498 = tpu.memref_squeeze %dma_start3A_497 : memref<1x96xi32, #tpu.memory_space<vmem>> -> memref<96xi32, #tpu.memory_space<vmem>>
      %dma_start3A_499 = arith.constant 0 : i32
      %dma_start3A_500 = arith.constant 0 : i32
      %dma_start3A_501 = tpu.memref_slice %arg5[%dma_start3A_499, %dma_start3A_500] : memref<10000x128xf32, #tpu.memory_space<vmem_shared>> -> memref<10000x128xf32, #tpu.memory_space<vmem_shared>>
      tpu.enqueue_indirect_dma source(%dma_start3A_495 : memref<96x128xf32, #tpu.memory_space<vmem>>) target(%dma_start3A_501 : memref<10000x128xf32, #tpu.memory_space<vmem_shared>>) offsets(%dma_start3A_498 : memref<96xi32, #tpu.memory_space<vmem>>) semaphore(%arg25 : memref<!tpu.dma_semaphore, #tpu.memory_space<semaphore_mem>>) {add = true}
      %ge3A_502 = arith.constant 1 : i32
      %ge3A_503 = arith.cmpi sge, %add3A_456, %ge3A_502 : i32
      %convert_element_type3A_504 = arith.extui %ge3A_503 : i1 to i32
      %cond3A_505 = arith.constant 0 : i32
      %cond3A_506 = arith.cmpi ne, %convert_element_type3A_504, %cond3A_505 : i32
      scf.if %cond3A_506 {
        %dma_wait3A_577 = arith.constant 1 : i32
        %dma_wait3A_578 = arith.constant 1 : i32
        %dma_wait3A_579 = arith.constant 0 : i32
        %dma_wait3A_580 = arith.constant 0 : i32
        %dma_wait3A_581 = tpu.memref_slice %arg8[%dma_wait3A_577, %dma_wait3A_579, %dma_wait3A_580] : memref<4x96x128xf32, #tpu.memory_space<vmem>> -> memref<1x96x128xf32, #tpu.memory_space<vmem>>
        %dma_wait3A_582 = tpu.memref_squeeze %dma_wait3A_581 : memref<1x96x128xf32, #tpu.memory_space<vmem>> -> memref<96x128xf32, #tpu.memory_space<vmem>>
        %dma_wait3A_583 = arith.constant 0 : i32
        %dma_wait3A_584 = tpu.memref_slice %arg7[%dma_wait3A_578, %dma_wait3A_583] : memref<4x96xi32, #tpu.memory_space<vmem>> -> memref<1x96xi32, #tpu.memory_space<vmem>>
        %dma_wait3A_585 = tpu.memref_squeeze %dma_wait3A_584 : memref<1x96xi32, #tpu.memory_space<vmem>> -> memref<96xi32, #tpu.memory_space<vmem>>
        %dma_wait3A_586 = arith.constant 0 : i32
        %dma_wait3A_587 = arith.constant 0 : i32
        %dma_wait3A_588 = tpu.memref_slice %arg5[%dma_wait3A_586, %dma_wait3A_587] : memref<10000x128xf32, #tpu.memory_space<vmem_shared>> -> memref<10000x128xf32, #tpu.memory_space<vmem_shared>>
        tpu.wait_indirect_dma semaphore(%arg24 : memref<!tpu.dma_semaphore, #tpu.memory_space<semaphore_mem>>) src(%dma_wait3A_582 : memref<96x128xf32, #tpu.memory_space<vmem>>) dst(%dma_wait3A_588 : memref<10000x128xf32, #tpu.memory_space<vmem_shared>>)
      } else {
      }
      %add3A_507 = arith.constant 2 : i32
      %add3A_508 = arith.addi %add3A_456, %add3A_507 : i32
      %add3A_509 = arith.constant 1 : i32
      %add3A_510 = arith.addi %add3A_508, %add3A_509 : i32
      %lt3A_511 = arith.constant 104 : i32
      %lt3A_512 = arith.cmpi slt, %add3A_510, %lt3A_511 : i32
      %convert_element_type3A_513 = arith.extui %lt3A_512 : i1 to i32
      %cond3A_514 = arith.constant 0 : i32
      %cond3A_515 = arith.cmpi ne, %convert_element_type3A_513, %cond3A_514 : i32
      scf.if %cond3A_515 {
        %add3A_577 = arith.constant 2 : i32
        %add3A_578 = arith.addi %add3A_456, %add3A_577 : i32
        %add3A_579 = arith.constant 1 : i32
        %add3A_580 = arith.addi %add3A_578, %add3A_579 : i32
        %add3A_581 = arith.constant 0 : i32
        %add3A_582 = arith.addi %add3A_581, %mul3A_4 : i32
        %mul3A_583 = arith.constant 96 : i32
        %mul3A_584 = arith.muli %add3A_580, %mul3A_583 : i32
        %add3A_585 = arith.addi %add3A_582, %mul3A_584 : i32
        %dma_start3A_586 = arith.constant 1 : i32
        %dma_start3A_587 = arith.constant 0 : i32
        %dma_start3A_588 = tpu.memref_slice %arg6[%dma_start3A_586, %dma_start3A_587] : memref<4x96xi32, #tpu.memory_space<vmem>> -> memref<1x96xi32, #tpu.memory_space<vmem>>
        %dma_start3A_589 = tpu.memref_squeeze %dma_start3A_588 : memref<1x96xi32, #tpu.memory_space<vmem>> -> memref<96xi32, #tpu.memory_space<vmem>>
        %dma_start3A_590 = tpu.memref_slice %arg3[%add3A_585] : memref<640000xi32, #tpu.memory_space<hbm>> -> memref<96xi32, #tpu.memory_space<hbm>>
        %dma_start3A_591 = arith.constant 0 : i32
        %dma_start3A_592 = tpu.memref_slice %arg6[%dma_start3A_586, %dma_start3A_591] : memref<4x96xi32, #tpu.memory_space<vmem>> -> memref<1x96xi32, #tpu.memory_space<vmem>>
        %dma_start3A_593 = tpu.memref_squeeze %dma_start3A_592 : memref<1x96xi32, #tpu.memory_space<vmem>> -> memref<96xi32, #tpu.memory_space<vmem>>
        %dma_start3A_594 = tpu.memref_slice %arg3[%add3A_585] : memref<640000xi32, #tpu.memory_space<hbm>> -> memref<96xi32, #tpu.memory_space<hbm>>
        tpu.enqueue_dma source(%dma_start3A_594 : memref<96xi32, #tpu.memory_space<hbm>>) target(%dma_start3A_593 : memref<96xi32, #tpu.memory_space<vmem>>) target_semaphore(%arg12 : memref<!tpu.dma_semaphore, #tpu.memory_space<semaphore_mem>>)
        %add3A_595 = arith.constant 2 : i32
        %add3A_596 = arith.addi %add3A_456, %add3A_595 : i32
        %add3A_597 = arith.constant 1 : i32
        %add3A_598 = arith.addi %add3A_596, %add3A_597 : i32
        %add3A_599 = arith.constant 320000 : i32
        %add3A_600 = arith.addi %add3A_599, %mul3A_4 : i32
        %mul3A_601 = arith.constant 96 : i32
        %mul3A_602 = arith.muli %add3A_598, %mul3A_601 : i32
        %add3A_603 = arith.addi %add3A_600, %mul3A_602 : i32
        %dma_start3A_604 = arith.constant 1 : i32
        %dma_start3A_605 = arith.constant 0 : i32
        %dma_start3A_606 = tpu.memref_slice %arg7[%dma_start3A_604, %dma_start3A_605] : memref<4x96xi32, #tpu.memory_space<vmem>> -> memref<1x96xi32, #tpu.memory_space<vmem>>
        %dma_start3A_607 = tpu.memref_squeeze %dma_start3A_606 : memref<1x96xi32, #tpu.memory_space<vmem>> -> memref<96xi32, #tpu.memory_space<vmem>>
        %dma_start3A_608 = tpu.memref_slice %arg3[%add3A_603] : memref<640000xi32, #tpu.memory_space<hbm>> -> memref<96xi32, #tpu.memory_space<hbm>>
        %dma_start3A_609 = arith.constant 0 : i32
        %dma_start3A_610 = tpu.memref_slice %arg7[%dma_start3A_604, %dma_start3A_609] : memref<4x96xi32, #tpu.memory_space<vmem>> -> memref<1x96xi32, #tpu.memory_space<vmem>>
        %dma_start3A_611 = tpu.memref_squeeze %dma_start3A_610 : memref<1x96xi32, #tpu.memory_space<vmem>> -> memref<96xi32, #tpu.memory_space<vmem>>
        %dma_start3A_612 = tpu.memref_slice %arg3[%add3A_603] : memref<640000xi32, #tpu.memory_space<hbm>> -> memref<96xi32, #tpu.memory_space<hbm>>
        tpu.enqueue_dma source(%dma_start3A_612 : memref<96xi32, #tpu.memory_space<hbm>>) target(%dma_start3A_611 : memref<96xi32, #tpu.memory_space<vmem>>) target_semaphore(%arg16 : memref<!tpu.dma_semaphore, #tpu.memory_space<semaphore_mem>>)
      } else {
      }
      %add3A_516 = arith.constant 3 : i32
      %add3A_517 = arith.addi %add3A_334, %add3A_516 : i32
      %add3A_518 = arith.constant 2 : i32
      %add3A_519 = arith.addi %add3A_517, %add3A_518 : i32
      %lt3A_520 = arith.constant 104 : i32
      %lt3A_521 = arith.cmpi slt, %add3A_519, %lt3A_520 : i32
      %convert_element_type3A_522 = arith.extui %lt3A_521 : i1 to i32
      %cond3A_523 = arith.constant 0 : i32
      %cond3A_524 = arith.cmpi ne, %convert_element_type3A_522, %cond3A_523 : i32
      scf.if %cond3A_524 {
        %add3A_577 = arith.constant 2 : i32
        %add3A_578 = arith.addi %add3A_517, %add3A_577 : i32
        %add3A_579 = arith.constant 0 : i32
        %add3A_580 = arith.addi %add3A_579, %mul3A_4 : i32
        %mul3A_581 = arith.constant 96 : i32
        %mul3A_582 = arith.muli %add3A_578, %mul3A_581 : i32
        %add3A_583 = arith.addi %add3A_580, %mul3A_582 : i32
        %dma_wait3A_584 = arith.constant 1 : i32
        %dma_wait3A_585 = arith.constant 0 : i32
        %dma_wait3A_586 = tpu.memref_slice %arg6[%dma_wait3A_584, %dma_wait3A_585] : memref<4x96xi32, #tpu.memory_space<vmem>> -> memref<1x96xi32, #tpu.memory_space<vmem>>
        %dma_wait3A_587 = tpu.memref_squeeze %dma_wait3A_586 : memref<1x96xi32, #tpu.memory_space<vmem>> -> memref<96xi32, #tpu.memory_space<vmem>>
        %dma_wait3A_588 = tpu.memref_slice %arg3[%add3A_583] : memref<640000xi32, #tpu.memory_space<hbm>> -> memref<96xi32, #tpu.memory_space<hbm>>
        %dma_wait3A_589 = arith.constant 0 : i32
        %dma_wait3A_590 = tpu.memref_slice %arg6[%dma_wait3A_584, %dma_wait3A_589] : memref<4x96xi32, #tpu.memory_space<vmem>> -> memref<1x96xi32, #tpu.memory_space<vmem>>
        %dma_wait3A_591 = tpu.memref_squeeze %dma_wait3A_590 : memref<1x96xi32, #tpu.memory_space<vmem>> -> memref<96xi32, #tpu.memory_space<vmem>>
        %dma_wait3A_592 = tpu.memref_slice %arg3[%add3A_583] : memref<640000xi32, #tpu.memory_space<hbm>> -> memref<96xi32, #tpu.memory_space<hbm>>
        tpu.wait_dma2 semaphore(%arg12 : memref<!tpu.dma_semaphore, #tpu.memory_space<semaphore_mem>>) src(%dma_wait3A_592 : memref<96xi32, #tpu.memory_space<hbm>>) dst(%dma_wait3A_591 : memref<96xi32, #tpu.memory_space<vmem>>)
        %dma_start3A_593 = arith.constant 1 : i32
        %dma_start3A_594 = arith.constant 1 : i32
        %dma_start3A_595 = arith.constant 0 : i32
        %dma_start3A_596 = arith.constant 0 : i32
        %dma_start3A_597 = tpu.memref_slice %arg8[%dma_start3A_594, %dma_start3A_595, %dma_start3A_596] : memref<4x96x128xf32, #tpu.memory_space<vmem>> -> memref<1x96x128xf32, #tpu.memory_space<vmem>>
        %dma_start3A_598 = tpu.memref_squeeze %dma_start3A_597 : memref<1x96x128xf32, #tpu.memory_space<vmem>> -> memref<96x128xf32, #tpu.memory_space<vmem>>
        %dma_start3A_599 = arith.constant 0 : i32
        %dma_start3A_600 = tpu.memref_slice %arg6[%dma_start3A_593, %dma_start3A_599] : memref<4x96xi32, #tpu.memory_space<vmem>> -> memref<1x96xi32, #tpu.memory_space<vmem>>
        %dma_start3A_601 = tpu.memref_squeeze %dma_start3A_600 : memref<1x96xi32, #tpu.memory_space<vmem>> -> memref<96xi32, #tpu.memory_space<vmem>>
        %dma_start3A_602 = arith.constant 0 : i32
        %dma_start3A_603 = arith.constant 0 : i32
        %dma_start3A_604 = tpu.memref_slice %arg2[%dma_start3A_602, %dma_start3A_603] : memref<10000x128xf32, #tpu.memory_space<hbm>> -> memref<10000x128xf32, #tpu.memory_space<hbm>>
        tpu.enqueue_indirect_dma source(%dma_start3A_604 : memref<10000x128xf32, #tpu.memory_space<hbm>>) target(%dma_start3A_598 : memref<96x128xf32, #tpu.memory_space<vmem>>) offsets(%dma_start3A_601 : memref<96xi32, #tpu.memory_space<vmem>>) semaphore(%arg20 : memref<!tpu.dma_semaphore, #tpu.memory_space<semaphore_mem>>)
      } else {
      }
      %dma_wait3A_525 = arith.constant 3 : i32
      %dma_wait3A_526 = arith.constant 3 : i32
      %dma_wait3A_527 = arith.constant 0 : i32
      %dma_wait3A_528 = arith.constant 0 : i32
      %dma_wait3A_529 = tpu.memref_slice %arg8[%dma_wait3A_526, %dma_wait3A_527, %dma_wait3A_528] : memref<4x96x128xf32, #tpu.memory_space<vmem>> -> memref<1x96x128xf32, #tpu.memory_space<vmem>>
      %dma_wait3A_530 = tpu.memref_squeeze %dma_wait3A_529 : memref<1x96x128xf32, #tpu.memory_space<vmem>> -> memref<96x128xf32, #tpu.memory_space<vmem>>
      %dma_wait3A_531 = arith.constant 0 : i32
      %dma_wait3A_532 = tpu.memref_slice %arg6[%dma_wait3A_525, %dma_wait3A_531] : memref<4x96xi32, #tpu.memory_space<vmem>> -> memref<1x96xi32, #tpu.memory_space<vmem>>
      %dma_wait3A_533 = tpu.memref_squeeze %dma_wait3A_532 : memref<1x96xi32, #tpu.memory_space<vmem>> -> memref<96xi32, #tpu.memory_space<vmem>>
      %dma_wait3A_534 = arith.constant 0 : i32
      %dma_wait3A_535 = arith.constant 0 : i32
      %dma_wait3A_536 = tpu.memref_slice %arg2[%dma_wait3A_534, %dma_wait3A_535] : memref<10000x128xf32, #tpu.memory_space<hbm>> -> memref<10000x128xf32, #tpu.memory_space<hbm>>
      tpu.wait_indirect_dma semaphore(%arg22 : memref<!tpu.dma_semaphore, #tpu.memory_space<semaphore_mem>>) src(%dma_wait3A_536 : memref<10000x128xf32, #tpu.memory_space<hbm>>) dst(%dma_wait3A_530 : memref<96x128xf32, #tpu.memory_space<vmem>>)
      %add3A_537 = arith.constant 320000 : i32
      %add3A_538 = arith.addi %add3A_537, %mul3A_4 : i32
      %mul3A_539 = arith.constant 96 : i32
      %mul3A_540 = arith.muli %add3A_517, %mul3A_539 : i32
      %add3A_541 = arith.addi %add3A_538, %mul3A_540 : i32
      %dma_wait3A_542 = arith.constant 3 : i32
      %dma_wait3A_543 = arith.constant 0 : i32
      %dma_wait3A_544 = tpu.memref_slice %arg7[%dma_wait3A_542, %dma_wait3A_543] : memref<4x96xi32, #tpu.memory_space<vmem>> -> memref<1x96xi32, #tpu.memory_space<vmem>>
      %dma_wait3A_545 = tpu.memref_squeeze %dma_wait3A_544 : memref<1x96xi32, #tpu.memory_space<vmem>> -> memref<96xi32, #tpu.memory_space<vmem>>
      %dma_wait3A_546 = tpu.memref_slice %arg3[%add3A_541] : memref<640000xi32, #tpu.memory_space<hbm>> -> memref<96xi32, #tpu.memory_space<hbm>>
      %dma_wait3A_547 = arith.constant 0 : i32
      %dma_wait3A_548 = tpu.memref_slice %arg7[%dma_wait3A_542, %dma_wait3A_547] : memref<4x96xi32, #tpu.memory_space<vmem>> -> memref<1x96xi32, #tpu.memory_space<vmem>>
      %dma_wait3A_549 = tpu.memref_squeeze %dma_wait3A_548 : memref<1x96xi32, #tpu.memory_space<vmem>> -> memref<96xi32, #tpu.memory_space<vmem>>
      %dma_wait3A_550 = tpu.memref_slice %arg3[%add3A_541] : memref<640000xi32, #tpu.memory_space<hbm>> -> memref<96xi32, #tpu.memory_space<hbm>>
      tpu.wait_dma2 semaphore(%arg18 : memref<!tpu.dma_semaphore, #tpu.memory_space<semaphore_mem>>) src(%dma_wait3A_550 : memref<96xi32, #tpu.memory_space<hbm>>) dst(%dma_wait3A_549 : memref<96xi32, #tpu.memory_space<vmem>>)
      %dma_start3A_551 = arith.constant 3 : i32
      %dma_start3A_552 = arith.constant 3 : i32
      %dma_start3A_553 = arith.constant 0 : i32
      %dma_start3A_554 = arith.constant 0 : i32
      %dma_start3A_555 = tpu.memref_slice %arg8[%dma_start3A_551, %dma_start3A_553, %dma_start3A_554] : memref<4x96x128xf32, #tpu.memory_space<vmem>> -> memref<1x96x128xf32, #tpu.memory_space<vmem>>
      %dma_start3A_556 = tpu.memref_squeeze %dma_start3A_555 : memref<1x96x128xf32, #tpu.memory_space<vmem>> -> memref<96x128xf32, #tpu.memory_space<vmem>>
      %dma_start3A_557 = arith.constant 0 : i32
      %dma_start3A_558 = tpu.memref_slice %arg7[%dma_start3A_552, %dma_start3A_557] : memref<4x96xi32, #tpu.memory_space<vmem>> -> memref<1x96xi32, #tpu.memory_space<vmem>>
      %dma_start3A_559 = tpu.memref_squeeze %dma_start3A_558 : memref<1x96xi32, #tpu.memory_space<vmem>> -> memref<96xi32, #tpu.memory_space<vmem>>
      %dma_start3A_560 = arith.constant 0 : i32
      %dma_start3A_561 = arith.constant 0 : i32
      %dma_start3A_562 = tpu.memref_slice %arg5[%dma_start3A_560, %dma_start3A_561] : memref<10000x128xf32, #tpu.memory_space<vmem_shared>> -> memref<10000x128xf32, #tpu.memory_space<vmem_shared>>
      tpu.enqueue_indirect_dma source(%dma_start3A_556 : memref<96x128xf32, #tpu.memory_space<vmem>>) target(%dma_start3A_562 : memref<10000x128xf32, #tpu.memory_space<vmem_shared>>) offsets(%dma_start3A_559 : memref<96xi32, #tpu.memory_space<vmem>>) semaphore(%arg26 : memref<!tpu.dma_semaphore, #tpu.memory_space<semaphore_mem>>) {add = true}
      %ge3A_563 = arith.constant 1 : i32
      %ge3A_564 = arith.cmpi sge, %add3A_517, %ge3A_563 : i32
      %convert_element_type3A_565 = arith.extui %ge3A_564 : i1 to i32
      %cond3A_566 = arith.constant 0 : i32
      %cond3A_567 = arith.cmpi ne, %convert_element_type3A_565, %cond3A_566 : i32
      scf.if %cond3A_567 {
        %dma_wait3A_577 = arith.constant 2 : i32
        %dma_wait3A_578 = arith.constant 2 : i32
        %dma_wait3A_579 = arith.constant 0 : i32
        %dma_wait3A_580 = arith.constant 0 : i32
        %dma_wait3A_581 = tpu.memref_slice %arg8[%dma_wait3A_577, %dma_wait3A_579, %dma_wait3A_580] : memref<4x96x128xf32, #tpu.memory_space<vmem>> -> memref<1x96x128xf32, #tpu.memory_space<vmem>>
        %dma_wait3A_582 = tpu.memref_squeeze %dma_wait3A_581 : memref<1x96x128xf32, #tpu.memory_space<vmem>> -> memref<96x128xf32, #tpu.memory_space<vmem>>
        %dma_wait3A_583 = arith.constant 0 : i32
        %dma_wait3A_584 = tpu.memref_slice %arg7[%dma_wait3A_578, %dma_wait3A_583] : memref<4x96xi32, #tpu.memory_space<vmem>> -> memref<1x96xi32, #tpu.memory_space<vmem>>
        %dma_wait3A_585 = tpu.memref_squeeze %dma_wait3A_584 : memref<1x96xi32, #tpu.memory_space<vmem>> -> memref<96xi32, #tpu.memory_space<vmem>>
        %dma_wait3A_586 = arith.constant 0 : i32
        %dma_wait3A_587 = arith.constant 0 : i32
        %dma_wait3A_588 = tpu.memref_slice %arg5[%dma_wait3A_586, %dma_wait3A_587] : memref<10000x128xf32, #tpu.memory_space<vmem_shared>> -> memref<10000x128xf32, #tpu.memory_space<vmem_shared>>
        tpu.wait_indirect_dma semaphore(%arg25 : memref<!tpu.dma_semaphore, #tpu.memory_space<semaphore_mem>>) src(%dma_wait3A_582 : memref<96x128xf32, #tpu.memory_space<vmem>>) dst(%dma_wait3A_588 : memref<10000x128xf32, #tpu.memory_space<vmem_shared>>)
      } else {
      }
      %add3A_568 = arith.constant 2 : i32
      %add3A_569 = arith.addi %add3A_517, %add3A_568 : i32
      %add3A_570 = arith.constant 1 : i32
      %add3A_571 = arith.addi %add3A_569, %add3A_570 : i32
      %lt3A_572 = arith.constant 104 : i32
      %lt3A_573 = arith.cmpi slt, %add3A_571, %lt3A_572 : i32
      %convert_element_type3A_574 = arith.extui %lt3A_573 : i1 to i32
      %cond3A_575 = arith.constant 0 : i32
      %cond3A_576 = arith.cmpi ne, %convert_element_type3A_574, %cond3A_575 : i32
      scf.if %cond3A_576 {
        %add3A_577 = arith.constant 2 : i32
        %add3A_578 = arith.addi %add3A_517, %add3A_577 : i32
        %add3A_579 = arith.constant 1 : i32
        %add3A_580 = arith.addi %add3A_578, %add3A_579 : i32
        %add3A_581 = arith.constant 0 : i32
        %add3A_582 = arith.addi %add3A_581, %mul3A_4 : i32
        %mul3A_583 = arith.constant 96 : i32
        %mul3A_584 = arith.muli %add3A_580, %mul3A_583 : i32
        %add3A_585 = arith.addi %add3A_582, %mul3A_584 : i32
        %dma_start3A_586 = arith.constant 2 : i32
        %dma_start3A_587 = arith.constant 0 : i32
        %dma_start3A_588 = tpu.memref_slice %arg6[%dma_start3A_586, %dma_start3A_587] : memref<4x96xi32, #tpu.memory_space<vmem>> -> memref<1x96xi32, #tpu.memory_space<vmem>>
        %dma_start3A_589 = tpu.memref_squeeze %dma_start3A_588 : memref<1x96xi32, #tpu.memory_space<vmem>> -> memref<96xi32, #tpu.memory_space<vmem>>
        %dma_start3A_590 = tpu.memref_slice %arg3[%add3A_585] : memref<640000xi32, #tpu.memory_space<hbm>> -> memref<96xi32, #tpu.memory_space<hbm>>
        %dma_start3A_591 = arith.constant 0 : i32
        %dma_start3A_592 = tpu.memref_slice %arg6[%dma_start3A_586, %dma_start3A_591] : memref<4x96xi32, #tpu.memory_space<vmem>> -> memref<1x96xi32, #tpu.memory_space<vmem>>
        %dma_start3A_593 = tpu.memref_squeeze %dma_start3A_592 : memref<1x96xi32, #tpu.memory_space<vmem>> -> memref<96xi32, #tpu.memory_space<vmem>>
        %dma_start3A_594 = tpu.memref_slice %arg3[%add3A_585] : memref<640000xi32, #tpu.memory_space<hbm>> -> memref<96xi32, #tpu.memory_space<hbm>>
        tpu.enqueue_dma source(%dma_start3A_594 : memref<96xi32, #tpu.memory_space<hbm>>) target(%dma_start3A_593 : memref<96xi32, #tpu.memory_space<vmem>>) target_semaphore(%arg13 : memref<!tpu.dma_semaphore, #tpu.memory_space<semaphore_mem>>)
        %add3A_595 = arith.constant 2 : i32
        %add3A_596 = arith.addi %add3A_517, %add3A_595 : i32
        %add3A_597 = arith.constant 1 : i32
        %add3A_598 = arith.addi %add3A_596, %add3A_597 : i32
        %add3A_599 = arith.constant 320000 : i32
        %add3A_600 = arith.addi %add3A_599, %mul3A_4 : i32
        %mul3A_601 = arith.constant 96 : i32
        %mul3A_602 = arith.muli %add3A_598, %mul3A_601 : i32
        %add3A_603 = arith.addi %add3A_600, %mul3A_602 : i32
        %dma_start3A_604 = arith.constant 2 : i32
        %dma_start3A_605 = arith.constant 0 : i32
        %dma_start3A_606 = tpu.memref_slice %arg7[%dma_start3A_604, %dma_start3A_605] : memref<4x96xi32, #tpu.memory_space<vmem>> -> memref<1x96xi32, #tpu.memory_space<vmem>>
        %dma_start3A_607 = tpu.memref_squeeze %dma_start3A_606 : memref<1x96xi32, #tpu.memory_space<vmem>> -> memref<96xi32, #tpu.memory_space<vmem>>
        %dma_start3A_608 = tpu.memref_slice %arg3[%add3A_603] : memref<640000xi32, #tpu.memory_space<hbm>> -> memref<96xi32, #tpu.memory_space<hbm>>
        %dma_start3A_609 = arith.constant 0 : i32
        %dma_start3A_610 = tpu.memref_slice %arg7[%dma_start3A_604, %dma_start3A_609] : memref<4x96xi32, #tpu.memory_space<vmem>> -> memref<1x96xi32, #tpu.memory_space<vmem>>
        %dma_start3A_611 = tpu.memref_squeeze %dma_start3A_610 : memref<1x96xi32, #tpu.memory_space<vmem>> -> memref<96xi32, #tpu.memory_space<vmem>>
        %dma_start3A_612 = tpu.memref_slice %arg3[%add3A_603] : memref<640000xi32, #tpu.memory_space<hbm>> -> memref<96xi32, #tpu.memory_space<hbm>>
        tpu.enqueue_dma source(%dma_start3A_612 : memref<96xi32, #tpu.memory_space<hbm>>) target(%dma_start3A_611 : memref<96xi32, #tpu.memory_space<vmem>>) target_semaphore(%arg17 : memref<!tpu.dma_semaphore, #tpu.memory_space<semaphore_mem>>)
      } else {
      }
    }
    %scan3A_187 = arith.constant 26 : i32
    %dma_wait3A_188 = arith.constant 3 : i32
    %dma_wait3A_189 = arith.constant 3 : i32
    %dma_wait3A_190 = arith.constant 0 : i32
    %dma_wait3A_191 = arith.constant 0 : i32
    %dma_wait3A_192 = tpu.memref_slice %arg8[%dma_wait3A_188, %dma_wait3A_190, %dma_wait3A_191] : memref<4x96x128xf32, #tpu.memory_space<vmem>> -> memref<1x96x128xf32, #tpu.memory_space<vmem>>
    %dma_wait3A_193 = tpu.memref_squeeze %dma_wait3A_192 : memref<1x96x128xf32, #tpu.memory_space<vmem>> -> memref<96x128xf32, #tpu.memory_space<vmem>>
    %dma_wait3A_194 = arith.constant 0 : i32
    %dma_wait3A_195 = tpu.memref_slice %arg7[%dma_wait3A_189, %dma_wait3A_194] : memref<4x96xi32, #tpu.memory_space<vmem>> -> memref<1x96xi32, #tpu.memory_space<vmem>>
    %dma_wait3A_196 = tpu.memref_squeeze %dma_wait3A_195 : memref<1x96xi32, #tpu.memory_space<vmem>> -> memref<96xi32, #tpu.memory_space<vmem>>
    %dma_wait3A_197 = arith.constant 0 : i32
    %dma_wait3A_198 = arith.constant 0 : i32
    %dma_wait3A_199 = tpu.memref_slice %arg5[%dma_wait3A_197, %dma_wait3A_198] : memref<10000x128xf32, #tpu.memory_space<vmem_shared>> -> memref<10000x128xf32, #tpu.memory_space<vmem_shared>>
    tpu.wait_indirect_dma semaphore(%arg26 : memref<!tpu.dma_semaphore, #tpu.memory_space<semaphore_mem>>) src(%dma_wait3A_193 : memref<96x128xf32, #tpu.memory_space<vmem>>) dst(%dma_wait3A_199 : memref<10000x128xf32, #tpu.memory_space<vmem_shared>>)
    %add3A_200 = arith.constant 320000 : i32
    %add3A_201 = arith.addi %add3A_200, %mul3A_4 : i32
    %add3A_202 = arith.constant 9984 : i32
    %add3A_203 = arith.addi %add3A_201, %add3A_202 : i32
    %dma_start3A_204 = arith.constant 0 : i32
    %dma_start3A_205 = arith.constant 0 : i32
    %dma_start3A_206 = tpu.memref_slice %arg9[%dma_start3A_204, %dma_start3A_205] : memref<1x16xi32, #tpu.memory_space<vmem>> -> memref<1x16xi32, #tpu.memory_space<vmem>>
    %dma_start3A_207 = tpu.memref_squeeze %dma_start3A_206 : memref<1x16xi32, #tpu.memory_space<vmem>> -> memref<16xi32, #tpu.memory_space<vmem>>
    %dma_start3A_208 = tpu.memref_slice %arg3[%add3A_203] : memref<640000xi32, #tpu.memory_space<hbm>> -> memref<16xi32, #tpu.memory_space<hbm>>
    %dma_start3A_209 = arith.constant 0 : i32
    %dma_start3A_210 = tpu.memref_slice %arg9[%dma_start3A_204, %dma_start3A_209] : memref<1x16xi32, #tpu.memory_space<vmem>> -> memref<1x16xi32, #tpu.memory_space<vmem>>
    %dma_start3A_211 = tpu.memref_squeeze %dma_start3A_210 : memref<1x16xi32, #tpu.memory_space<vmem>> -> memref<16xi32, #tpu.memory_space<vmem>>
    %dma_start3A_212 = tpu.memref_slice %arg3[%add3A_203] : memref<640000xi32, #tpu.memory_space<hbm>> -> memref<16xi32, #tpu.memory_space<hbm>>
    tpu.enqueue_dma source(%dma_start3A_212 : memref<16xi32, #tpu.memory_space<hbm>>) target(%dma_start3A_211 : memref<16xi32, #tpu.memory_space<vmem>>) target_semaphore(%arg15 : memref<!tpu.dma_semaphore, #tpu.memory_space<semaphore_mem>>)
    %dma_wait3A_213 = arith.constant 0 : i32
    %dma_wait3A_214 = arith.constant 0 : i32
    %dma_wait3A_215 = tpu.memref_slice %arg9[%dma_wait3A_213, %dma_wait3A_214] : memref<1x16xi32, #tpu.memory_space<vmem>> -> memref<1x16xi32, #tpu.memory_space<vmem>>
    %dma_wait3A_216 = tpu.memref_squeeze %dma_wait3A_215 : memref<1x16xi32, #tpu.memory_space<vmem>> -> memref<16xi32, #tpu.memory_space<vmem>>
    %dma_wait3A_217 = tpu.memref_slice %arg3[%add3A_203] : memref<640000xi32, #tpu.memory_space<hbm>> -> memref<16xi32, #tpu.memory_space<hbm>>
    %dma_wait3A_218 = arith.constant 0 : i32
    %dma_wait3A_219 = tpu.memref_slice %arg9[%dma_wait3A_213, %dma_wait3A_218] : memref<1x16xi32, #tpu.memory_space<vmem>> -> memref<1x16xi32, #tpu.memory_space<vmem>>
    %dma_wait3A_220 = tpu.memref_squeeze %dma_wait3A_219 : memref<1x16xi32, #tpu.memory_space<vmem>> -> memref<16xi32, #tpu.memory_space<vmem>>
    %dma_wait3A_221 = tpu.memref_slice %arg3[%add3A_203] : memref<640000xi32, #tpu.memory_space<hbm>> -> memref<16xi32, #tpu.memory_space<hbm>>
    tpu.wait_dma2 semaphore(%arg15 : memref<!tpu.dma_semaphore, #tpu.memory_space<semaphore_mem>>) src(%dma_wait3A_221 : memref<16xi32, #tpu.memory_space<hbm>>) dst(%dma_wait3A_220 : memref<16xi32, #tpu.memory_space<vmem>>)
    %add3A_222 = arith.constant 9984 : i32
    %add3A_223 = arith.addi %mul3A_4, %add3A_222 : i32
    %dma_start3A_224 = arith.constant 0 : i32
    %dma_start3A_225 = arith.constant 0 : i32
    %dma_start3A_226 = tpu.memref_slice %arg6[%dma_start3A_224, %dma_start3A_225] : memref<4x96xi32, #tpu.memory_space<vmem>> -> memref<1x96xi32, #tpu.memory_space<vmem>>
    %dma_start3A_227 = tpu.memref_squeeze %dma_start3A_226 : memref<1x96xi32, #tpu.memory_space<vmem>> -> memref<96xi32, #tpu.memory_space<vmem>>
    %dma_start3A_228 = arith.constant 0 : i32
    %dma_start3A_229 = tpu.memref_slice %dma_start3A_227[%dma_start3A_228] : memref<96xi32, #tpu.memory_space<vmem>> -> memref<16xi32, #tpu.memory_space<vmem>>
    %dma_start3A_230 = tpu.memref_slice %arg3[%add3A_223] : memref<640000xi32, #tpu.memory_space<hbm>> -> memref<16xi32, #tpu.memory_space<hbm>>
    %dma_start3A_231 = arith.constant 0 : i32
    %dma_start3A_232 = tpu.memref_slice %arg6[%dma_start3A_224, %dma_start3A_231] : memref<4x96xi32, #tpu.memory_space<vmem>> -> memref<1x96xi32, #tpu.memory_space<vmem>>
    %dma_start3A_233 = tpu.memref_squeeze %dma_start3A_232 : memref<1x96xi32, #tpu.memory_space<vmem>> -> memref<96xi32, #tpu.memory_space<vmem>>
    %dma_start3A_234 = arith.constant 0 : i32
    %dma_start3A_235 = tpu.memref_slice %dma_start3A_233[%dma_start3A_234] : memref<96xi32, #tpu.memory_space<vmem>> -> memref<16xi32, #tpu.memory_space<vmem>>
    %dma_start3A_236 = tpu.memref_slice %arg3[%add3A_223] : memref<640000xi32, #tpu.memory_space<hbm>> -> memref<16xi32, #tpu.memory_space<hbm>>
    tpu.enqueue_dma source(%dma_start3A_236 : memref<16xi32, #tpu.memory_space<hbm>>) target(%dma_start3A_235 : memref<16xi32, #tpu.memory_space<vmem>>) target_semaphore(%arg11 : memref<!tpu.dma_semaphore, #tpu.memory_space<semaphore_mem>>)
    %dma_wait3A_237 = arith.constant 0 : i32
    %dma_wait3A_238 = arith.constant 0 : i32
    %dma_wait3A_239 = tpu.memref_slice %arg6[%dma_wait3A_237, %dma_wait3A_238] : memref<4x96xi32, #tpu.memory_space<vmem>> -> memref<1x96xi32, #tpu.memory_space<vmem>>
    %dma_wait3A_240 = tpu.memref_squeeze %dma_wait3A_239 : memref<1x96xi32, #tpu.memory_space<vmem>> -> memref<96xi32, #tpu.memory_space<vmem>>
    %dma_wait3A_241 = arith.constant 0 : i32
    %dma_wait3A_242 = tpu.memref_slice %dma_wait3A_240[%dma_wait3A_241] : memref<96xi32, #tpu.memory_space<vmem>> -> memref<16xi32, #tpu.memory_space<vmem>>
    %dma_wait3A_243 = tpu.memref_slice %arg3[%add3A_223] : memref<640000xi32, #tpu.memory_space<hbm>> -> memref<16xi32, #tpu.memory_space<hbm>>
    %dma_wait3A_244 = arith.constant 0 : i32
    %dma_wait3A_245 = tpu.memref_slice %arg6[%dma_wait3A_237, %dma_wait3A_244] : memref<4x96xi32, #tpu.memory_space<vmem>> -> memref<1x96xi32, #tpu.memory_space<vmem>>
    %dma_wait3A_246 = tpu.memref_squeeze %dma_wait3A_245 : memref<1x96xi32, #tpu.memory_space<vmem>> -> memref<96xi32, #tpu.memory_space<vmem>>
    %dma_wait3A_247 = arith.constant 0 : i32
    %dma_wait3A_248 = tpu.memref_slice %dma_wait3A_246[%dma_wait3A_247] : memref<96xi32, #tpu.memory_space<vmem>> -> memref<16xi32, #tpu.memory_space<vmem>>
    %dma_wait3A_249 = tpu.memref_slice %arg3[%add3A_223] : memref<640000xi32, #tpu.memory_space<hbm>> -> memref<16xi32, #tpu.memory_space<hbm>>
    tpu.wait_dma2 semaphore(%arg11 : memref<!tpu.dma_semaphore, #tpu.memory_space<semaphore_mem>>) src(%dma_wait3A_249 : memref<16xi32, #tpu.memory_space<hbm>>) dst(%dma_wait3A_248 : memref<16xi32, #tpu.memory_space<vmem>>)
    %dma_start3A_250 = arith.constant 0 : i32
    %dma_start3A_251 = arith.constant 0 : i32
    %dma_start3A_252 = arith.constant 0 : i32
    %dma_start3A_253 = arith.constant 0 : i32
    %dma_start3A_254 = tpu.memref_slice %arg8[%dma_start3A_251, %dma_start3A_252, %dma_start3A_253] : memref<4x96x128xf32, #tpu.memory_space<vmem>> -> memref<1x96x128xf32, #tpu.memory_space<vmem>>
    %dma_start3A_255 = tpu.memref_squeeze %dma_start3A_254 : memref<1x96x128xf32, #tpu.memory_space<vmem>> -> memref<96x128xf32, #tpu.memory_space<vmem>>
    %dma_start3A_256 = arith.constant 0 : i32
    %dma_start3A_257 = arith.constant 0 : i32
    %dma_start3A_258 = tpu.memref_slice %dma_start3A_255[%dma_start3A_256, %dma_start3A_257] : memref<96x128xf32, #tpu.memory_space<vmem>> -> memref<16x128xf32, #tpu.memory_space<vmem>>
    %dma_start3A_259 = arith.constant 0 : i32
    %dma_start3A_260 = tpu.memref_slice %arg6[%dma_start3A_250, %dma_start3A_259] : memref<4x96xi32, #tpu.memory_space<vmem>> -> memref<1x96xi32, #tpu.memory_space<vmem>>
    %dma_start3A_261 = tpu.memref_squeeze %dma_start3A_260 : memref<1x96xi32, #tpu.memory_space<vmem>> -> memref<96xi32, #tpu.memory_space<vmem>>
    %dma_start3A_262 = arith.constant 0 : i32
    %dma_start3A_263 = tpu.memref_slice %dma_start3A_261[%dma_start3A_262] : memref<96xi32, #tpu.memory_space<vmem>> -> memref<16xi32, #tpu.memory_space<vmem>>
    %dma_start3A_264 = arith.constant 0 : i32
    %dma_start3A_265 = arith.constant 0 : i32
    %dma_start3A_266 = tpu.memref_slice %arg2[%dma_start3A_264, %dma_start3A_265] : memref<10000x128xf32, #tpu.memory_space<hbm>> -> memref<10000x128xf32, #tpu.memory_space<hbm>>
    tpu.enqueue_indirect_dma source(%dma_start3A_266 : memref<10000x128xf32, #tpu.memory_space<hbm>>) target(%dma_start3A_258 : memref<16x128xf32, #tpu.memory_space<vmem>>) offsets(%dma_start3A_263 : memref<16xi32, #tpu.memory_space<vmem>>) semaphore(%arg19 : memref<!tpu.dma_semaphore, #tpu.memory_space<semaphore_mem>>)
    %dma_wait3A_267 = arith.constant 0 : i32
    %dma_wait3A_268 = arith.constant 0 : i32
    %dma_wait3A_269 = arith.constant 0 : i32
    %dma_wait3A_270 = arith.constant 0 : i32
    %dma_wait3A_271 = tpu.memref_slice %arg8[%dma_wait3A_268, %dma_wait3A_269, %dma_wait3A_270] : memref<4x96x128xf32, #tpu.memory_space<vmem>> -> memref<1x96x128xf32, #tpu.memory_space<vmem>>
    %dma_wait3A_272 = tpu.memref_squeeze %dma_wait3A_271 : memref<1x96x128xf32, #tpu.memory_space<vmem>> -> memref<96x128xf32, #tpu.memory_space<vmem>>
    %dma_wait3A_273 = arith.constant 0 : i32
    %dma_wait3A_274 = arith.constant 0 : i32
    %dma_wait3A_275 = tpu.memref_slice %dma_wait3A_272[%dma_wait3A_273, %dma_wait3A_274] : memref<96x128xf32, #tpu.memory_space<vmem>> -> memref<16x128xf32, #tpu.memory_space<vmem>>
    %dma_wait3A_276 = arith.constant 0 : i32
    %dma_wait3A_277 = tpu.memref_slice %arg6[%dma_wait3A_267, %dma_wait3A_276] : memref<4x96xi32, #tpu.memory_space<vmem>> -> memref<1x96xi32, #tpu.memory_space<vmem>>
    %dma_wait3A_278 = tpu.memref_squeeze %dma_wait3A_277 : memref<1x96xi32, #tpu.memory_space<vmem>> -> memref<96xi32, #tpu.memory_space<vmem>>
    %dma_wait3A_279 = arith.constant 0 : i32
    %dma_wait3A_280 = tpu.memref_slice %dma_wait3A_278[%dma_wait3A_279] : memref<96xi32, #tpu.memory_space<vmem>> -> memref<16xi32, #tpu.memory_space<vmem>>
    %dma_wait3A_281 = arith.constant 0 : i32
    %dma_wait3A_282 = arith.constant 0 : i32
    %dma_wait3A_283 = tpu.memref_slice %arg2[%dma_wait3A_281, %dma_wait3A_282] : memref<10000x128xf32, #tpu.memory_space<hbm>> -> memref<10000x128xf32, #tpu.memory_space<hbm>>
    tpu.wait_indirect_dma semaphore(%arg19 : memref<!tpu.dma_semaphore, #tpu.memory_space<semaphore_mem>>) src(%dma_wait3A_283 : memref<10000x128xf32, #tpu.memory_space<hbm>>) dst(%dma_wait3A_275 : memref<16x128xf32, #tpu.memory_space<vmem>>)
    %dma_start3A_284 = arith.constant 0 : i32
    %dma_start3A_285 = arith.constant 0 : i32
    %dma_start3A_286 = arith.constant 0 : i32
    %dma_start3A_287 = arith.constant 0 : i32
    %dma_start3A_288 = tpu.memref_slice %arg8[%dma_start3A_284, %dma_start3A_286, %dma_start3A_287] : memref<4x96x128xf32, #tpu.memory_space<vmem>> -> memref<1x96x128xf32, #tpu.memory_space<vmem>>
    %dma_start3A_289 = tpu.memref_squeeze %dma_start3A_288 : memref<1x96x128xf32, #tpu.memory_space<vmem>> -> memref<96x128xf32, #tpu.memory_space<vmem>>
    %dma_start3A_290 = arith.constant 0 : i32
    %dma_start3A_291 = arith.constant 0 : i32
    %dma_start3A_292 = tpu.memref_slice %dma_start3A_289[%dma_start3A_290, %dma_start3A_291] : memref<96x128xf32, #tpu.memory_space<vmem>> -> memref<16x128xf32, #tpu.memory_space<vmem>>
    %dma_start3A_293 = arith.constant 0 : i32
    %dma_start3A_294 = tpu.memref_slice %arg9[%dma_start3A_285, %dma_start3A_293] : memref<1x16xi32, #tpu.memory_space<vmem>> -> memref<1x16xi32, #tpu.memory_space<vmem>>
    %dma_start3A_295 = tpu.memref_squeeze %dma_start3A_294 : memref<1x16xi32, #tpu.memory_space<vmem>> -> memref<16xi32, #tpu.memory_space<vmem>>
    %dma_start3A_296 = arith.constant 0 : i32
    %dma_start3A_297 = arith.constant 0 : i32
    %dma_start3A_298 = tpu.memref_slice %arg5[%dma_start3A_296, %dma_start3A_297] : memref<10000x128xf32, #tpu.memory_space<vmem_shared>> -> memref<10000x128xf32, #tpu.memory_space<vmem_shared>>
    tpu.enqueue_indirect_dma source(%dma_start3A_292 : memref<16x128xf32, #tpu.memory_space<vmem>>) target(%dma_start3A_298 : memref<10000x128xf32, #tpu.memory_space<vmem_shared>>) offsets(%dma_start3A_295 : memref<16xi32, #tpu.memory_space<vmem>>) semaphore(%arg23 : memref<!tpu.dma_semaphore, #tpu.memory_space<semaphore_mem>>) {add = true}
    %dma_wait3A_299 = arith.constant 0 : i32
    %dma_wait3A_300 = arith.constant 0 : i32
    %dma_wait3A_301 = arith.constant 0 : i32
    %dma_wait3A_302 = arith.constant 0 : i32
    %dma_wait3A_303 = tpu.memref_slice %arg8[%dma_wait3A_299, %dma_wait3A_301, %dma_wait3A_302] : memref<4x96x128xf32, #tpu.memory_space<vmem>> -> memref<1x96x128xf32, #tpu.memory_space<vmem>>
    %dma_wait3A_304 = tpu.memref_squeeze %dma_wait3A_303 : memref<1x96x128xf32, #tpu.memory_space<vmem>> -> memref<96x128xf32, #tpu.memory_space<vmem>>
    %dma_wait3A_305 = arith.constant 0 : i32
    %dma_wait3A_306 = arith.constant 0 : i32
    %dma_wait3A_307 = tpu.memref_slice %dma_wait3A_304[%dma_wait3A_305, %dma_wait3A_306] : memref<96x128xf32, #tpu.memory_space<vmem>> -> memref<16x128xf32, #tpu.memory_space<vmem>>
    %dma_wait3A_308 = arith.constant 0 : i32
    %dma_wait3A_309 = tpu.memref_slice %arg9[%dma_wait3A_300, %dma_wait3A_308] : memref<1x16xi32, #tpu.memory_space<vmem>> -> memref<1x16xi32, #tpu.memory_space<vmem>>
    %dma_wait3A_310 = tpu.memref_squeeze %dma_wait3A_309 : memref<1x16xi32, #tpu.memory_space<vmem>> -> memref<16xi32, #tpu.memory_space<vmem>>
    %dma_wait3A_311 = arith.constant 0 : i32
    %dma_wait3A_312 = arith.constant 0 : i32
    %dma_wait3A_313 = tpu.memref_slice %arg5[%dma_wait3A_311, %dma_wait3A_312] : memref<10000x128xf32, #tpu.memory_space<vmem_shared>> -> memref<10000x128xf32, #tpu.memory_space<vmem_shared>>
    tpu.wait_indirect_dma semaphore(%arg23 : memref<!tpu.dma_semaphore, #tpu.memory_space<semaphore_mem>>) src(%dma_wait3A_307 : memref<16x128xf32, #tpu.memory_space<vmem>>) dst(%dma_wait3A_313 : memref<10000x128xf32, #tpu.memory_space<vmem_shared>>)
    %barrier3A_314 = arith.constant 0 : index
    tpu.barrier barrier_id(%barrier3A_314)
    %dma_start3A_315 = arith.constant 0 : i32
    %dma_start3A_316 = tpu.memref_slice %arg4[%arg0, %mul3A_2, %dma_start3A_315] : memref<2x10000x128xf32, #tpu.memory_space<hbm>> -> memref<1x624x128xf32, #tpu.memory_space<hbm>>
    %dma_start3A_317 = tpu.memref_squeeze %dma_start3A_316 : memref<1x624x128xf32, #tpu.memory_space<hbm>> -> memref<624x128xf32, #tpu.memory_space<hbm>>
    %dma_start3A_318 = arith.constant 0 : i32
    %dma_start3A_319 = tpu.memref_slice %arg5[%mul3A_2, %dma_start3A_318] : memref<10000x128xf32, #tpu.memory_space<vmem_shared>> -> memref<624x128xf32, #tpu.memory_space<vmem_shared>>
    tpu.enqueue_dma source(%dma_start3A_319 : memref<624x128xf32, #tpu.memory_space<vmem_shared>>) target(%dma_start3A_317 : memref<624x128xf32, #tpu.memory_space<hbm>>) target_semaphore(%arg10 : memref<!tpu.dma_semaphore, #tpu.memory_space<semaphore_mem>>)
    %dma_wait3A_320 = arith.constant 0 : i32
    %dma_wait3A_321 = tpu.memref_slice %arg4[%arg0, %mul3A_2, %dma_wait3A_320] : memref<2x10000x128xf32, #tpu.memory_space<hbm>> -> memref<1x624x128xf32, #tpu.memory_space<hbm>>
    %dma_wait3A_322 = tpu.memref_squeeze %dma_wait3A_321 : memref<1x624x128xf32, #tpu.memory_space<hbm>> -> memref<624x128xf32, #tpu.memory_space<hbm>>
    %dma_wait3A_323 = arith.constant 0 : i32
    %dma_wait3A_324 = tpu.memref_slice %arg5[%mul3A_2, %dma_wait3A_323] : memref<10000x128xf32, #tpu.memory_space<vmem_shared>> -> memref<624x128xf32, #tpu.memory_space<vmem_shared>>
    tpu.wait_dma2 semaphore(%arg10 : memref<!tpu.dma_semaphore, #tpu.memory_space<semaphore_mem>>) src(%dma_wait3A_324 : memref<624x128xf32, #tpu.memory_space<vmem_shared>>) dst(%dma_wait3A_322 : memref<624x128xf32, #tpu.memory_space<hbm>>)
    %eq3A_325 = arith.constant 15 : i32
    %eq3A_326 = arith.cmpi eq, %arg1, %eq3A_325 : i32
    %convert_element_type3A_327 = arith.extui %eq3A_326 : i1 to i32
    %cond3A_328 = arith.constant 0 : i32
    %cond3A_329 = arith.cmpi ne, %convert_element_type3A_327, %cond3A_328 : i32
    scf.if %cond3A_329 {
      %dma_start3A_330 = arith.constant 9984 : i32
      %dma_start3A_331 = arith.constant 0 : i32
      %dma_start3A_332 = tpu.memref_slice %arg4[%arg0, %dma_start3A_330, %dma_start3A_331] : memref<2x10000x128xf32, #tpu.memory_space<hbm>> -> memref<1x16x128xf32, #tpu.memory_space<hbm>>
      %dma_start3A_333 = tpu.memref_squeeze %dma_start3A_332 : memref<1x16x128xf32, #tpu.memory_space<hbm>> -> memref<16x128xf32, #tpu.memory_space<hbm>>
      %dma_start3A_334 = arith.constant 9984 : i32
      %dma_start3A_335 = arith.constant 0 : i32
      %dma_start3A_336 = tpu.memref_slice %arg5[%dma_start3A_334, %dma_start3A_335] : memref<10000x128xf32, #tpu.memory_space<vmem_shared>> -> memref<16x128xf32, #tpu.memory_space<vmem_shared>>
      tpu.enqueue_dma source(%dma_start3A_336 : memref<16x128xf32, #tpu.memory_space<vmem_shared>>) target(%dma_start3A_333 : memref<16x128xf32, #tpu.memory_space<hbm>>) target_semaphore(%arg10 : memref<!tpu.dma_semaphore, #tpu.memory_space<semaphore_mem>>)
      %dma_wait3A_337 = arith.constant 9984 : i32
      %dma_wait3A_338 = arith.constant 0 : i32
      %dma_wait3A_339 = tpu.memref_slice %arg4[%arg0, %dma_wait3A_337, %dma_wait3A_338] : memref<2x10000x128xf32, #tpu.memory_space<hbm>> -> memref<1x16x128xf32, #tpu.memory_space<hbm>>
      %dma_wait3A_340 = tpu.memref_squeeze %dma_wait3A_339 : memref<1x16x128xf32, #tpu.memory_space<hbm>> -> memref<16x128xf32, #tpu.memory_space<hbm>>
      %dma_wait3A_341 = arith.constant 9984 : i32
      %dma_wait3A_342 = arith.constant 0 : i32
      %dma_wait3A_343 = tpu.memref_slice %arg5[%dma_wait3A_341, %dma_wait3A_342] : memref<10000x128xf32, #tpu.memory_space<vmem_shared>> -> memref<16x128xf32, #tpu.memory_space<vmem_shared>>
      tpu.wait_dma2 semaphore(%arg10 : memref<!tpu.dma_semaphore, #tpu.memory_space<semaphore_mem>>) src(%dma_wait3A_343 : memref<16x128xf32, #tpu.memory_space<vmem_shared>>) dst(%dma_wait3A_340 : memref<16x128xf32, #tpu.memory_space<hbm>>)
    } else {
    }
    return
  }
}

#map = affine_map<(d0, d1) -> (0)>
#map1 = affine_map<(d0, d1) -> (0, 0)>
module attributes {stable_mosaic.version = 14 : i64} {
  func.func @hist_kernel(%arg0: i32, %arg1: i32, %arg2: memref<640000xi32, #tpu.memory_space<hbm>>, %arg3: memref<32x10000xf32, #tpu.memory_space<hbm>>, %arg4: memref<10000xf32, #tpu.memory_space<vmem>>, %arg5: memref<10000xi32, #tpu.memory_space<vmem>>, %arg6: memref<!tpu.dma_semaphore, #tpu.memory_space<semaphore_mem>>) attributes {dimension_semantics = [#tpu.dimension_semantics<core_parallel>, #tpu.dimension_semantics<subcore_parallel>], iteration_bounds = array<i64: 2, 16>, scalar_prefetch = 0 : i64, scratch_operands = 3 : i64, tpu.core_type = #tpu.core_type<sc_vector_subcore>, window_params = [{transform_indices = #map}, {transform_indices = #map1}]} {
    %mul3A = arith.constant 2 : i32
    %mul3A_0 = arith.muli %arg1, %mul3A : i32
    %add3A = arith.addi %mul3A_0, %arg0 : i32
    %broadcast_in_dim3A = arith.constant 0.000000e+00 : f32
    %broadcast_in_dim3A_1 = vector.broadcast %broadcast_in_dim3A : f32 to vector<16xf32>
    %broadcast_in_dim3A_2 = arith.constant 1.000000e+00 : f32
    %broadcast_in_dim3A_3 = vector.broadcast %broadcast_in_dim3A_2 : f32 to vector<16xf32>
    %mul3A_4 = arith.constant 10000 : i32
    %mul3A_5 = arith.muli %add3A, %mul3A_4 : i32
    %add3A_6 = arith.constant 320000 : i32
    %add3A_7 = arith.addi %add3A_6, %mul3A_5 : i32
    %dma_start3A = tpu.memref_slice %arg2[%add3A_7] : memref<640000xi32, #tpu.memory_space<hbm>> -> memref<10000xi32, #tpu.memory_space<hbm>>
    %dma_start3A_8 = tpu.memref_slice %arg2[%add3A_7] : memref<640000xi32, #tpu.memory_space<hbm>> -> memref<10000xi32, #tpu.memory_space<hbm>>
    tpu.enqueue_dma source(%dma_start3A_8 : memref<10000xi32, #tpu.memory_space<hbm>>) target(%arg5 : memref<10000xi32, #tpu.memory_space<vmem>>) target_semaphore(%arg6 : memref<!tpu.dma_semaphore, #tpu.memory_space<semaphore_mem>>)
    %scan3A = arith.constant 0 : i32
    %scan3A_9 = arith.constant 625 : i32
    %scan3A_10 = arith.addi %scan3A, %scan3A_9 : i32
    %scan3A_11 = arith.constant 1 : i32
    scf.for %scan3A_32 = %scan3A to %scan3A_10 step %scan3A_11  : i32 {
      %mul3A_33 = arith.constant 16 : i32
      %mul3A_34 = arith.muli %scan3A_32, %mul3A_33 : i32
      %add3A_35 = arith.constant 0 : i32
      %add3A_36 = arith.addi %add3A_35, %mul3A_34 : i32
      %swap3A = arith.index_cast %add3A_36 : i32 to index
      %swap3A_37 = tpu.vector_load %arg4[%swap3A] {strides = array<i32>} : memref<10000xf32, #tpu.memory_space<vmem>>, vector<16xf32>,
      tpu.vector_store %arg4[%swap3A], %broadcast_in_dim3A_1 {strides = array<i32>} : memref<10000xf32, #tpu.memory_space<vmem>>, vector<16xf32>,
    }
    %scan3A_12 = arith.constant 625 : i32
    %dma_wait3A = tpu.memref_slice %arg2[%add3A_7] : memref<640000xi32, #tpu.memory_space<hbm>> -> memref<10000xi32, #tpu.memory_space<hbm>>
    %dma_wait3A_13 = tpu.memref_slice %arg2[%add3A_7] : memref<640000xi32, #tpu.memory_space<hbm>> -> memref<10000xi32, #tpu.memory_space<hbm>>
    tpu.wait_dma2 semaphore(%arg6 : memref<!tpu.dma_semaphore, #tpu.memory_space<semaphore_mem>>) src(%dma_wait3A_13 : memref<10000xi32, #tpu.memory_space<hbm>>) dst(%arg5 : memref<10000xi32, #tpu.memory_space<vmem>>)
    %scan3A_14 = arith.constant 0 : i32
    %scan3A_15 = arith.constant 78 : i32
    %scan3A_16 = arith.addi %scan3A_14, %scan3A_15 : i32
    %scan3A_17 = arith.constant 1 : i32
    scf.for %scan3A_32 = %scan3A_14 to %scan3A_16 step %scan3A_17  : i32 {
      %mul3A_33 = arith.constant 128 : i32
      %mul3A_34 = arith.muli %scan3A_32, %mul3A_33 : i32
      %add3A_35 = arith.constant 0 : i32
      %add3A_36 = arith.addi %add3A_35, %mul3A_34 : i32
      %add3A_37 = arith.constant 0 : i32
      %add3A_38 = arith.addi %add3A_36, %add3A_37 : i32
      %get3A_39 = arith.index_cast %add3A_38 : i32 to index
      %get3A_40 = tpu.vector_load %arg5[%get3A_39] {strides = array<i32>} : memref<10000xi32, #tpu.memory_space<vmem>>, vector<16xi32>,
      tpu.vector_store_idx %arg4[%get3A_40], %broadcast_in_dim3A_3 {add = true} : memref<10000xf32, #tpu.memory_space<vmem>>[vector<16xi32>], vector<16xf32>,
      %add3A_41 = arith.constant 16 : i32
      %add3A_42 = arith.addi %add3A_36, %add3A_41 : i32
      %get3A_43 = arith.index_cast %add3A_42 : i32 to index
      %get3A_44 = tpu.vector_load %arg5[%get3A_43] {strides = array<i32>} : memref<10000xi32, #tpu.memory_space<vmem>>, vector<16xi32>,
      tpu.vector_store_idx %arg4[%get3A_44], %broadcast_in_dim3A_3 {add = true} : memref<10000xf32, #tpu.memory_space<vmem>>[vector<16xi32>], vector<16xf32>,
      %add3A_45 = arith.constant 32 : i32
      %add3A_46 = arith.addi %add3A_36, %add3A_45 : i32
      %get3A_47 = arith.index_cast %add3A_46 : i32 to index
      %get3A_48 = tpu.vector_load %arg5[%get3A_47] {strides = array<i32>} : memref<10000xi32, #tpu.memory_space<vmem>>, vector<16xi32>,
      tpu.vector_store_idx %arg4[%get3A_48], %broadcast_in_dim3A_3 {add = true} : memref<10000xf32, #tpu.memory_space<vmem>>[vector<16xi32>], vector<16xf32>,
      %add3A_49 = arith.constant 48 : i32
      %add3A_50 = arith.addi %add3A_36, %add3A_49 : i32
      %get3A_51 = arith.index_cast %add3A_50 : i32 to index
      %get3A_52 = tpu.vector_load %arg5[%get3A_51] {strides = array<i32>} : memref<10000xi32, #tpu.memory_space<vmem>>, vector<16xi32>,
      tpu.vector_store_idx %arg4[%get3A_52], %broadcast_in_dim3A_3 {add = true} : memref<10000xf32, #tpu.memory_space<vmem>>[vector<16xi32>], vector<16xf32>,
      %add3A_53 = arith.constant 64 : i32
      %add3A_54 = arith.addi %add3A_36, %add3A_53 : i32
      %get3A_55 = arith.index_cast %add3A_54 : i32 to index
      %get3A_56 = tpu.vector_load %arg5[%get3A_55] {strides = array<i32>} : memref<10000xi32, #tpu.memory_space<vmem>>, vector<16xi32>,
      tpu.vector_store_idx %arg4[%get3A_56], %broadcast_in_dim3A_3 {add = true} : memref<10000xf32, #tpu.memory_space<vmem>>[vector<16xi32>], vector<16xf32>,
      %add3A_57 = arith.constant 80 : i32
      %add3A_58 = arith.addi %add3A_36, %add3A_57 : i32
      %get3A_59 = arith.index_cast %add3A_58 : i32 to index
      %get3A_60 = tpu.vector_load %arg5[%get3A_59] {strides = array<i32>} : memref<10000xi32, #tpu.memory_space<vmem>>, vector<16xi32>,
      tpu.vector_store_idx %arg4[%get3A_60], %broadcast_in_dim3A_3 {add = true} : memref<10000xf32, #tpu.memory_space<vmem>>[vector<16xi32>], vector<16xf32>,
      %add3A_61 = arith.constant 96 : i32
      %add3A_62 = arith.addi %add3A_36, %add3A_61 : i32
      %get3A_63 = arith.index_cast %add3A_62 : i32 to index
      %get3A_64 = tpu.vector_load %arg5[%get3A_63] {strides = array<i32>} : memref<10000xi32, #tpu.memory_space<vmem>>, vector<16xi32>,
      tpu.vector_store_idx %arg4[%get3A_64], %broadcast_in_dim3A_3 {add = true} : memref<10000xf32, #tpu.memory_space<vmem>>[vector<16xi32>], vector<16xf32>,
      %add3A_65 = arith.constant 112 : i32
      %add3A_66 = arith.addi %add3A_36, %add3A_65 : i32
      %get3A_67 = arith.index_cast %add3A_66 : i32 to index
      %get3A_68 = tpu.vector_load %arg5[%get3A_67] {strides = array<i32>} : memref<10000xi32, #tpu.memory_space<vmem>>, vector<16xi32>,
      tpu.vector_store_idx %arg4[%get3A_68], %broadcast_in_dim3A_3 {add = true} : memref<10000xf32, #tpu.memory_space<vmem>>[vector<16xi32>], vector<16xf32>,
    }
    %scan3A_18 = arith.constant 78 : i32
    %get3A = arith.constant 9984 : index
    %get3A_19 = tpu.vector_load %arg5[%get3A] {strides = array<i32>} : memref<10000xi32, #tpu.memory_space<vmem>>, vector<16xi32>,
    tpu.vector_store_idx %arg4[%get3A_19], %broadcast_in_dim3A_3 {add = true} : memref<10000xf32, #tpu.memory_space<vmem>>[vector<16xi32>], vector<16xf32>,
    %dma_start3A_20 = arith.constant 0 : i32
    %dma_start3A_21 = tpu.memref_slice %arg3[%add3A, %dma_start3A_20] : memref<32x10000xf32, #tpu.memory_space<hbm>> -> memref<1x10000xf32, #tpu.memory_space<hbm>>
    %dma_start3A_22 = tpu.memref_squeeze %dma_start3A_21 : memref<1x10000xf32, #tpu.memory_space<hbm>> -> memref<10000xf32, #tpu.memory_space<hbm>>
    %dma_start3A_23 = arith.constant 0 : i32
    %dma_start3A_24 = tpu.memref_slice %arg3[%add3A, %dma_start3A_23] : memref<32x10000xf32, #tpu.memory_space<hbm>> -> memref<1x10000xf32, #tpu.memory_space<hbm>>
    %dma_start3A_25 = tpu.memref_squeeze %dma_start3A_24 : memref<1x10000xf32, #tpu.memory_space<hbm>> -> memref<10000xf32, #tpu.memory_space<hbm>>
    tpu.enqueue_dma source(%arg4 : memref<10000xf32, #tpu.memory_space<vmem>>) target(%dma_start3A_25 : memref<10000xf32, #tpu.memory_space<hbm>>) target_semaphore(%arg6 : memref<!tpu.dma_semaphore, #tpu.memory_space<semaphore_mem>>)
    %dma_wait3A_26 = arith.constant 0 : i32
    %dma_wait3A_27 = tpu.memref_slice %arg3[%add3A, %dma_wait3A_26] : memref<32x10000xf32, #tpu.memory_space<hbm>> -> memref<1x10000xf32, #tpu.memory_space<hbm>>
    %dma_wait3A_28 = tpu.memref_squeeze %dma_wait3A_27 : memref<1x10000xf32, #tpu.memory_space<hbm>> -> memref<10000xf32, #tpu.memory_space<hbm>>
    %dma_wait3A_29 = arith.constant 0 : i32
    %dma_wait3A_30 = tpu.memref_slice %arg3[%add3A, %dma_wait3A_29] : memref<32x10000xf32, #tpu.memory_space<hbm>> -> memref<1x10000xf32, #tpu.memory_space<hbm>>
    %dma_wait3A_31 = tpu.memref_squeeze %dma_wait3A_30 : memref<1x10000xf32, #tpu.memory_space<hbm>> -> memref<10000xf32, #tpu.memory_space<hbm>>
    tpu.wait_dma2 semaphore(%arg6 : memref<!tpu.dma_semaphore, #tpu.memory_space<semaphore_mem>>) src(%arg4 : memref<10000xf32, #tpu.memory_space<vmem>>) dst(%dma_wait3A_31 : memref<10000xf32, #tpu.memory_space<hbm>>)
    return
  }
}

module attributes {stable_mosaic.version = 14 : i64} {
  func.func @body(%arg0: memref<2x10000x128xf32, #tpu.memory_space<vmem>>, %arg1: memref<10000x1xf32, #tpu.memory_space<vmem>>, %arg2: memref<128x64xf32, #tpu.memory_space<vmem>>, %arg3: memref<10000x64xf32, #tpu.memory_space<vmem>>) attributes {dimension_semantics = [], scalar_prefetch = 0 : i64, scratch_operands = 0 : i64, tpu.core_type = #tpu.core_type<tc>} {
    %get3A = arith.constant 0 : index
    %get3A_0 = arith.constant 0 : index
    %get3A_1 = arith.constant 0 : index
    %get3A_2 = vector.load %arg0[%get3A, %get3A_0, %get3A_1] : memref<2x10000x128xf32, #tpu.memory_space<vmem>>, vector<1x10000x128xf32>
    %get3A_3 = vector.shape_cast %get3A_2 : vector<1x10000x128xf32> to vector<10000x128xf32>
    %get3A_4 = arith.constant 1 : index
    %get3A_5 = arith.constant 0 : index
    %get3A_6 = arith.constant 0 : index
    %get3A_7 = vector.load %arg0[%get3A_4, %get3A_5, %get3A_6] : memref<2x10000x128xf32, #tpu.memory_space<vmem>>, vector<1x10000x128xf32>
    %get3A_8 = vector.shape_cast %get3A_7 : vector<1x10000x128xf32> to vector<10000x128xf32>
    %add3A = arith.addf %get3A_3, %get3A_8 : vector<10000x128xf32>
    %get3A_9 = arith.constant 0 : index
    %get3A_10 = arith.constant 0 : index
    %get3A_11 = vector.load %arg1[%get3A_9, %get3A_10] : memref<10000x1xf32, #tpu.memory_space<vmem>>, vector<10000x1xf32>
    %mul3A = vector.broadcast %get3A_11 : vector<10000x1xf32> to vector<10000x128xf32>
    %mul3A_12 = arith.mulf %add3A, %mul3A : vector<10000x128xf32>
    %max3A = arith.constant 0.000000e+00 : f32
    %max3A_13 = vector.broadcast %max3A : f32 to vector<10000x128xf32>
    %max3A_14 = arith.maximumf %mul3A_12, %max3A_13 : vector<10000x128xf32>
    %get3A_15 = arith.constant 0 : index
    %get3A_16 = arith.constant 0 : index
    %get3A_17 = vector.load %arg2[%get3A_15, %get3A_16] : memref<128x64xf32, #tpu.memory_space<vmem>>, vector<128x64xf32>
    %dot_general3A = arith.constant dense<0.000000e+00> : vector<10000x64xf32>
    %dot_general3A_18 = tpu.matmul %max3A_14, %get3A_17, %dot_general3A {dimension_numbers = #tpu.dot_dimension_numbers<[1], [0], [0], [1], [0, 0, 1, 1], [], []>, transpose_lhs_hint = false} : vector<10000x128xf32>, vector<128x64xf32>, vector<10000x64xf32> -> vector<10000x64xf32>
    %get3A_19 = arith.constant 0 : index
    %get3A_20 = arith.constant 0 : index
    %get3A_21 = vector.load %arg1[%get3A_19, %get3A_20] : memref<10000x1xf32, #tpu.memory_space<vmem>>, vector<10000x1xf32>
    %mul3A_22 = vector.broadcast %get3A_21 : vector<10000x1xf32> to vector<10000x64xf32>
    %mul3A_23 = arith.mulf %dot_general3A_18, %mul3A_22 : vector<10000x64xf32>
    %swap3A = arith.constant 0 : index
    %swap3A_24 = arith.constant 0 : index
    %swap3A_25 = vector.load %arg3[%swap3A, %swap3A_24] : memref<10000x64xf32, #tpu.memory_space<vmem>>, vector<10000x64xf32>
    tpu.vector_store %arg3[%swap3A, %swap3A_24], %mul3A_23 {strides = array<i32>} : memref<10000x64xf32, #tpu.memory_space<vmem>>, vector<10000x64xf32>,
    return
  }
}

module attributes {stable_mosaic.version = 14 : i64} {
  func.func @body(%arg0: memref<32x10000xf32, #tpu.memory_space<vmem>>, %arg1: memref<10000x128xf32, #tpu.memory_space<vmem>>, %arg2: memref<128x128xf32, #tpu.memory_space<vmem>>, %arg3: memref<10000x128xf32, #tpu.memory_space<vmem>>, %arg4: memref<10000x1xf32, #tpu.memory_space<vmem>>) attributes {dimension_semantics = [], scalar_prefetch = 0 : i64, scratch_operands = 0 : i64, tpu.core_type = #tpu.core_type<tc>} {
    %get3A = arith.constant 0 : index
    %get3A_0 = arith.constant 0 : index
    %get3A_1 = vector.load %arg0[%get3A, %get3A_0] : memref<32x10000xf32, #tpu.memory_space<vmem>>, vector<32x10000xf32>
    %reduce_sum3A = arith.constant dense<0.000000e+00> : vector<10000xf32>
    %reduce_sum3A_2 = vector.multi_reduction <add>, %get3A_1, %reduce_sum3A [0] : vector<32x10000xf32> to vector<10000xf32>
    %max3A = arith.constant 1.000000e+00 : f32
    %max3A_3 = vector.broadcast %max3A : f32 to vector<10000xf32>
    %max3A_4 = arith.maximumf %reduce_sum3A_2, %max3A_3 : vector<10000xf32>
    %rsqrt3A = math.rsqrt %max3A_4 : vector<10000xf32>
    %broadcast_in_dim3A = vector.shape_cast %rsqrt3A : vector<10000xf32> to vector<10000x1xf32>
    %swap3A = arith.constant 0 : index
    %swap3A_5 = arith.constant 0 : index
    %swap3A_6 = vector.load %arg4[%swap3A, %swap3A_5] : memref<10000x1xf32, #tpu.memory_space<vmem>>, vector<10000x1xf32>
    tpu.vector_store %arg4[%swap3A, %swap3A_5], %broadcast_in_dim3A {strides = array<i32>} : memref<10000x1xf32, #tpu.memory_space<vmem>>, vector<10000x1xf32>,
    %get3A_7 = arith.constant 0 : index
    %get3A_8 = arith.constant 0 : index
    %get3A_9 = vector.load %arg1[%get3A_7, %get3A_8] : memref<10000x128xf32, #tpu.memory_space<vmem>>, vector<10000x128xf32>
    %get3A_10 = arith.constant 0 : index
    %get3A_11 = arith.constant 0 : index
    %get3A_12 = vector.load %arg2[%get3A_10, %get3A_11] : memref<128x128xf32, #tpu.memory_space<vmem>>, vector<128x128xf32>
    %dot_general3A = arith.constant dense<0.000000e+00> : vector<10000x128xf32>
    %dot_general3A_13 = tpu.matmul %get3A_9, %get3A_12, %dot_general3A {dimension_numbers = #tpu.dot_dimension_numbers<[1], [0], [0], [1], [0, 0, 1, 1], [], []>, transpose_lhs_hint = false} : vector<10000x128xf32>, vector<128x128xf32>, vector<10000x128xf32> -> vector<10000x128xf32>
    %broadcast_in_dim3A_14 = vector.shape_cast %rsqrt3A : vector<10000xf32> to vector<10000x1xf32>
    %mul3A = vector.broadcast %broadcast_in_dim3A_14 : vector<10000x1xf32> to vector<10000x128xf32>
    %mul3A_15 = arith.mulf %dot_general3A_13, %mul3A : vector<10000x128xf32>
    %swap3A_16 = arith.constant 0 : index
    %swap3A_17 = arith.constant 0 : index
    %swap3A_18 = vector.load %arg3[%swap3A_16, %swap3A_17] : memref<10000x128xf32, #tpu.memory_space<vmem>>, vector<10000x128xf32>
    tpu.vector_store %arg3[%swap3A_16, %swap3A_17], %mul3A_15 {strides = array<i32>} : memref<10000x128xf32, #tpu.memory_space<vmem>>, vector<10000x128xf32>,
    return
  }
}

module attributes {stable_mosaic.version = 14 : i64} {
  func.func @body(%arg0: memref<2x10000x64xf32, #tpu.memory_space<vmem>>, %arg1: memref<10000x1xf32, #tpu.memory_space<vmem>>, %arg2: memref<10000x64xf32, #tpu.memory_space<vmem>>) attributes {dimension_semantics = [], scalar_prefetch = 0 : i64, scratch_operands = 0 : i64, tpu.core_type = #tpu.core_type<tc>} {
    %get3A = arith.constant 0 : index
    %get3A_0 = arith.constant 0 : index
    %get3A_1 = arith.constant 0 : index
    %get3A_2 = vector.load %arg0[%get3A, %get3A_0, %get3A_1] : memref<2x10000x64xf32, #tpu.memory_space<vmem>>, vector<1x10000x64xf32>
    %get3A_3 = vector.shape_cast %get3A_2 : vector<1x10000x64xf32> to vector<10000x64xf32>
    %get3A_4 = arith.constant 1 : index
    %get3A_5 = arith.constant 0 : index
    %get3A_6 = arith.constant 0 : index
    %get3A_7 = vector.load %arg0[%get3A_4, %get3A_5, %get3A_6] : memref<2x10000x64xf32, #tpu.memory_space<vmem>>, vector<1x10000x64xf32>
    %get3A_8 = vector.shape_cast %get3A_7 : vector<1x10000x64xf32> to vector<10000x64xf32>
    %add3A = arith.addf %get3A_3, %get3A_8 : vector<10000x64xf32>
    %get3A_9 = arith.constant 0 : index
    %get3A_10 = arith.constant 0 : index
    %get3A_11 = vector.load %arg1[%get3A_9, %get3A_10] : memref<10000x1xf32, #tpu.memory_space<vmem>>, vector<10000x1xf32>
    %mul3A = vector.broadcast %get3A_11 : vector<10000x1xf32> to vector<10000x64xf32>
    %mul3A_12 = arith.mulf %add3A, %mul3A : vector<10000x64xf32>
    %swap3A = arith.constant 0 : index
    %swap3A_13 = arith.constant 0 : index
    %swap3A_14 = vector.load %arg2[%swap3A, %swap3A_13] : memref<10000x64xf32, #tpu.memory_space<vmem>>, vector<10000x64xf32>
    tpu.vector_store %arg2[%swap3A, %swap3A_13], %mul3A_12 {strides = array<i32>} : memref<10000x64xf32, #tpu.memory_space<vmem>>, vector<10000x64xf32>,
    return
  }
}

</mosaic_0001>

<sc_bundles>
// kernel: kernel.11.cloned.1.call-start
scs
__scs_entry_jumppad:
0x0: {  	(pc) =	sbr.rel $0x88, $3  }
0x1: {  	(tag) =	ssettag $0x0;
	lr =	simm.s32 $0x1  }
0x2: {  	[smem:$0x3F9D] =	sst lr;
	_ =	strace $0xD0000000  }
0x3: {  	_ = 	snop  }
0x4: {  	_ = 	snop  }
0x5: {  	_ = 	snop  }
0x6: {  	_ = 	snop  }
0x7: {  	_ = 	snop  }
__scs_overlays_trampoline_lowered:
0x8: {  	[smem:$0x3FAC] =	sst s0  }
0x9: {  	[smem:$0x3FAD] =	sst s1  }
0xa: {  	[smem:$0x3FAE] =	sst s2  }
0xb: {  	[smem:$0x3FAF] =	sst s3  }
0xc: {  	[smem:$0x3FB0] =	sst s4  }
0xd: {  	[smem:$0x3FB1] =	sst s5  }
0xe: {  	[smem:$0x3FB2] =	sst s6  }
0xf: {  	[smem:$0x3FB3] =	sst s7  }
0x10: {  	[smem:$0x3FB4] =	sst s8  }
0x11: {  	[smem:$0x3FB5] =	sst s9;
	s0 =	simm.s32 @!p0 $0x0  }
0x12: {  	s1 =	sld [smem:$0x3F9B];
	s0 =	simm.s32 @p0 $0x1  }
0x13: {  	[smem:$0x3FB6] =	sst s0;
	s0 =	simm.s32 @!p1 $0x0  }
0x14: {  	s2 =	sld [smem:$0x3F9A];
	s0 =	simm.s32 @p1 $0x1  }
0x15: {  	[smem:$0x3FB7] =	sst s0;
	s0 =	simm.s32 @!p2 $0x0  }
0x16: {  	s3 =	sld [smem:$0x3FDB];
	s0 =	simm.s32 @p2 $0x1  }
0x17: {  	s4 =	simm.s32 $0x1BF5;
	[smem:$0x3FB9] =	sst s0  }
0x18: {  	s0 =	sld [smem:$0x3F9C];
	_ =	swait.ge [sflag:s4], $0x0  }
0x19: {  	s7 =	sld [smem:$0x3F9D]  }
0x1a: {  	s8 =	sadd.s32 $0xFFFFE003, lr  }
0x1b: {  	s9 =	sadd.s32 $0xFFFFFEF7, lr;
	s5 =	simm.s32 $0xFFFFFFFF;
	p2 =	slt.u32 s8, $0xFFFFF086  }
0x1c: {  	p1 =	slt.u32 s9, $0xF7A;
	s5 =	simm.s32 @!p2 $0x0  }
0x1d: {  	s5 =	simm.s32 @p1 $0x1;
	p0 =	seq.s32 s7, s2  }
0x1e: {  	s7 =	smul.u32 @!p0 $0xF7A, s2;
	p2 =	seq.s32 @!p0 s5, $0x0  }
0x1f: {  	s9 =	smul.u32 $0xF7A, s1;
	s8 =	simm.s32 @!p0 $0x1BF5;
	p2 =	por !p2, p0  }
0x20: {  	[sflag:s8] =	ssyncset.s32 @!p0 $0xFFFFF086;
	s6 =	sadd.s32 @!p0 s3, s7;
	s7 =	simm.s32 @!p0 $0x108  }
0x21: {  	s3 =	sadd.s32 s3, s9;
	s6 =	sadd.s32 @!p0 $0x88, s6;
	s7 =	simm.s32 @p2 $0x1082  }
0x22: {  	[simem:s7], [sflag:s8] =	dma.local @!p0 [hbm:s6], $0xF7A  }
0x23: {  	s9 =	sor.u32 $0xD0000000, s2;
	s6 =	simm.s32 $0x108;
	_ =	swait.ge @!p0 [sflag:s8], $0x0  }
0x24: {  	s3 =	sadd.s32 $0x88, s3;
	s6 =	simm.s32 @!p1 $0x1082;
	[sflag:s4] =	ssyncset.s32 $0xFFFFF086  }
0x25: {  	[simem:s6], [sflag:s4] =	dma.local [hbm:s3], $0xF7A  }
0x26: {  	[smem:$0x3F9D] =	sst s1;
	(tag) =	ssettag s2;
	_ =	strace s9  }
0x27: {  	s1 =	sld [smem:$0x3FAD]  }
0x28: {  	s2 =	sld [smem:$0x3FAE]  }
0x29: {  	s4 =	sld [smem:$0x3FB0]  }
0x2a: {  	p0 =	seq.s32 s5, $0x0;
	s5 =	sld [smem:$0x3FB1]  }
0x2b: {  	s6 =	sld [smem:$0x3FB2]  }
0x2c: {  	s7 =	sld [smem:$0x3FB3]  }
0x2d: {  	s3 =	simm.s32 $0x108;
	s8 =	sld [smem:$0x3FB4]  }
0x2e: {  	s3 =	simm.s32 @!p0 $0x1082;
	s9 =	sld [smem:$0x3FB5]  }
0x2f: {  	lr =	sadd.s32 s0, s3;
	s0 =	sld [smem:$0x3FAC]  }
0x30: {  	s3 =	sld [smem:$0x3FAF]  }
0x31: {  	[smem:$0x3FB8] =	sst s10  }
0x32: {  	s10 =	sld [smem:$0x3FB6];
	_ =	sdelay $0x3  }
0x33: {  	p0 =	seq.s32 s10, $0x1;
	s10 =	sld [smem:$0x3FB8];
	_ =	sdelay $0x3  }
0x34: {  	[smem:$0x3FB8] =	sst s10  }
0x35: {  	s10 =	sld [smem:$0x3FB7];
	_ =	sdelay $0x3  }
0x36: {  	p1 =	seq.s32 s10, $0x1;
	s10 =	sld [smem:$0x3FB8];
	_ =	sdelay $0x3  }
0x37: {  	[smem:$0x3FB8] =	sst s10  }
0x38: {  	s10 =	sld [smem:$0x3FB9]  }
0x39: {  	_ = 	snop;
	(pc) =	sbr.ind lr, $3  }
0x3a: {  	_ = 	snop  }
0x3b: {  	_ = 	snop  }
0x3c: {  	p2 =	seq.s32 s10, $0x1;
	s10 =	sld [smem:$0x3FB8]  }
0x3d: {  	_ =	shalt  }
0x3e: {  	_ =	shalt  }
0x3f: {  	_ =	shalt  }
0x40: {  	_ =	shalt  }
0x41: {  	_ =	shalt  }
0x42: {  	_ =	shalt  }
0x43: {  	_ =	shalt  }
0x44: {  	_ =	shalt  }
0x45: {  	_ =	shalt  }
0x46: {  	_ =	shalt  }
0x47: {  	_ =	shalt  }
0x48: {  	_ =	shalt  }
0x49: {  	_ =	shalt  }
0x4a: {  	_ =	shalt  }
0x4b: {  	_ =	shalt  }
0x4c: {  	_ =	shalt  }
0x4d: {  	_ =	shalt  }
0x4e: {  	_ =	shalt  }
0x4f: {  	_ =	shalt  }
0x50: {  	_ =	shalt  }
0x51: {  	_ =	shalt  }
0x52: {  	_ =	shalt  }
0x53: {  	_ =	shalt  }
0x54: {  	_ =	shalt  }
0x55: {  	_ =	shalt  }
0x56: {  	_ =	shalt  }
0x57: {  	_ =	shalt  }
0x58: {  	_ =	shalt  }
0x59: {  	_ =	shalt  }
0x5a: {  	_ =	shalt  }
0x5b: {  	_ =	shalt  }
0x5c: {  	_ =	shalt  }
0x5d: {  	_ =	shalt  }
0x5e: {  	_ =	shalt  }
0x5f: {  	_ =	shalt  }
0x60: {  	_ =	shalt  }
0x61: {  	_ =	shalt  }
0x62: {  	_ =	shalt  }
0x63: {  	_ =	shalt  }
0x64: {  	_ =	shalt  }
0x65: {  	_ =	shalt  }
0x66: {  	_ =	shalt  }
0x67: {  	_ =	shalt  }
0x68: {  	_ =	shalt  }
0x69: {  	_ =	shalt  }
0x6a: {  	_ =	shalt  }
0x6b: {  	_ =	shalt  }
0x6c: {  	_ =	shalt  }
0x6d: {  	_ =	shalt  }
0x6e: {  	_ =	shalt  }
0x6f: {  	_ =	shalt  }
0x70: {  	_ =	shalt  }
0x71: {  	_ =	shalt  }
0x72: {  	_ =	shalt  }
0x73: {  	_ =	shalt  }
0x74: {  	_ =	shalt  }
0x75: {  	_ =	shalt  }
0x76: {  	_ =	shalt  }
0x77: {  	_ =	shalt  }
0x78: {  	_ =	shalt  }
0x79: {  	_ =	shalt  }
0x7a: {  	_ =	shalt  }
0x7b: {  	_ =	shalt  }
0x7c: {  	_ =	shalt  }
0x7d: {  	_ =	shalt  }
0x7e: {  	_ =	shalt  }
0x7f: {  	_ =	shalt  }
0x80: {  	_ =	shalt  }
0x81: {  	_ =	shalt  }
0x82: {  	_ =	shalt  }
0x83: {  	_ =	shalt  }
0x84: {  	_ =	shalt  }
0x85: {  	_ =	shalt  }
0x86: {  	_ =	shalt  }
0x87: {  	_ =	shalt  }
.Lfunc_end0:
.L_simem_size_0:
called_computation.1_lowered:
.L_overlay_start_0:
0x88: {  	s2 =	sld [smem:$0x3FD9]  }
0x89: {  	s3 =	sld [smem:$0x3FFE];
	_ =	sdelay $0x1  }
0x8a: {  	s1 =	srdreg.scid  }
0x8b: {  	s0 =	sand.u32 $0x1, s1  }
0x8c: {  	s17 =	sshll.u32 s0, $0xA;
	s2 =	sadd.s32 s3, s2  }
0x8d: {  	s2 =	sadd.s32 s2, s17  }
0x8e: {  	[smem:$0x3FC4] =	sst s2  }
0x8f: {  	_ = 	snop  }
0x90: {  	s2 =	sld [smem:$0x3FD0];
	(tm) =	ssettm $0x1  }
0x91: {  	s18 =	sld [smem:$0x3FFB];
	_ =	sdelay $0x3  }
0x92: {  	_ =	strace s18  }
0x93: {  	s3 =	sld [smem:$0x3FFC];
	_ =	sdelay $0x3  }
0x94: {  	_ =	strace s3  }
0x95: {  	s3 =	sld [smem:$0x3FFD];
	_ =	sdelay $0x3  }
0x96: {  	_ =	strace s3  }
0x97: {  	_ =	strace $0x8FFFFFFF  }
0x98: {  	s19 =	sld [smem:$0x3FDB];
	_ =	sdelay $0x1  }
0x99: {  	s4 =	simm.s32 $_scs_section_size  }
0x9a: {  	s5 =	simm.s32 $_size__tile_overlayer_lowered;
	s6 =	simm.s32 $_tile_overlayer_lowered  }
0x9b: {  	s22 =	simm.s32 $0x1BFF;
	s21 =	sshll.u32 s6, $0x1;
	s3 =	sadd.s32 s4, s19  }
0x9c: {  	s7 =	simm.s32 $0x0;
	s20 =	sshll.u32 s5, $0x1;
	s5 =	sadd.s32 s21, s3  }
0x9d: {  	[timem:s7], [sflag:s22] =	dma.local [hbm:s5], s20  }
0x9e: {  	_ =	swait.ge [sflag:s22], s20  }
0x9f: {  	s4 =	ssub.s32 $0x0, s20;
	[sflag:s22] =	ssyncset.done $0x0  }
0xa0: {  	[sflag:s22] =	ssyncadd.s32 s4;
	_ =	sdelay $0x1  }
0xa1: {  	s23 =	simm.s32 $0x1B8B  }
0xa2: {  	_ =	swait.ge [sflag:s23], $0x1  }
0xa3: {  	[sflag:s23] =	ssyncset.done $0x0  }
0xa4: {  	s25 =	simm.s32 $0x1B8E;
	s24 =	sld [smem:$0x3FFE];
	[sflag:s23] =	ssyncadd.s32 $0xFFFFFFFF  }
0xa5: {  	s26 =	simm.s32 $execute0_lowered;
	[smem:$0x3FD2] =	sst s25  }
0xa6: {  	s5 =	sshll.u32 s26, $0x1;
	_ =	strace $0x80000049;
	[dreg:$0x1] =	wrdreg $0xFFFFFFFF  }
0xa7: {  	s28 =	simm.s32 $_size_execute0_lowered;
	s3 =	sadd.s32 s3, s5;
	[dreg:$0x0] =	wrdreg $0x0  }
0xa8: {  	s5 =	sshll.u32 s28, $0x1;
	[dreg:$0x2] =	wrdreg s3  }
0xa9: {  	[dreg:$0x3] =	wrdreg s5  }
0xaa: {  	[dreg:$0x4] =	wrdreg $0xC0  }
0xab: {  	_ =	task [dreg:s7], $0x5FFFF  }
0xac: {  	[dreg:$0x1] =	wrdreg $0xFFFFFFFF  }
0xad: {  	[dreg:$0x0] =	wrdreg $0x60  }
0xae: {  	[dreg:$0x2] =	wrdreg s24  }
0xaf: {  	[dreg:$0x3] =	wrdreg s2  }
0xb0: {  	[dreg:$0x4] =	wrdreg $0x0  }
0xb1: {  	[dreg:$0x5] =	wrdreg $0x9  }
0xb2: {  	_ =	task.clear_ibuf [dreg:s7], $0x6FFFF;
	_ =	strace $0x90000049  }
0xb3: {  	s29 =	simm.s32 $0x9;
	_ =	strace $0x8000004B  }
0xb4: {  	_ =	swait.ge [sflag:s29], $0x1  }
0xb5: {  	[sflag:s29] =	ssyncadd.s32 $0xFFFFFFFF  }
0xb6: {  	_ =	strace $0x9000004B  }
0xb7: {  	_ =	sfence  }
0xb8: {  	s30 =	sld [smem:$0x0];
	_ =	sdelay $0x2  }
0xb9: {  	s31 =	sshll.u32 s1, $0xD;
	s1 =	sshrl.u32 s1, $0x2  }
0xba: {  	s3 =	sand.u32 $0x4000, s31;
	s1 =	sadd.s32 s1, s30  }
0xbb: {  	s0 =	sor.u32 s3, s0;
	s1 =	sshll.u32 s1, $0x11  }
0xbc: {  	s0 =	sor.u32 s1, s0  }
0xbd: {  	s0 =	sadd.s32 $0x8F2B, s0  }
0xbe: {  	[sflag:s0] =	ssyncadd.remote.s32 $0x1  }
0xbf: {  	_ =	sfence.sel $0xFFFF  }
0xc0: {  	[dreg:$0x0] =	wrdreg $0xFFFFFFFF;
	(pc) =	sbr.abs _section_cstart, $3  }
0xc1: {  	[dreg:$0x1] =	wrdreg $0xFFFFFFFF  }
0xc2: {  	_ =	task.clear_ibuf [dreg:s7], $0x2FFFF;
	_ =	strace $0x9FFFFFFF  }
0xc3: {  	(tm) =	ssettm $0x7FFFFFFF  }
tec
execute0_lowered:
.L_overlay_start_1:
0x0: {  	(tag) =	ssettag $0x1  }
0x1: {  	s0 =	rddreg [dreg:$0x0]  }
0x2: {  	s10 =	rddreg [dreg:$0x1]  }
0x3: {  	s2 =	rddreg [dreg:$0x2];
	s3 =	simm.s32 $0x0;
	s1 =	srdreg.scid  }
0x4: {  	s11 =	stileid.u32;
	s29 =	simm.s32 $0x13880;
	s31 =	simm.s32 $0x2  }
0x5: {  	s30 =	simm.s32 $0x4;
	s28 =	simm.s32 $0xB;
	[smem:$0x7FF] =	sst s3  }
0x6: {  	s5 =	sadd.s32 $0x2000, s0;
	s1 =	sand.u32 $0x1, s1;
	s6 =	smul.u32 $0x4E000, s11  }
0x7: {  	s4 =	sshll.u32 s11, $0x1;
	s0 =	sadd.s32 $0x29200, s0;
	s22 =	smul.u32 $0x13800, s11  }
0x8: {  	s15 =	sadd.s32 $0x138000, s2;
	s23 =	smul.u32 $0x4E20, s11;
	p0 =	sne.s32 s11, $0xF  }
0x9: {  	_ =	strace $0x8000004A;
	s7 =	ssub.s32 $0x2, s1;
	s20 =	smul.u32 $0x138800, s1  }
0xa: {  	s4 =	sor.u32 s1, s4;
	s1 =	smul.u32 $0x2710, s1;
	[dreg:$0x6] =	wrdreg s15  }
0xb: {  	s8 =	sshrl.u32 s7, $0x1;
	s4 =	smul.u32 $0x2710, s4;
	s6 =	sshrl.u32 s6, $0x2  }
0xc: {  	s18 =	sadd.s32 s22, s2;
	s7 =	ssub.s32 s7, s8;
	s12 =	sadd.s32 s6, s2  }
0xd: {  	s14 =	sadd.s32 s22, s20;
	s21 =	sadd.s32 $0x12000, s12;
	[dreg:$0x4] =	wrdreg s12  }
0xe: {  	s1 =	sadd.s32 s1, s23;
	s22 =	smax.u32 s7, $0x1;
	[dreg:$0x5] =	wrdreg s21  }
0xf: {  	s4 =	sshrl.u32 s4, $0x3;
	s23 =	sadd.s32 $0x180, s1;
	[dreg:$0xe] =	wrdreg s22  }
0x10: {  	s17 =	sadd.s32 $0x4E380, s1;
	s13 =	sadd.s32 s10, s4;
	[dreg:$0xf] =	wrdreg s23  }
0x11: {  	s21 =	sshrl.u32 s17, $0x3;
	s17 =	sadd.s32 $0x3000, s12;
	[dreg:$0x7] =	wrdreg s13  }
0x12: {  	s6 =	sshrl.u32 s20, $0x3;
	s9 =	sadd.s32 $0x9C40, s13;
	[dreg:$0x15] =	wrdreg s17  }
0x13: {  	s8 =	sadd.s32 $0x4E440, s1;
	s24 =	sadd.s32 $0xC, s13;
	[dreg:$0x8] =	wrdreg s9  }
0x14: {  	s25 =	sadd.s32 $0x9C4C, s13;
	s26 =	sadd.s32 $0x18, s13;
	[dreg:$0x9] =	wrdreg s24  }
0x15: {  	s11 =	sadd.s32 $0x9C58, s13;
	s17 =	simm.s32 $0x0;
	[dreg:$0xa] =	wrdreg s25  }
0x16: {  	[dreg:$0xb] =	wrdreg s26;
	s9 =	sshrl.u32 s14, $0x3;
	s24 =	sadd.s32 $0x1E0, s1  }
0x17: {  	s25 =	sadd.s32 $0x4E3E0, s1;
	s26 =	sadd.s32 $0x240, s1;
	[dreg:$0x12] =	wrdreg s11  }
0x18: {  	s14 =	sadd.s32 $0xA120, s13;
	s11 =	simm.s32 $0x9;
	s16 =	sadd.s32 s0, s9  }
0x19: {  	s0 =	sadd.s32 s0, s6;
	s4 =	sshrl.u32 s25, $0x3;
	s7 =	sshrl.u32 s26, $0x3  }
0x1a: {  	s9 =	sadd.s32 $0x120, s1;
	s1 =	sadd.s32 $0x4E320, s1;
	[dreg:$0x13] =	wrdreg s14  }
0x1b: {  	s25 =	sadd.s32 $0xC000, s12;
	s26 =	sadd.s32 $0xF000, s12;
	s6 =	simm.s32 $0x13B20  }
0x1c: {  	s14 =	simm.s32 $0x5;
	[dreg:$0xc] =	wrdreg s16;
	s0 =	sadd.s32 $0x27000, s0  }
0x1d: {  	s20 =	sadd.s32 s4, s10;
	s7 =	sadd.s32 s7, s10;
	[dreg:$0x18] =	wrdreg s25  }
0x1e: {  	s4 =	sshrl.u32 s9, $0x3;
	s1 =	sshrl.u32 s1, $0x3;
	[dreg:$0x19] =	wrdreg s26  }
0x1f: {  	s16 =	sadd.s32 $0x4E0, s13;
	s26 =	simm.s32 $0x60;
	[dreg:$0xd] =	wrdreg s0  }
0x20: {  	s9 =	simm.s32 $0x1CB80;
	s25 =	simm.s32 $0xD;
	[dreg:$0x10] =	wrdreg s7  }
0x21: {  	s0 =	sadd.s32 s21, s10;
	s23 =	sadd.s32 s4, s10;
	[dreg:$0x14] =	wrdreg s16  }
0x22: {  	s21 =	sadd.s32 $0x9000, s12;
	s16 =	simm.s32 $0x13940;
	s4 =	simm.s32 $0x6  }
0x23: {  	s7 =	simm.s32 $0x139A0;
	[dreg:$0x1a] =	wrdreg s0;
	s0 =	sshrl.u32 s24, $0x3  }
.Ltmp0:
0x24: {  	s24 =	sadd.s32 s1, s10;
	[dreg:$0x17] =	wrdreg s21;
	(pc) =	sbr.rel .LBB2_1-.Ltmp0, $4  }
0x25: {  	s1 =	simm.s32 $0x10;
	s19 =	sadd.s32 s0, s10;
	s0 =	sshrl.u32 s8, $0x3  }
0x26: {  	s8 =	simm.s32 $0x7;
	s22 =	sadd.s32 s0, s10;
	s10 =	sshrl.u32 s18, $0x3  }
0x27: {  	s18 =	sadd.s32 $0x6000, s12;
	s0 =	simm.s32 $0xA;
	[dreg:$0x11] =	wrdreg s10  }
0x28: {  	v0 =	vimm.f32 $0.0e+00;
	s12 =	simm.s32 $0xE;
	[dreg:$0x16] =	wrdreg s18;
	s18 =	simm.s32 $0x1  }
.LBB2_6:
0x29: {  	s10 =	simm.s32 $0x11  }
0x2a: {  	_ =	swait.ge [sflag:s10], $0x3000  }
0x2b: {  	[sflag:s10] =	ssyncset.done $0x0  }
0x2c: {  	s13 =	simm.s32 $0x1FB80;
	s21 =	rddreg [dreg:$0x13];
	[sflag:s10] =	ssyncadd.s32 $0xFFFFD000  }
0x2d: {  	[tilespmem:s13], [sflag:$0x6] =	stream.linear.gather [hbm4b:s21+s3], $0x10, $0x38;
	[tilespmem:$0x1FB90] =	vst v63  }
0x2e: {  	_ =	swait.ge [sflag:s4], $0x10  }
0x2f: {  	s29 =	simm.s32 $0x13880;
	[sflag:s4] =	ssyncset.done $0x0  }
0x30: {  	s31 =	simm.s32 $0x2;
	s15 =	rddreg [dreg:$0x14];
	[sflag:s4] =	ssyncadd.s32 $0xFFFFFFF0  }
0x31: {  	[tilespmem:s29], [sflag:$0x2] =	stream.linear.gather [hbm4b:s15+s3], $0x10, $0x38;
	[tilespmem:$0x1FB90] =	vst v63  }
0x32: {  	_ =	swait.ge [sflag:s31], $0x10  }
0x33: {  	[sflag:s31] =	ssyncset.done $0x0  }
0x34: {  	s17 =	simm.s32 $0x13B80;
	[sflag:s31] =	ssyncadd.s32 $0xFFFFFFF0  }
0x35: {  	[tilespmem:s17], [sflag:$0xA] =	stream.indirect.gather [hbm4b:s5+s1], $0x80, s29, s1, $0xb8;
	[tilespmem:$0x1FB90] =	vst v63  }
0x36: {  	_ =	swait.ge [sflag:s0], $0x800  }
0x37: {  	[sflag:s0] =	ssyncset.done $0x0  }
0x38: {  	[sflag:s0] =	ssyncadd.s32 $0xFFFFF800  }
0x39: {  	[spmem:s2] =	stream.indirect.scatter.add.f32 [tilespmem:s17], [sflag:$0xE], $0x80, s13, s1, $0xb8;
	[tilespmem:$0x1FB90] =	vst v63  }
0x3a: {  	_ =	swait.ge [sflag:s12], $0x800  }
0x3b: {  	[sflag:s12] =	ssyncset.done $0x0  }
0x3c: {  	[sflag:s12] =	ssyncadd.s32 $0xFFFFF800  }
0x3d: {  	s18 =	stileid.u32;
	[bflag:$0x0] =	sbarrier.arrive $0xFFFF  }
0x3e: {  	s10 =	sshll.u32 s18, $0x6;
	s21 =	rddreg [dreg:$0xc]  }
0x3f: {  	s18 =	simm.s32 $0x1;
	s10 =	sor.u32 $0x1C01, s10;
	s15 =	rddreg [dreg:$0x11]  }
0x40: {  	[hbm:s21], [sflag:s10] =	dma.local [spmem:s15], $0x2700  }
0x41: {  	_ =	swait.ge [sflag:s18], $0x2700  }
0x42: {  	[sflag:s18] =	ssyncset.done $0x0;
	s15 =	rddreg [dreg:$0x6]  }
0x43: {  	s17 =	rddreg [dreg:$0xd];
	[sflag:s18] =	ssyncadd.s32 $0xFFFFD900;
	s13 =	sshrl.u32 @!p0 s15, $0x3  }
0x44: {  	[hbm:s17], [sflag:s10] =	dma.local @!p0 [spmem:s13], $0x100  }
0x45: {  	s10 =	simm.s32 @!p0 $0x1  }
0x46: {  	_ =	swait.ge @!p0 [sflag:s10], $0x100  }
0x47: {  	s13 =	rddreg [dreg:$0x1b]  }
0x48: {  	s21 =	rddreg [dreg:$0xe];
	s17 =	sadd.s32 $0x1, s13  }
0x49: {  	p1 =	sne.s32 s17, s21  }
.Ltmp1:
0x4a: {  	_ = 	snop;
	(pc) =	sbr.rel @!p1 .LBB2_7-.Ltmp1, $3  }
0x4b: {  	_ =	sdelay $0x1  }
0x4c: {  	[sflag:s10] =	ssyncset.done @!p0 $0x0  }
0x4d: {  	[sflag:s10] =	ssyncadd.s32 @!p0 $0xFFFFFF00  }
.LBB2_1:
0x4e: {  	[dreg:$0x1b] =	wrdreg s17;
	s13 =	simm.s32 $0x0;
	s17 =	simm.s32 $0x200  }
.LBB2_2:
0x4f: {  	p1 =	sne.s32 s17, $0xBE00;
	[tilespmem:s13+$0x13BF0] =	vst v0  }
0x50: {  	[tilespmem:s13+$0x13B80] =	vst v0  }
0x51: {  	[tilespmem:s13+$0x13B90] =	vst v0  }
.Ltmp2:
0x52: {  	[tilespmem:s13+$0x13BA0] =	vst v0;
	(pc) =	sbr.rel @p1 .LBB2_2-.Ltmp2, $4  }
0x53: {  	[tilespmem:s13+$0x13BB0] =	vst v0  }
0x54: {  	[tilespmem:s13+$0x13BC0] =	vst v0  }
0x55: {  	[tilespmem:s13+$0x13BD0] =	vst v0  }
0x56: {  	[tilespmem:s13+$0x13BE0] =	vst v0;
	s13 =	sshra.s32 s17, $0x2;
	s17 =	sadd.s32 $0x200, s17  }
0x57: {  	[tilespmem:s13+$0x13BF0] =	vst v0  }
0x58: {  	[tilespmem:s13+$0x13B80] =	vst v0  }
0x59: {  	[tilespmem:s13+$0x13B90] =	vst v0  }
0x5a: {  	[tilespmem:s13+$0x13BA0] =	vst v0  }
0x5b: {  	[tilespmem:s13+$0x13BB0] =	vst v0  }
0x5c: {  	[tilespmem:s13+$0x13BC0] =	vst v0  }
0x5d: {  	[tilespmem:s13+$0x13BD0] =	vst v0  }
0x5e: {  	[tilespmem:s13+$0x13BE0] =	vst v0;
	s10 =	rddreg [dreg:$0x4];
	s21 =	simm.s32 $0x13B80  }
0x5f: {  	[spmem:s10] =	stream.linear.scatter [tilespmem:s21], [sflag:$0x1], $0x3000, $0x38;
	[tilespmem:$0x1FB90] =	vst v63  }
0x60: {  	_ =	swait.ge [sflag:s18], $0x3000  }
0x61: {  	[sflag:s18] =	ssyncset.done $0x0  }
0x62: {  	s13 =	rddreg [dreg:$0x15];
	[sflag:s18] =	ssyncadd.s32 $0xFFFFD000  }
0x63: {  	[spmem:s13] =	stream.linear.scatter [tilespmem:s21], [sflag:$0x1], $0x3000, $0x38;
	[tilespmem:$0x1FB90] =	vst v63  }
0x64: {  	_ =	swait.ge [sflag:s18], $0x3000  }
0x65: {  	[sflag:s18] =	ssyncset.done $0x0  }
0x66: {  	s17 =	rddreg [dreg:$0x16];
	[sflag:s18] =	ssyncadd.s32 $0xFFFFD000  }
0x67: {  	[spmem:s17] =	stream.linear.scatter [tilespmem:s21], [sflag:$0x1], $0x3000, $0x38;
	[tilespmem:$0x1FB90] =	vst v63  }
0x68: {  	_ =	swait.ge [sflag:s18], $0x3000  }
0x69: {  	[sflag:s18] =	ssyncset.done $0x0  }
0x6a: {  	s13 =	rddreg [dreg:$0x17];
	[sflag:s18] =	ssyncadd.s32 $0xFFFFD000  }
0x6b: {  	[spmem:s13] =	stream.linear.scatter [tilespmem:s21], [sflag:$0x1], $0x3000, $0x38;
	[tilespmem:$0x1FB90] =	vst v63  }
0x6c: {  	_ =	swait.ge [sflag:s18], $0x3000  }
0x6d: {  	[sflag:s18] =	ssyncset.done $0x0  }
0x6e: {  	s17 =	rddreg [dreg:$0x18];
	[sflag:s18] =	ssyncadd.s32 $0xFFFFD000  }
0x6f: {  	[spmem:s17] =	stream.linear.scatter [tilespmem:s21], [sflag:$0x1], $0x3000, $0x38;
	[tilespmem:$0x1FB90] =	vst v63  }
0x70: {  	_ =	swait.ge [sflag:s18], $0x3000  }
0x71: {  	[sflag:s18] =	ssyncset.done $0x0  }
0x72: {  	s13 =	rddreg [dreg:$0x19];
	[sflag:s18] =	ssyncadd.s32 $0xFFFFD000  }
0x73: {  	[spmem:s13] =	stream.linear.scatter [tilespmem:s21], [sflag:$0x1], $0x3000, $0x38;
	[tilespmem:$0x1FB90] =	vst v63  }
0x74: {  	_ =	swait.ge [sflag:s18], $0x3000  }
0x75: {  	[sflag:s18] =	ssyncset.done $0x0  }
0x76: {  	s17 =	rddreg [dreg:$0x5];
	[sflag:s18] =	ssyncadd.s32 $0xFFFFD000  }
0x77: {  	[spmem:s17] =	stream.linear.scatter [tilespmem:s21], [sflag:$0x1], $0x1800, $0x38;
	[tilespmem:$0x1FB90] =	vst v63  }
0x78: {  	_ =	swait.ge [sflag:s18], $0x1800  }
0x79: {  	[sflag:s18] =	ssyncset.done $0x0  }
0x7a: {  	s13 =	simm.s32 @!p0 $0x13B80;
	[sflag:s18] =	ssyncadd.s32 $0xFFFFE800  }
0x7b: {  	[spmem:s15] =	stream.linear.scatter @!p0 [tilespmem:s13], [sflag:$0x1], $0x800, $0x38;
	[tilespmem:$0x1FB90] =	vst v63  }
0x7c: {  	s13 =	simm.s32 @!p0 $0x1  }
0x7d: {  	_ =	swait.ge @!p0 [sflag:s13], $0x800  }
0x7e: {  	[sflag:s13] =	ssyncset.done @!p0 $0x0  }
0x7f: {  	[sflag:s13] =	ssyncadd.s32 @!p0 $0xFFFFF800  }
0x80: {  	[bflag:$0x0] =	sbarrier.arrive $0xFFFF  }
0x81: {  	s17 =	simm.s32 $0x0;
	s18 =	rddreg [dreg:$0x7]  }
0x82: {  	[tilespmem:s29], [sflag:$0x2] =	stream.linear.gather [hbm4b:s18+s17], $0x60, $0x38;
	[tilespmem:$0x1FB90] =	vst v63  }
0x83: {  	s15 =	simm.s32 $0x13A00;
	s13 =	rddreg [dreg:$0x8]  }
0x84: {  	[tilespmem:s15], [sflag:$0x6] =	stream.linear.gather [hbm4b:s13+s17], $0x60, $0x38;
	[tilespmem:$0x1FB90] =	vst v63  }
0x85: {  	s18 =	rddreg [dreg:$0x9];
	s13 =	simm.s32 $0x138E0  }
0x86: {  	[tilespmem:s13], [sflag:$0x3] =	stream.linear.gather [hbm4b:s18+s17], $0x60, $0x38;
	[tilespmem:$0x1FB90] =	vst v63  }
0x87: {  	s15 =	rddreg [dreg:$0xa];
	s18 =	simm.s32 $0x13A60  }
0x88: {  	[tilespmem:s18], [sflag:$0x7] =	stream.linear.gather [hbm4b:s15+s17], $0x60, $0x38;
	[tilespmem:$0x1FB90] =	vst v63  }
0x89: {  	s18 =	rddreg [dreg:$0xb]  }
0x8a: {  	[tilespmem:s16], [sflag:$0x4] =	stream.linear.gather [hbm4b:s18+s17], $0x60, $0x38;
	[tilespmem:$0x1FB90] =	vst v63  }
0x8b: {  	s15 =	rddreg [dreg:$0x12];
	s18 =	simm.s32 $0x13AC0  }
0x8c: {  	[tilespmem:s18], [sflag:$0x8] =	stream.linear.gather [hbm4b:s15+s17], $0x60, $0x38;
	[tilespmem:$0x1FB90] =	vst v63  }
0x8d: {  	_ =	swait.ge [sflag:s31], $0x60  }
0x8e: {  	[sflag:s31] =	ssyncset.done $0x0  }
0x8f: {  	[sflag:s31] =	ssyncadd.s32 $0xFFFFFFA0  }
0x90: {  	[tilespmem:s21], [sflag:$0xA] =	stream.indirect.gather [hbm4b:s5+s26], $0x80, s29, s26, $0xb8;
	[tilespmem:$0x1FB90] =	vst v63  }
0x91: {  	s29 =	simm.s32 $0x3  }
0x92: {  	_ =	swait.ge [sflag:s29], $0x60  }
0x93: {  	[sflag:s29] =	ssyncset.done $0x0  }
0x94: {  	s31 =	simm.s32 $0x16B80;
	[sflag:s29] =	ssyncadd.s32 $0xFFFFFFA0  }
0x95: {  	[tilespmem:s31], [sflag:$0xB] =	stream.indirect.gather [hbm4b:s5+s26], $0x80, s13, s26, $0xb8;
	[tilespmem:$0x1FB90] =	vst v63  }
0x96: {  	s18 =	simm.s32 $0x13B80;
	s13 =	rddreg [dreg:$0xf]  }
.LBB2_4:
0x97: {  	_ =	swait.ge [sflag:s30], $0x60  }
0x98: {  	[sflag:s30] =	ssyncset.done $0x0  }
0x99: {  	s10 =	simm.s32 $0x19B80;
	[sflag:s30] =	ssyncadd.s32 $0xFFFFFFA0  }
0x9a: {  	[tilespmem:s10], [sflag:$0xC] =	stream.indirect.gather [hbm4b:s5+s26], $0x80, s16, s26, $0xb8;
	[tilespmem:$0x1FB90] =	vst v63  }
0x9b: {  	_ =	swait.ge [sflag:s0], $0x3000  }
0x9c: {  	[sflag:s0] =	ssyncset.done $0x0  }
0x9d: {  	[sflag:s0] =	ssyncadd.s32 $0xFFFFD000  }
0x9e: {  	_ =	swait.ge [sflag:s4], $0x60  }
0x9f: {  	p1 =	seq.s32 s17, $0x0;
	[sflag:s4] =	ssyncset.done $0x0  }
0xa0: {  	s15 =	simm.s32 $0x13A00;
	s31 =	simm.s32 @!p1 $0x11;
	[sflag:s4] =	ssyncadd.s32 $0xFFFFFFA0  }
0xa1: {  	[spmem:s2] =	stream.indirect.scatter.add.f32 [tilespmem:s18], [sflag:$0xE], $0x80, s15, s26, $0xb8;
	[tilespmem:$0x1FB90] =	vst v63  }
0xa2: {  	_ =	swait.ge @!p1 [sflag:s31], $0x3000  }
0xa3: {  	[sflag:s31] =	ssyncset.done @!p1 $0x0  }
0xa4: {  	s21 =	sadd.s32 s17, s23;
	[sflag:s31] =	ssyncadd.s32 @!p1 $0xFFFFD000  }
0xa5: {  	[tilespmem:s7], [sflag:$0x5] =	stream.linear.gather [hbm4b:s21+s3], $0x60, $0x38;
	[tilespmem:$0x1FB90] =	vst v63  }
0xa6: {  	s29 =	sadd.s32 s17, s24  }
0xa7: {  	[tilespmem:s6], [sflag:$0x9] =	stream.linear.gather [hbm4b:s29+s3], $0x60, $0x38;
	[tilespmem:$0x1FB90] =	vst v63  }
0xa8: {  	_ =	swait.ge [sflag:s14], $0x60  }
0xa9: {  	[sflag:s14] =	ssyncset.done $0x0  }
0xaa: {  	[sflag:s14] =	ssyncadd.s32 $0xFFFFFFA0  }
0xab: {  	[tilespmem:s9], [sflag:$0xD] =	stream.indirect.gather [hbm4b:s5+s26], $0x80, s7, s26, $0xb8;
	[tilespmem:$0x1FB90] =	vst v63  }
0xac: {  	_ =	swait.ge [sflag:s28], $0x3000  }
0xad: {  	[sflag:s28] =	ssyncset.done $0x0  }
0xae: {  	[sflag:s28] =	ssyncadd.s32 $0xFFFFD000  }
0xaf: {  	_ =	swait.ge [sflag:s8], $0x60  }
0xb0: {  	[sflag:s8] =	ssyncset.done $0x0  }
0xb1: {  	s15 =	simm.s32 $0x16B80;
	s31 =	simm.s32 $0x13A60;
	[sflag:s8] =	ssyncadd.s32 $0xFFFFFFA0  }
0xb2: {  	[spmem:s2] =	stream.indirect.scatter.add.f32 [tilespmem:s15], [sflag:$0xF], $0x80, s31, s26, $0xb8;
	[tilespmem:$0x1FB90] =	vst v63  }
0xb3: {  	_ =	swait.ge [sflag:s12], $0x3000  }
0xb4: {  	p1 =	seq.s32 s17, $0x4B0;
	[sflag:s12] =	ssyncset.done $0x0  }
0xb5: {  	s31 =	simm.s32 @p1 $0xC;
	[sflag:s12] =	ssyncadd.s32 $0xFFFFD000  }
0xb6: {  	_ =	swait.ge @p1 [sflag:s31], $0x3000  }
0xb7: {  	[sflag:s31] =	ssyncset.done @p1 $0x0  }
0xb8: {  	[sflag:s31] =	ssyncadd.s32 @p1 $0xFFFFD000;
	s31 =	simm.s32 @p1 $0x8  }
0xb9: {  	_ =	swait.ge @p1 [sflag:s31], $0x60  }
0xba: {  	s29 =	simm.s32 @p1 $0x19B80;
	[sflag:s31] =	ssyncset.done @p1 $0x0  }
0xbb: {  	s15 =	simm.s32 @p1 $0x13AC0;
	[sflag:s31] =	ssyncadd.s32 @p1 $0xFFFFFFA0;
	s31 =	simm.s32 @p1 $0x60  }
0xbc: {  	[spmem:s2] =	stream.indirect.scatter.add.f32 @p1 [tilespmem:s29], [sflag:$0x10], $0x80, s15, s31, $0xb8;
	[tilespmem:$0x1FB90] =	vst v63  }
0xbd: {  	s15 =	simm.s32 @p1 $0xF  }
0xbe: {  	_ =	swait.ge @p1 [sflag:s15], $0x3000  }
0xbf: {  	[sflag:s15] =	ssyncset.done @p1 $0x0  }
0xc0: {  	[sflag:s15] =	ssyncadd.s32 @p1 $0xFFFFD000  }
0xc1: {  	s29 =	simm.s32 @!p1 $0x0;
	s15 =	sshrl.u32 @!p1 s13, $0x3;
	s10 =	rddreg [dreg:$0x1]  }
0xc2: {  	s31 =	simm.s32 @!p1 $0x13880;
	s15 =	sadd.s32 @!p1 s10, s15;
	s10 =	rddreg [dreg:$0x1a]  }
0xc3: {  	[tilespmem:s31], [sflag:$0x2] =	stream.linear.gather @!p1 [hbm4b:s15+s29], $0x60, $0x38;
	[tilespmem:$0x1FB90] =	vst v63  }
0xc4: {  	s15 =	sadd.s32 @!p1 s17, s10;
	s10 =	simm.s32 @!p1 $0x13A00  }
0xc5: {  	[tilespmem:s10], [sflag:$0x6] =	stream.linear.gather @!p1 [hbm4b:s15+s29], $0x60, $0x38;
	[tilespmem:$0x1FB90] =	vst v63  }
0xc6: {  	s10 =	simm.s32 @!p1 $0x2  }
0xc7: {  	_ =	swait.ge @!p1 [sflag:s10], $0x60  }
0xc8: {  	[sflag:s10] =	ssyncset.done @!p1 $0x0  }
0xc9: {  	s15 =	simm.s32 @!p1 $0x13B80;
	[sflag:s10] =	ssyncadd.s32 @!p1 $0xFFFFFFA0;
	s10 =	simm.s32 @!p1 $0x60  }
0xca: {  	[tilespmem:s15], [sflag:$0xA] =	stream.indirect.gather @!p1 [hbm4b:s5+s10], $0x80, s31, s10, $0xb8;
	[tilespmem:$0x1FB90] =	vst v63  }
0xcb: {  	s15 =	simm.s32 @!p1 $0xC  }
0xcc: {  	_ =	swait.ge @!p1 [sflag:s15], $0x3000  }
0xcd: {  	[sflag:s15] =	ssyncset.done @!p1 $0x0  }
0xce: {  	[sflag:s15] =	ssyncadd.s32 @!p1 $0xFFFFD000;
	s15 =	simm.s32 @!p1 $0x8  }
0xcf: {  	_ =	swait.ge @!p1 [sflag:s15], $0x60  }
0xd0: {  	[sflag:s15] =	ssyncset.done @!p1 $0x0  }
0xd1: {  	s31 =	simm.s32 @!p1 $0x19B80;
	[sflag:s15] =	ssyncadd.s32 @!p1 $0xFFFFFFA0;
	s15 =	simm.s32 @!p1 $0x13AC0  }
0xd2: {  	[spmem:s2] =	stream.indirect.scatter.add.f32 @!p1 [tilespmem:s31], [sflag:$0x10], $0x80, s15, s10, $0xb8;
	[tilespmem:$0x1FB90] =	vst v63  }
0xd3: {  	s15 =	simm.s32 @!p1 $0xF  }
0xd4: {  	_ =	swait.ge @!p1 [sflag:s15], $0x3000  }
0xd5: {  	[sflag:s15] =	ssyncset.done @!p1 $0x0  }
0xd6: {  	s31 =	simm.s32 @!p1 $0x138E0;
	[sflag:s15] =	ssyncadd.s32 @!p1 $0xFFFFD000;
	s15 =	sadd.s32 @!p1 s17, s19  }
0xd7: {  	[tilespmem:s31], [sflag:$0x3] =	stream.linear.gather @!p1 [hbm4b:s15+s29], $0x60, $0x38;
	[tilespmem:$0x1FB90] =	vst v63  }
0xd8: {  	s21 =	simm.s32 @!p1 $0x13A60;
	s15 =	sadd.s32 @!p1 s17, s20  }
0xd9: {  	[tilespmem:s21], [sflag:$0x7] =	stream.linear.gather @!p1 [hbm4b:s15+s29], $0x60, $0x38;
	[tilespmem:$0x1FB90] =	vst v63  }
0xda: {  	s15 =	simm.s32 @!p1 $0x3  }
0xdb: {  	_ =	swait.ge @!p1 [sflag:s15], $0x60  }
0xdc: {  	[sflag:s15] =	ssyncset.done @!p1 $0x0  }
0xdd: {  	[sflag:s15] =	ssyncadd.s32 @!p1 $0xFFFFFFA0;
	s15 =	simm.s32 @!p1 $0x16B80  }
0xde: {  	[tilespmem:s15], [sflag:$0xB] =	stream.indirect.gather @!p1 [hbm4b:s5+s10], $0x80, s31, s10, $0xb8;
	[tilespmem:$0x1FB90] =	vst v63  }
0xdf: {  	_ =	swait.ge [sflag:s25], $0x3000  }
0xe0: {  	[sflag:s25] =	ssyncset.done $0x0  }
0xe1: {  	[sflag:s25] =	ssyncadd.s32 $0xFFFFD000  }
0xe2: {  	_ =	swait.ge [sflag:s11], $0x60  }
0xe3: {  	[sflag:s11] =	ssyncset.done $0x0  }
.Ltmp3:
0xe4: {  	[sflag:s11] =	ssyncadd.s32 $0xFFFFFFA0;
	(pc) =	sbr.rel @p1 .LBB2_6-.Ltmp3, $4  }
0xe5: {  	[spmem:s2] =	stream.indirect.scatter.add.f32 [tilespmem:s9], [sflag:$0x11], $0x80, s6, s26, $0xb8;
	[tilespmem:$0x1FB90] =	vst v63  }
0xe6: {  	_ =	swait.ge [sflag:s1], $0x3000  }
0xe7: {  	[sflag:s1] =	ssyncset.done $0x0  }
0xe8: {  	[sflag:s1] =	ssyncadd.s32 $0xFFFFD000  }
.Ltmp4:
0xe9: {  	s10 =	rddreg [dreg:$0x10];
	(pc) =	sbr.rel .LBB2_4-.Ltmp4, $4  }
0xea: {  	s31 =	sadd.s32 s17, s22;
	s10 =	sadd.s32 s17, s10  }
0xeb: {  	[tilespmem:s16], [sflag:$0x4] =	stream.linear.gather [hbm4b:s10+s3], $0x60, $0x38;
	[tilespmem:$0x1FB90] =	vst v63  }
0xec: {  	s15 =	simm.s32 $0x13AC0;
	s13 =	sadd.s32 $0x180, s13;
	s17 =	sadd.s32 $0x30, s17  }
0xed: {  	[tilespmem:s15], [sflag:$0x8] =	stream.linear.gather [hbm4b:s31+s3], $0x60, $0x38;
	[tilespmem:$0x1FB90] =	vst v63  }
.LBB2_7:
0xee: {  	_ =	sfence.sel $0x180000  }
0xef: {  	[bflag:$0x0] =	sbarrier.arrive $0xFFFF  }
0xf0: {  	_ =	strace $0x9000004A  }
0xf1: {  	s0 =	stileid.u32;
	[bflag:$0x2] =	sbarrier.arrive $0xFFFF  }
0xf2: {  	p0 =	sne.s32 s0, $0x0;
	s0 =	rddreg [dreg:$0x3]  }
0xf3: {  	s0 =	sadd.s32 @!p0 $0x100000, s0  }
0xf4: {  	[sflag:s0] =	ssyncadd.tile.s32 @!p0 $0x1;
	_ =	shalt  }
.Lfunc_end2:
_tile_overlayer_lowered:
.L_overlay_start_2:
0xf5: {  	(tag) =	ssettag $0x2  }
0xf6: {  	s0 =	rddreg [dreg:$0x0];
	s2 =	stileid.u32  }
0xf7: {  	s1 =	rddreg [dreg:$0x1];
	p0 =	sne.s32 s2, $0x0  }
0xf8: {  	s3 =	rddreg [dreg:$0x2];
	[bflag:$0x3] =	sbarrier.arrive $0xFFFF;
	s2 =	simm.s32 @!p0 $0x1C12  }
0xf9: {  	[timem:s3], [sflag:s2] =	dma.local @!p0 [hbm:s0], s1  }
0xfa: {  	s0 =	simm.s32 @!p0 $0x12  }
0xfb: {  	_ =	swait.ge @!p0 [sflag:s0], s1  }
0xfc: {  	s1 =	ssub.s32 @!p0 $0x0, s1;
	[sflag:s0] =	ssyncset.done @!p0 $0x0  }
0xfd: {  	[sflag:s0] =	ssyncadd.s32 @!p0 s1  }
0xfe: {  	[bflag:$0x3] =	sbarrier.arrive $0xFFFF  }
0xff: {  	_ =	shalt  }

// kernel: kernel.14.cloned.1.call-start
scs
__scs_entry_jumppad:
0x0: {  	(pc) =	sbr.rel $0x88, $3  }
0x1: {  	(tag) =	ssettag $0x0;
	lr =	simm.s32 $0x1  }
0x2: {  	[smem:$0x3F9D] =	sst lr;
	_ =	strace $0xD0000000  }
0x3: {  	_ = 	snop  }
0x4: {  	_ = 	snop  }
0x5: {  	_ = 	snop  }
0x6: {  	_ = 	snop  }
0x7: {  	_ = 	snop  }
__scs_overlays_trampoline_lowered:
0x8: {  	[smem:$0x3FAC] =	sst s0  }
0x9: {  	[smem:$0x3FAD] =	sst s1  }
0xa: {  	[smem:$0x3FAE] =	sst s2  }
0xb: {  	[smem:$0x3FAF] =	sst s3  }
0xc: {  	[smem:$0x3FB0] =	sst s4  }
0xd: {  	[smem:$0x3FB1] =	sst s5  }
0xe: {  	[smem:$0x3FB2] =	sst s6  }
0xf: {  	[smem:$0x3FB3] =	sst s7  }
0x10: {  	[smem:$0x3FB4] =	sst s8  }
0x11: {  	[smem:$0x3FB5] =	sst s9;
	s0 =	simm.s32 @!p0 $0x0  }
0x12: {  	s1 =	sld [smem:$0x3F9B];
	s0 =	simm.s32 @p0 $0x1  }
0x13: {  	[smem:$0x3FB6] =	sst s0;
	s0 =	simm.s32 @!p1 $0x0  }
0x14: {  	s2 =	sld [smem:$0x3F9A];
	s0 =	simm.s32 @p1 $0x1  }
0x15: {  	[smem:$0x3FB7] =	sst s0;
	s0 =	simm.s32 @!p2 $0x0  }
0x16: {  	s3 =	sld [smem:$0x3FDB];
	s0 =	simm.s32 @p2 $0x1  }
0x17: {  	s4 =	simm.s32 $0x1BF5;
	[smem:$0x3FB9] =	sst s0  }
0x18: {  	s0 =	sld [smem:$0x3F9C];
	_ =	swait.ge [sflag:s4], $0x0  }
0x19: {  	s7 =	sld [smem:$0x3F9D]  }
0x1a: {  	s8 =	sadd.s32 $0xFFFFE003, lr  }
0x1b: {  	s9 =	sadd.s32 $0xFFFFFEF7, lr;
	s5 =	simm.s32 $0xFFFFFFFF;
	p2 =	slt.u32 s8, $0xFFFFF086  }
0x1c: {  	p1 =	slt.u32 s9, $0xF7A;
	s5 =	simm.s32 @!p2 $0x0  }
0x1d: {  	s5 =	simm.s32 @p1 $0x1;
	p0 =	seq.s32 s7, s2  }
0x1e: {  	s7 =	smul.u32 @!p0 $0xF7A, s2;
	p2 =	seq.s32 @!p0 s5, $0x0  }
0x1f: {  	s9 =	smul.u32 $0xF7A, s1;
	s8 =	simm.s32 @!p0 $0x1BF5;
	p2 =	por !p2, p0  }
0x20: {  	[sflag:s8] =	ssyncset.s32 @!p0 $0xFFFFF086;
	s6 =	sadd.s32 @!p0 s3, s7;
	s7 =	simm.s32 @!p0 $0x108  }
0x21: {  	s3 =	sadd.s32 s3, s9;
	s6 =	sadd.s32 @!p0 $0x88, s6;
	s7 =	simm.s32 @p2 $0x1082  }
0x22: {  	[simem:s7], [sflag:s8] =	dma.local @!p0 [hbm:s6], $0xF7A  }
0x23: {  	s9 =	sor.u32 $0xD0000000, s2;
	s6 =	simm.s32 $0x108;
	_ =	swait.ge @!p0 [sflag:s8], $0x0  }
0x24: {  	s3 =	sadd.s32 $0x88, s3;
	s6 =	simm.s32 @!p1 $0x1082;
	[sflag:s4] =	ssyncset.s32 $0xFFFFF086  }
0x25: {  	[simem:s6], [sflag:s4] =	dma.local [hbm:s3], $0xF7A  }
0x26: {  	[smem:$0x3F9D] =	sst s1;
	(tag) =	ssettag s2;
	_ =	strace s9  }
0x27: {  	s1 =	sld [smem:$0x3FAD]  }
0x28: {  	s2 =	sld [smem:$0x3FAE]  }
0x29: {  	s4 =	sld [smem:$0x3FB0]  }
0x2a: {  	p0 =	seq.s32 s5, $0x0;
	s5 =	sld [smem:$0x3FB1]  }
0x2b: {  	s6 =	sld [smem:$0x3FB2]  }
0x2c: {  	s7 =	sld [smem:$0x3FB3]  }
0x2d: {  	s3 =	simm.s32 $0x108;
	s8 =	sld [smem:$0x3FB4]  }
0x2e: {  	s3 =	simm.s32 @!p0 $0x1082;
	s9 =	sld [smem:$0x3FB5]  }
0x2f: {  	lr =	sadd.s32 s0, s3;
	s0 =	sld [smem:$0x3FAC]  }
0x30: {  	s3 =	sld [smem:$0x3FAF]  }
0x31: {  	[smem:$0x3FB8] =	sst s10  }
0x32: {  	s10 =	sld [smem:$0x3FB6];
	_ =	sdelay $0x3  }
0x33: {  	p0 =	seq.s32 s10, $0x1;
	s10 =	sld [smem:$0x3FB8];
	_ =	sdelay $0x3  }
0x34: {  	[smem:$0x3FB8] =	sst s10  }
0x35: {  	s10 =	sld [smem:$0x3FB7];
	_ =	sdelay $0x3  }
0x36: {  	p1 =	seq.s32 s10, $0x1;
	s10 =	sld [smem:$0x3FB8];
	_ =	sdelay $0x3  }
0x37: {  	[smem:$0x3FB8] =	sst s10  }
0x38: {  	s10 =	sld [smem:$0x3FB9]  }
0x39: {  	_ = 	snop;
	(pc) =	sbr.ind lr, $3  }
0x3a: {  	_ = 	snop  }
0x3b: {  	_ = 	snop  }
0x3c: {  	p2 =	seq.s32 s10, $0x1;
	s10 =	sld [smem:$0x3FB8]  }
0x3d: {  	_ =	shalt  }
0x3e: {  	_ =	shalt  }
0x3f: {  	_ =	shalt  }
0x40: {  	_ =	shalt  }
0x41: {  	_ =	shalt  }
0x42: {  	_ =	shalt  }
0x43: {  	_ =	shalt  }
0x44: {  	_ =	shalt  }
0x45: {  	_ =	shalt  }
0x46: {  	_ =	shalt  }
0x47: {  	_ =	shalt  }
0x48: {  	_ =	shalt  }
0x49: {  	_ =	shalt  }
0x4a: {  	_ =	shalt  }
0x4b: {  	_ =	shalt  }
0x4c: {  	_ =	shalt  }
0x4d: {  	_ =	shalt  }
0x4e: {  	_ =	shalt  }
0x4f: {  	_ =	shalt  }
0x50: {  	_ =	shalt  }
0x51: {  	_ =	shalt  }
0x52: {  	_ =	shalt  }
0x53: {  	_ =	shalt  }
0x54: {  	_ =	shalt  }
0x55: {  	_ =	shalt  }
0x56: {  	_ =	shalt  }
0x57: {  	_ =	shalt  }
0x58: {  	_ =	shalt  }
0x59: {  	_ =	shalt  }
0x5a: {  	_ =	shalt  }
0x5b: {  	_ =	shalt  }
0x5c: {  	_ =	shalt  }
0x5d: {  	_ =	shalt  }
0x5e: {  	_ =	shalt  }
0x5f: {  	_ =	shalt  }
0x60: {  	_ =	shalt  }
0x61: {  	_ =	shalt  }
0x62: {  	_ =	shalt  }
0x63: {  	_ =	shalt  }
0x64: {  	_ =	shalt  }
0x65: {  	_ =	shalt  }
0x66: {  	_ =	shalt  }
0x67: {  	_ =	shalt  }
0x68: {  	_ =	shalt  }
0x69: {  	_ =	shalt  }
0x6a: {  	_ =	shalt  }
0x6b: {  	_ =	shalt  }
0x6c: {  	_ =	shalt  }
0x6d: {  	_ =	shalt  }
0x6e: {  	_ =	shalt  }
0x6f: {  	_ =	shalt  }
0x70: {  	_ =	shalt  }
0x71: {  	_ =	shalt  }
0x72: {  	_ =	shalt  }
0x73: {  	_ =	shalt  }
0x74: {  	_ =	shalt  }
0x75: {  	_ =	shalt  }
0x76: {  	_ =	shalt  }
0x77: {  	_ =	shalt  }
0x78: {  	_ =	shalt  }
0x79: {  	_ =	shalt  }
0x7a: {  	_ =	shalt  }
0x7b: {  	_ =	shalt  }
0x7c: {  	_ =	shalt  }
0x7d: {  	_ =	shalt  }
0x7e: {  	_ =	shalt  }
0x7f: {  	_ =	shalt  }
0x80: {  	_ =	shalt  }
0x81: {  	_ =	shalt  }
0x82: {  	_ =	shalt  }
0x83: {  	_ =	shalt  }
0x84: {  	_ =	shalt  }
0x85: {  	_ =	shalt  }
0x86: {  	_ =	shalt  }
0x87: {  	_ =	shalt  }
.Lfunc_end0:
.L_simem_size_0:
called_computation.2_lowered:
.L_overlay_start_0:
0x88: {  	s2 =	sld [smem:$0x3FD9]  }
0x89: {  	s3 =	sld [smem:$0x3FFE];
	_ =	sdelay $0x1  }
0x8a: {  	s1 =	srdreg.scid  }
0x8b: {  	s0 =	sand.u32 $0x1, s1  }
0x8c: {  	s17 =	sshll.u32 s0, $0xA;
	s2 =	sadd.s32 s3, s2  }
0x8d: {  	s2 =	sadd.s32 s2, s17  }
0x8e: {  	[smem:$0x3FC4] =	sst s2  }
0x8f: {  	_ = 	snop  }
0x90: {  	s2 =	sld [smem:$0x3FD0];
	(tm) =	ssettm $0x1  }
0x91: {  	s18 =	sld [smem:$0x3FFB];
	_ =	sdelay $0x3  }
0x92: {  	_ =	strace s18  }
0x93: {  	s3 =	sld [smem:$0x3FFC];
	_ =	sdelay $0x3  }
0x94: {  	_ =	strace s3  }
0x95: {  	s3 =	sld [smem:$0x3FFD];
	_ =	sdelay $0x3  }
0x96: {  	_ =	strace s3  }
0x97: {  	_ =	strace $0x8FFFFFFF  }
0x98: {  	s19 =	sld [smem:$0x3FDB];
	_ =	sdelay $0x1  }
0x99: {  	s4 =	simm.s32 $_scs_section_size  }
0x9a: {  	s5 =	simm.s32 $_size__tile_overlayer_lowered;
	s6 =	simm.s32 $_tile_overlayer_lowered  }
0x9b: {  	s22 =	simm.s32 $0x1BFF;
	s21 =	sshll.u32 s6, $0x1;
	s3 =	sadd.s32 s4, s19  }
0x9c: {  	s7 =	simm.s32 $0x0;
	s20 =	sshll.u32 s5, $0x1;
	s5 =	sadd.s32 s21, s3  }
0x9d: {  	[timem:s7], [sflag:s22] =	dma.local [hbm:s5], s20  }
0x9e: {  	_ =	swait.ge [sflag:s22], s20  }
0x9f: {  	s4 =	ssub.s32 $0x0, s20;
	[sflag:s22] =	ssyncset.done $0x0  }
0xa0: {  	[sflag:s22] =	ssyncadd.s32 s4;
	_ =	sdelay $0x1  }
0xa1: {  	s23 =	simm.s32 $0x1B8B  }
0xa2: {  	_ =	swait.ge [sflag:s23], $0x1  }
0xa3: {  	[sflag:s23] =	ssyncset.done $0x0  }
0xa4: {  	s25 =	simm.s32 $0x1B8E;
	s24 =	sld [smem:$0x3FFE];
	[sflag:s23] =	ssyncadd.s32 $0xFFFFFFFF  }
0xa5: {  	s26 =	simm.s32 $execute0_lowered;
	[smem:$0x3FD2] =	sst s25  }
0xa6: {  	s5 =	sshll.u32 s26, $0x1;
	_ =	strace $0x8000004C;
	[dreg:$0x1] =	wrdreg $0xFFFFFFFF  }
0xa7: {  	s28 =	simm.s32 $_size_execute0_lowered;
	s3 =	sadd.s32 s3, s5;
	[dreg:$0x0] =	wrdreg $0x0  }
0xa8: {  	s5 =	sshll.u32 s28, $0x1;
	[dreg:$0x2] =	wrdreg s3  }
0xa9: {  	[dreg:$0x3] =	wrdreg s5  }
0xaa: {  	[dreg:$0x4] =	wrdreg $0xC0  }
0xab: {  	_ =	task [dreg:s7], $0x5FFFF  }
0xac: {  	[dreg:$0x1] =	wrdreg $0xFFFFFFFF  }
0xad: {  	[dreg:$0x0] =	wrdreg $0x60  }
0xae: {  	[dreg:$0x2] =	wrdreg s24  }
0xaf: {  	[dreg:$0x3] =	wrdreg s2  }
0xb0: {  	[dreg:$0x4] =	wrdreg $0x0  }
0xb1: {  	[dreg:$0x5] =	wrdreg $0x9  }
0xb2: {  	_ =	task.clear_ibuf [dreg:s7], $0x6FFFF;
	_ =	strace $0x9000004C  }
0xb3: {  	s29 =	simm.s32 $0x9;
	_ =	strace $0x8000004E  }
0xb4: {  	_ =	swait.ge [sflag:s29], $0x1  }
0xb5: {  	[sflag:s29] =	ssyncadd.s32 $0xFFFFFFFF  }
0xb6: {  	_ =	strace $0x9000004E  }
0xb7: {  	_ =	sfence  }
0xb8: {  	s30 =	sld [smem:$0x0];
	_ =	sdelay $0x2  }
0xb9: {  	s31 =	sshll.u32 s1, $0xD;
	s1 =	sshrl.u32 s1, $0x2  }
0xba: {  	s3 =	sand.u32 $0x4000, s31;
	s1 =	sadd.s32 s1, s30  }
0xbb: {  	s0 =	sor.u32 s3, s0;
	s1 =	sshll.u32 s1, $0x11  }
0xbc: {  	s0 =	sor.u32 s1, s0  }
0xbd: {  	s0 =	sadd.s32 $0x8F2B, s0  }
0xbe: {  	[sflag:s0] =	ssyncadd.remote.s32 $0x1  }
0xbf: {  	_ =	sfence.sel $0xFFFF  }
0xc0: {  	[dreg:$0x0] =	wrdreg $0xFFFFFFFF;
	(pc) =	sbr.abs _section_cstart, $3  }
0xc1: {  	[dreg:$0x1] =	wrdreg $0xFFFFFFFF  }
0xc2: {  	_ =	task.clear_ibuf [dreg:s7], $0x2FFFF;
	_ =	strace $0x9FFFFFFF  }
0xc3: {  	(tm) =	ssettm $0x7FFFFFFF  }
tec
execute0_lowered:
.L_overlay_start_1:
0x0: {  	(tag) =	ssettag $0x1  }
0x1: {  	s0 =	rddreg [dreg:$0x0]  }
0x2: {  	s10 =	rddreg [dreg:$0x1]  }
0x3: {  	s2 =	rddreg [dreg:$0x2];
	s3 =	simm.s32 $0x0  }
0x4: {  	s1 =	srdreg.scid;
	s11 =	stileid.u32;
	s29 =	simm.s32 $0x9C40  }
0x5: {  	s30 =	simm.s32 $0x4;
	s28 =	simm.s32 $0xB;
	[smem:$0x7FF] =	sst s3  }
0x6: {  	s5 =	sadd.s32 $0x2000, s0;
	s1 =	sand.u32 $0x1, s1;
	s6 =	smul.u32 $0x27000, s11  }
0x7: {  	s4 =	sshll.u32 s11, $0x1;
	s0 =	sadd.s32 $0x15A00, s0;
	s26 =	smul.u32 $0x9C00, s11  }
0x8: {  	s15 =	sadd.s32 $0x9C000, s2;
	s31 =	smul.u32 $0x4E20, s11;
	p0 =	sne.s32 s11, $0xF  }
0x9: {  	_ =	strace $0x8000004D;
	s7 =	ssub.s32 $0x2, s1;
	s24 =	smul.u32 $0x9C400, s1  }
0xa: {  	s4 =	sor.u32 s1, s4;
	s1 =	smul.u32 $0x2710, s1;
	[dreg:$0x6] =	wrdreg s15  }
0xb: {  	s8 =	sshrl.u32 s7, $0x1;
	s4 =	smul.u32 $0x2710, s4;
	s6 =	sshrl.u32 s6, $0x2  }
0xc: {  	s21 =	sadd.s32 s26, s2;
	s7 =	ssub.s32 s7, s8;
	s12 =	sadd.s32 s6, s2  }
0xd: {  	s18 =	sadd.s32 s26, s24;
	s6 =	sshrl.u32 s24, $0x3;
	s11 =	sshrl.u32 s21, $0x3  }
0xe: {  	s1 =	sadd.s32 s1, s31;
	s25 =	sadd.s32 $0x9000, s12;
	[dreg:$0x11] =	wrdreg s11  }
0xf: {  	s4 =	sshrl.u32 s4, $0x3;
	s20 =	sadd.s32 $0x4E380, s1;
	[dreg:$0x4] =	wrdreg s12  }
0x10: {  	s23 =	smax.u32 s7, $0x1;
	s24 =	sadd.s32 $0x180, s1;
	[dreg:$0x5] =	wrdreg s25  }
0x11: {  	s26 =	sadd.s32 $0x4E3E0, s1;
	s31 =	sadd.s32 $0x240, s1;
	[dreg:$0xe] =	wrdreg s23  }
0x12: {  	s8 =	sadd.s32 $0x4E440, s1;
	s21 =	sadd.s32 $0x3000, s12;
	[dreg:$0xf] =	wrdreg s24  }
0x13: {  	s11 =	simm.s32 $0x9;
	s13 =	sadd.s32 s10, s4;
	[dreg:$0x16] =	wrdreg s21  }
0x14: {  	s4 =	sshrl.u32 s26, $0x3;
	s26 =	sadd.s32 $0x6000, s12;
	[dreg:$0x7] =	wrdreg s13  }
0x15: {  	s7 =	sshrl.u32 s31, $0x3;
	s31 =	sadd.s32 $0x7800, s12;
	[dreg:$0x18] =	wrdreg s26  }
0x16: {  	s22 =	sshrl.u32 s20, $0x3;
	s9 =	sadd.s32 $0x9C40, s13;
	[dreg:$0x19] =	wrdreg s31  }
0x17: {  	s25 =	sadd.s32 $0x1E0, s1;
	s14 =	sadd.s32 $0xC, s13;
	[dreg:$0x8] =	wrdreg s9  }
0x18: {  	s16 =	sadd.s32 $0x9C4C, s13;
	s17 =	sadd.s32 $0x18, s13;
	[dreg:$0x9] =	wrdreg s14  }
0x19: {  	s20 =	sadd.s32 s4, s10;
	s7 =	sadd.s32 s7, s10;
	[dreg:$0xa] =	wrdreg s16  }
0x1a: {  	s26 =	simm.s32 $0x60;
	[dreg:$0xb] =	wrdreg s17;
	s9 =	sshrl.u32 s18, $0x3  }
0x1b: {  	[dreg:$0x10] =	wrdreg s7;
	s14 =	sadd.s32 $0x9C58, s13;
	s16 =	sadd.s32 $0xA120, s13  }
0x1c: {  	s17 =	sadd.s32 $0x4E0, s13;
	s18 =	sadd.s32 $0x1800, s12;
	[dreg:$0x12] =	wrdreg s14  }
0x1d: {  	s7 =	simm.s32 $0x9EE0;
	s19 =	sadd.s32 s0, s9;
	[dreg:$0x13] =	wrdreg s16  }
0x1e: {  	s0 =	sadd.s32 s0, s6;
	s9 =	sadd.s32 $0x120, s1;
	[dreg:$0x14] =	wrdreg s17  }
0x1f: {  	s1 =	sadd.s32 $0x4E320, s1;
	[dreg:$0x15] =	wrdreg s18;
	s18 =	simm.s32 $0x1  }
0x20: {  	s16 =	simm.s32 $0x9D00;
	s6 =	simm.s32 $0x6;
	s14 =	simm.s32 $0x5  }
0x21: {  	s17 =	simm.s32 $0x0;
	[dreg:$0xc] =	wrdreg s19;
	s0 =	sadd.s32 $0x13800, s0  }
0x22: {  	s4 =	sshrl.u32 s9, $0x3;
	s1 =	sshrl.u32 s1, $0x3;
	s9 =	simm.s32 $0xE740  }
0x23: {  	[dreg:$0xd] =	wrdreg s0;
	s0 =	sadd.s32 s22, s10;
	s23 =	sadd.s32 s4, s10  }
.Ltmp0:
0x24: {  	s24 =	sadd.s32 s1, s10;
	s4 =	simm.s32 $0x9D60;
	(pc) =	sbr.rel .LBB2_1-.Ltmp0, $4  }
0x25: {  	s1 =	simm.s32 $0x10;
	[dreg:$0x1a] =	wrdreg s0;
	s0 =	sshrl.u32 s25, $0x3  }
0x26: {  	s25 =	sadd.s32 $0x4800, s12;
	s12 =	simm.s32 $0xE;
	s19 =	sadd.s32 s0, s10  }
0x27: {  	s0 =	sshrl.u32 s8, $0x3;
	[dreg:$0x17] =	wrdreg s25;
	s8 =	simm.s32 $0x7  }
0x28: {  	v0 =	vimm.f32 $0.0e+00;
	s25 =	simm.s32 $0xD;
	s22 =	sadd.s32 s0, s10;
	s0 =	simm.s32 $0xA  }
.LBB2_6:
0x29: {  	s10 =	simm.s32 $0x11  }
0x2a: {  	_ =	swait.ge [sflag:s10], $0x1800  }
0x2b: {  	[sflag:s10] =	ssyncset.done $0x0  }
0x2c: {  	s13 =	simm.s32 $0xFF40;
	s18 =	rddreg [dreg:$0x13];
	[sflag:s10] =	ssyncadd.s32 $0xFFFFE800  }
0x2d: {  	[tilespmem:s13], [sflag:$0x6] =	stream.linear.gather [hbm4b:s18+s3], $0x10, $0x38;
	[tilespmem:$0xFF50] =	vst v63  }
0x2e: {  	_ =	swait.ge [sflag:s6], $0x10  }
0x2f: {  	s29 =	simm.s32 $0x9C40;
	[sflag:s6] =	ssyncset.done $0x0  }
0x30: {  	s31 =	simm.s32 $0x2;
	s21 =	rddreg [dreg:$0x14];
	[sflag:s6] =	ssyncadd.s32 $0xFFFFFFF0  }
0x31: {  	[tilespmem:s29], [sflag:$0x2] =	stream.linear.gather [hbm4b:s21+s3], $0x10, $0x38;
	[tilespmem:$0xFF50] =	vst v63  }
0x32: {  	_ =	swait.ge [sflag:s31], $0x10  }
0x33: {  	[sflag:s31] =	ssyncset.done $0x0  }
0x34: {  	s15 =	simm.s32 $0x9F40;
	[sflag:s31] =	ssyncadd.s32 $0xFFFFFFF0  }
0x35: {  	[tilespmem:s15], [sflag:$0xA] =	stream.indirect.gather [hbm4b:s5+s1], $0x40, s29, s1, $0xb8;
	[tilespmem:$0xFF50] =	vst v63  }
0x36: {  	_ =	swait.ge [sflag:s0], $0x400  }
0x37: {  	[sflag:s0] =	ssyncset.done $0x0  }
0x38: {  	[sflag:s0] =	ssyncadd.s32 $0xFFFFFC00  }
0x39: {  	[spmem:s2] =	stream.indirect.scatter.add.f32 [tilespmem:s15], [sflag:$0xE], $0x40, s13, s1, $0xb8;
	[tilespmem:$0xFF50] =	vst v63  }
0x3a: {  	_ =	swait.ge [sflag:s12], $0x400  }
0x3b: {  	[sflag:s12] =	ssyncset.done $0x0  }
0x3c: {  	[sflag:s12] =	ssyncadd.s32 $0xFFFFFC00  }
0x3d: {  	s17 =	stileid.u32;
	[bflag:$0x0] =	sbarrier.arrive $0xFFFF  }
0x3e: {  	s10 =	sshll.u32 s17, $0x6;
	s18 =	rddreg [dreg:$0xc]  }
0x3f: {  	s10 =	sor.u32 $0x1C01, s10;
	s15 =	rddreg [dreg:$0x11]  }
0x40: {  	[hbm:s18], [sflag:s10] =	dma.local [spmem:s15], $0x1380  }
0x41: {  	s18 =	simm.s32 $0x1  }
0x42: {  	_ =	swait.ge [sflag:s18], $0x1380  }
0x43: {  	[sflag:s18] =	ssyncset.done $0x0;
	s15 =	rddreg [dreg:$0x6]  }
0x44: {  	s17 =	rddreg [dreg:$0xd];
	[sflag:s18] =	ssyncadd.s32 $0xFFFFEC80;
	s13 =	sshrl.u32 @!p0 s15, $0x3  }
0x45: {  	[hbm:s17], [sflag:s10] =	dma.local @!p0 [spmem:s13], $0x80  }
0x46: {  	s10 =	simm.s32 @!p0 $0x1  }
0x47: {  	_ =	swait.ge @!p0 [sflag:s10], $0x80  }
0x48: {  	s21 =	rddreg [dreg:$0x1b]  }
0x49: {  	s31 =	rddreg [dreg:$0xe];
	s17 =	sadd.s32 $0x1, s21  }
0x4a: {  	p1 =	sne.s32 s17, s31  }
.Ltmp1:
0x4b: {  	_ = 	snop;
	(pc) =	sbr.rel @!p1 .LBB2_7-.Ltmp1, $3  }
0x4c: {  	_ =	sdelay $0x1  }
0x4d: {  	[sflag:s10] =	ssyncset.done @!p0 $0x0  }
0x4e: {  	[sflag:s10] =	ssyncadd.s32 @!p0 $0xFFFFFF80  }
.LBB2_1:
0x4f: {  	[dreg:$0x1b] =	wrdreg s17;
	s17 =	simm.s32 $0x100;
	s13 =	simm.s32 $0x0  }
.LBB2_2:
0x50: {  	p1 =	sne.s32 s17, $0x5F00;
	[tilespmem:s13+$0x9F70] =	vst v0;
	s31 =	smov.u32 s17;
	s17 =	sadd.s32 $0x100, s17  }
.Ltmp2:
0x51: {  	[tilespmem:s13+$0x9F60] =	vst v0;
	(pc) =	sbr.rel @p1 .LBB2_2-.Ltmp2, $3  }
0x52: {  	[tilespmem:s13+$0x9F40] =	vst v0  }
0x53: {  	[tilespmem:s13+$0x9F50] =	vst v0;
	_ =	sdelay $0x1  }
0x54: {  	s13 =	sshra.s32 s31, $0x2  }
0x55: {  	[tilespmem:s13+$0x9F70] =	vst v0  }
0x56: {  	[tilespmem:s13+$0x9F60] =	vst v0  }
0x57: {  	[tilespmem:s13+$0x9F40] =	vst v0  }
0x58: {  	[tilespmem:s13+$0x9F50] =	vst v0;
	s10 =	rddreg [dreg:$0x4];
	s21 =	simm.s32 $0x9F40  }
0x59: {  	[spmem:s10] =	stream.linear.scatter [tilespmem:s21], [sflag:$0x1], $0x1800, $0x38;
	[tilespmem:$0xFF50] =	vst v63  }
0x5a: {  	_ =	swait.ge [sflag:s18], $0x1800  }
0x5b: {  	[sflag:s18] =	ssyncset.done $0x0  }
0x5c: {  	s17 =	rddreg [dreg:$0x15];
	[sflag:s18] =	ssyncadd.s32 $0xFFFFE800  }
0x5d: {  	[spmem:s17] =	stream.linear.scatter [tilespmem:s21], [sflag:$0x1], $0x1800, $0x38;
	[tilespmem:$0xFF50] =	vst v63  }
0x5e: {  	_ =	swait.ge [sflag:s18], $0x1800  }
0x5f: {  	[sflag:s18] =	ssyncset.done $0x0  }
0x60: {  	s31 =	rddreg [dreg:$0x16];
	[sflag:s18] =	ssyncadd.s32 $0xFFFFE800  }
0x61: {  	[spmem:s31] =	stream.linear.scatter [tilespmem:s21], [sflag:$0x1], $0x1800, $0x38;
	[tilespmem:$0xFF50] =	vst v63  }
0x62: {  	_ =	swait.ge [sflag:s18], $0x1800  }
0x63: {  	[sflag:s18] =	ssyncset.done $0x0  }
0x64: {  	s13 =	rddreg [dreg:$0x17];
	[sflag:s18] =	ssyncadd.s32 $0xFFFFE800  }
0x65: {  	[spmem:s13] =	stream.linear.scatter [tilespmem:s21], [sflag:$0x1], $0x1800, $0x38;
	[tilespmem:$0xFF50] =	vst v63  }
0x66: {  	_ =	swait.ge [sflag:s18], $0x1800  }
0x67: {  	[sflag:s18] =	ssyncset.done $0x0  }
0x68: {  	s17 =	rddreg [dreg:$0x18];
	[sflag:s18] =	ssyncadd.s32 $0xFFFFE800  }
0x69: {  	[spmem:s17] =	stream.linear.scatter [tilespmem:s21], [sflag:$0x1], $0x1800, $0x38;
	[tilespmem:$0xFF50] =	vst v63  }
0x6a: {  	_ =	swait.ge [sflag:s18], $0x1800  }
0x6b: {  	[sflag:s18] =	ssyncset.done $0x0  }
0x6c: {  	s31 =	rddreg [dreg:$0x19];
	[sflag:s18] =	ssyncadd.s32 $0xFFFFE800  }
0x6d: {  	[spmem:s31] =	stream.linear.scatter [tilespmem:s21], [sflag:$0x1], $0x1800, $0x38;
	[tilespmem:$0xFF50] =	vst v63  }
0x6e: {  	_ =	swait.ge [sflag:s18], $0x1800  }
0x6f: {  	[sflag:s18] =	ssyncset.done $0x0  }
0x70: {  	s13 =	rddreg [dreg:$0x5];
	[sflag:s18] =	ssyncadd.s32 $0xFFFFE800  }
0x71: {  	[spmem:s13] =	stream.linear.scatter [tilespmem:s21], [sflag:$0x1], $0xC00, $0x38;
	[tilespmem:$0xFF50] =	vst v63  }
0x72: {  	_ =	swait.ge [sflag:s18], $0xC00  }
0x73: {  	[sflag:s18] =	ssyncset.done $0x0  }
0x74: {  	s13 =	simm.s32 @!p0 $0x9F40;
	[sflag:s18] =	ssyncadd.s32 $0xFFFFF400  }
0x75: {  	[spmem:s15] =	stream.linear.scatter @!p0 [tilespmem:s13], [sflag:$0x1], $0x400, $0x38;
	[tilespmem:$0xFF50] =	vst v63  }
0x76: {  	s13 =	simm.s32 @!p0 $0x1  }
0x77: {  	_ =	swait.ge @!p0 [sflag:s13], $0x400  }
0x78: {  	[sflag:s13] =	ssyncset.done @!p0 $0x0  }
0x79: {  	[sflag:s13] =	ssyncadd.s32 @!p0 $0xFFFFFC00  }
0x7a: {  	[bflag:$0x0] =	sbarrier.arrive $0xFFFF  }
0x7b: {  	s17 =	simm.s32 $0x0;
	s15 =	rddreg [dreg:$0x7]  }
0x7c: {  	[tilespmem:s29], [sflag:$0x2] =	stream.linear.gather [hbm4b:s15+s17], $0x60, $0x38;
	[tilespmem:$0xFF50] =	vst v63  }
0x7d: {  	s31 =	simm.s32 $0x9DC0;
	s18 =	rddreg [dreg:$0x8]  }
0x7e: {  	[tilespmem:s31], [sflag:$0x6] =	stream.linear.gather [hbm4b:s18+s17], $0x60, $0x38;
	[tilespmem:$0xFF50] =	vst v63  }
0x7f: {  	s13 =	simm.s32 $0x9CA0;
	s15 =	rddreg [dreg:$0x9]  }
0x80: {  	[tilespmem:s13], [sflag:$0x3] =	stream.linear.gather [hbm4b:s15+s17], $0x60, $0x38;
	[tilespmem:$0xFF50] =	vst v63  }
0x81: {  	s18 =	rddreg [dreg:$0xa];
	s31 =	simm.s32 $0x9E20  }
0x82: {  	[tilespmem:s31], [sflag:$0x7] =	stream.linear.gather [hbm4b:s18+s17], $0x60, $0x38;
	[tilespmem:$0xFF50] =	vst v63  }
0x83: {  	s15 =	rddreg [dreg:$0xb]  }
0x84: {  	[tilespmem:s16], [sflag:$0x4] =	stream.linear.gather [hbm4b:s15+s17], $0x60, $0x38;
	[tilespmem:$0xFF50] =	vst v63  }
0x85: {  	s18 =	rddreg [dreg:$0x12];
	s31 =	simm.s32 $0x9E80  }
0x86: {  	[tilespmem:s31], [sflag:$0x8] =	stream.linear.gather [hbm4b:s18+s17], $0x60, $0x38;
	[tilespmem:$0xFF50] =	vst v63  }
0x87: {  	s18 =	simm.s32 $0x2  }
0x88: {  	_ =	swait.ge [sflag:s18], $0x60  }
0x89: {  	[sflag:s18] =	ssyncset.done $0x0  }
0x8a: {  	[sflag:s18] =	ssyncadd.s32 $0xFFFFFFA0  }
0x8b: {  	[tilespmem:s21], [sflag:$0xA] =	stream.indirect.gather [hbm4b:s5+s26], $0x40, s29, s26, $0xb8;
	[tilespmem:$0xFF50] =	vst v63  }
0x8c: {  	s29 =	simm.s32 $0x3  }
0x8d: {  	_ =	swait.ge [sflag:s29], $0x60  }
0x8e: {  	[sflag:s29] =	ssyncset.done $0x0  }
0x8f: {  	s31 =	simm.s32 $0xB740;
	[sflag:s29] =	ssyncadd.s32 $0xFFFFFFA0  }
0x90: {  	[tilespmem:s31], [sflag:$0xB] =	stream.indirect.gather [hbm4b:s5+s26], $0x40, s13, s26, $0xb8;
	[tilespmem:$0xFF50] =	vst v63  }
0x91: {  	s18 =	simm.s32 $0x9F40;
	s13 =	rddreg [dreg:$0xf]  }
.LBB2_4:
0x92: {  	_ =	swait.ge [sflag:s30], $0x60  }
0x93: {  	[sflag:s30] =	ssyncset.done $0x0  }
0x94: {  	s10 =	simm.s32 $0xCF40;
	[sflag:s30] =	ssyncadd.s32 $0xFFFFFFA0  }
0x95: {  	[tilespmem:s10], [sflag:$0xC] =	stream.indirect.gather [hbm4b:s5+s26], $0x40, s16, s26, $0xb8;
	[tilespmem:$0xFF50] =	vst v63  }
0x96: {  	_ =	swait.ge [sflag:s0], $0x1800  }
0x97: {  	[sflag:s0] =	ssyncset.done $0x0  }
0x98: {  	[sflag:s0] =	ssyncadd.s32 $0xFFFFE800  }
0x99: {  	_ =	swait.ge [sflag:s6], $0x60  }
0x9a: {  	p1 =	seq.s32 s17, $0x0;
	[sflag:s6] =	ssyncset.done $0x0  }
0x9b: {  	s15 =	simm.s32 $0x9DC0;
	s31 =	simm.s32 @!p1 $0x11;
	[sflag:s6] =	ssyncadd.s32 $0xFFFFFFA0  }
0x9c: {  	[spmem:s2] =	stream.indirect.scatter.add.f32 [tilespmem:s18], [sflag:$0xE], $0x40, s15, s26, $0xb8;
	[tilespmem:$0xFF50] =	vst v63  }
0x9d: {  	_ =	swait.ge @!p1 [sflag:s31], $0x1800  }
0x9e: {  	[sflag:s31] =	ssyncset.done @!p1 $0x0  }
0x9f: {  	s21 =	sadd.s32 s17, s23;
	[sflag:s31] =	ssyncadd.s32 @!p1 $0xFFFFE800  }
0xa0: {  	[tilespmem:s4], [sflag:$0x5] =	stream.linear.gather [hbm4b:s21+s3], $0x60, $0x38;
	[tilespmem:$0xFF50] =	vst v63  }
0xa1: {  	s29 =	sadd.s32 s17, s24  }
0xa2: {  	[tilespmem:s7], [sflag:$0x9] =	stream.linear.gather [hbm4b:s29+s3], $0x60, $0x38;
	[tilespmem:$0xFF50] =	vst v63  }
0xa3: {  	_ =	swait.ge [sflag:s14], $0x60  }
0xa4: {  	[sflag:s14] =	ssyncset.done $0x0  }
0xa5: {  	[sflag:s14] =	ssyncadd.s32 $0xFFFFFFA0  }
0xa6: {  	[tilespmem:s9], [sflag:$0xD] =	stream.indirect.gather [hbm4b:s5+s26], $0x40, s4, s26, $0xb8;
	[tilespmem:$0xFF50] =	vst v63  }
0xa7: {  	_ =	swait.ge [sflag:s28], $0x1800  }
0xa8: {  	[sflag:s28] =	ssyncset.done $0x0  }
0xa9: {  	[sflag:s28] =	ssyncadd.s32 $0xFFFFE800  }
0xaa: {  	_ =	swait.ge [sflag:s8], $0x60  }
0xab: {  	[sflag:s8] =	ssyncset.done $0x0  }
0xac: {  	s15 =	simm.s32 $0xB740;
	s31 =	simm.s32 $0x9E20;
	[sflag:s8] =	ssyncadd.s32 $0xFFFFFFA0  }
0xad: {  	[spmem:s2] =	stream.indirect.scatter.add.f32 [tilespmem:s15], [sflag:$0xF], $0x40, s31, s26, $0xb8;
	[tilespmem:$0xFF50] =	vst v63  }
0xae: {  	_ =	swait.ge [sflag:s12], $0x1800  }
0xaf: {  	p1 =	seq.s32 s17, $0x4B0;
	[sflag:s12] =	ssyncset.done $0x0  }
0xb0: {  	s31 =	simm.s32 @p1 $0xC;
	[sflag:s12] =	ssyncadd.s32 $0xFFFFE800  }
0xb1: {  	_ =	swait.ge @p1 [sflag:s31], $0x1800  }
0xb2: {  	[sflag:s31] =	ssyncset.done @p1 $0x0  }
0xb3: {  	[sflag:s31] =	ssyncadd.s32 @p1 $0xFFFFE800;
	s31 =	simm.s32 @p1 $0x8  }
0xb4: {  	_ =	swait.ge @p1 [sflag:s31], $0x60  }
0xb5: {  	s29 =	simm.s32 @p1 $0xCF40;
	[sflag:s31] =	ssyncset.done @p1 $0x0  }
0xb6: {  	s15 =	simm.s32 @p1 $0x9E80;
	[sflag:s31] =	ssyncadd.s32 @p1 $0xFFFFFFA0;
	s31 =	simm.s32 @p1 $0x60  }
0xb7: {  	[spmem:s2] =	stream.indirect.scatter.add.f32 @p1 [tilespmem:s29], [sflag:$0x10], $0x40, s15, s31, $0xb8;
	[tilespmem:$0xFF50] =	vst v63  }
0xb8: {  	s15 =	simm.s32 @p1 $0xF  }
0xb9: {  	_ =	swait.ge @p1 [sflag:s15], $0x1800  }
0xba: {  	[sflag:s15] =	ssyncset.done @p1 $0x0  }
0xbb: {  	[sflag:s15] =	ssyncadd.s32 @p1 $0xFFFFE800  }
0xbc: {  	s29 =	simm.s32 @!p1 $0x0;
	s15 =	sshrl.u32 @!p1 s13, $0x3;
	s10 =	rddreg [dreg:$0x1]  }
0xbd: {  	s31 =	simm.s32 @!p1 $0x9C40;
	s15 =	sadd.s32 @!p1 s10, s15;
	s10 =	rddreg [dreg:$0x1a]  }
0xbe: {  	[tilespmem:s31], [sflag:$0x2] =	stream.linear.gather @!p1 [hbm4b:s15+s29], $0x60, $0x38;
	[tilespmem:$0xFF50] =	vst v63  }
0xbf: {  	s15 =	sadd.s32 @!p1 s17, s10;
	s10 =	simm.s32 @!p1 $0x9DC0  }
0xc0: {  	[tilespmem:s10], [sflag:$0x6] =	stream.linear.gather @!p1 [hbm4b:s15+s29], $0x60, $0x38;
	[tilespmem:$0xFF50] =	vst v63  }
0xc1: {  	s10 =	simm.s32 @!p1 $0x2  }
0xc2: {  	_ =	swait.ge @!p1 [sflag:s10], $0x60  }
0xc3: {  	[sflag:s10] =	ssyncset.done @!p1 $0x0  }
0xc4: {  	s15 =	simm.s32 @!p1 $0x9F40;
	[sflag:s10] =	ssyncadd.s32 @!p1 $0xFFFFFFA0;
	s10 =	simm.s32 @!p1 $0x60  }
0xc5: {  	[tilespmem:s15], [sflag:$0xA] =	stream.indirect.gather @!p1 [hbm4b:s5+s10], $0x40, s31, s10, $0xb8;
	[tilespmem:$0xFF50] =	vst v63  }
0xc6: {  	s15 =	simm.s32 @!p1 $0xC  }
0xc7: {  	_ =	swait.ge @!p1 [sflag:s15], $0x1800  }
0xc8: {  	[sflag:s15] =	ssyncset.done @!p1 $0x0  }
0xc9: {  	[sflag:s15] =	ssyncadd.s32 @!p1 $0xFFFFE800;
	s15 =	simm.s32 @!p1 $0x8  }
0xca: {  	_ =	swait.ge @!p1 [sflag:s15], $0x60  }
0xcb: {  	[sflag:s15] =	ssyncset.done @!p1 $0x0  }
0xcc: {  	s31 =	simm.s32 @!p1 $0xCF40;
	[sflag:s15] =	ssyncadd.s32 @!p1 $0xFFFFFFA0;
	s15 =	simm.s32 @!p1 $0x9E80  }
0xcd: {  	[spmem:s2] =	stream.indirect.scatter.add.f32 @!p1 [tilespmem:s31], [sflag:$0x10], $0x40, s15, s10, $0xb8;
	[tilespmem:$0xFF50] =	vst v63  }
0xce: {  	s15 =	simm.s32 @!p1 $0xF  }
0xcf: {  	_ =	swait.ge @!p1 [sflag:s15], $0x1800  }
0xd0: {  	[sflag:s15] =	ssyncset.done @!p1 $0x0  }
0xd1: {  	s31 =	simm.s32 @!p1 $0x9CA0;
	[sflag:s15] =	ssyncadd.s32 @!p1 $0xFFFFE800;
	s15 =	sadd.s32 @!p1 s17, s19  }
0xd2: {  	[tilespmem:s31], [sflag:$0x3] =	stream.linear.gather @!p1 [hbm4b:s15+s29], $0x60, $0x38;
	[tilespmem:$0xFF50] =	vst v63  }
0xd3: {  	s21 =	simm.s32 @!p1 $0x9E20;
	s15 =	sadd.s32 @!p1 s17, s20  }
0xd4: {  	[tilespmem:s21], [sflag:$0x7] =	stream.linear.gather @!p1 [hbm4b:s15+s29], $0x60, $0x38;
	[tilespmem:$0xFF50] =	vst v63  }
0xd5: {  	s15 =	simm.s32 @!p1 $0x3  }
0xd6: {  	_ =	swait.ge @!p1 [sflag:s15], $0x60  }
0xd7: {  	[sflag:s15] =	ssyncset.done @!p1 $0x0  }
0xd8: {  	[sflag:s15] =	ssyncadd.s32 @!p1 $0xFFFFFFA0;
	s15 =	simm.s32 @!p1 $0xB740  }
0xd9: {  	[tilespmem:s15], [sflag:$0xB] =	stream.indirect.gather @!p1 [hbm4b:s5+s10], $0x40, s31, s10, $0xb8;
	[tilespmem:$0xFF50] =	vst v63  }
0xda: {  	_ =	swait.ge [sflag:s25], $0x1800  }
0xdb: {  	[sflag:s25] =	ssyncset.done $0x0  }
0xdc: {  	[sflag:s25] =	ssyncadd.s32 $0xFFFFE800  }
0xdd: {  	_ =	swait.ge [sflag:s11], $0x60  }
0xde: {  	[sflag:s11] =	ssyncset.done $0x0  }
.Ltmp3:
0xdf: {  	[sflag:s11] =	ssyncadd.s32 $0xFFFFFFA0;
	(pc) =	sbr.rel @p1 .LBB2_6-.Ltmp3, $4  }
0xe0: {  	[spmem:s2] =	stream.indirect.scatter.add.f32 [tilespmem:s9], [sflag:$0x11], $0x40, s7, s26, $0xb8;
	[tilespmem:$0xFF50] =	vst v63  }
0xe1: {  	_ =	swait.ge [sflag:s1], $0x1800  }
0xe2: {  	[sflag:s1] =	ssyncset.done $0x0  }
0xe3: {  	[sflag:s1] =	ssyncadd.s32 $0xFFFFE800  }
.Ltmp4:
0xe4: {  	s10 =	rddreg [dreg:$0x10];
	(pc) =	sbr.rel .LBB2_4-.Ltmp4, $4  }
0xe5: {  	s31 =	sadd.s32 s17, s22;
	s10 =	sadd.s32 s17, s10  }
0xe6: {  	[tilespmem:s16], [sflag:$0x4] =	stream.linear.gather [hbm4b:s10+s3], $0x60, $0x38;
	[tilespmem:$0xFF50] =	vst v63  }
0xe7: {  	s15 =	simm.s32 $0x9E80;
	s13 =	sadd.s32 $0x180, s13;
	s17 =	sadd.s32 $0x30, s17  }
0xe8: {  	[tilespmem:s15], [sflag:$0x8] =	stream.linear.gather [hbm4b:s31+s3], $0x60, $0x38;
	[tilespmem:$0xFF50] =	vst v63  }
.LBB2_7:
0xe9: {  	_ =	sfence.sel $0x180000  }
0xea: {  	[bflag:$0x0] =	sbarrier.arrive $0xFFFF  }
0xeb: {  	_ =	strace $0x9000004D  }
0xec: {  	s0 =	stileid.u32;
	[bflag:$0x2] =	sbarrier.arrive $0xFFFF  }
0xed: {  	p0 =	sne.s32 s0, $0x0;
	s0 =	rddreg [dreg:$0x3]  }
0xee: {  	s0 =	sadd.s32 @!p0 $0x100000, s0  }
0xef: {  	[sflag:s0] =	ssyncadd.tile.s32 @!p0 $0x1;
	_ =	shalt  }
.Lfunc_end2:
_tile_overlayer_lowered:
.L_overlay_start_2:
0xf0: {  	(tag) =	ssettag $0x2  }
0xf1: {  	s0 =	rddreg [dreg:$0x0];
	s2 =	stileid.u32  }
0xf2: {  	s1 =	rddreg [dreg:$0x1];
	p0 =	sne.s32 s2, $0x0  }
0xf3: {  	s3 =	rddreg [dreg:$0x2];
	[bflag:$0x3] =	sbarrier.arrive $0xFFFF;
	s2 =	simm.s32 @!p0 $0x1C12  }
0xf4: {  	[timem:s3], [sflag:s2] =	dma.local @!p0 [hbm:s0], s1  }
0xf5: {  	s0 =	simm.s32 @!p0 $0x12  }
0xf6: {  	_ =	swait.ge @!p0 [sflag:s0], s1  }
0xf7: {  	s1 =	ssub.s32 @!p0 $0x0, s1;
	[sflag:s0] =	ssyncset.done @!p0 $0x0  }
0xf8: {  	[sflag:s0] =	ssyncadd.s32 @!p0 s1  }
0xf9: {  	[bflag:$0x3] =	sbarrier.arrive $0xFFFF  }
0xfa: {  	_ =	shalt  }

// kernel: kernel.8.cloned.1.call-start
scs
__scs_entry_jumppad:
0x0: {  	(pc) =	sbr.rel $0x88, $3  }
0x1: {  	(tag) =	ssettag $0x0;
	lr =	simm.s32 $0x1  }
0x2: {  	[smem:$0x3F9D] =	sst lr;
	_ =	strace $0xD0000000  }
0x3: {  	_ = 	snop  }
0x4: {  	_ = 	snop  }
0x5: {  	_ = 	snop  }
0x6: {  	_ = 	snop  }
0x7: {  	_ = 	snop  }
__scs_overlays_trampoline_lowered:
0x8: {  	[smem:$0x3FAC] =	sst s0  }
0x9: {  	[smem:$0x3FAD] =	sst s1  }
0xa: {  	[smem:$0x3FAE] =	sst s2  }
0xb: {  	[smem:$0x3FAF] =	sst s3  }
0xc: {  	[smem:$0x3FB0] =	sst s4  }
0xd: {  	[smem:$0x3FB1] =	sst s5  }
0xe: {  	[smem:$0x3FB2] =	sst s6  }
0xf: {  	[smem:$0x3FB3] =	sst s7  }
0x10: {  	[smem:$0x3FB4] =	sst s8  }
0x11: {  	[smem:$0x3FB5] =	sst s9;
	s0 =	simm.s32 @!p0 $0x0  }
0x12: {  	s1 =	sld [smem:$0x3F9B];
	s0 =	simm.s32 @p0 $0x1  }
0x13: {  	[smem:$0x3FB6] =	sst s0;
	s0 =	simm.s32 @!p1 $0x0  }
0x14: {  	s2 =	sld [smem:$0x3F9A];
	s0 =	simm.s32 @p1 $0x1  }
0x15: {  	[smem:$0x3FB7] =	sst s0;
	s0 =	simm.s32 @!p2 $0x0  }
0x16: {  	s3 =	sld [smem:$0x3FDB];
	s0 =	simm.s32 @p2 $0x1  }
0x17: {  	s4 =	simm.s32 $0x1BF5;
	[smem:$0x3FB9] =	sst s0  }
0x18: {  	s0 =	sld [smem:$0x3F9C];
	_ =	swait.ge [sflag:s4], $0x0  }
0x19: {  	s7 =	sld [smem:$0x3F9D]  }
0x1a: {  	s8 =	sadd.s32 $0xFFFFE003, lr  }
0x1b: {  	s9 =	sadd.s32 $0xFFFFFEF7, lr;
	s5 =	simm.s32 $0xFFFFFFFF;
	p2 =	slt.u32 s8, $0xFFFFF086  }
0x1c: {  	p1 =	slt.u32 s9, $0xF7A;
	s5 =	simm.s32 @!p2 $0x0  }
0x1d: {  	s5 =	simm.s32 @p1 $0x1;
	p0 =	seq.s32 s7, s2  }
0x1e: {  	s7 =	smul.u32 @!p0 $0xF7A, s2;
	p2 =	seq.s32 @!p0 s5, $0x0  }
0x1f: {  	s9 =	smul.u32 $0xF7A, s1;
	s8 =	simm.s32 @!p0 $0x1BF5;
	p2 =	por !p2, p0  }
0x20: {  	[sflag:s8] =	ssyncset.s32 @!p0 $0xFFFFF086;
	s6 =	sadd.s32 @!p0 s3, s7;
	s7 =	simm.s32 @!p0 $0x108  }
0x21: {  	s3 =	sadd.s32 s3, s9;
	s6 =	sadd.s32 @!p0 $0x88, s6;
	s7 =	simm.s32 @p2 $0x1082  }
0x22: {  	[simem:s7], [sflag:s8] =	dma.local @!p0 [hbm:s6], $0xF7A  }
0x23: {  	s9 =	sor.u32 $0xD0000000, s2;
	s6 =	simm.s32 $0x108;
	_ =	swait.ge @!p0 [sflag:s8], $0x0  }
0x24: {  	s3 =	sadd.s32 $0x88, s3;
	s6 =	simm.s32 @!p1 $0x1082;
	[sflag:s4] =	ssyncset.s32 $0xFFFFF086  }
0x25: {  	[simem:s6], [sflag:s4] =	dma.local [hbm:s3], $0xF7A  }
0x26: {  	[smem:$0x3F9D] =	sst s1;
	(tag) =	ssettag s2;
	_ =	strace s9  }
0x27: {  	s1 =	sld [smem:$0x3FAD]  }
0x28: {  	s2 =	sld [smem:$0x3FAE]  }
0x29: {  	s4 =	sld [smem:$0x3FB0]  }
0x2a: {  	p0 =	seq.s32 s5, $0x0;
	s5 =	sld [smem:$0x3FB1]  }
0x2b: {  	s6 =	sld [smem:$0x3FB2]  }
0x2c: {  	s7 =	sld [smem:$0x3FB3]  }
0x2d: {  	s3 =	simm.s32 $0x108;
	s8 =	sld [smem:$0x3FB4]  }
0x2e: {  	s3 =	simm.s32 @!p0 $0x1082;
	s9 =	sld [smem:$0x3FB5]  }
0x2f: {  	lr =	sadd.s32 s0, s3;
	s0 =	sld [smem:$0x3FAC]  }
0x30: {  	s3 =	sld [smem:$0x3FAF]  }
0x31: {  	[smem:$0x3FB8] =	sst s10  }
0x32: {  	s10 =	sld [smem:$0x3FB6];
	_ =	sdelay $0x3  }
0x33: {  	p0 =	seq.s32 s10, $0x1;
	s10 =	sld [smem:$0x3FB8];
	_ =	sdelay $0x3  }
0x34: {  	[smem:$0x3FB8] =	sst s10  }
0x35: {  	s10 =	sld [smem:$0x3FB7];
	_ =	sdelay $0x3  }
0x36: {  	p1 =	seq.s32 s10, $0x1;
	s10 =	sld [smem:$0x3FB8];
	_ =	sdelay $0x3  }
0x37: {  	[smem:$0x3FB8] =	sst s10  }
0x38: {  	s10 =	sld [smem:$0x3FB9]  }
0x39: {  	_ = 	snop;
	(pc) =	sbr.ind lr, $3  }
0x3a: {  	_ = 	snop  }
0x3b: {  	_ = 	snop  }
0x3c: {  	p2 =	seq.s32 s10, $0x1;
	s10 =	sld [smem:$0x3FB8]  }
0x3d: {  	_ =	shalt  }
0x3e: {  	_ =	shalt  }
0x3f: {  	_ =	shalt  }
0x40: {  	_ =	shalt  }
0x41: {  	_ =	shalt  }
0x42: {  	_ =	shalt  }
0x43: {  	_ =	shalt  }
0x44: {  	_ =	shalt  }
0x45: {  	_ =	shalt  }
0x46: {  	_ =	shalt  }
0x47: {  	_ =	shalt  }
0x48: {  	_ =	shalt  }
0x49: {  	_ =	shalt  }
0x4a: {  	_ =	shalt  }
0x4b: {  	_ =	shalt  }
0x4c: {  	_ =	shalt  }
0x4d: {  	_ =	shalt  }
0x4e: {  	_ =	shalt  }
0x4f: {  	_ =	shalt  }
0x50: {  	_ =	shalt  }
0x51: {  	_ =	shalt  }
0x52: {  	_ =	shalt  }
0x53: {  	_ =	shalt  }
0x54: {  	_ =	shalt  }
0x55: {  	_ =	shalt  }
0x56: {  	_ =	shalt  }
0x57: {  	_ =	shalt  }
0x58: {  	_ =	shalt  }
0x59: {  	_ =	shalt  }
0x5a: {  	_ =	shalt  }
0x5b: {  	_ =	shalt  }
0x5c: {  	_ =	shalt  }
0x5d: {  	_ =	shalt  }
0x5e: {  	_ =	shalt  }
0x5f: {  	_ =	shalt  }
0x60: {  	_ =	shalt  }
0x61: {  	_ =	shalt  }
0x62: {  	_ =	shalt  }
0x63: {  	_ =	shalt  }
0x64: {  	_ =	shalt  }
0x65: {  	_ =	shalt  }
0x66: {  	_ =	shalt  }
0x67: {  	_ =	shalt  }
0x68: {  	_ =	shalt  }
0x69: {  	_ =	shalt  }
0x6a: {  	_ =	shalt  }
0x6b: {  	_ =	shalt  }
0x6c: {  	_ =	shalt  }
0x6d: {  	_ =	shalt  }
0x6e: {  	_ =	shalt  }
0x6f: {  	_ =	shalt  }
0x70: {  	_ =	shalt  }
0x71: {  	_ =	shalt  }
0x72: {  	_ =	shalt  }
0x73: {  	_ =	shalt  }
0x74: {  	_ =	shalt  }
0x75: {  	_ =	shalt  }
0x76: {  	_ =	shalt  }
0x77: {  	_ =	shalt  }
0x78: {  	_ =	shalt  }
0x79: {  	_ =	shalt  }
0x7a: {  	_ =	shalt  }
0x7b: {  	_ =	shalt  }
0x7c: {  	_ =	shalt  }
0x7d: {  	_ =	shalt  }
0x7e: {  	_ =	shalt  }
0x7f: {  	_ =	shalt  }
0x80: {  	_ =	shalt  }
0x81: {  	_ =	shalt  }
0x82: {  	_ =	shalt  }
0x83: {  	_ =	shalt  }
0x84: {  	_ =	shalt  }
0x85: {  	_ =	shalt  }
0x86: {  	_ =	shalt  }
0x87: {  	_ =	shalt  }
.Lfunc_end0:
.L_simem_size_0:
called_computation_lowered:
.L_overlay_start_0:
0x88: {  	s2 =	sld [smem:$0x3FD9]  }
0x89: {  	s3 =	sld [smem:$0x3FFE];
	_ =	sdelay $0x1  }
0x8a: {  	s1 =	srdreg.scid  }
0x8b: {  	s0 =	sand.u32 $0x1, s1  }
0x8c: {  	s17 =	sshll.u32 s0, $0xA;
	s2 =	sadd.s32 s3, s2  }
0x8d: {  	s2 =	sadd.s32 s2, s17  }
0x8e: {  	[smem:$0x3FC4] =	sst s2  }
0x8f: {  	_ = 	snop  }
0x90: {  	s2 =	sld [smem:$0x3FD0];
	(tm) =	ssettm $0x1  }
0x91: {  	s18 =	sld [smem:$0x3FFB];
	_ =	sdelay $0x3  }
0x92: {  	_ =	strace s18  }
0x93: {  	s3 =	sld [smem:$0x3FFC];
	_ =	sdelay $0x3  }
0x94: {  	_ =	strace s3  }
0x95: {  	s3 =	sld [smem:$0x3FFD];
	_ =	sdelay $0x3  }
0x96: {  	_ =	strace s3  }
0x97: {  	_ =	strace $0x8FFFFFFF  }
0x98: {  	s19 =	sld [smem:$0x3FDB];
	_ =	sdelay $0x1  }
0x99: {  	s4 =	simm.s32 $_scs_section_size  }
0x9a: {  	s5 =	simm.s32 $_size__tile_overlayer_lowered;
	s6 =	simm.s32 $_tile_overlayer_lowered  }
0x9b: {  	s22 =	simm.s32 $0x1BFF;
	s21 =	sshll.u32 s6, $0x1;
	s3 =	sadd.s32 s4, s19  }
0x9c: {  	s7 =	simm.s32 $0x0;
	s20 =	sshll.u32 s5, $0x1;
	s5 =	sadd.s32 s21, s3  }
0x9d: {  	[timem:s7], [sflag:s22] =	dma.local [hbm:s5], s20  }
0x9e: {  	_ =	swait.ge [sflag:s22], s20  }
0x9f: {  	s4 =	ssub.s32 $0x0, s20;
	[sflag:s22] =	ssyncset.done $0x0  }
0xa0: {  	[sflag:s22] =	ssyncadd.s32 s4;
	_ =	sdelay $0x1  }
0xa1: {  	s23 =	simm.s32 $0x1B8B  }
0xa2: {  	_ =	swait.ge [sflag:s23], $0x1  }
0xa3: {  	[sflag:s23] =	ssyncset.done $0x0  }
0xa4: {  	s25 =	simm.s32 $0x1B8E;
	s24 =	sld [smem:$0x3FFE];
	[sflag:s23] =	ssyncadd.s32 $0xFFFFFFFF  }
0xa5: {  	s26 =	simm.s32 $execute0_lowered;
	[smem:$0x3FD2] =	sst s25  }
0xa6: {  	s5 =	sshll.u32 s26, $0x1;
	_ =	strace $0x80000046;
	[dreg:$0x1] =	wrdreg $0xFFFFFFFF  }
0xa7: {  	s28 =	simm.s32 $_size_execute0_lowered;
	s3 =	sadd.s32 s3, s5;
	[dreg:$0x0] =	wrdreg $0x0  }
0xa8: {  	s5 =	sshll.u32 s28, $0x1;
	[dreg:$0x2] =	wrdreg s3  }
0xa9: {  	[dreg:$0x3] =	wrdreg s5  }
0xaa: {  	[dreg:$0x4] =	wrdreg $0xC0  }
0xab: {  	_ =	task [dreg:s7], $0x5FFFF  }
0xac: {  	[dreg:$0x1] =	wrdreg $0xFFFFFFFF  }
0xad: {  	[dreg:$0x0] =	wrdreg $0x60  }
0xae: {  	[dreg:$0x2] =	wrdreg s2  }
0xaf: {  	[dreg:$0x3] =	wrdreg s24  }
0xb0: {  	[dreg:$0x4] =	wrdreg $0x9  }
0xb1: {  	_ =	task.clear_ibuf [dreg:s7], $0x5FFFF;
	_ =	strace $0x90000046  }
0xb2: {  	s29 =	simm.s32 $0x9;
	_ =	strace $0x80000048  }
0xb3: {  	_ =	swait.ge [sflag:s29], $0x1  }
0xb4: {  	[sflag:s29] =	ssyncadd.s32 $0xFFFFFFFF  }
0xb5: {  	_ =	strace $0x90000048  }
0xb6: {  	_ =	sfence  }
0xb7: {  	s30 =	sld [smem:$0x0];
	_ =	sdelay $0x2  }
0xb8: {  	s31 =	sshll.u32 s1, $0xD;
	s1 =	sshrl.u32 s1, $0x2  }
0xb9: {  	s3 =	sand.u32 $0x4000, s31;
	s1 =	sadd.s32 s1, s30  }
0xba: {  	s0 =	sor.u32 s3, s0;
	s1 =	sshll.u32 s1, $0x11  }
0xbb: {  	s0 =	sor.u32 s1, s0  }
0xbc: {  	s0 =	sadd.s32 $0x8F2B, s0  }
0xbd: {  	[sflag:s0] =	ssyncadd.remote.s32 $0x1  }
0xbe: {  	_ =	sfence.sel $0xFFFF  }
0xbf: {  	[dreg:$0x0] =	wrdreg $0xFFFFFFFF;
	(pc) =	sbr.abs _section_cstart, $3  }
0xc0: {  	[dreg:$0x1] =	wrdreg $0xFFFFFFFF  }
0xc1: {  	_ =	task.clear_ibuf [dreg:s7], $0x2FFFF;
	_ =	strace $0x9FFFFFFF  }
0xc2: {  	(tm) =	ssettm $0x7FFFFFFF  }
0xc3: {  	_ =	shalt  }
tec
execute0_lowered:
.L_overlay_start_1:
0x0: {  	(tag) =	ssettag $0x1  }
0x1: {  	s3 =	rddreg [dreg:$0x0];
	s1 =	srdreg.scid  }
0x2: {  	s0 =	stileid.u32;
	s4 =	rddreg [dreg:$0x1];
	s9 =	simm.s32 $0x400  }
0x3: {  	s10 =	simm.s32 $0x0;
	s5 =	sand.u32 $0x1, s1;
	s2 =	sshll.u32 s0, $0x1  }
0x4: {  	s1 =	rddreg [dreg:$0x2];
	s7 =	sshrl.u32 s0, $0x2;
	s6 =	sor.u32 s5, s2  }
0x5: {  	s2 =	simm.s32 $0x0;
	s7 =	smul.u32 $0x13C00, s7;
	s5 =	ssub.s32 $0x2, s5  }
0x6: {  	s8 =	sshll.u32 s6, $0x7;
	[smem:$0x7FF] =	sst s2;
	s6 =	smul.u32 $0x2710, s6  }
0x7: {  	s31 =	sshrl.u32 s5, $0x1;
	s8 =	sand.u32 $0x380, s8;
	_ =	strace $0x80000047  }
0x8: {  	s5 =	ssub.s32 s5, s31;
	s7 =	sor.u32 s7, s8;
	s6 =	sshrl.u32 s6, $0x3  }
0x9: {  	s5 =	smax.u32 s5, $0x1;
	s8 =	simm.s32 $0x80;
	s7 =	sshrl.u32 s7, $0x3  }
0xa: {  	s3 =	sadd.s32 s3, s6;
	s6 =	simm.s32 $0x2780;
	s4 =	sadd.s32 s7, s4  }
0xb: {  	v0 =	vimm.f32 $0.0e+00;
	v1 =	vimm.f32 $1.000000000e+00;
	s3 =	sadd.s32 $0x9C40, s3;
	s7 =	simm.s32 $0x1;
	s4 =	sadd.s32 $0x2000, s4  }
.LBB2_1:
0xc: {  	[tilespmem:s6], [sflag:$0x1] =	stream.linear.gather [hbm4b:s3+s2], $0x2710, $0x38;
	[tilespmem:$0x4F00] =	vst v63  }
0xd: {  	s11 =	simm.s32 $0x40;
	s12 =	simm.s32 $0x0  }
.LBB2_2:
0xe: {  	p0 =	sne.s32 s11, $0x9C00;
	[tilespmem:s12+$0x0] =	vst v0;
	s12 =	smov.u32 s11;
	s11 =	sadd.s32 $0x40, s11  }
.Ltmp0:
0xf: {  	(pc) =	sbr.rel @p0 .LBB2_2-.Ltmp0, $2  }
0x10: {  	_ =	sdelay $0x2  }
0x11: {  	s12 =	sshra.s32 s12, $0x2  }
0x12: {  	[tilespmem:s12+$0x0] =	vst v0  }
0x13: {  	_ =	swait.ge [sflag:s7], $0x2710  }
0x14: {  	[sflag:s7] =	ssyncset.done $0x0  }
0x15: {  	s11 =	simm.s32 $0x0;
	[sflag:s7] =	ssyncadd.s32 $0xFFFFD8F0  }
.LBB2_4:
0x16: {  	s12 =	sshra.s32 s11, $0x2  }
0x17: {  	v2 =	vld [tilespmem:s12+$0x2780];
	_ =	sdelay $0x7  }
0x18: {  	[tilespmem:v2+s2+$0x0] =	vst.idx.add.f32.msk $0xffff, v1  }
0x19: {  	v2 =	vld [tilespmem:s12+$0x2790];
	_ =	sdelay $0x7  }
0x1a: {  	[tilespmem:v2+s2+$0x0] =	vst.idx.add.f32.msk $0xffff, v1  }
0x1b: {  	v2 =	vld [tilespmem:s12+$0x27A0];
	_ =	sdelay $0x7  }
0x1c: {  	[tilespmem:v2+s2+$0x0] =	vst.idx.add.f32.msk $0xffff, v1  }
0x1d: {  	v2 =	vld [tilespmem:s12+$0x27B0];
	_ =	sdelay $0x7  }
0x1e: {  	[tilespmem:v2+s2+$0x0] =	vst.idx.add.f32.msk $0xffff, v1  }
0x1f: {  	v2 =	vld [tilespmem:s12+$0x27C0];
	_ =	sdelay $0x7  }
0x20: {  	[tilespmem:v2+s2+$0x0] =	vst.idx.add.f32.msk $0xffff, v1  }
0x21: {  	v2 =	vld [tilespmem:s12+$0x27D0];
	_ =	sdelay $0x7  }
0x22: {  	[tilespmem:v2+s2+$0x0] =	vst.idx.add.f32.msk $0xffff, v1  }
0x23: {  	v2 =	vld [tilespmem:s12+$0x27E0];
	_ =	sdelay $0x7  }
0x24: {  	[tilespmem:v2+s2+$0x0] =	vst.idx.add.f32.msk $0xffff, v1  }
0x25: {  	v2 =	vld [tilespmem:s12+$0x27F0];
	_ =	sdelay $0x2  }
0x26: {  	p0 =	sne.s32 s11, $0x9A00  }
.Ltmp1:
0x27: {  	_ = 	snop;
	(pc) =	sbr.rel @p0 .LBB2_4-.Ltmp1, $2  }
0x28: {  	_ =	sdelay $0x2  }
0x29: {  	s11 =	sadd.s32 $0x200, s11;
	[tilespmem:v2+s2+$0x0] =	vst.idx.add.f32.msk $0xffff, v1  }
0x2a: {  	v2 =	vld [tilespmem:$0x4E80];
	_ =	sdelay $0x5  }
0x2b: {  	s10 =	sadd.s32 $0x1, s10  }
0x2c: {  	p0 =	sne.s32 s10, s5  }
.Ltmp2:
0x2d: {  	[tilespmem:v2+s2+$0x0] =	vst.idx.add.f32.msk $0xffff, v1;
	(pc) =	sbr.rel @p0 .LBB2_1-.Ltmp2, $4  }
0x2e: {  	[hbm4b:s4+s8] =	stream.strided.scatter [tilespmem:s2], [sflag:$0x1], $0x2780, s9, s8, $0x38;
	[tilespmem:$0x4F00] =	vst v63  }
0x2f: {  	_ =	swait.ge [sflag:s7], $0x2780  }
0x30: {  	[sflag:s7] =	ssyncset.done $0x0  }
0x31: {  	[sflag:s7] =	ssyncadd.s32 $0xFFFFD880  }
0x32: {  	_ =	sfence.sel $0x180000  }
0x33: {  	[bflag:$0x0] =	sbarrier.arrive $0xFFFF  }
0x34: {  	p0 =	sne.s32 s0, $0x0;
	_ =	strace $0x90000047  }
0x35: {  	s0 =	sadd.s32 @!p0 $0x100000, s1;
	[bflag:$0x2] =	sbarrier.arrive $0xFFFF  }
0x36: {  	[sflag:s0] =	ssyncadd.tile.s32 @!p0 $0x1;
	_ =	shalt  }
.Lfunc_end2:
_tile_overlayer_lowered:
.L_overlay_start_2:
0x37: {  	(tag) =	ssettag $0x2  }
0x38: {  	s0 =	rddreg [dreg:$0x0];
	s2 =	stileid.u32  }
0x39: {  	s1 =	rddreg [dreg:$0x1];
	p0 =	sne.s32 s2, $0x0  }
0x3a: {  	s3 =	rddreg [dreg:$0x2];
	[bflag:$0x3] =	sbarrier.arrive $0xFFFF;
	s2 =	simm.s32 @!p0 $0x1C02  }
0x3b: {  	[timem:s3], [sflag:s2] =	dma.local @!p0 [hbm:s0], s1  }
0x3c: {  	s0 =	simm.s32 @!p0 $0x2  }
0x3d: {  	_ =	swait.ge @!p0 [sflag:s0], s1  }
0x3e: {  	s1 =	ssub.s32 @!p0 $0x0, s1;
	[sflag:s0] =	ssyncset.done @!p0 $0x0  }
0x3f: {  	[sflag:s0] =	ssyncadd.s32 @!p0 s1  }
0x40: {  	[bflag:$0x3] =	sbarrier.arrive $0xFFFF  }
0x41: {  	_ =	shalt  }

</sc_bundles>
